<compile_context>
chip_gen: v7x
topology: tpu7x:2x2x1
jax: 0.10.2.dev20260603
libtpu: 0.0.44.dev20260713+nightly
codegen_flags: <defaults>
</compile_context>

<pallas_src>
import jax
import jax.numpy as jnp
from jax import lax
from jax.experimental import pallas as pl
from jax.experimental.pallas import tpu as pltpu
from jax.experimental.pallas import tpu_sc as plsc

B = 16384
N = 20
EMB = 32
NC = 2
NS = 16
NW = NC * NS
BPW = B // NW
C = 32
NCH = BPW // C
CI = C * N
NG = CI // 128
ROWS_PER_W = (BPW * N) // 128
KBLK = 123
SROWS = KBLK * 2048


def _sc_pred_body(users_hbm, bundles_hbm, staged_r, staged_d, out_hbm,
                  uidx, bidx, gidx, ebase, umidx, ucb, urows, drows, pred,
                  pscr, sem):
    cid = lax.axis_index("c")
    sid = lax.axis_index("s")
    wid = sid * NC + cid
    ubase_w = pl.multiple_of(wid * BPW, BPW)

    pltpu.sync_copy(users_hbm.at[pl.ds(ubase_w, BPW)], uidx)
    pltpu.sync_copy(bundles_hbm.at[pl.ds(wid * ROWS_PER_W, ROWS_PER_W)], bidx)

    iota16 = lax.iota(jnp.int32, 16)
    tr_idx = iota16 * 16

    def block_split(rv):
        m = (jnp.left_shift(jnp.right_shift(rv, 13), 11)
             + jnp.bitwise_and(rv, 2047))
        cb = jnp.left_shift(jnp.bitwise_and(jnp.right_shift(rv, 11), 3), 5)
        return m, cb

    def chunk_body(ch, carry):
        u_off = pl.multiple_of(ch * C, C)
        for v in range(CI // 16):
            bv = bidx[ch * NG + v // 8, pl.ds((v % 8) * 16, 16)]
            mv, cv = block_split(bv)
            gidx[pl.ds(v * 16, 16)] = mv
            ebase[pl.ds(v * 16, 16)] = cv
        for v in range(C // 16):
            mv, cv = block_split(uidx[pl.ds(u_off + v * 16, 16)])
            umidx[pl.ds(v * 16, 16)] = mv
            ucb[pl.ds(v * 16, 16)] = cv

        cps = [pltpu.async_copy(staged_r.at[umidx], urows, sem)]
        for g in range(NG):
            cps.append(pltpu.async_copy(
                staged_d.at[gidx.at[pl.ds(g * 128, 128)]],
                drows.at[pl.ds(g * 128, 128)], sem))
        for cp in cps:
            cp.wait()

        def blk_body(b, carry2):
            ucv = ucb[pl.ds(b * 4, 16)]
            ebv = [ebase[pl.ds(b * 80 + k * 16, 16)] for k in range(5)]
            for uu in range(4):
                urow = jnp.full((16,), b * 4 + uu, jnp.int32)
                ub = jnp.full((16,), ucv[uu]) + iota16
                u0 = plsc.load_gather(urows, [urow, ub])
                u1 = plsc.load_gather(urows, [urow, ub + 16])
                for i in range(N):
                    t = uu * N + i
                    drow = jnp.full((16,), b * 80 + t, jnp.int32)
                    db = jnp.full((16,), ebv[t // 16][t % 16]) + iota16
                    d0 = plsc.load_gather(drows, [drow, db])
                    d1 = plsc.load_gather(drows, [drow, db + 16])
                    pscr[pl.ds(t * 16, 16)] = d0 * u0 + d1 * u1
            for k in range(5):
                acc = plsc.load_gather(pscr, [tr_idx + (k * 256)])
                for d in range(1, 16):
                    acc = acc + plsc.load_gather(pscr, [tr_idx + (k * 256 + d)])
                pred[pl.ds(b * 80 + k * 16, 16)] = acc
            return carry2

        lax.fori_loop(0, C // 4, blk_body, 0)
        pltpu.sync_copy(pred, out_hbm.at[pl.ds((ubase_w + u_off) * N, CI)])
        return carry

    lax.fori_loop(0, NCH, chunk_body, 0)


_sc_pred = pl.kernel(
    _sc_pred_body,
    out_type=jax.ShapeDtypeStruct((B * N,), jnp.float32),
    mesh=plsc.VectorSubcoreMesh(core_axis_name="c", subcore_axis_name="s"),
    compiler_params=pltpu.CompilerParams(
        needs_layout_passes=False, use_tc_tiling_on_sc=False),
    scratch_types=[
        pltpu.VMEM((BPW,), jnp.int32),
        pltpu.VMEM((ROWS_PER_W, 128), jnp.int32),
        pltpu.VMEM((CI,), jnp.int32),
        pltpu.VMEM((CI + 16,), jnp.int32),
        pltpu.VMEM((C,), jnp.int32),
        pltpu.VMEM((C + 16,), jnp.int32),
        pltpu.VMEM((C, 128), jnp.float32),
        pltpu.VMEM((CI, 128), jnp.float32),
        pltpu.VMEM((CI,), jnp.float32),
        pltpu.VMEM((80 * 16,), jnp.float32),
        pltpu.SemaphoreType.DMA,
    ],
)


def _stage_body(x0, x1, x2, x3, out_ref):
    xh = jnp.concatenate([x0[...], x1[...], x2[...], x3[...]], axis=0)
    r = lax.broadcasted_iota(jnp.int32, (128, 128), 0)
    c = lax.broadcasted_iota(jnp.int32, (128, 128), 1)
    eye = (r == c).astype(jnp.float32)
    dn = (((0,), (0,)), ((), ()))
    out_ref[...] = lax.dot_general(xh, eye, dn,
                                   preferred_element_type=jnp.float32)


_tc_stage = pl.pallas_call(
    _stage_body,
    grid=(KBLK,),
    in_specs=[pl.BlockSpec((EMB, 2048),
                           lambda k, q=q: (0, jnp.minimum(4 * k + q, 488)))
              for q in range(4)],
    out_specs=pl.BlockSpec((2048, 128), lambda k: (k, 0)),
    out_shape=jax.ShapeDtypeStruct((SROWS, 128), jnp.float32),
)


def _loss_body(pred_ref, w_ref, out_ref):
    pred = pred_ref[...]
    w = w_ref[...]
    pos = pred[:, 0:1]
    negs = pred[:, 1:]
    loss = -jax.nn.log_sigmoid(pos - negs) * w
    out_ref[0, 0] = jnp.sum(loss) / (B * (N - 1))


_tc_loss = pl.pallas_call(
    _loss_body,
    out_shape=jax.ShapeDtypeStruct((1, 1), jnp.float32),
    out_specs=pl.BlockSpec(memory_space=pltpu.SMEM),
)


@jax.jit
def kernel(users, bundles, weights, reviewer_emb, diner_emb):
    users_flat = users.reshape(B).astype(jnp.int32)
    bundles2d = bundles.reshape((B * N) // 128, 128).astype(jnp.int32)
    demb_t = diner_emb.T
    remb_t = reviewer_emb.T
    staged_d = _tc_stage(demb_t, demb_t, demb_t, demb_t)
    staged_r = _tc_stage(remb_t, remb_t, remb_t, remb_t)
    pred = _sc_pred(users_flat, bundles2d, staged_r, staged_d)
    loss = _tc_loss(pred.reshape(B, N), weights)
    return loss[0, 0]

# --- scband reference (transcript-rebuilt; emitter-appended) ---
"""Pipeline reference for scband-light-gcn-11381663334928 (READ-ONLY COPY).

The authoritative reference and input builder live on the scoring server;
editing this copy changes nothing except your own understanding.
"""

import jax, jax.numpy as jnp
import numpy as np

NUM_REVIEWER = 1000000
NUM_DINER = 1000000
EMB = 32
B = 16384
N_ITEMS = 20


def setup_inputs(seed: int = 0) -> dict:
    key = jax.random.key(seed)
    k1, k2, k3, k4, k5 = jax.random.split(key, 5)
    # xavier_normal init for embedding tables (fan_in=num_rows, fan_out=emb)
    scale_r = float(np.sqrt(2.0 / (NUM_REVIEWER + EMB)))
    reviewer_emb = jax.random.normal(k1, (NUM_REVIEWER, EMB), dtype=jnp.float32) * scale_r
    scale_d = float(np.sqrt(2.0 / (NUM_DINER + EMB)))
    diner_emb = jax.random.normal(k2, (NUM_DINER, EMB), dtype=jnp.float32) * scale_d
    users = jax.random.randint(k3, (B, 1), 0, NUM_REVIEWER)
    bundles = jax.random.randint(k4, (B, N_ITEMS), 0, NUM_DINER)
    weights = jax.random.uniform(k5, (B, N_ITEMS - 1), dtype=jnp.float32)
    return {"users": users, "bundles": bundles, "weights": weights,
            "reviewer_emb": reviewer_emb, "diner_emb": diner_emb}


def cal_bpr_loss(pred, weight):
    # pred: [B, N_ITEMS]; column 0 = positive item, columns 1: = negatives
    pos = pred[:, 0:1]
    negs = pred[:, 1:]
    loss = -jax.nn.log_sigmoid(pos - negs)
    return jnp.mean(loss * weight)


def reference(users, bundles, weights, reviewer_emb, diner_emb):
    # propagate() just returns the raw embedding tables (no graph conv applied)
    # reviewer_feature[users] -> [B, 1, emb], expanded to [B, N_ITEMS, emb]
    reviewer_embedding = jnp.take(reviewer_emb, users[:, 0], axis=0)[:, None, :]
    reviewer_embedding = jnp.broadcast_to(
        reviewer_embedding, (users.shape[0], bundles.shape[1], reviewer_emb.shape[1]))
    # diner_feature[bundles] -> [B, N_ITEMS, emb]
    diner_embedding = jnp.take(diner_emb, bundles, axis=0)
    pred = jnp.sum(reviewer_embedding * diner_embedding, axis=2)
    bpr_loss = cal_bpr_loss(pred, weights)
    return bpr_loss

if __name__ == "__main__":
    import jax
    _d = setup_inputs()
    print(jax.jit(kernel)(*tuple(_d.values())))

</pallas_src>

<mosaic_0001>
#map = affine_map<(d0, d1) -> (0)>
#map1 = affine_map<(d0, d1) -> (0, 0)>
module attributes {stable_mosaic.version = 14 : i64} {
  func.func @_sc_pred_body(%arg0: i32, %arg1: i32, %arg2: memref<16384xi32, #tpu.memory_space<hbm>>, %arg3: memref<2560x128xi32, #tpu.memory_space<hbm>>, %arg4: memref<251904x128xf32, #tpu.memory_space<hbm>>, %arg5: memref<251904x128xf32, #tpu.memory_space<hbm>>, %arg6: memref<327680xf32, #tpu.memory_space<hbm>>, %arg7: memref<512xi32, #tpu.memory_space<vmem>>, %arg8: memref<80x128xi32, #tpu.memory_space<vmem>>, %arg9: memref<640xi32, #tpu.memory_space<vmem>>, %arg10: memref<656xi32, #tpu.memory_space<vmem>>, %arg11: memref<32xi32, #tpu.memory_space<vmem>>, %arg12: memref<48xi32, #tpu.memory_space<vmem>>, %arg13: memref<32x128xf32, #tpu.memory_space<vmem>>, %arg14: memref<640x128xf32, #tpu.memory_space<vmem>>, %arg15: memref<640xf32, #tpu.memory_space<vmem>>, %arg16: memref<1280xf32, #tpu.memory_space<vmem>>, %arg17: memref<!tpu.dma_semaphore, #tpu.memory_space<semaphore_mem>>) attributes {dimension_semantics = [#tpu.dimension_semantics<core_parallel>, #tpu.dimension_semantics<subcore_parallel>], iteration_bounds = array<i64: 2, 16>, scalar_prefetch = 0 : i64, scratch_operands = 11 : i64, tpu.core_type = #tpu.core_type<sc_vector_subcore>, window_params = [{transform_indices = #map}, {transform_indices = #map1}, {transform_indices = #map1}, {transform_indices = #map1}, {transform_indices = #map}]} {
    %mul3A = arith.constant 2 : i32
    %mul3A_0 = arith.muli %arg1, %mul3A : i32
    %add3A = arith.addi %mul3A_0, %arg0 : i32
    %mul3A_1 = arith.constant 512 : i32
    %mul3A_2 = arith.muli %add3A, %mul3A_1 : i32
    %multiple_of3A = tpu.assume_multiple %mul3A_2, 512 : i32
    "tpu.region"() ({
      %run_scoped3A = tpu.sem_alloc : memref<!tpu.dma_semaphore, #tpu.memory_space<semaphore_mem>>
      %dma_start3A = tpu.memref_slice %arg2[%multiple_of3A] : memref<16384xi32, #tpu.memory_space<hbm>> -> memref<512xi32, #tpu.memory_space<hbm>>
      %dma_start3A_13 = tpu.memref_slice %arg2[%multiple_of3A] : memref<16384xi32, #tpu.memory_space<hbm>> -> memref<512xi32, #tpu.memory_space<hbm>>
      tpu.enqueue_dma source(%dma_start3A_13 : memref<512xi32, #tpu.memory_space<hbm>>) target(%arg7 : memref<512xi32, #tpu.memory_space<vmem>>) target_semaphore(%run_scoped3A : memref<!tpu.dma_semaphore, #tpu.memory_space<semaphore_mem>>)
      %dma_wait3A = tpu.memref_slice %arg2[%multiple_of3A] : memref<16384xi32, #tpu.memory_space<hbm>> -> memref<512xi32, #tpu.memory_space<hbm>>
      %dma_wait3A_14 = tpu.memref_slice %arg2[%multiple_of3A] : memref<16384xi32, #tpu.memory_space<hbm>> -> memref<512xi32, #tpu.memory_space<hbm>>
      tpu.wait_dma2 semaphore(%run_scoped3A : memref<!tpu.dma_semaphore, #tpu.memory_space<semaphore_mem>>) src(%dma_wait3A_14 : memref<512xi32, #tpu.memory_space<hbm>>) dst(%arg7 : memref<512xi32, #tpu.memory_space<vmem>>)
      tpu.yield
    }) : () -> ()
    %mul3A_3 = arith.constant 80 : i32
    %mul3A_4 = arith.muli %add3A, %mul3A_3 : i32
    "tpu.region"() ({
      %run_scoped3A = tpu.sem_alloc : memref<!tpu.dma_semaphore, #tpu.memory_space<semaphore_mem>>
      %dma_start3A = arith.constant 0 : i32
      %dma_start3A_13 = tpu.memref_slice %arg3[%mul3A_4, %dma_start3A] : memref<2560x128xi32, #tpu.memory_space<hbm>> -> memref<80x128xi32, #tpu.memory_space<hbm>>
      %dma_start3A_14 = arith.constant 0 : i32
      %dma_start3A_15 = tpu.memref_slice %arg3[%mul3A_4, %dma_start3A_14] : memref<2560x128xi32, #tpu.memory_space<hbm>> -> memref<80x128xi32, #tpu.memory_space<hbm>>
      tpu.enqueue_dma source(%dma_start3A_15 : memref<80x128xi32, #tpu.memory_space<hbm>>) target(%arg8 : memref<80x128xi32, #tpu.memory_space<vmem>>) target_semaphore(%run_scoped3A : memref<!tpu.dma_semaphore, #tpu.memory_space<semaphore_mem>>)
      %dma_wait3A = arith.constant 0 : i32
      %dma_wait3A_16 = tpu.memref_slice %arg3[%mul3A_4, %dma_wait3A] : memref<2560x128xi32, #tpu.memory_space<hbm>> -> memref<80x128xi32, #tpu.memory_space<hbm>>
      %dma_wait3A_17 = arith.constant 0 : i32
      %dma_wait3A_18 = tpu.memref_slice %arg3[%mul3A_4, %dma_wait3A_17] : memref<2560x128xi32, #tpu.memory_space<hbm>> -> memref<80x128xi32, #tpu.memory_space<hbm>>
      tpu.wait_dma2 semaphore(%run_scoped3A : memref<!tpu.dma_semaphore, #tpu.memory_space<semaphore_mem>>) src(%dma_wait3A_18 : memref<80x128xi32, #tpu.memory_space<hbm>>) dst(%arg8 : memref<80x128xi32, #tpu.memory_space<vmem>>)
      tpu.yield
    }) : () -> ()
    %iota3A = tpu.iota {dimensions = array<i32: 0>} : vector<16xi32>
    %mul3A_5 = arith.constant 16 : i32
    %mul3A_6 = vector.broadcast %mul3A_5 : i32 to vector<16xi32>
    %mul3A_7 = arith.muli %iota3A, %mul3A_6 : vector<16xi32>
    %scan3A = arith.constant 0 : i32
    %scan3A_8 = arith.constant 0 : i32
    %scan3A_9 = arith.constant 16 : i32
    %scan3A_10 = arith.addi %scan3A_8, %scan3A_9 : i32
    %scan3A_11 = arith.constant 1 : i32
    scf.for %scan3A_13 = %scan3A_8 to %scan3A_10 step %scan3A_11  : i32 {
      %mul3A_14 = arith.constant 32 : i32
      %mul3A_15 = arith.muli %scan3A_13, %mul3A_14 : i32
      %multiple_of3A_16 = tpu.assume_multiple %mul3A_15, 32 : i32
      %mul3A_17 = arith.constant 5 : i32
      %mul3A_18 = arith.muli %scan3A_13, %mul3A_17 : i32
      %add3A_19 = arith.constant 0 : i32
      %add3A_20 = arith.addi %mul3A_18, %add3A_19 : i32
      %get3A = arith.index_cast %add3A_20 : i32 to index
      %get3A_21 = arith.constant 0 : index
      %get3A_22 = tpu.vector_load %arg8[%get3A, %get3A_21] {strides = array<i32>} : memref<80x128xi32, #tpu.memory_space<vmem>>, vector<16xi32>,
      %shift_right_arithmetic3A = arith.constant 13 : i32
      %shift_right_arithmetic3A_23 = vector.broadcast %shift_right_arithmetic3A : i32 to vector<16xi32>
      %shift_right_arithmetic3A_24 = arith.shrsi %get3A_22, %shift_right_arithmetic3A_23 : vector<16xi32>
      %shift_left3A = arith.constant 11 : i32
      %shift_left3A_25 = vector.broadcast %shift_left3A : i32 to vector<16xi32>
      %shift_left3A_26 = arith.shli %shift_right_arithmetic3A_24, %shift_left3A_25 : vector<16xi32>
      %and3A = arith.constant 2047 : i32
      %and3A_27 = vector.broadcast %and3A : i32 to vector<16xi32>
      %and3A_28 = arith.andi %get3A_22, %and3A_27 : vector<16xi32>
      %add3A_29 = arith.addi %shift_left3A_26, %and3A_28 : vector<16xi32>
      %shift_right_arithmetic3A_30 = arith.constant 11 : i32
      %shift_right_arithmetic3A_31 = vector.broadcast %shift_right_arithmetic3A_30 : i32 to vector<16xi32>
      %shift_right_arithmetic3A_32 = arith.shrsi %get3A_22, %shift_right_arithmetic3A_31 : vector<16xi32>
      %and3A_33 = arith.constant 3 : i32
      %and3A_34 = vector.broadcast %and3A_33 : i32 to vector<16xi32>
      %and3A_35 = arith.andi %shift_right_arithmetic3A_32, %and3A_34 : vector<16xi32>
      %shift_left3A_36 = arith.constant 5 : i32
      %shift_left3A_37 = vector.broadcast %shift_left3A_36 : i32 to vector<16xi32>
      %shift_left3A_38 = arith.shli %and3A_35, %shift_left3A_37 : vector<16xi32>
      %swap3A = arith.constant 0 : index
      %swap3A_39 = tpu.vector_load %arg9[%swap3A] {strides = array<i32>} : memref<640xi32, #tpu.memory_space<vmem>>, vector<16xi32>,
      tpu.vector_store %arg9[%swap3A], %add3A_29 {strides = array<i32>} : memref<640xi32, #tpu.memory_space<vmem>>, vector<16xi32>,
      %swap3A_40 = arith.constant 0 : index
      %swap3A_41 = tpu.vector_load %arg10[%swap3A_40] {strides = array<i32>} : memref<656xi32, #tpu.memory_space<vmem>>, vector<16xi32>,
      tpu.vector_store %arg10[%swap3A_40], %shift_left3A_38 {strides = array<i32>} : memref<656xi32, #tpu.memory_space<vmem>>, vector<16xi32>,
      %mul3A_42 = arith.constant 5 : i32
      %mul3A_43 = arith.muli %scan3A_13, %mul3A_42 : i32
      %add3A_44 = arith.constant 0 : i32
      %add3A_45 = arith.addi %mul3A_43, %add3A_44 : i32
      %get3A_46 = arith.index_cast %add3A_45 : i32 to index
      %get3A_47 = arith.constant 16 : index
      %get3A_48 = tpu.vector_load %arg8[%get3A_46, %get3A_47] {strides = array<i32>} : memref<80x128xi32, #tpu.memory_space<vmem>>, vector<16xi32>,
      %shift_right_arithmetic3A_49 = arith.constant 13 : i32
      %shift_right_arithmetic3A_50 = vector.broadcast %shift_right_arithmetic3A_49 : i32 to vector<16xi32>
      %shift_right_arithmetic3A_51 = arith.shrsi %get3A_48, %shift_right_arithmetic3A_50 : vector<16xi32>
      %shift_left3A_52 = arith.constant 11 : i32
      %shift_left3A_53 = vector.broadcast %shift_left3A_52 : i32 to vector<16xi32>
      %shift_left3A_54 = arith.shli %shift_right_arithmetic3A_51, %shift_left3A_53 : vector<16xi32>
      %and3A_55 = arith.constant 2047 : i32
      %and3A_56 = vector.broadcast %and3A_55 : i32 to vector<16xi32>
      %and3A_57 = arith.andi %get3A_48, %and3A_56 : vector<16xi32>
      %add3A_58 = arith.addi %shift_left3A_54, %and3A_57 : vector<16xi32>
      %shift_right_arithmetic3A_59 = arith.constant 11 : i32
      %shift_right_arithmetic3A_60 = vector.broadcast %shift_right_arithmetic3A_59 : i32 to vector<16xi32>
      %shift_right_arithmetic3A_61 = arith.shrsi %get3A_48, %shift_right_arithmetic3A_60 : vector<16xi32>
      %and3A_62 = arith.constant 3 : i32
      %and3A_63 = vector.broadcast %and3A_62 : i32 to vector<16xi32>
      %and3A_64 = arith.andi %shift_right_arithmetic3A_61, %and3A_63 : vector<16xi32>
      %shift_left3A_65 = arith.constant 5 : i32
      %shift_left3A_66 = vector.broadcast %shift_left3A_65 : i32 to vector<16xi32>
      %shift_left3A_67 = arith.shli %and3A_64, %shift_left3A_66 : vector<16xi32>
      %swap3A_68 = arith.constant 16 : index
      %swap3A_69 = tpu.vector_load %arg9[%swap3A_68] {strides = array<i32>} : memref<640xi32, #tpu.memory_space<vmem>>, vector<16xi32>,
      tpu.vector_store %arg9[%swap3A_68], %add3A_58 {strides = array<i32>} : memref<640xi32, #tpu.memory_space<vmem>>, vector<16xi32>,
      %swap3A_70 = arith.constant 16 : index
      %swap3A_71 = tpu.vector_load %arg10[%swap3A_70] {strides = array<i32>} : memref<656xi32, #tpu.memory_space<vmem>>, vector<16xi32>,
      tpu.vector_store %arg10[%swap3A_70], %shift_left3A_67 {strides = array<i32>} : memref<656xi32, #tpu.memory_space<vmem>>, vector<16xi32>,
      %mul3A_72 = arith.constant 5 : i32
      %mul3A_73 = arith.muli %scan3A_13, %mul3A_72 : i32
      %add3A_74 = arith.constant 0 : i32
      %add3A_75 = arith.addi %mul3A_73, %add3A_74 : i32
      %get3A_76 = arith.index_cast %add3A_75 : i32 to index
      %get3A_77 = arith.constant 32 : index
      %get3A_78 = tpu.vector_load %arg8[%get3A_76, %get3A_77] {strides = array<i32>} : memref<80x128xi32, #tpu.memory_space<vmem>>, vector<16xi32>,
      %shift_right_arithmetic3A_79 = arith.constant 13 : i32
      %shift_right_arithmetic3A_80 = vector.broadcast %shift_right_arithmetic3A_79 : i32 to vector<16xi32>
      %shift_right_arithmetic3A_81 = arith.shrsi %get3A_78, %shift_right_arithmetic3A_80 : vector<16xi32>
      %shift_left3A_82 = arith.constant 11 : i32
      %shift_left3A_83 = vector.broadcast %shift_left3A_82 : i32 to vector<16xi32>
      %shift_left3A_84 = arith.shli %shift_right_arithmetic3A_81, %shift_left3A_83 : vector<16xi32>
      %and3A_85 = arith.constant 2047 : i32
      %and3A_86 = vector.broadcast %and3A_85 : i32 to vector<16xi32>
      %and3A_87 = arith.andi %get3A_78, %and3A_86 : vector<16xi32>
      %add3A_88 = arith.addi %shift_left3A_84, %and3A_87 : vector<16xi32>
      %shift_right_arithmetic3A_89 = arith.constant 11 : i32
      %shift_right_arithmetic3A_90 = vector.broadcast %shift_right_arithmetic3A_89 : i32 to vector<16xi32>
      %shift_right_arithmetic3A_91 = arith.shrsi %get3A_78, %shift_right_arithmetic3A_90 : vector<16xi32>
      %and3A_92 = arith.constant 3 : i32
      %and3A_93 = vector.broadcast %and3A_92 : i32 to vector<16xi32>
      %and3A_94 = arith.andi %shift_right_arithmetic3A_91, %and3A_93 : vector<16xi32>
      %shift_left3A_95 = arith.constant 5 : i32
      %shift_left3A_96 = vector.broadcast %shift_left3A_95 : i32 to vector<16xi32>
      %shift_left3A_97 = arith.shli %and3A_94, %shift_left3A_96 : vector<16xi32>
      %swap3A_98 = arith.constant 32 : index
      %swap3A_99 = tpu.vector_load %arg9[%swap3A_98] {strides = array<i32>} : memref<640xi32, #tpu.memory_space<vmem>>, vector<16xi32>,
      tpu.vector_store %arg9[%swap3A_98], %add3A_88 {strides = array<i32>} : memref<640xi32, #tpu.memory_space<vmem>>, vector<16xi32>,
      %swap3A_100 = arith.constant 32 : index
      %swap3A_101 = tpu.vector_load %arg10[%swap3A_100] {strides = array<i32>} : memref<656xi32, #tpu.memory_space<vmem>>, vector<16xi32>,
      tpu.vector_store %arg10[%swap3A_100], %shift_left3A_97 {strides = array<i32>} : memref<656xi32, #tpu.memory_space<vmem>>, vector<16xi32>,
      %mul3A_102 = arith.constant 5 : i32
      %mul3A_103 = arith.muli %scan3A_13, %mul3A_102 : i32
      %add3A_104 = arith.constant 0 : i32
      %add3A_105 = arith.addi %mul3A_103, %add3A_104 : i32
      %get3A_106 = arith.index_cast %add3A_105 : i32 to index
      %get3A_107 = arith.constant 48 : index
      %get3A_108 = tpu.vector_load %arg8[%get3A_106, %get3A_107] {strides = array<i32>} : memref<80x128xi32, #tpu.memory_space<vmem>>, vector<16xi32>,
      %shift_right_arithmetic3A_109 = arith.constant 13 : i32
      %shift_right_arithmetic3A_110 = vector.broadcast %shift_right_arithmetic3A_109 : i32 to vector<16xi32>
      %shift_right_arithmetic3A_111 = arith.shrsi %get3A_108, %shift_right_arithmetic3A_110 : vector<16xi32>
      %shift_left3A_112 = arith.constant 11 : i32
      %shift_left3A_113 = vector.broadcast %shift_left3A_112 : i32 to vector<16xi32>
      %shift_left3A_114 = arith.shli %shift_right_arithmetic3A_111, %shift_left3A_113 : vector<16xi32>
      %and3A_115 = arith.constant 2047 : i32
      %and3A_116 = vector.broadcast %and3A_115 : i32 to vector<16xi32>
      %and3A_117 = arith.andi %get3A_108, %and3A_116 : vector<16xi32>
      %add3A_118 = arith.addi %shift_left3A_114, %and3A_117 : vector<16xi32>
      %shift_right_arithmetic3A_119 = arith.constant 11 : i32
      %shift_right_arithmetic3A_120 = vector.broadcast %shift_right_arithmetic3A_119 : i32 to vector<16xi32>
      %shift_right_arithmetic3A_121 = arith.shrsi %get3A_108, %shift_right_arithmetic3A_120 : vector<16xi32>
      %and3A_122 = arith.constant 3 : i32
      %and3A_123 = vector.broadcast %and3A_122 : i32 to vector<16xi32>
      %and3A_124 = arith.andi %shift_right_arithmetic3A_121, %and3A_123 : vector<16xi32>
      %shift_left3A_125 = arith.constant 5 : i32
      %shift_left3A_126 = vector.broadcast %shift_left3A_125 : i32 to vector<16xi32>
      %shift_left3A_127 = arith.shli %and3A_124, %shift_left3A_126 : vector<16xi32>
      %swap3A_128 = arith.constant 48 : index
      %swap3A_129 = tpu.vector_load %arg9[%swap3A_128] {strides = array<i32>} : memref<640xi32, #tpu.memory_space<vmem>>, vector<16xi32>,
      tpu.vector_store %arg9[%swap3A_128], %add3A_118 {strides = array<i32>} : memref<640xi32, #tpu.memory_space<vmem>>, vector<16xi32>,
      %swap3A_130 = arith.constant 48 : index
      %swap3A_131 = tpu.vector_load %arg10[%swap3A_130] {strides = array<i32>} : memref<656xi32, #tpu.memory_space<vmem>>, vector<16xi32>,
      tpu.vector_store %arg10[%swap3A_130], %shift_left3A_127 {strides = array<i32>} : memref<656xi32, #tpu.memory_space<vmem>>, vector<16xi32>,
      %mul3A_132 = arith.constant 5 : i32
      %mul3A_133 = arith.muli %scan3A_13, %mul3A_132 : i32
      %add3A_134 = arith.constant 0 : i32
      %add3A_135 = arith.addi %mul3A_133, %add3A_134 : i32
      %get3A_136 = arith.index_cast %add3A_135 : i32 to index
      %get3A_137 = arith.constant 64 : index
      %get3A_138 = tpu.vector_load %arg8[%get3A_136, %get3A_137] {strides = array<i32>} : memref<80x128xi32, #tpu.memory_space<vmem>>, vector<16xi32>,
      %shift_right_arithmetic3A_139 = arith.constant 13 : i32
      %shift_right_arithmetic3A_140 = vector.broadcast %shift_right_arithmetic3A_139 : i32 to vector<16xi32>
      %shift_right_arithmetic3A_141 = arith.shrsi %get3A_138, %shift_right_arithmetic3A_140 : vector<16xi32>
      %shift_left3A_142 = arith.constant 11 : i32
      %shift_left3A_143 = vector.broadcast %shift_left3A_142 : i32 to vector<16xi32>
      %shift_left3A_144 = arith.shli %shift_right_arithmetic3A_141, %shift_left3A_143 : vector<16xi32>
      %and3A_145 = arith.constant 2047 : i32
      %and3A_146 = vector.broadcast %and3A_145 : i32 to vector<16xi32>
      %and3A_147 = arith.andi %get3A_138, %and3A_146 : vector<16xi32>
      %add3A_148 = arith.addi %shift_left3A_144, %and3A_147 : vector<16xi32>
      %shift_right_arithmetic3A_149 = arith.constant 11 : i32
      %shift_right_arithmetic3A_150 = vector.broadcast %shift_right_arithmetic3A_149 : i32 to vector<16xi32>
      %shift_right_arithmetic3A_151 = arith.shrsi %get3A_138, %shift_right_arithmetic3A_150 : vector<16xi32>
      %and3A_152 = arith.constant 3 : i32
      %and3A_153 = vector.broadcast %and3A_152 : i32 to vector<16xi32>
      %and3A_154 = arith.andi %shift_right_arithmetic3A_151, %and3A_153 : vector<16xi32>
      %shift_left3A_155 = arith.constant 5 : i32
      %shift_left3A_156 = vector.broadcast %shift_left3A_155 : i32 to vector<16xi32>
      %shift_left3A_157 = arith.shli %and3A_154, %shift_left3A_156 : vector<16xi32>
      %swap3A_158 = arith.constant 64 : index
      %swap3A_159 = tpu.vector_load %arg9[%swap3A_158] {strides = array<i32>} : memref<640xi32, #tpu.memory_space<vmem>>, vector<16xi32>,
      tpu.vector_store %arg9[%swap3A_158], %add3A_148 {strides = array<i32>} : memref<640xi32, #tpu.memory_space<vmem>>, vector<16xi32>,
      %swap3A_160 = arith.constant 64 : index
      %swap3A_161 = tpu.vector_load %arg10[%swap3A_160] {strides = array<i32>} : memref<656xi32, #tpu.memory_space<vmem>>, vector<16xi32>,
      tpu.vector_store %arg10[%swap3A_160], %shift_left3A_157 {strides = array<i32>} : memref<656xi32, #tpu.memory_space<vmem>>, vector<16xi32>,
      %mul3A_162 = arith.constant 5 : i32
      %mul3A_163 = arith.muli %scan3A_13, %mul3A_162 : i32
      %add3A_164 = arith.constant 0 : i32
      %add3A_165 = arith.addi %mul3A_163, %add3A_164 : i32
      %get3A_166 = arith.index_cast %add3A_165 : i32 to index
      %get3A_167 = arith.constant 80 : index
      %get3A_168 = tpu.vector_load %arg8[%get3A_166, %get3A_167] {strides = array<i32>} : memref<80x128xi32, #tpu.memory_space<vmem>>, vector<16xi32>,
      %shift_right_arithmetic3A_169 = arith.constant 13 : i32
      %shift_right_arithmetic3A_170 = vector.broadcast %shift_right_arithmetic3A_169 : i32 to vector<16xi32>
      %shift_right_arithmetic3A_171 = arith.shrsi %get3A_168, %shift_right_arithmetic3A_170 : vector<16xi32>
      %shift_left3A_172 = arith.constant 11 : i32
      %shift_left3A_173 = vector.broadcast %shift_left3A_172 : i32 to vector<16xi32>
      %shift_left3A_174 = arith.shli %shift_right_arithmetic3A_171, %shift_left3A_173 : vector<16xi32>
      %and3A_175 = arith.constant 2047 : i32
      %and3A_176 = vector.broadcast %and3A_175 : i32 to vector<16xi32>
      %and3A_177 = arith.andi %get3A_168, %and3A_176 : vector<16xi32>
      %add3A_178 = arith.addi %shift_left3A_174, %and3A_177 : vector<16xi32>
      %shift_right_arithmetic3A_179 = arith.constant 11 : i32
      %shift_right_arithmetic3A_180 = vector.broadcast %shift_right_arithmetic3A_179 : i32 to vector<16xi32>
      %shift_right_arithmetic3A_181 = arith.shrsi %get3A_168, %shift_right_arithmetic3A_180 : vector<16xi32>
      %and3A_182 = arith.constant 3 : i32
      %and3A_183 = vector.broadcast %and3A_182 : i32 to vector<16xi32>
      %and3A_184 = arith.andi %shift_right_arithmetic3A_181, %and3A_183 : vector<16xi32>
      %shift_left3A_185 = arith.constant 5 : i32
      %shift_left3A_186 = vector.broadcast %shift_left3A_185 : i32 to vector<16xi32>
      %shift_left3A_187 = arith.shli %and3A_184, %shift_left3A_186 : vector<16xi32>
      %swap3A_188 = arith.constant 80 : index
      %swap3A_189 = tpu.vector_load %arg9[%swap3A_188] {strides = array<i32>} : memref<640xi32, #tpu.memory_space<vmem>>, vector<16xi32>,
      tpu.vector_store %arg9[%swap3A_188], %add3A_178 {strides = array<i32>} : memref<640xi32, #tpu.memory_space<vmem>>, vector<16xi32>,
      %swap3A_190 = arith.constant 80 : index
      %swap3A_191 = tpu.vector_load %arg10[%swap3A_190] {strides = array<i32>} : memref<656xi32, #tpu.memory_space<vmem>>, vector<16xi32>,
      tpu.vector_store %arg10[%swap3A_190], %shift_left3A_187 {strides = array<i32>} : memref<656xi32, #tpu.memory_space<vmem>>, vector<16xi32>,
      %mul3A_192 = arith.constant 5 : i32
      %mul3A_193 = arith.muli %scan3A_13, %mul3A_192 : i32
      %add3A_194 = arith.constant 0 : i32
      %add3A_195 = arith.addi %mul3A_193, %add3A_194 : i32
      %get3A_196 = arith.index_cast %add3A_195 : i32 to index
      %get3A_197 = arith.constant 96 : index
      %get3A_198 = tpu.vector_load %arg8[%get3A_196, %get3A_197] {strides = array<i32>} : memref<80x128xi32, #tpu.memory_space<vmem>>, vector<16xi32>,
      %shift_right_arithmetic3A_199 = arith.constant 13 : i32
      %shift_right_arithmetic3A_200 = vector.broadcast %shift_right_arithmetic3A_199 : i32 to vector<16xi32>
      %shift_right_arithmetic3A_201 = arith.shrsi %get3A_198, %shift_right_arithmetic3A_200 : vector<16xi32>
      %shift_left3A_202 = arith.constant 11 : i32
      %shift_left3A_203 = vector.broadcast %shift_left3A_202 : i32 to vector<16xi32>
      %shift_left3A_204 = arith.shli %shift_right_arithmetic3A_201, %shift_left3A_203 : vector<16xi32>
      %and3A_205 = arith.constant 2047 : i32
      %and3A_206 = vector.broadcast %and3A_205 : i32 to vector<16xi32>
      %and3A_207 = arith.andi %get3A_198, %and3A_206 : vector<16xi32>
      %add3A_208 = arith.addi %shift_left3A_204, %and3A_207 : vector<16xi32>
      %shift_right_arithmetic3A_209 = arith.constant 11 : i32
      %shift_right_arithmetic3A_210 = vector.broadcast %shift_right_arithmetic3A_209 : i32 to vector<16xi32>
      %shift_right_arithmetic3A_211 = arith.shrsi %get3A_198, %shift_right_arithmetic3A_210 : vector<16xi32>
      %and3A_212 = arith.constant 3 : i32
      %and3A_213 = vector.broadcast %and3A_212 : i32 to vector<16xi32>
      %and3A_214 = arith.andi %shift_right_arithmetic3A_211, %and3A_213 : vector<16xi32>
      %shift_left3A_215 = arith.constant 5 : i32
      %shift_left3A_216 = vector.broadcast %shift_left3A_215 : i32 to vector<16xi32>
      %shift_left3A_217 = arith.shli %and3A_214, %shift_left3A_216 : vector<16xi32>
      %swap3A_218 = arith.constant 96 : index
      %swap3A_219 = tpu.vector_load %arg9[%swap3A_218] {strides = array<i32>} : memref<640xi32, #tpu.memory_space<vmem>>, vector<16xi32>,
      tpu.vector_store %arg9[%swap3A_218], %add3A_208 {strides = array<i32>} : memref<640xi32, #tpu.memory_space<vmem>>, vector<16xi32>,
      %swap3A_220 = arith.constant 96 : index
      %swap3A_221 = tpu.vector_load %arg10[%swap3A_220] {strides = array<i32>} : memref<656xi32, #tpu.memory_space<vmem>>, vector<16xi32>,
      tpu.vector_store %arg10[%swap3A_220], %shift_left3A_217 {strides = array<i32>} : memref<656xi32, #tpu.memory_space<vmem>>, vector<16xi32>,
      %mul3A_222 = arith.constant 5 : i32
      %mul3A_223 = arith.muli %scan3A_13, %mul3A_222 : i32
      %add3A_224 = arith.constant 0 : i32
      %add3A_225 = arith.addi %mul3A_223, %add3A_224 : i32
      %get3A_226 = arith.index_cast %add3A_225 : i32 to index
      %get3A_227 = arith.constant 112 : index
      %get3A_228 = tpu.vector_load %arg8[%get3A_226, %get3A_227] {strides = array<i32>} : memref<80x128xi32, #tpu.memory_space<vmem>>, vector<16xi32>,
      %shift_right_arithmetic3A_229 = arith.constant 13 : i32
      %shift_right_arithmetic3A_230 = vector.broadcast %shift_right_arithmetic3A_229 : i32 to vector<16xi32>
      %shift_right_arithmetic3A_231 = arith.shrsi %get3A_228, %shift_right_arithmetic3A_230 : vector<16xi32>
      %shift_left3A_232 = arith.constant 11 : i32
      %shift_left3A_233 = vector.broadcast %shift_left3A_232 : i32 to vector<16xi32>
      %shift_left3A_234 = arith.shli %shift_right_arithmetic3A_231, %shift_left3A_233 : vector<16xi32>
      %and3A_235 = arith.constant 2047 : i32
      %and3A_236 = vector.broadcast %and3A_235 : i32 to vector<16xi32>
      %and3A_237 = arith.andi %get3A_228, %and3A_236 : vector<16xi32>
      %add3A_238 = arith.addi %shift_left3A_234, %and3A_237 : vector<16xi32>
      %shift_right_arithmetic3A_239 = arith.constant 11 : i32
      %shift_right_arithmetic3A_240 = vector.broadcast %shift_right_arithmetic3A_239 : i32 to vector<16xi32>
      %shift_right_arithmetic3A_241 = arith.shrsi %get3A_228, %shift_right_arithmetic3A_240 : vector<16xi32>
      %and3A_242 = arith.constant 3 : i32
      %and3A_243 = vector.broadcast %and3A_242 : i32 to vector<16xi32>
      %and3A_244 = arith.andi %shift_right_arithmetic3A_241, %and3A_243 : vector<16xi32>
      %shift_left3A_245 = arith.constant 5 : i32
      %shift_left3A_246 = vector.broadcast %shift_left3A_245 : i32 to vector<16xi32>
      %shift_left3A_247 = arith.shli %and3A_244, %shift_left3A_246 : vector<16xi32>
      %swap3A_248 = arith.constant 112 : index
      %swap3A_249 = tpu.vector_load %arg9[%swap3A_248] {strides = array<i32>} : memref<640xi32, #tpu.memory_space<vmem>>, vector<16xi32>,
      tpu.vector_store %arg9[%swap3A_248], %add3A_238 {strides = array<i32>} : memref<640xi32, #tpu.memory_space<vmem>>, vector<16xi32>,
      %swap3A_250 = arith.constant 112 : index
      %swap3A_251 = tpu.vector_load %arg10[%swap3A_250] {strides = array<i32>} : memref<656xi32, #tpu.memory_space<vmem>>, vector<16xi32>,
      tpu.vector_store %arg10[%swap3A_250], %shift_left3A_247 {strides = array<i32>} : memref<656xi32, #tpu.memory_space<vmem>>, vector<16xi32>,
      %mul3A_252 = arith.constant 5 : i32
      %mul3A_253 = arith.muli %scan3A_13, %mul3A_252 : i32
      %add3A_254 = arith.constant 1 : i32
      %add3A_255 = arith.addi %mul3A_253, %add3A_254 : i32
      %get3A_256 = arith.index_cast %add3A_255 : i32 to index
      %get3A_257 = arith.constant 0 : index
      %get3A_258 = tpu.vector_load %arg8[%get3A_256, %get3A_257] {strides = array<i32>} : memref<80x128xi32, #tpu.memory_space<vmem>>, vector<16xi32>,
      %shift_right_arithmetic3A_259 = arith.constant 13 : i32
      %shift_right_arithmetic3A_260 = vector.broadcast %shift_right_arithmetic3A_259 : i32 to vector<16xi32>
      %shift_right_arithmetic3A_261 = arith.shrsi %get3A_258, %shift_right_arithmetic3A_260 : vector<16xi32>
      %shift_left3A_262 = arith.constant 11 : i32
      %shift_left3A_263 = vector.broadcast %shift_left3A_262 : i32 to vector<16xi32>
      %shift_left3A_264 = arith.shli %shift_right_arithmetic3A_261, %shift_left3A_263 : vector<16xi32>
      %and3A_265 = arith.constant 2047 : i32
      %and3A_266 = vector.broadcast %and3A_265 : i32 to vector<16xi32>
      %and3A_267 = arith.andi %get3A_258, %and3A_266 : vector<16xi32>
      %add3A_268 = arith.addi %shift_left3A_264, %and3A_267 : vector<16xi32>
      %shift_right_arithmetic3A_269 = arith.constant 11 : i32
      %shift_right_arithmetic3A_270 = vector.broadcast %shift_right_arithmetic3A_269 : i32 to vector<16xi32>
      %shift_right_arithmetic3A_271 = arith.shrsi %get3A_258, %shift_right_arithmetic3A_270 : vector<16xi32>
      %and3A_272 = arith.constant 3 : i32
      %and3A_273 = vector.broadcast %and3A_272 : i32 to vector<16xi32>
      %and3A_274 = arith.andi %shift_right_arithmetic3A_271, %and3A_273 : vector<16xi32>
      %shift_left3A_275 = arith.constant 5 : i32
      %shift_left3A_276 = vector.broadcast %shift_left3A_275 : i32 to vector<16xi32>
      %shift_left3A_277 = arith.shli %and3A_274, %shift_left3A_276 : vector<16xi32>
      %swap3A_278 = arith.constant 128 : index
      %swap3A_279 = tpu.vector_load %arg9[%swap3A_278] {strides = array<i32>} : memref<640xi32, #tpu.memory_space<vmem>>, vector<16xi32>,
      tpu.vector_store %arg9[%swap3A_278], %add3A_268 {strides = array<i32>} : memref<640xi32, #tpu.memory_space<vmem>>, vector<16xi32>,
      %swap3A_280 = arith.constant 128 : index
      %swap3A_281 = tpu.vector_load %arg10[%swap3A_280] {strides = array<i32>} : memref<656xi32, #tpu.memory_space<vmem>>, vector<16xi32>,
      tpu.vector_store %arg10[%swap3A_280], %shift_left3A_277 {strides = array<i32>} : memref<656xi32, #tpu.memory_space<vmem>>, vector<16xi32>,
      %mul3A_282 = arith.constant 5 : i32
      %mul3A_283 = arith.muli %scan3A_13, %mul3A_282 : i32
      %add3A_284 = arith.constant 1 : i32
      %add3A_285 = arith.addi %mul3A_283, %add3A_284 : i32
      %get3A_286 = arith.index_cast %add3A_285 : i32 to index
      %get3A_287 = arith.constant 16 : index
      %get3A_288 = tpu.vector_load %arg8[%get3A_286, %get3A_287] {strides = array<i32>} : memref<80x128xi32, #tpu.memory_space<vmem>>, vector<16xi32>,
      %shift_right_arithmetic3A_289 = arith.constant 13 : i32
      %shift_right_arithmetic3A_290 = vector.broadcast %shift_right_arithmetic3A_289 : i32 to vector<16xi32>
      %shift_right_arithmetic3A_291 = arith.shrsi %get3A_288, %shift_right_arithmetic3A_290 : vector<16xi32>
      %shift_left3A_292 = arith.constant 11 : i32
      %shift_left3A_293 = vector.broadcast %shift_left3A_292 : i32 to vector<16xi32>
      %shift_left3A_294 = arith.shli %shift_right_arithmetic3A_291, %shift_left3A_293 : vector<16xi32>
      %and3A_295 = arith.constant 2047 : i32
      %and3A_296 = vector.broadcast %and3A_295 : i32 to vector<16xi32>
      %and3A_297 = arith.andi %get3A_288, %and3A_296 : vector<16xi32>
      %add3A_298 = arith.addi %shift_left3A_294, %and3A_297 : vector<16xi32>
      %shift_right_arithmetic3A_299 = arith.constant 11 : i32
      %shift_right_arithmetic3A_300 = vector.broadcast %shift_right_arithmetic3A_299 : i32 to vector<16xi32>
      %shift_right_arithmetic3A_301 = arith.shrsi %get3A_288, %shift_right_arithmetic3A_300 : vector<16xi32>
      %and3A_302 = arith.constant 3 : i32
      %and3A_303 = vector.broadcast %and3A_302 : i32 to vector<16xi32>
      %and3A_304 = arith.andi %shift_right_arithmetic3A_301, %and3A_303 : vector<16xi32>
      %shift_left3A_305 = arith.constant 5 : i32
      %shift_left3A_306 = vector.broadcast %shift_left3A_305 : i32 to vector<16xi32>
      %shift_left3A_307 = arith.shli %and3A_304, %shift_left3A_306 : vector<16xi32>
      %swap3A_308 = arith.constant 144 : index
      %swap3A_309 = tpu.vector_load %arg9[%swap3A_308] {strides = array<i32>} : memref<640xi32, #tpu.memory_space<vmem>>, vector<16xi32>,
      tpu.vector_store %arg9[%swap3A_308], %add3A_298 {strides = array<i32>} : memref<640xi32, #tpu.memory_space<vmem>>, vector<16xi32>,
      %swap3A_310 = arith.constant 144 : index
      %swap3A_311 = tpu.vector_load %arg10[%swap3A_310] {strides = array<i32>} : memref<656xi32, #tpu.memory_space<vmem>>, vector<16xi32>,
      tpu.vector_store %arg10[%swap3A_310], %shift_left3A_307 {strides = array<i32>} : memref<656xi32, #tpu.memory_space<vmem>>, vector<16xi32>,
      %mul3A_312 = arith.constant 5 : i32
      %mul3A_313 = arith.muli %scan3A_13, %mul3A_312 : i32
      %add3A_314 = arith.constant 1 : i32
      %add3A_315 = arith.addi %mul3A_313, %add3A_314 : i32
      %get3A_316 = arith.index_cast %add3A_315 : i32 to index
      %get3A_317 = arith.constant 32 : index
      %get3A_318 = tpu.vector_load %arg8[%get3A_316, %get3A_317] {strides = array<i32>} : memref<80x128xi32, #tpu.memory_space<vmem>>, vector<16xi32>,
      %shift_right_arithmetic3A_319 = arith.constant 13 : i32
      %shift_right_arithmetic3A_320 = vector.broadcast %shift_right_arithmetic3A_319 : i32 to vector<16xi32>
      %shift_right_arithmetic3A_321 = arith.shrsi %get3A_318, %shift_right_arithmetic3A_320 : vector<16xi32>
      %shift_left3A_322 = arith.constant 11 : i32
      %shift_left3A_323 = vector.broadcast %shift_left3A_322 : i32 to vector<16xi32>
      %shift_left3A_324 = arith.shli %shift_right_arithmetic3A_321, %shift_left3A_323 : vector<16xi32>
      %and3A_325 = arith.constant 2047 : i32
      %and3A_326 = vector.broadcast %and3A_325 : i32 to vector<16xi32>
      %and3A_327 = arith.andi %get3A_318, %and3A_326 : vector<16xi32>
      %add3A_328 = arith.addi %shift_left3A_324, %and3A_327 : vector<16xi32>
      %shift_right_arithmetic3A_329 = arith.constant 11 : i32
      %shift_right_arithmetic3A_330 = vector.broadcast %shift_right_arithmetic3A_329 : i32 to vector<16xi32>
      %shift_right_arithmetic3A_331 = arith.shrsi %get3A_318, %shift_right_arithmetic3A_330 : vector<16xi32>
      %and3A_332 = arith.constant 3 : i32
      %and3A_333 = vector.broadcast %and3A_332 : i32 to vector<16xi32>
      %and3A_334 = arith.andi %shift_right_arithmetic3A_331, %and3A_333 : vector<16xi32>
      %shift_left3A_335 = arith.constant 5 : i32
      %shift_left3A_336 = vector.broadcast %shift_left3A_335 : i32 to vector<16xi32>
      %shift_left3A_337 = arith.shli %and3A_334, %shift_left3A_336 : vector<16xi32>
      %swap3A_338 = arith.constant 160 : index
      %swap3A_339 = tpu.vector_load %arg9[%swap3A_338] {strides = array<i32>} : memref<640xi32, #tpu.memory_space<vmem>>, vector<16xi32>,
      tpu.vector_store %arg9[%swap3A_338], %add3A_328 {strides = array<i32>} : memref<640xi32, #tpu.memory_space<vmem>>, vector<16xi32>,
      %swap3A_340 = arith.constant 160 : index
      %swap3A_341 = tpu.vector_load %arg10[%swap3A_340] {strides = array<i32>} : memref<656xi32, #tpu.memory_space<vmem>>, vector<16xi32>,
      tpu.vector_store %arg10[%swap3A_340], %shift_left3A_337 {strides = array<i32>} : memref<656xi32, #tpu.memory_space<vmem>>, vector<16xi32>,
      %mul3A_342 = arith.constant 5 : i32
      %mul3A_343 = arith.muli %scan3A_13, %mul3A_342 : i32
      %add3A_344 = arith.constant 1 : i32
      %add3A_345 = arith.addi %mul3A_343, %add3A_344 : i32
      %get3A_346 = arith.index_cast %add3A_345 : i32 to index
      %get3A_347 = arith.constant 48 : index
      %get3A_348 = tpu.vector_load %arg8[%get3A_346, %get3A_347] {strides = array<i32>} : memref<80x128xi32, #tpu.memory_space<vmem>>, vector<16xi32>,
      %shift_right_arithmetic3A_349 = arith.constant 13 : i32
      %shift_right_arithmetic3A_350 = vector.broadcast %shift_right_arithmetic3A_349 : i32 to vector<16xi32>
      %shift_right_arithmetic3A_351 = arith.shrsi %get3A_348, %shift_right_arithmetic3A_350 : vector<16xi32>
      %shift_left3A_352 = arith.constant 11 : i32
      %shift_left3A_353 = vector.broadcast %shift_left3A_352 : i32 to vector<16xi32>
      %shift_left3A_354 = arith.shli %shift_right_arithmetic3A_351, %shift_left3A_353 : vector<16xi32>
      %and3A_355 = arith.constant 2047 : i32
      %and3A_356 = vector.broadcast %and3A_355 : i32 to vector<16xi32>
      %and3A_357 = arith.andi %get3A_348, %and3A_356 : vector<16xi32>
      %add3A_358 = arith.addi %shift_left3A_354, %and3A_357 : vector<16xi32>
      %shift_right_arithmetic3A_359 = arith.constant 11 : i32
      %shift_right_arithmetic3A_360 = vector.broadcast %shift_right_arithmetic3A_359 : i32 to vector<16xi32>
      %shift_right_arithmetic3A_361 = arith.shrsi %get3A_348, %shift_right_arithmetic3A_360 : vector<16xi32>
      %and3A_362 = arith.constant 3 : i32
      %and3A_363 = vector.broadcast %and3A_362 : i32 to vector<16xi32>
      %and3A_364 = arith.andi %shift_right_arithmetic3A_361, %and3A_363 : vector<16xi32>
      %shift_left3A_365 = arith.constant 5 : i32
      %shift_left3A_366 = vector.broadcast %shift_left3A_365 : i32 to vector<16xi32>
      %shift_left3A_367 = arith.shli %and3A_364, %shift_left3A_366 : vector<16xi32>
      %swap3A_368 = arith.constant 176 : index
      %swap3A_369 = tpu.vector_load %arg9[%swap3A_368] {strides = array<i32>} : memref<640xi32, #tpu.memory_space<vmem>>, vector<16xi32>,
      tpu.vector_store %arg9[%swap3A_368], %add3A_358 {strides = array<i32>} : memref<640xi32, #tpu.memory_space<vmem>>, vector<16xi32>,
      %swap3A_370 = arith.constant 176 : index
      %swap3A_371 = tpu.vector_load %arg10[%swap3A_370] {strides = array<i32>} : memref<656xi32, #tpu.memory_space<vmem>>, vector<16xi32>,
      tpu.vector_store %arg10[%swap3A_370], %shift_left3A_367 {strides = array<i32>} : memref<656xi32, #tpu.memory_space<vmem>>, vector<16xi32>,
      %mul3A_372 = arith.constant 5 : i32
      %mul3A_373 = arith.muli %scan3A_13, %mul3A_372 : i32
      %add3A_374 = arith.constant 1 : i32
      %add3A_375 = arith.addi %mul3A_373, %add3A_374 : i32
      %get3A_376 = arith.index_cast %add3A_375 : i32 to index
      %get3A_377 = arith.constant 64 : index
      %get3A_378 = tpu.vector_load %arg8[%get3A_376, %get3A_377] {strides = array<i32>} : memref<80x128xi32, #tpu.memory_space<vmem>>, vector<16xi32>,
      %shift_right_arithmetic3A_379 = arith.constant 13 : i32
      %shift_right_arithmetic3A_380 = vector.broadcast %shift_right_arithmetic3A_379 : i32 to vector<16xi32>
      %shift_right_arithmetic3A_381 = arith.shrsi %get3A_378, %shift_right_arithmetic3A_380 : vector<16xi32>
      %shift_left3A_382 = arith.constant 11 : i32
      %shift_left3A_383 = vector.broadcast %shift_left3A_382 : i32 to vector<16xi32>
      %shift_left3A_384 = arith.shli %shift_right_arithmetic3A_381, %shift_left3A_383 : vector<16xi32>
      %and3A_385 = arith.constant 2047 : i32
      %and3A_386 = vector.broadcast %and3A_385 : i32 to vector<16xi32>
      %and3A_387 = arith.andi %get3A_378, %and3A_386 : vector<16xi32>
      %add3A_388 = arith.addi %shift_left3A_384, %and3A_387 : vector<16xi32>
      %shift_right_arithmetic3A_389 = arith.constant 11 : i32
      %shift_right_arithmetic3A_390 = vector.broadcast %shift_right_arithmetic3A_389 : i32 to vector<16xi32>
      %shift_right_arithmetic3A_391 = arith.shrsi %get3A_378, %shift_right_arithmetic3A_390 : vector<16xi32>
      %and3A_392 = arith.constant 3 : i32
      %and3A_393 = vector.broadcast %and3A_392 : i32 to vector<16xi32>
      %and3A_394 = arith.andi %shift_right_arithmetic3A_391, %and3A_393 : vector<16xi32>
      %shift_left3A_395 = arith.constant 5 : i32
      %shift_left3A_396 = vector.broadcast %shift_left3A_395 : i32 to vector<16xi32>
      %shift_left3A_397 = arith.shli %and3A_394, %shift_left3A_396 : vector<16xi32>
      %swap3A_398 = arith.constant 192 : index
      %swap3A_399 = tpu.vector_load %arg9[%swap3A_398] {strides = array<i32>} : memref<640xi32, #tpu.memory_space<vmem>>, vector<16xi32>,
      tpu.vector_store %arg9[%swap3A_398], %add3A_388 {strides = array<i32>} : memref<640xi32, #tpu.memory_space<vmem>>, vector<16xi32>,
      %swap3A_400 = arith.constant 192 : index
      %swap3A_401 = tpu.vector_load %arg10[%swap3A_400] {strides = array<i32>} : memref<656xi32, #tpu.memory_space<vmem>>, vector<16xi32>,
      tpu.vector_store %arg10[%swap3A_400], %shift_left3A_397 {strides = array<i32>} : memref<656xi32, #tpu.memory_space<vmem>>, vector<16xi32>,
      %mul3A_402 = arith.constant 5 : i32
      %mul3A_403 = arith.muli %scan3A_13, %mul3A_402 : i32
      %add3A_404 = arith.constant 1 : i32
      %add3A_405 = arith.addi %mul3A_403, %add3A_404 : i32
      %get3A_406 = arith.index_cast %add3A_405 : i32 to index
      %get3A_407 = arith.constant 80 : index
      %get3A_408 = tpu.vector_load %arg8[%get3A_406, %get3A_407] {strides = array<i32>} : memref<80x128xi32, #tpu.memory_space<vmem>>, vector<16xi32>,
      %shift_right_arithmetic3A_409 = arith.constant 13 : i32
      %shift_right_arithmetic3A_410 = vector.broadcast %shift_right_arithmetic3A_409 : i32 to vector<16xi32>
      %shift_right_arithmetic3A_411 = arith.shrsi %get3A_408, %shift_right_arithmetic3A_410 : vector<16xi32>
      %shift_left3A_412 = arith.constant 11 : i32
      %shift_left3A_413 = vector.broadcast %shift_left3A_412 : i32 to vector<16xi32>
      %shift_left3A_414 = arith.shli %shift_right_arithmetic3A_411, %shift_left3A_413 : vector<16xi32>
      %and3A_415 = arith.constant 2047 : i32
      %and3A_416 = vector.broadcast %and3A_415 : i32 to vector<16xi32>
      %and3A_417 = arith.andi %get3A_408, %and3A_416 : vector<16xi32>
      %add3A_418 = arith.addi %shift_left3A_414, %and3A_417 : vector<16xi32>
      %shift_right_arithmetic3A_419 = arith.constant 11 : i32
      %shift_right_arithmetic3A_420 = vector.broadcast %shift_right_arithmetic3A_419 : i32 to vector<16xi32>
      %shift_right_arithmetic3A_421 = arith.shrsi %get3A_408, %shift_right_arithmetic3A_420 : vector<16xi32>
      %and3A_422 = arith.constant 3 : i32
      %and3A_423 = vector.broadcast %and3A_422 : i32 to vector<16xi32>
      %and3A_424 = arith.andi %shift_right_arithmetic3A_421, %and3A_423 : vector<16xi32>
      %shift_left3A_425 = arith.constant 5 : i32
      %shift_left3A_426 = vector.broadcast %shift_left3A_425 : i32 to vector<16xi32>
      %shift_left3A_427 = arith.shli %and3A_424, %shift_left3A_426 : vector<16xi32>
      %swap3A_428 = arith.constant 208 : index
      %swap3A_429 = tpu.vector_load %arg9[%swap3A_428] {strides = array<i32>} : memref<640xi32, #tpu.memory_space<vmem>>, vector<16xi32>,
      tpu.vector_store %arg9[%swap3A_428], %add3A_418 {strides = array<i32>} : memref<640xi32, #tpu.memory_space<vmem>>, vector<16xi32>,
      %swap3A_430 = arith.constant 208 : index
      %swap3A_431 = tpu.vector_load %arg10[%swap3A_430] {strides = array<i32>} : memref<656xi32, #tpu.memory_space<vmem>>, vector<16xi32>,
      tpu.vector_store %arg10[%swap3A_430], %shift_left3A_427 {strides = array<i32>} : memref<656xi32, #tpu.memory_space<vmem>>, vector<16xi32>,
      %mul3A_432 = arith.constant 5 : i32
      %mul3A_433 = arith.muli %scan3A_13, %mul3A_432 : i32
      %add3A_434 = arith.constant 1 : i32
      %add3A_435 = arith.addi %mul3A_433, %add3A_434 : i32
      %get3A_436 = arith.index_cast %add3A_435 : i32 to index
      %get3A_437 = arith.constant 96 : index
      %get3A_438 = tpu.vector_load %arg8[%get3A_436, %get3A_437] {strides = array<i32>} : memref<80x128xi32, #tpu.memory_space<vmem>>, vector<16xi32>,
      %shift_right_arithmetic3A_439 = arith.constant 13 : i32
      %shift_right_arithmetic3A_440 = vector.broadcast %shift_right_arithmetic3A_439 : i32 to vector<16xi32>
      %shift_right_arithmetic3A_441 = arith.shrsi %get3A_438, %shift_right_arithmetic3A_440 : vector<16xi32>
      %shift_left3A_442 = arith.constant 11 : i32
      %shift_left3A_443 = vector.broadcast %shift_left3A_442 : i32 to vector<16xi32>
      %shift_left3A_444 = arith.shli %shift_right_arithmetic3A_441, %shift_left3A_443 : vector<16xi32>
      %and3A_445 = arith.constant 2047 : i32
      %and3A_446 = vector.broadcast %and3A_445 : i32 to vector<16xi32>
      %and3A_447 = arith.andi %get3A_438, %and3A_446 : vector<16xi32>
      %add3A_448 = arith.addi %shift_left3A_444, %and3A_447 : vector<16xi32>
      %shift_right_arithmetic3A_449 = arith.constant 11 : i32
      %shift_right_arithmetic3A_450 = vector.broadcast %shift_right_arithmetic3A_449 : i32 to vector<16xi32>
      %shift_right_arithmetic3A_451 = arith.shrsi %get3A_438, %shift_right_arithmetic3A_450 : vector<16xi32>
      %and3A_452 = arith.constant 3 : i32
      %and3A_453 = vector.broadcast %and3A_452 : i32 to vector<16xi32>
      %and3A_454 = arith.andi %shift_right_arithmetic3A_451, %and3A_453 : vector<16xi32>
      %shift_left3A_455 = arith.constant 5 : i32
      %shift_left3A_456 = vector.broadcast %shift_left3A_455 : i32 to vector<16xi32>
      %shift_left3A_457 = arith.shli %and3A_454, %shift_left3A_456 : vector<16xi32>
      %swap3A_458 = arith.constant 224 : index
      %swap3A_459 = tpu.vector_load %arg9[%swap3A_458] {strides = array<i32>} : memref<640xi32, #tpu.memory_space<vmem>>, vector<16xi32>,
      tpu.vector_store %arg9[%swap3A_458], %add3A_448 {strides = array<i32>} : memref<640xi32, #tpu.memory_space<vmem>>, vector<16xi32>,
      %swap3A_460 = arith.constant 224 : index
      %swap3A_461 = tpu.vector_load %arg10[%swap3A_460] {strides = array<i32>} : memref<656xi32, #tpu.memory_space<vmem>>, vector<16xi32>,
      tpu.vector_store %arg10[%swap3A_460], %shift_left3A_457 {strides = array<i32>} : memref<656xi32, #tpu.memory_space<vmem>>, vector<16xi32>,
      %mul3A_462 = arith.constant 5 : i32
      %mul3A_463 = arith.muli %scan3A_13, %mul3A_462 : i32
      %add3A_464 = arith.constant 1 : i32
      %add3A_465 = arith.addi %mul3A_463, %add3A_464 : i32
      %get3A_466 = arith.index_cast %add3A_465 : i32 to index
      %get3A_467 = arith.constant 112 : index
      %get3A_468 = tpu.vector_load %arg8[%get3A_466, %get3A_467] {strides = array<i32>} : memref<80x128xi32, #tpu.memory_space<vmem>>, vector<16xi32>,
      %shift_right_arithmetic3A_469 = arith.constant 13 : i32
      %shift_right_arithmetic3A_470 = vector.broadcast %shift_right_arithmetic3A_469 : i32 to vector<16xi32>
      %shift_right_arithmetic3A_471 = arith.shrsi %get3A_468, %shift_right_arithmetic3A_470 : vector<16xi32>
      %shift_left3A_472 = arith.constant 11 : i32
      %shift_left3A_473 = vector.broadcast %shift_left3A_472 : i32 to vector<16xi32>
      %shift_left3A_474 = arith.shli %shift_right_arithmetic3A_471, %shift_left3A_473 : vector<16xi32>
      %and3A_475 = arith.constant 2047 : i32
      %and3A_476 = vector.broadcast %and3A_475 : i32 to vector<16xi32>
      %and3A_477 = arith.andi %get3A_468, %and3A_476 : vector<16xi32>
      %add3A_478 = arith.addi %shift_left3A_474, %and3A_477 : vector<16xi32>
      %shift_right_arithmetic3A_479 = arith.constant 11 : i32
      %shift_right_arithmetic3A_480 = vector.broadcast %shift_right_arithmetic3A_479 : i32 to vector<16xi32>
      %shift_right_arithmetic3A_481 = arith.shrsi %get3A_468, %shift_right_arithmetic3A_480 : vector<16xi32>
      %and3A_482 = arith.constant 3 : i32
      %and3A_483 = vector.broadcast %and3A_482 : i32 to vector<16xi32>
      %and3A_484 = arith.andi %shift_right_arithmetic3A_481, %and3A_483 : vector<16xi32>
      %shift_left3A_485 = arith.constant 5 : i32
      %shift_left3A_486 = vector.broadcast %shift_left3A_485 : i32 to vector<16xi32>
      %shift_left3A_487 = arith.shli %and3A_484, %shift_left3A_486 : vector<16xi32>
      %swap3A_488 = arith.constant 240 : index
      %swap3A_489 = tpu.vector_load %arg9[%swap3A_488] {strides = array<i32>} : memref<640xi32, #tpu.memory_space<vmem>>, vector<16xi32>,
      tpu.vector_store %arg9[%swap3A_488], %add3A_478 {strides = array<i32>} : memref<640xi32, #tpu.memory_space<vmem>>, vector<16xi32>,
      %swap3A_490 = arith.constant 240 : index
      %swap3A_491 = tpu.vector_load %arg10[%swap3A_490] {strides = array<i32>} : memref<656xi32, #tpu.memory_space<vmem>>, vector<16xi32>,
      tpu.vector_store %arg10[%swap3A_490], %shift_left3A_487 {strides = array<i32>} : memref<656xi32, #tpu.memory_space<vmem>>, vector<16xi32>,
      %mul3A_492 = arith.constant 5 : i32
      %mul3A_493 = arith.muli %scan3A_13, %mul3A_492 : i32
      %add3A_494 = arith.constant 2 : i32
      %add3A_495 = arith.addi %mul3A_493, %add3A_494 : i32
      %get3A_496 = arith.index_cast %add3A_495 : i32 to index
      %get3A_497 = arith.constant 0 : index
      %get3A_498 = tpu.vector_load %arg8[%get3A_496, %get3A_497] {strides = array<i32>} : memref<80x128xi32, #tpu.memory_space<vmem>>, vector<16xi32>,
      %shift_right_arithmetic3A_499 = arith.constant 13 : i32
      %shift_right_arithmetic3A_500 = vector.broadcast %shift_right_arithmetic3A_499 : i32 to vector<16xi32>
      %shift_right_arithmetic3A_501 = arith.shrsi %get3A_498, %shift_right_arithmetic3A_500 : vector<16xi32>
      %shift_left3A_502 = arith.constant 11 : i32
      %shift_left3A_503 = vector.broadcast %shift_left3A_502 : i32 to vector<16xi32>
      %shift_left3A_504 = arith.shli %shift_right_arithmetic3A_501, %shift_left3A_503 : vector<16xi32>
      %and3A_505 = arith.constant 2047 : i32
      %and3A_506 = vector.broadcast %and3A_505 : i32 to vector<16xi32>
      %and3A_507 = arith.andi %get3A_498, %and3A_506 : vector<16xi32>
      %add3A_508 = arith.addi %shift_left3A_504, %and3A_507 : vector<16xi32>
      %shift_right_arithmetic3A_509 = arith.constant 11 : i32
      %shift_right_arithmetic3A_510 = vector.broadcast %shift_right_arithmetic3A_509 : i32 to vector<16xi32>
      %shift_right_arithmetic3A_511 = arith.shrsi %get3A_498, %shift_right_arithmetic3A_510 : vector<16xi32>
      %and3A_512 = arith.constant 3 : i32
      %and3A_513 = vector.broadcast %and3A_512 : i32 to vector<16xi32>
      %and3A_514 = arith.andi %shift_right_arithmetic3A_511, %and3A_513 : vector<16xi32>
      %shift_left3A_515 = arith.constant 5 : i32
      %shift_left3A_516 = vector.broadcast %shift_left3A_515 : i32 to vector<16xi32>
      %shift_left3A_517 = arith.shli %and3A_514, %shift_left3A_516 : vector<16xi32>
      %swap3A_518 = arith.constant 256 : index
      %swap3A_519 = tpu.vector_load %arg9[%swap3A_518] {strides = array<i32>} : memref<640xi32, #tpu.memory_space<vmem>>, vector<16xi32>,
      tpu.vector_store %arg9[%swap3A_518], %add3A_508 {strides = array<i32>} : memref<640xi32, #tpu.memory_space<vmem>>, vector<16xi32>,
      %swap3A_520 = arith.constant 256 : index
      %swap3A_521 = tpu.vector_load %arg10[%swap3A_520] {strides = array<i32>} : memref<656xi32, #tpu.memory_space<vmem>>, vector<16xi32>,
      tpu.vector_store %arg10[%swap3A_520], %shift_left3A_517 {strides = array<i32>} : memref<656xi32, #tpu.memory_space<vmem>>, vector<16xi32>,
      %mul3A_522 = arith.constant 5 : i32
      %mul3A_523 = arith.muli %scan3A_13, %mul3A_522 : i32
      %add3A_524 = arith.constant 2 : i32
      %add3A_525 = arith.addi %mul3A_523, %add3A_524 : i32
      %get3A_526 = arith.index_cast %add3A_525 : i32 to index
      %get3A_527 = arith.constant 16 : index
      %get3A_528 = tpu.vector_load %arg8[%get3A_526, %get3A_527] {strides = array<i32>} : memref<80x128xi32, #tpu.memory_space<vmem>>, vector<16xi32>,
      %shift_right_arithmetic3A_529 = arith.constant 13 : i32
      %shift_right_arithmetic3A_530 = vector.broadcast %shift_right_arithmetic3A_529 : i32 to vector<16xi32>
      %shift_right_arithmetic3A_531 = arith.shrsi %get3A_528, %shift_right_arithmetic3A_530 : vector<16xi32>
      %shift_left3A_532 = arith.constant 11 : i32
      %shift_left3A_533 = vector.broadcast %shift_left3A_532 : i32 to vector<16xi32>
      %shift_left3A_534 = arith.shli %shift_right_arithmetic3A_531, %shift_left3A_533 : vector<16xi32>
      %and3A_535 = arith.constant 2047 : i32
      %and3A_536 = vector.broadcast %and3A_535 : i32 to vector<16xi32>
      %and3A_537 = arith.andi %get3A_528, %and3A_536 : vector<16xi32>
      %add3A_538 = arith.addi %shift_left3A_534, %and3A_537 : vector<16xi32>
      %shift_right_arithmetic3A_539 = arith.constant 11 : i32
      %shift_right_arithmetic3A_540 = vector.broadcast %shift_right_arithmetic3A_539 : i32 to vector<16xi32>
      %shift_right_arithmetic3A_541 = arith.shrsi %get3A_528, %shift_right_arithmetic3A_540 : vector<16xi32>
      %and3A_542 = arith.constant 3 : i32
      %and3A_543 = vector.broadcast %and3A_542 : i32 to vector<16xi32>
      %and3A_544 = arith.andi %shift_right_arithmetic3A_541, %and3A_543 : vector<16xi32>
      %shift_left3A_545 = arith.constant 5 : i32
      %shift_left3A_546 = vector.broadcast %shift_left3A_545 : i32 to vector<16xi32>
      %shift_left3A_547 = arith.shli %and3A_544, %shift_left3A_546 : vector<16xi32>
      %swap3A_548 = arith.constant 272 : index
      %swap3A_549 = tpu.vector_load %arg9[%swap3A_548] {strides = array<i32>} : memref<640xi32, #tpu.memory_space<vmem>>, vector<16xi32>,
      tpu.vector_store %arg9[%swap3A_548], %add3A_538 {strides = array<i32>} : memref<640xi32, #tpu.memory_space<vmem>>, vector<16xi32>,
      %swap3A_550 = arith.constant 272 : index
      %swap3A_551 = tpu.vector_load %arg10[%swap3A_550] {strides = array<i32>} : memref<656xi32, #tpu.memory_space<vmem>>, vector<16xi32>,
      tpu.vector_store %arg10[%swap3A_550], %shift_left3A_547 {strides = array<i32>} : memref<656xi32, #tpu.memory_space<vmem>>, vector<16xi32>,
      %mul3A_552 = arith.constant 5 : i32
      %mul3A_553 = arith.muli %scan3A_13, %mul3A_552 : i32
      %add3A_554 = arith.constant 2 : i32
      %add3A_555 = arith.addi %mul3A_553, %add3A_554 : i32
      %get3A_556 = arith.index_cast %add3A_555 : i32 to index
      %get3A_557 = arith.constant 32 : index
      %get3A_558 = tpu.vector_load %arg8[%get3A_556, %get3A_557] {strides = array<i32>} : memref<80x128xi32, #tpu.memory_space<vmem>>, vector<16xi32>,
      %shift_right_arithmetic3A_559 = arith.constant 13 : i32
      %shift_right_arithmetic3A_560 = vector.broadcast %shift_right_arithmetic3A_559 : i32 to vector<16xi32>
      %shift_right_arithmetic3A_561 = arith.shrsi %get3A_558, %shift_right_arithmetic3A_560 : vector<16xi32>
      %shift_left3A_562 = arith.constant 11 : i32
      %shift_left3A_563 = vector.broadcast %shift_left3A_562 : i32 to vector<16xi32>
      %shift_left3A_564 = arith.shli %shift_right_arithmetic3A_561, %shift_left3A_563 : vector<16xi32>
      %and3A_565 = arith.constant 2047 : i32
      %and3A_566 = vector.broadcast %and3A_565 : i32 to vector<16xi32>
      %and3A_567 = arith.andi %get3A_558, %and3A_566 : vector<16xi32>
      %add3A_568 = arith.addi %shift_left3A_564, %and3A_567 : vector<16xi32>
      %shift_right_arithmetic3A_569 = arith.constant 11 : i32
      %shift_right_arithmetic3A_570 = vector.broadcast %shift_right_arithmetic3A_569 : i32 to vector<16xi32>
      %shift_right_arithmetic3A_571 = arith.shrsi %get3A_558, %shift_right_arithmetic3A_570 : vector<16xi32>
      %and3A_572 = arith.constant 3 : i32
      %and3A_573 = vector.broadcast %and3A_572 : i32 to vector<16xi32>
      %and3A_574 = arith.andi %shift_right_arithmetic3A_571, %and3A_573 : vector<16xi32>
      %shift_left3A_575 = arith.constant 5 : i32
      %shift_left3A_576 = vector.broadcast %shift_left3A_575 : i32 to vector<16xi32>
      %shift_left3A_577 = arith.shli %and3A_574, %shift_left3A_576 : vector<16xi32>
      %swap3A_578 = arith.constant 288 : index
      %swap3A_579 = tpu.vector_load %arg9[%swap3A_578] {strides = array<i32>} : memref<640xi32, #tpu.memory_space<vmem>>, vector<16xi32>,
      tpu.vector_store %arg9[%swap3A_578], %add3A_568 {strides = array<i32>} : memref<640xi32, #tpu.memory_space<vmem>>, vector<16xi32>,
      %swap3A_580 = arith.constant 288 : index
      %swap3A_581 = tpu.vector_load %arg10[%swap3A_580] {strides = array<i32>} : memref<656xi32, #tpu.memory_space<vmem>>, vector<16xi32>,
      tpu.vector_store %arg10[%swap3A_580], %shift_left3A_577 {strides = array<i32>} : memref<656xi32, #tpu.memory_space<vmem>>, vector<16xi32>,
      %mul3A_582 = arith.constant 5 : i32
      %mul3A_583 = arith.muli %scan3A_13, %mul3A_582 : i32
      %add3A_584 = arith.constant 2 : i32
      %add3A_585 = arith.addi %mul3A_583, %add3A_584 : i32
      %get3A_586 = arith.index_cast %add3A_585 : i32 to index
      %get3A_587 = arith.constant 48 : index
      %get3A_588 = tpu.vector_load %arg8[%get3A_586, %get3A_587] {strides = array<i32>} : memref<80x128xi32, #tpu.memory_space<vmem>>, vector<16xi32>,
      %shift_right_arithmetic3A_589 = arith.constant 13 : i32
      %shift_right_arithmetic3A_590 = vector.broadcast %shift_right_arithmetic3A_589 : i32 to vector<16xi32>
      %shift_right_arithmetic3A_591 = arith.shrsi %get3A_588, %shift_right_arithmetic3A_590 : vector<16xi32>
      %shift_left3A_592 = arith.constant 11 : i32
      %shift_left3A_593 = vector.broadcast %shift_left3A_592 : i32 to vector<16xi32>
      %shift_left3A_594 = arith.shli %shift_right_arithmetic3A_591, %shift_left3A_593 : vector<16xi32>
      %and3A_595 = arith.constant 2047 : i32
      %and3A_596 = vector.broadcast %and3A_595 : i32 to vector<16xi32>
      %and3A_597 = arith.andi %get3A_588, %and3A_596 : vector<16xi32>
      %add3A_598 = arith.addi %shift_left3A_594, %and3A_597 : vector<16xi32>
      %shift_right_arithmetic3A_599 = arith.constant 11 : i32
      %shift_right_arithmetic3A_600 = vector.broadcast %shift_right_arithmetic3A_599 : i32 to vector<16xi32>
      %shift_right_arithmetic3A_601 = arith.shrsi %get3A_588, %shift_right_arithmetic3A_600 : vector<16xi32>
      %and3A_602 = arith.constant 3 : i32
      %and3A_603 = vector.broadcast %and3A_602 : i32 to vector<16xi32>
      %and3A_604 = arith.andi %shift_right_arithmetic3A_601, %and3A_603 : vector<16xi32>
      %shift_left3A_605 = arith.constant 5 : i32
      %shift_left3A_606 = vector.broadcast %shift_left3A_605 : i32 to vector<16xi32>
      %shift_left3A_607 = arith.shli %and3A_604, %shift_left3A_606 : vector<16xi32>
      %swap3A_608 = arith.constant 304 : index
      %swap3A_609 = tpu.vector_load %arg9[%swap3A_608] {strides = array<i32>} : memref<640xi32, #tpu.memory_space<vmem>>, vector<16xi32>,
      tpu.vector_store %arg9[%swap3A_608], %add3A_598 {strides = array<i32>} : memref<640xi32, #tpu.memory_space<vmem>>, vector<16xi32>,
      %swap3A_610 = arith.constant 304 : index
      %swap3A_611 = tpu.vector_load %arg10[%swap3A_610] {strides = array<i32>} : memref<656xi32, #tpu.memory_space<vmem>>, vector<16xi32>,
      tpu.vector_store %arg10[%swap3A_610], %shift_left3A_607 {strides = array<i32>} : memref<656xi32, #tpu.memory_space<vmem>>, vector<16xi32>,
      %mul3A_612 = arith.constant 5 : i32
      %mul3A_613 = arith.muli %scan3A_13, %mul3A_612 : i32
      %add3A_614 = arith.constant 2 : i32
      %add3A_615 = arith.addi %mul3A_613, %add3A_614 : i32
      %get3A_616 = arith.index_cast %add3A_615 : i32 to index
      %get3A_617 = arith.constant 64 : index
      %get3A_618 = tpu.vector_load %arg8[%get3A_616, %get3A_617] {strides = array<i32>} : memref<80x128xi32, #tpu.memory_space<vmem>>, vector<16xi32>,
      %shift_right_arithmetic3A_619 = arith.constant 13 : i32
      %shift_right_arithmetic3A_620 = vector.broadcast %shift_right_arithmetic3A_619 : i32 to vector<16xi32>
      %shift_right_arithmetic3A_621 = arith.shrsi %get3A_618, %shift_right_arithmetic3A_620 : vector<16xi32>
      %shift_left3A_622 = arith.constant 11 : i32
      %shift_left3A_623 = vector.broadcast %shift_left3A_622 : i32 to vector<16xi32>
      %shift_left3A_624 = arith.shli %shift_right_arithmetic3A_621, %shift_left3A_623 : vector<16xi32>
      %and3A_625 = arith.constant 2047 : i32
      %and3A_626 = vector.broadcast %and3A_625 : i32 to vector<16xi32>
      %and3A_627 = arith.andi %get3A_618, %and3A_626 : vector<16xi32>
      %add3A_628 = arith.addi %shift_left3A_624, %and3A_627 : vector<16xi32>
      %shift_right_arithmetic3A_629 = arith.constant 11 : i32
      %shift_right_arithmetic3A_630 = vector.broadcast %shift_right_arithmetic3A_629 : i32 to vector<16xi32>
      %shift_right_arithmetic3A_631 = arith.shrsi %get3A_618, %shift_right_arithmetic3A_630 : vector<16xi32>
      %and3A_632 = arith.constant 3 : i32
      %and3A_633 = vector.broadcast %and3A_632 : i32 to vector<16xi32>
      %and3A_634 = arith.andi %shift_right_arithmetic3A_631, %and3A_633 : vector<16xi32>
      %shift_left3A_635 = arith.constant 5 : i32
      %shift_left3A_636 = vector.broadcast %shift_left3A_635 : i32 to vector<16xi32>
      %shift_left3A_637 = arith.shli %and3A_634, %shift_left3A_636 : vector<16xi32>
      %swap3A_638 = arith.constant 320 : index
      %swap3A_639 = tpu.vector_load %arg9[%swap3A_638] {strides = array<i32>} : memref<640xi32, #tpu.memory_space<vmem>>, vector<16xi32>,
      tpu.vector_store %arg9[%swap3A_638], %add3A_628 {strides = array<i32>} : memref<640xi32, #tpu.memory_space<vmem>>, vector<16xi32>,
      %swap3A_640 = arith.constant 320 : index
      %swap3A_641 = tpu.vector_load %arg10[%swap3A_640] {strides = array<i32>} : memref<656xi32, #tpu.memory_space<vmem>>, vector<16xi32>,
      tpu.vector_store %arg10[%swap3A_640], %shift_left3A_637 {strides = array<i32>} : memref<656xi32, #tpu.memory_space<vmem>>, vector<16xi32>,
      %mul3A_642 = arith.constant 5 : i32
      %mul3A_643 = arith.muli %scan3A_13, %mul3A_642 : i32
      %add3A_644 = arith.constant 2 : i32
      %add3A_645 = arith.addi %mul3A_643, %add3A_644 : i32
      %get3A_646 = arith.index_cast %add3A_645 : i32 to index
      %get3A_647 = arith.constant 80 : index
      %get3A_648 = tpu.vector_load %arg8[%get3A_646, %get3A_647] {strides = array<i32>} : memref<80x128xi32, #tpu.memory_space<vmem>>, vector<16xi32>,
      %shift_right_arithmetic3A_649 = arith.constant 13 : i32
      %shift_right_arithmetic3A_650 = vector.broadcast %shift_right_arithmetic3A_649 : i32 to vector<16xi32>
      %shift_right_arithmetic3A_651 = arith.shrsi %get3A_648, %shift_right_arithmetic3A_650 : vector<16xi32>
      %shift_left3A_652 = arith.constant 11 : i32
      %shift_left3A_653 = vector.broadcast %shift_left3A_652 : i32 to vector<16xi32>
      %shift_left3A_654 = arith.shli %shift_right_arithmetic3A_651, %shift_left3A_653 : vector<16xi32>
      %and3A_655 = arith.constant 2047 : i32
      %and3A_656 = vector.broadcast %and3A_655 : i32 to vector<16xi32>
      %and3A_657 = arith.andi %get3A_648, %and3A_656 : vector<16xi32>
      %add3A_658 = arith.addi %shift_left3A_654, %and3A_657 : vector<16xi32>
      %shift_right_arithmetic3A_659 = arith.constant 11 : i32
      %shift_right_arithmetic3A_660 = vector.broadcast %shift_right_arithmetic3A_659 : i32 to vector<16xi32>
      %shift_right_arithmetic3A_661 = arith.shrsi %get3A_648, %shift_right_arithmetic3A_660 : vector<16xi32>
      %and3A_662 = arith.constant 3 : i32
      %and3A_663 = vector.broadcast %and3A_662 : i32 to vector<16xi32>
      %and3A_664 = arith.andi %shift_right_arithmetic3A_661, %and3A_663 : vector<16xi32>
      %shift_left3A_665 = arith.constant 5 : i32
      %shift_left3A_666 = vector.broadcast %shift_left3A_665 : i32 to vector<16xi32>
      %shift_left3A_667 = arith.shli %and3A_664, %shift_left3A_666 : vector<16xi32>
      %swap3A_668 = arith.constant 336 : index
      %swap3A_669 = tpu.vector_load %arg9[%swap3A_668] {strides = array<i32>} : memref<640xi32, #tpu.memory_space<vmem>>, vector<16xi32>,
      tpu.vector_store %arg9[%swap3A_668], %add3A_658 {strides = array<i32>} : memref<640xi32, #tpu.memory_space<vmem>>, vector<16xi32>,
      %swap3A_670 = arith.constant 336 : index
      %swap3A_671 = tpu.vector_load %arg10[%swap3A_670] {strides = array<i32>} : memref<656xi32, #tpu.memory_space<vmem>>, vector<16xi32>,
      tpu.vector_store %arg10[%swap3A_670], %shift_left3A_667 {strides = array<i32>} : memref<656xi32, #tpu.memory_space<vmem>>, vector<16xi32>,
      %mul3A_672 = arith.constant 5 : i32
      %mul3A_673 = arith.muli %scan3A_13, %mul3A_672 : i32
      %add3A_674 = arith.constant 2 : i32
      %add3A_675 = arith.addi %mul3A_673, %add3A_674 : i32
      %get3A_676 = arith.index_cast %add3A_675 : i32 to index
      %get3A_677 = arith.constant 96 : index
      %get3A_678 = tpu.vector_load %arg8[%get3A_676, %get3A_677] {strides = array<i32>} : memref<80x128xi32, #tpu.memory_space<vmem>>, vector<16xi32>,
      %shift_right_arithmetic3A_679 = arith.constant 13 : i32
      %shift_right_arithmetic3A_680 = vector.broadcast %shift_right_arithmetic3A_679 : i32 to vector<16xi32>
      %shift_right_arithmetic3A_681 = arith.shrsi %get3A_678, %shift_right_arithmetic3A_680 : vector<16xi32>
      %shift_left3A_682 = arith.constant 11 : i32
      %shift_left3A_683 = vector.broadcast %shift_left3A_682 : i32 to vector<16xi32>
      %shift_left3A_684 = arith.shli %shift_right_arithmetic3A_681, %shift_left3A_683 : vector<16xi32>
      %and3A_685 = arith.constant 2047 : i32
      %and3A_686 = vector.broadcast %and3A_685 : i32 to vector<16xi32>
      %and3A_687 = arith.andi %get3A_678, %and3A_686 : vector<16xi32>
      %add3A_688 = arith.addi %shift_left3A_684, %and3A_687 : vector<16xi32>
      %shift_right_arithmetic3A_689 = arith.constant 11 : i32
      %shift_right_arithmetic3A_690 = vector.broadcast %shift_right_arithmetic3A_689 : i32 to vector<16xi32>
      %shift_right_arithmetic3A_691 = arith.shrsi %get3A_678, %shift_right_arithmetic3A_690 : vector<16xi32>
      %and3A_692 = arith.constant 3 : i32
      %and3A_693 = vector.broadcast %and3A_692 : i32 to vector<16xi32>
      %and3A_694 = arith.andi %shift_right_arithmetic3A_691, %and3A_693 : vector<16xi32>
      %shift_left3A_695 = arith.constant 5 : i32
      %shift_left3A_696 = vector.broadcast %shift_left3A_695 : i32 to vector<16xi32>
      %shift_left3A_697 = arith.shli %and3A_694, %shift_left3A_696 : vector<16xi32>
      %swap3A_698 = arith.constant 352 : index
      %swap3A_699 = tpu.vector_load %arg9[%swap3A_698] {strides = array<i32>} : memref<640xi32, #tpu.memory_space<vmem>>, vector<16xi32>,
      tpu.vector_store %arg9[%swap3A_698], %add3A_688 {strides = array<i32>} : memref<640xi32, #tpu.memory_space<vmem>>, vector<16xi32>,
      %swap3A_700 = arith.constant 352 : index
      %swap3A_701 = tpu.vector_load %arg10[%swap3A_700] {strides = array<i32>} : memref<656xi32, #tpu.memory_space<vmem>>, vector<16xi32>,
      tpu.vector_store %arg10[%swap3A_700], %shift_left3A_697 {strides = array<i32>} : memref<656xi32, #tpu.memory_space<vmem>>, vector<16xi32>,
      %mul3A_702 = arith.constant 5 : i32
      %mul3A_703 = arith.muli %scan3A_13, %mul3A_702 : i32
      %add3A_704 = arith.constant 2 : i32
      %add3A_705 = arith.addi %mul3A_703, %add3A_704 : i32
      %get3A_706 = arith.index_cast %add3A_705 : i32 to index
      %get3A_707 = arith.constant 112 : index
      %get3A_708 = tpu.vector_load %arg8[%get3A_706, %get3A_707] {strides = array<i32>} : memref<80x128xi32, #tpu.memory_space<vmem>>, vector<16xi32>,
      %shift_right_arithmetic3A_709 = arith.constant 13 : i32
      %shift_right_arithmetic3A_710 = vector.broadcast %shift_right_arithmetic3A_709 : i32 to vector<16xi32>
      %shift_right_arithmetic3A_711 = arith.shrsi %get3A_708, %shift_right_arithmetic3A_710 : vector<16xi32>
      %shift_left3A_712 = arith.constant 11 : i32
      %shift_left3A_713 = vector.broadcast %shift_left3A_712 : i32 to vector<16xi32>
      %shift_left3A_714 = arith.shli %shift_right_arithmetic3A_711, %shift_left3A_713 : vector<16xi32>
      %and3A_715 = arith.constant 2047 : i32
      %and3A_716 = vector.broadcast %and3A_715 : i32 to vector<16xi32>
      %and3A_717 = arith.andi %get3A_708, %and3A_716 : vector<16xi32>
      %add3A_718 = arith.addi %shift_left3A_714, %and3A_717 : vector<16xi32>
      %shift_right_arithmetic3A_719 = arith.constant 11 : i32
      %shift_right_arithmetic3A_720 = vector.broadcast %shift_right_arithmetic3A_719 : i32 to vector<16xi32>
      %shift_right_arithmetic3A_721 = arith.shrsi %get3A_708, %shift_right_arithmetic3A_720 : vector<16xi32>
      %and3A_722 = arith.constant 3 : i32
      %and3A_723 = vector.broadcast %and3A_722 : i32 to vector<16xi32>
      %and3A_724 = arith.andi %shift_right_arithmetic3A_721, %and3A_723 : vector<16xi32>
      %shift_left3A_725 = arith.constant 5 : i32
      %shift_left3A_726 = vector.broadcast %shift_left3A_725 : i32 to vector<16xi32>
      %shift_left3A_727 = arith.shli %and3A_724, %shift_left3A_726 : vector<16xi32>
      %swap3A_728 = arith.constant 368 : index
      %swap3A_729 = tpu.vector_load %arg9[%swap3A_728] {strides = array<i32>} : memref<640xi32, #tpu.memory_space<vmem>>, vector<16xi32>,
      tpu.vector_store %arg9[%swap3A_728], %add3A_718 {strides = array<i32>} : memref<640xi32, #tpu.memory_space<vmem>>, vector<16xi32>,
      %swap3A_730 = arith.constant 368 : index
      %swap3A_731 = tpu.vector_load %arg10[%swap3A_730] {strides = array<i32>} : memref<656xi32, #tpu.memory_space<vmem>>, vector<16xi32>,
      tpu.vector_store %arg10[%swap3A_730], %shift_left3A_727 {strides = array<i32>} : memref<656xi32, #tpu.memory_space<vmem>>, vector<16xi32>,
      %mul3A_732 = arith.constant 5 : i32
      %mul3A_733 = arith.muli %scan3A_13, %mul3A_732 : i32
      %add3A_734 = arith.constant 3 : i32
      %add3A_735 = arith.addi %mul3A_733, %add3A_734 : i32
      %get3A_736 = arith.index_cast %add3A_735 : i32 to index
      %get3A_737 = arith.constant 0 : index
      %get3A_738 = tpu.vector_load %arg8[%get3A_736, %get3A_737] {strides = array<i32>} : memref<80x128xi32, #tpu.memory_space<vmem>>, vector<16xi32>,
      %shift_right_arithmetic3A_739 = arith.constant 13 : i32
      %shift_right_arithmetic3A_740 = vector.broadcast %shift_right_arithmetic3A_739 : i32 to vector<16xi32>
      %shift_right_arithmetic3A_741 = arith.shrsi %get3A_738, %shift_right_arithmetic3A_740 : vector<16xi32>
      %shift_left3A_742 = arith.constant 11 : i32
      %shift_left3A_743 = vector.broadcast %shift_left3A_742 : i32 to vector<16xi32>
      %shift_left3A_744 = arith.shli %shift_right_arithmetic3A_741, %shift_left3A_743 : vector<16xi32>
      %and3A_745 = arith.constant 2047 : i32
      %and3A_746 = vector.broadcast %and3A_745 : i32 to vector<16xi32>
      %and3A_747 = arith.andi %get3A_738, %and3A_746 : vector<16xi32>
      %add3A_748 = arith.addi %shift_left3A_744, %and3A_747 : vector<16xi32>
      %shift_right_arithmetic3A_749 = arith.constant 11 : i32
      %shift_right_arithmetic3A_750 = vector.broadcast %shift_right_arithmetic3A_749 : i32 to vector<16xi32>
      %shift_right_arithmetic3A_751 = arith.shrsi %get3A_738, %shift_right_arithmetic3A_750 : vector<16xi32>
      %and3A_752 = arith.constant 3 : i32
      %and3A_753 = vector.broadcast %and3A_752 : i32 to vector<16xi32>
      %and3A_754 = arith.andi %shift_right_arithmetic3A_751, %and3A_753 : vector<16xi32>
      %shift_left3A_755 = arith.constant 5 : i32
      %shift_left3A_756 = vector.broadcast %shift_left3A_755 : i32 to vector<16xi32>
      %shift_left3A_757 = arith.shli %and3A_754, %shift_left3A_756 : vector<16xi32>
      %swap3A_758 = arith.constant 384 : index
      %swap3A_759 = tpu.vector_load %arg9[%swap3A_758] {strides = array<i32>} : memref<640xi32, #tpu.memory_space<vmem>>, vector<16xi32>,
      tpu.vector_store %arg9[%swap3A_758], %add3A_748 {strides = array<i32>} : memref<640xi32, #tpu.memory_space<vmem>>, vector<16xi32>,
      %swap3A_760 = arith.constant 384 : index
      %swap3A_761 = tpu.vector_load %arg10[%swap3A_760] {strides = array<i32>} : memref<656xi32, #tpu.memory_space<vmem>>, vector<16xi32>,
      tpu.vector_store %arg10[%swap3A_760], %shift_left3A_757 {strides = array<i32>} : memref<656xi32, #tpu.memory_space<vmem>>, vector<16xi32>,
      %mul3A_762 = arith.constant 5 : i32
      %mul3A_763 = arith.muli %scan3A_13, %mul3A_762 : i32
      %add3A_764 = arith.constant 3 : i32
      %add3A_765 = arith.addi %mul3A_763, %add3A_764 : i32
      %get3A_766 = arith.index_cast %add3A_765 : i32 to index
      %get3A_767 = arith.constant 16 : index
      %get3A_768 = tpu.vector_load %arg8[%get3A_766, %get3A_767] {strides = array<i32>} : memref<80x128xi32, #tpu.memory_space<vmem>>, vector<16xi32>,
      %shift_right_arithmetic3A_769 = arith.constant 13 : i32
      %shift_right_arithmetic3A_770 = vector.broadcast %shift_right_arithmetic3A_769 : i32 to vector<16xi32>
      %shift_right_arithmetic3A_771 = arith.shrsi %get3A_768, %shift_right_arithmetic3A_770 : vector<16xi32>
      %shift_left3A_772 = arith.constant 11 : i32
      %shift_left3A_773 = vector.broadcast %shift_left3A_772 : i32 to vector<16xi32>
      %shift_left3A_774 = arith.shli %shift_right_arithmetic3A_771, %shift_left3A_773 : vector<16xi32>
      %and3A_775 = arith.constant 2047 : i32
      %and3A_776 = vector.broadcast %and3A_775 : i32 to vector<16xi32>
      %and3A_777 = arith.andi %get3A_768, %and3A_776 : vector<16xi32>
      %add3A_778 = arith.addi %shift_left3A_774, %and3A_777 : vector<16xi32>
      %shift_right_arithmetic3A_779 = arith.constant 11 : i32
      %shift_right_arithmetic3A_780 = vector.broadcast %shift_right_arithmetic3A_779 : i32 to vector<16xi32>
      %shift_right_arithmetic3A_781 = arith.shrsi %get3A_768, %shift_right_arithmetic3A_780 : vector<16xi32>
      %and3A_782 = arith.constant 3 : i32
      %and3A_783 = vector.broadcast %and3A_782 : i32 to vector<16xi32>
      %and3A_784 = arith.andi %shift_right_arithmetic3A_781, %and3A_783 : vector<16xi32>
      %shift_left3A_785 = arith.constant 5 : i32
      %shift_left3A_786 = vector.broadcast %shift_left3A_785 : i32 to vector<16xi32>
      %shift_left3A_787 = arith.shli %and3A_784, %shift_left3A_786 : vector<16xi32>
      %swap3A_788 = arith.constant 400 : index
      %swap3A_789 = tpu.vector_load %arg9[%swap3A_788] {strides = array<i32>} : memref<640xi32, #tpu.memory_space<vmem>>, vector<16xi32>,
      tpu.vector_store %arg9[%swap3A_788], %add3A_778 {strides = array<i32>} : memref<640xi32, #tpu.memory_space<vmem>>, vector<16xi32>,
      %swap3A_790 = arith.constant 400 : index
      %swap3A_791 = tpu.vector_load %arg10[%swap3A_790] {strides = array<i32>} : memref<656xi32, #tpu.memory_space<vmem>>, vector<16xi32>,
      tpu.vector_store %arg10[%swap3A_790], %shift_left3A_787 {strides = array<i32>} : memref<656xi32, #tpu.memory_space<vmem>>, vector<16xi32>,
      %mul3A_792 = arith.constant 5 : i32
      %mul3A_793 = arith.muli %scan3A_13, %mul3A_792 : i32
      %add3A_794 = arith.constant 3 : i32
      %add3A_795 = arith.addi %mul3A_793, %add3A_794 : i32
      %get3A_796 = arith.index_cast %add3A_795 : i32 to index
      %get3A_797 = arith.constant 32 : index
      %get3A_798 = tpu.vector_load %arg8[%get3A_796, %get3A_797] {strides = array<i32>} : memref<80x128xi32, #tpu.memory_space<vmem>>, vector<16xi32>,
      %shift_right_arithmetic3A_799 = arith.constant 13 : i32
      %shift_right_arithmetic3A_800 = vector.broadcast %shift_right_arithmetic3A_799 : i32 to vector<16xi32>
      %shift_right_arithmetic3A_801 = arith.shrsi %get3A_798, %shift_right_arithmetic3A_800 : vector<16xi32>
      %shift_left3A_802 = arith.constant 11 : i32
      %shift_left3A_803 = vector.broadcast %shift_left3A_802 : i32 to vector<16xi32>
      %shift_left3A_804 = arith.shli %shift_right_arithmetic3A_801, %shift_left3A_803 : vector<16xi32>
      %and3A_805 = arith.constant 2047 : i32
      %and3A_806 = vector.broadcast %and3A_805 : i32 to vector<16xi32>
      %and3A_807 = arith.andi %get3A_798, %and3A_806 : vector<16xi32>
      %add3A_808 = arith.addi %shift_left3A_804, %and3A_807 : vector<16xi32>
      %shift_right_arithmetic3A_809 = arith.constant 11 : i32
      %shift_right_arithmetic3A_810 = vector.broadcast %shift_right_arithmetic3A_809 : i32 to vector<16xi32>
      %shift_right_arithmetic3A_811 = arith.shrsi %get3A_798, %shift_right_arithmetic3A_810 : vector<16xi32>
      %and3A_812 = arith.constant 3 : i32
      %and3A_813 = vector.broadcast %and3A_812 : i32 to vector<16xi32>
      %and3A_814 = arith.andi %shift_right_arithmetic3A_811, %and3A_813 : vector<16xi32>
      %shift_left3A_815 = arith.constant 5 : i32
      %shift_left3A_816 = vector.broadcast %shift_left3A_815 : i32 to vector<16xi32>
      %shift_left3A_817 = arith.shli %and3A_814, %shift_left3A_816 : vector<16xi32>
      %swap3A_818 = arith.constant 416 : index
      %swap3A_819 = tpu.vector_load %arg9[%swap3A_818] {strides = array<i32>} : memref<640xi32, #tpu.memory_space<vmem>>, vector<16xi32>,
      tpu.vector_store %arg9[%swap3A_818], %add3A_808 {strides = array<i32>} : memref<640xi32, #tpu.memory_space<vmem>>, vector<16xi32>,
      %swap3A_820 = arith.constant 416 : index
      %swap3A_821 = tpu.vector_load %arg10[%swap3A_820] {strides = array<i32>} : memref<656xi32, #tpu.memory_space<vmem>>, vector<16xi32>,
      tpu.vector_store %arg10[%swap3A_820], %shift_left3A_817 {strides = array<i32>} : memref<656xi32, #tpu.memory_space<vmem>>, vector<16xi32>,
      %mul3A_822 = arith.constant 5 : i32
      %mul3A_823 = arith.muli %scan3A_13, %mul3A_822 : i32
      %add3A_824 = arith.constant 3 : i32
      %add3A_825 = arith.addi %mul3A_823, %add3A_824 : i32
      %get3A_826 = arith.index_cast %add3A_825 : i32 to index
      %get3A_827 = arith.constant 48 : index
      %get3A_828 = tpu.vector_load %arg8[%get3A_826, %get3A_827] {strides = array<i32>} : memref<80x128xi32, #tpu.memory_space<vmem>>, vector<16xi32>,
      %shift_right_arithmetic3A_829 = arith.constant 13 : i32
      %shift_right_arithmetic3A_830 = vector.broadcast %shift_right_arithmetic3A_829 : i32 to vector<16xi32>
      %shift_right_arithmetic3A_831 = arith.shrsi %get3A_828, %shift_right_arithmetic3A_830 : vector<16xi32>
      %shift_left3A_832 = arith.constant 11 : i32
      %shift_left3A_833 = vector.broadcast %shift_left3A_832 : i32 to vector<16xi32>
      %shift_left3A_834 = arith.shli %shift_right_arithmetic3A_831, %shift_left3A_833 : vector<16xi32>
      %and3A_835 = arith.constant 2047 : i32
      %and3A_836 = vector.broadcast %and3A_835 : i32 to vector<16xi32>
      %and3A_837 = arith.andi %get3A_828, %and3A_836 : vector<16xi32>
      %add3A_838 = arith.addi %shift_left3A_834, %and3A_837 : vector<16xi32>
      %shift_right_arithmetic3A_839 = arith.constant 11 : i32
      %shift_right_arithmetic3A_840 = vector.broadcast %shift_right_arithmetic3A_839 : i32 to vector<16xi32>
      %shift_right_arithmetic3A_841 = arith.shrsi %get3A_828, %shift_right_arithmetic3A_840 : vector<16xi32>
      %and3A_842 = arith.constant 3 : i32
      %and3A_843 = vector.broadcast %and3A_842 : i32 to vector<16xi32>
      %and3A_844 = arith.andi %shift_right_arithmetic3A_841, %and3A_843 : vector<16xi32>
      %shift_left3A_845 = arith.constant 5 : i32
      %shift_left3A_846 = vector.broadcast %shift_left3A_845 : i32 to vector<16xi32>
      %shift_left3A_847 = arith.shli %and3A_844, %shift_left3A_846 : vector<16xi32>
      %swap3A_848 = arith.constant 432 : index
      %swap3A_849 = tpu.vector_load %arg9[%swap3A_848] {strides = array<i32>} : memref<640xi32, #tpu.memory_space<vmem>>, vector<16xi32>,
      tpu.vector_store %arg9[%swap3A_848], %add3A_838 {strides = array<i32>} : memref<640xi32, #tpu.memory_space<vmem>>, vector<16xi32>,
      %swap3A_850 = arith.constant 432 : index
      %swap3A_851 = tpu.vector_load %arg10[%swap3A_850] {strides = array<i32>} : memref<656xi32, #tpu.memory_space<vmem>>, vector<16xi32>,
      tpu.vector_store %arg10[%swap3A_850], %shift_left3A_847 {strides = array<i32>} : memref<656xi32, #tpu.memory_space<vmem>>, vector<16xi32>,
      %mul3A_852 = arith.constant 5 : i32
      %mul3A_853 = arith.muli %scan3A_13, %mul3A_852 : i32
      %add3A_854 = arith.constant 3 : i32
      %add3A_855 = arith.addi %mul3A_853, %add3A_854 : i32
      %get3A_856 = arith.index_cast %add3A_855 : i32 to index
      %get3A_857 = arith.constant 64 : index
      %get3A_858 = tpu.vector_load %arg8[%get3A_856, %get3A_857] {strides = array<i32>} : memref<80x128xi32, #tpu.memory_space<vmem>>, vector<16xi32>,
      %shift_right_arithmetic3A_859 = arith.constant 13 : i32
      %shift_right_arithmetic3A_860 = vector.broadcast %shift_right_arithmetic3A_859 : i32 to vector<16xi32>
      %shift_right_arithmetic3A_861 = arith.shrsi %get3A_858, %shift_right_arithmetic3A_860 : vector<16xi32>
      %shift_left3A_862 = arith.constant 11 : i32
      %shift_left3A_863 = vector.broadcast %shift_left3A_862 : i32 to vector<16xi32>
      %shift_left3A_864 = arith.shli %shift_right_arithmetic3A_861, %shift_left3A_863 : vector<16xi32>
      %and3A_865 = arith.constant 2047 : i32
      %and3A_866 = vector.broadcast %and3A_865 : i32 to vector<16xi32>
      %and3A_867 = arith.andi %get3A_858, %and3A_866 : vector<16xi32>
      %add3A_868 = arith.addi %shift_left3A_864, %and3A_867 : vector<16xi32>
      %shift_right_arithmetic3A_869 = arith.constant 11 : i32
      %shift_right_arithmetic3A_870 = vector.broadcast %shift_right_arithmetic3A_869 : i32 to vector<16xi32>
      %shift_right_arithmetic3A_871 = arith.shrsi %get3A_858, %shift_right_arithmetic3A_870 : vector<16xi32>
      %and3A_872 = arith.constant 3 : i32
      %and3A_873 = vector.broadcast %and3A_872 : i32 to vector<16xi32>
      %and3A_874 = arith.andi %shift_right_arithmetic3A_871, %and3A_873 : vector<16xi32>
      %shift_left3A_875 = arith.constant 5 : i32
      %shift_left3A_876 = vector.broadcast %shift_left3A_875 : i32 to vector<16xi32>
      %shift_left3A_877 = arith.shli %and3A_874, %shift_left3A_876 : vector<16xi32>
      %swap3A_878 = arith.constant 448 : index
      %swap3A_879 = tpu.vector_load %arg9[%swap3A_878] {strides = array<i32>} : memref<640xi32, #tpu.memory_space<vmem>>, vector<16xi32>,
      tpu.vector_store %arg9[%swap3A_878], %add3A_868 {strides = array<i32>} : memref<640xi32, #tpu.memory_space<vmem>>, vector<16xi32>,
      %swap3A_880 = arith.constant 448 : index
      %swap3A_881 = tpu.vector_load %arg10[%swap3A_880] {strides = array<i32>} : memref<656xi32, #tpu.memory_space<vmem>>, vector<16xi32>,
      tpu.vector_store %arg10[%swap3A_880], %shift_left3A_877 {strides = array<i32>} : memref<656xi32, #tpu.memory_space<vmem>>, vector<16xi32>,
      %mul3A_882 = arith.constant 5 : i32
      %mul3A_883 = arith.muli %scan3A_13, %mul3A_882 : i32
      %add3A_884 = arith.constant 3 : i32
      %add3A_885 = arith.addi %mul3A_883, %add3A_884 : i32
      %get3A_886 = arith.index_cast %add3A_885 : i32 to index
      %get3A_887 = arith.constant 80 : index
      %get3A_888 = tpu.vector_load %arg8[%get3A_886, %get3A_887] {strides = array<i32>} : memref<80x128xi32, #tpu.memory_space<vmem>>, vector<16xi32>,
      %shift_right_arithmetic3A_889 = arith.constant 13 : i32
      %shift_right_arithmetic3A_890 = vector.broadcast %shift_right_arithmetic3A_889 : i32 to vector<16xi32>
      %shift_right_arithmetic3A_891 = arith.shrsi %get3A_888, %shift_right_arithmetic3A_890 : vector<16xi32>
      %shift_left3A_892 = arith.constant 11 : i32
      %shift_left3A_893 = vector.broadcast %shift_left3A_892 : i32 to vector<16xi32>
      %shift_left3A_894 = arith.shli %shift_right_arithmetic3A_891, %shift_left3A_893 : vector<16xi32>
      %and3A_895 = arith.constant 2047 : i32
      %and3A_896 = vector.broadcast %and3A_895 : i32 to vector<16xi32>
      %and3A_897 = arith.andi %get3A_888, %and3A_896 : vector<16xi32>
      %add3A_898 = arith.addi %shift_left3A_894, %and3A_897 : vector<16xi32>
      %shift_right_arithmetic3A_899 = arith.constant 11 : i32
      %shift_right_arithmetic3A_900 = vector.broadcast %shift_right_arithmetic3A_899 : i32 to vector<16xi32>
      %shift_right_arithmetic3A_901 = arith.shrsi %get3A_888, %shift_right_arithmetic3A_900 : vector<16xi32>
      %and3A_902 = arith.constant 3 : i32
      %and3A_903 = vector.broadcast %and3A_902 : i32 to vector<16xi32>
      %and3A_904 = arith.andi %shift_right_arithmetic3A_901, %and3A_903 : vector<16xi32>
      %shift_left3A_905 = arith.constant 5 : i32
      %shift_left3A_906 = vector.broadcast %shift_left3A_905 : i32 to vector<16xi32>
      %shift_left3A_907 = arith.shli %and3A_904, %shift_left3A_906 : vector<16xi32>
      %swap3A_908 = arith.constant 464 : index
      %swap3A_909 = tpu.vector_load %arg9[%swap3A_908] {strides = array<i32>} : memref<640xi32, #tpu.memory_space<vmem>>, vector<16xi32>,
      tpu.vector_store %arg9[%swap3A_908], %add3A_898 {strides = array<i32>} : memref<640xi32, #tpu.memory_space<vmem>>, vector<16xi32>,
      %swap3A_910 = arith.constant 464 : index
      %swap3A_911 = tpu.vector_load %arg10[%swap3A_910] {strides = array<i32>} : memref<656xi32, #tpu.memory_space<vmem>>, vector<16xi32>,
      tpu.vector_store %arg10[%swap3A_910], %shift_left3A_907 {strides = array<i32>} : memref<656xi32, #tpu.memory_space<vmem>>, vector<16xi32>,
      %mul3A_912 = arith.constant 5 : i32
      %mul3A_913 = arith.muli %scan3A_13, %mul3A_912 : i32
      %add3A_914 = arith.constant 3 : i32
      %add3A_915 = arith.addi %mul3A_913, %add3A_914 : i32
      %get3A_916 = arith.index_cast %add3A_915 : i32 to index
      %get3A_917 = arith.constant 96 : index
      %get3A_918 = tpu.vector_load %arg8[%get3A_916, %get3A_917] {strides = array<i32>} : memref<80x128xi32, #tpu.memory_space<vmem>>, vector<16xi32>,
      %shift_right_arithmetic3A_919 = arith.constant 13 : i32
      %shift_right_arithmetic3A_920 = vector.broadcast %shift_right_arithmetic3A_919 : i32 to vector<16xi32>
      %shift_right_arithmetic3A_921 = arith.shrsi %get3A_918, %shift_right_arithmetic3A_920 : vector<16xi32>
      %shift_left3A_922 = arith.constant 11 : i32
      %shift_left3A_923 = vector.broadcast %shift_left3A_922 : i32 to vector<16xi32>
      %shift_left3A_924 = arith.shli %shift_right_arithmetic3A_921, %shift_left3A_923 : vector<16xi32>
      %and3A_925 = arith.constant 2047 : i32
      %and3A_926 = vector.broadcast %and3A_925 : i32 to vector<16xi32>
      %and3A_927 = arith.andi %get3A_918, %and3A_926 : vector<16xi32>
      %add3A_928 = arith.addi %shift_left3A_924, %and3A_927 : vector<16xi32>
      %shift_right_arithmetic3A_929 = arith.constant 11 : i32
      %shift_right_arithmetic3A_930 = vector.broadcast %shift_right_arithmetic3A_929 : i32 to vector<16xi32>
      %shift_right_arithmetic3A_931 = arith.shrsi %get3A_918, %shift_right_arithmetic3A_930 : vector<16xi32>
      %and3A_932 = arith.constant 3 : i32
      %and3A_933 = vector.broadcast %and3A_932 : i32 to vector<16xi32>
      %and3A_934 = arith.andi %shift_right_arithmetic3A_931, %and3A_933 : vector<16xi32>
      %shift_left3A_935 = arith.constant 5 : i32
      %shift_left3A_936 = vector.broadcast %shift_left3A_935 : i32 to vector<16xi32>
      %shift_left3A_937 = arith.shli %and3A_934, %shift_left3A_936 : vector<16xi32>
      %swap3A_938 = arith.constant 480 : index
      %swap3A_939 = tpu.vector_load %arg9[%swap3A_938] {strides = array<i32>} : memref<640xi32, #tpu.memory_space<vmem>>, vector<16xi32>,
      tpu.vector_store %arg9[%swap3A_938], %add3A_928 {strides = array<i32>} : memref<640xi32, #tpu.memory_space<vmem>>, vector<16xi32>,
      %swap3A_940 = arith.constant 480 : index
      %swap3A_941 = tpu.vector_load %arg10[%swap3A_940] {strides = array<i32>} : memref<656xi32, #tpu.memory_space<vmem>>, vector<16xi32>,
      tpu.vector_store %arg10[%swap3A_940], %shift_left3A_937 {strides = array<i32>} : memref<656xi32, #tpu.memory_space<vmem>>, vector<16xi32>,
      %mul3A_942 = arith.constant 5 : i32
      %mul3A_943 = arith.muli %scan3A_13, %mul3A_942 : i32
      %add3A_944 = arith.constant 3 : i32
      %add3A_945 = arith.addi %mul3A_943, %add3A_944 : i32
      %get3A_946 = arith.index_cast %add3A_945 : i32 to index
      %get3A_947 = arith.constant 112 : index
      %get3A_948 = tpu.vector_load %arg8[%get3A_946, %get3A_947] {strides = array<i32>} : memref<80x128xi32, #tpu.memory_space<vmem>>, vector<16xi32>,
      %shift_right_arithmetic3A_949 = arith.constant 13 : i32
      %shift_right_arithmetic3A_950 = vector.broadcast %shift_right_arithmetic3A_949 : i32 to vector<16xi32>
      %shift_right_arithmetic3A_951 = arith.shrsi %get3A_948, %shift_right_arithmetic3A_950 : vector<16xi32>
      %shift_left3A_952 = arith.constant 11 : i32
      %shift_left3A_953 = vector.broadcast %shift_left3A_952 : i32 to vector<16xi32>
      %shift_left3A_954 = arith.shli %shift_right_arithmetic3A_951, %shift_left3A_953 : vector<16xi32>
      %and3A_955 = arith.constant 2047 : i32
      %and3A_956 = vector.broadcast %and3A_955 : i32 to vector<16xi32>
      %and3A_957 = arith.andi %get3A_948, %and3A_956 : vector<16xi32>
      %add3A_958 = arith.addi %shift_left3A_954, %and3A_957 : vector<16xi32>
      %shift_right_arithmetic3A_959 = arith.constant 11 : i32
      %shift_right_arithmetic3A_960 = vector.broadcast %shift_right_arithmetic3A_959 : i32 to vector<16xi32>
      %shift_right_arithmetic3A_961 = arith.shrsi %get3A_948, %shift_right_arithmetic3A_960 : vector<16xi32>
      %and3A_962 = arith.constant 3 : i32
      %and3A_963 = vector.broadcast %and3A_962 : i32 to vector<16xi32>
      %and3A_964 = arith.andi %shift_right_arithmetic3A_961, %and3A_963 : vector<16xi32>
      %shift_left3A_965 = arith.constant 5 : i32
      %shift_left3A_966 = vector.broadcast %shift_left3A_965 : i32 to vector<16xi32>
      %shift_left3A_967 = arith.shli %and3A_964, %shift_left3A_966 : vector<16xi32>
      %swap3A_968 = arith.constant 496 : index
      %swap3A_969 = tpu.vector_load %arg9[%swap3A_968] {strides = array<i32>} : memref<640xi32, #tpu.memory_space<vmem>>, vector<16xi32>,
      tpu.vector_store %arg9[%swap3A_968], %add3A_958 {strides = array<i32>} : memref<640xi32, #tpu.memory_space<vmem>>, vector<16xi32>,
      %swap3A_970 = arith.constant 496 : index
      %swap3A_971 = tpu.vector_load %arg10[%swap3A_970] {strides = array<i32>} : memref<656xi32, #tpu.memory_space<vmem>>, vector<16xi32>,
      tpu.vector_store %arg10[%swap3A_970], %shift_left3A_967 {strides = array<i32>} : memref<656xi32, #tpu.memory_space<vmem>>, vector<16xi32>,
      %mul3A_972 = arith.constant 5 : i32
      %mul3A_973 = arith.muli %scan3A_13, %mul3A_972 : i32
      %add3A_974 = arith.constant 4 : i32
      %add3A_975 = arith.addi %mul3A_973, %add3A_974 : i32
      %get3A_976 = arith.index_cast %add3A_975 : i32 to index
      %get3A_977 = arith.constant 0 : index
      %get3A_978 = tpu.vector_load %arg8[%get3A_976, %get3A_977] {strides = array<i32>} : memref<80x128xi32, #tpu.memory_space<vmem>>, vector<16xi32>,
      %shift_right_arithmetic3A_979 = arith.constant 13 : i32
      %shift_right_arithmetic3A_980 = vector.broadcast %shift_right_arithmetic3A_979 : i32 to vector<16xi32>
      %shift_right_arithmetic3A_981 = arith.shrsi %get3A_978, %shift_right_arithmetic3A_980 : vector<16xi32>
      %shift_left3A_982 = arith.constant 11 : i32
      %shift_left3A_983 = vector.broadcast %shift_left3A_982 : i32 to vector<16xi32>
      %shift_left3A_984 = arith.shli %shift_right_arithmetic3A_981, %shift_left3A_983 : vector<16xi32>
      %and3A_985 = arith.constant 2047 : i32
      %and3A_986 = vector.broadcast %and3A_985 : i32 to vector<16xi32>
      %and3A_987 = arith.andi %get3A_978, %and3A_986 : vector<16xi32>
      %add3A_988 = arith.addi %shift_left3A_984, %and3A_987 : vector<16xi32>
      %shift_right_arithmetic3A_989 = arith.constant 11 : i32
      %shift_right_arithmetic3A_990 = vector.broadcast %shift_right_arithmetic3A_989 : i32 to vector<16xi32>
      %shift_right_arithmetic3A_991 = arith.shrsi %get3A_978, %shift_right_arithmetic3A_990 : vector<16xi32>
      %and3A_992 = arith.constant 3 : i32
      %and3A_993 = vector.broadcast %and3A_992 : i32 to vector<16xi32>
      %and3A_994 = arith.andi %shift_right_arithmetic3A_991, %and3A_993 : vector<16xi32>
      %shift_left3A_995 = arith.constant 5 : i32
      %shift_left3A_996 = vector.broadcast %shift_left3A_995 : i32 to vector<16xi32>
      %shift_left3A_997 = arith.shli %and3A_994, %shift_left3A_996 : vector<16xi32>
      %swap3A_998 = arith.constant 512 : index
      %swap3A_999 = tpu.vector_load %arg9[%swap3A_998] {strides = array<i32>} : memref<640xi32, #tpu.memory_space<vmem>>, vector<16xi32>,
      tpu.vector_store %arg9[%swap3A_998], %add3A_988 {strides = array<i32>} : memref<640xi32, #tpu.memory_space<vmem>>, vector<16xi32>,
      %swap3A_1000 = arith.constant 512 : index
      %swap3A_1001 = tpu.vector_load %arg10[%swap3A_1000] {strides = array<i32>} : memref<656xi32, #tpu.memory_space<vmem>>, vector<16xi32>,
      tpu.vector_store %arg10[%swap3A_1000], %shift_left3A_997 {strides = array<i32>} : memref<656xi32, #tpu.memory_space<vmem>>, vector<16xi32>,
      %mul3A_1002 = arith.constant 5 : i32
      %mul3A_1003 = arith.muli %scan3A_13, %mul3A_1002 : i32
      %add3A_1004 = arith.constant 4 : i32
      %add3A_1005 = arith.addi %mul3A_1003, %add3A_1004 : i32
      %get3A_1006 = arith.index_cast %add3A_1005 : i32 to index
      %get3A_1007 = arith.constant 16 : index
      %get3A_1008 = tpu.vector_load %arg8[%get3A_1006, %get3A_1007] {strides = array<i32>} : memref<80x128xi32, #tpu.memory_space<vmem>>, vector<16xi32>,
      %shift_right_arithmetic3A_1009 = arith.constant 13 : i32
      %shift_right_arithmetic3A_1010 = vector.broadcast %shift_right_arithmetic3A_1009 : i32 to vector<16xi32>
      %shift_right_arithmetic3A_1011 = arith.shrsi %get3A_1008, %shift_right_arithmetic3A_1010 : vector<16xi32>
      %shift_left3A_1012 = arith.constant 11 : i32
      %shift_left3A_1013 = vector.broadcast %shift_left3A_1012 : i32 to vector<16xi32>
      %shift_left3A_1014 = arith.shli %shift_right_arithmetic3A_1011, %shift_left3A_1013 : vector<16xi32>
      %and3A_1015 = arith.constant 2047 : i32
      %and3A_1016 = vector.broadcast %and3A_1015 : i32 to vector<16xi32>
      %and3A_1017 = arith.andi %get3A_1008, %and3A_1016 : vector<16xi32>
      %add3A_1018 = arith.addi %shift_left3A_1014, %and3A_1017 : vector<16xi32>
      %shift_right_arithmetic3A_1019 = arith.constant 11 : i32
      %shift_right_arithmetic3A_1020 = vector.broadcast %shift_right_arithmetic3A_1019 : i32 to vector<16xi32>
      %shift_right_arithmetic3A_1021 = arith.shrsi %get3A_1008, %shift_right_arithmetic3A_1020 : vector<16xi32>
      %and3A_1022 = arith.constant 3 : i32
      %and3A_1023 = vector.broadcast %and3A_1022 : i32 to vector<16xi32>
      %and3A_1024 = arith.andi %shift_right_arithmetic3A_1021, %and3A_1023 : vector<16xi32>
      %shift_left3A_1025 = arith.constant 5 : i32
      %shift_left3A_1026 = vector.broadcast %shift_left3A_1025 : i32 to vector<16xi32>
      %shift_left3A_1027 = arith.shli %and3A_1024, %shift_left3A_1026 : vector<16xi32>
      %swap3A_1028 = arith.constant 528 : index
      %swap3A_1029 = tpu.vector_load %arg9[%swap3A_1028] {strides = array<i32>} : memref<640xi32, #tpu.memory_space<vmem>>, vector<16xi32>,
      tpu.vector_store %arg9[%swap3A_1028], %add3A_1018 {strides = array<i32>} : memref<640xi32, #tpu.memory_space<vmem>>, vector<16xi32>,
      %swap3A_1030 = arith.constant 528 : index
      %swap3A_1031 = tpu.vector_load %arg10[%swap3A_1030] {strides = array<i32>} : memref<656xi32, #tpu.memory_space<vmem>>, vector<16xi32>,
      tpu.vector_store %arg10[%swap3A_1030], %shift_left3A_1027 {strides = array<i32>} : memref<656xi32, #tpu.memory_space<vmem>>, vector<16xi32>,
      %mul3A_1032 = arith.constant 5 : i32
      %mul3A_1033 = arith.muli %scan3A_13, %mul3A_1032 : i32
      %add3A_1034 = arith.constant 4 : i32
      %add3A_1035 = arith.addi %mul3A_1033, %add3A_1034 : i32
      %get3A_1036 = arith.index_cast %add3A_1035 : i32 to index
      %get3A_1037 = arith.constant 32 : index
      %get3A_1038 = tpu.vector_load %arg8[%get3A_1036, %get3A_1037] {strides = array<i32>} : memref<80x128xi32, #tpu.memory_space<vmem>>, vector<16xi32>,
      %shift_right_arithmetic3A_1039 = arith.constant 13 : i32
      %shift_right_arithmetic3A_1040 = vector.broadcast %shift_right_arithmetic3A_1039 : i32 to vector<16xi32>
      %shift_right_arithmetic3A_1041 = arith.shrsi %get3A_1038, %shift_right_arithmetic3A_1040 : vector<16xi32>
      %shift_left3A_1042 = arith.constant 11 : i32
      %shift_left3A_1043 = vector.broadcast %shift_left3A_1042 : i32 to vector<16xi32>
      %shift_left3A_1044 = arith.shli %shift_right_arithmetic3A_1041, %shift_left3A_1043 : vector<16xi32>
      %and3A_1045 = arith.constant 2047 : i32
      %and3A_1046 = vector.broadcast %and3A_1045 : i32 to vector<16xi32>
      %and3A_1047 = arith.andi %get3A_1038, %and3A_1046 : vector<16xi32>
      %add3A_1048 = arith.addi %shift_left3A_1044, %and3A_1047 : vector<16xi32>
      %shift_right_arithmetic3A_1049 = arith.constant 11 : i32
      %shift_right_arithmetic3A_1050 = vector.broadcast %shift_right_arithmetic3A_1049 : i32 to vector<16xi32>
      %shift_right_arithmetic3A_1051 = arith.shrsi %get3A_1038, %shift_right_arithmetic3A_1050 : vector<16xi32>
      %and3A_1052 = arith.constant 3 : i32
      %and3A_1053 = vector.broadcast %and3A_1052 : i32 to vector<16xi32>
      %and3A_1054 = arith.andi %shift_right_arithmetic3A_1051, %and3A_1053 : vector<16xi32>
      %shift_left3A_1055 = arith.constant 5 : i32
      %shift_left3A_1056 = vector.broadcast %shift_left3A_1055 : i32 to vector<16xi32>
      %shift_left3A_1057 = arith.shli %and3A_1054, %shift_left3A_1056 : vector<16xi32>
      %swap3A_1058 = arith.constant 544 : index
      %swap3A_1059 = tpu.vector_load %arg9[%swap3A_1058] {strides = array<i32>} : memref<640xi32, #tpu.memory_space<vmem>>, vector<16xi32>,
      tpu.vector_store %arg9[%swap3A_1058], %add3A_1048 {strides = array<i32>} : memref<640xi32, #tpu.memory_space<vmem>>, vector<16xi32>,
      %swap3A_1060 = arith.constant 544 : index
      %swap3A_1061 = tpu.vector_load %arg10[%swap3A_1060] {strides = array<i32>} : memref<656xi32, #tpu.memory_space<vmem>>, vector<16xi32>,
      tpu.vector_store %arg10[%swap3A_1060], %shift_left3A_1057 {strides = array<i32>} : memref<656xi32, #tpu.memory_space<vmem>>, vector<16xi32>,
      %mul3A_1062 = arith.constant 5 : i32
      %mul3A_1063 = arith.muli %scan3A_13, %mul3A_1062 : i32
      %add3A_1064 = arith.constant 4 : i32
      %add3A_1065 = arith.addi %mul3A_1063, %add3A_1064 : i32
      %get3A_1066 = arith.index_cast %add3A_1065 : i32 to index
      %get3A_1067 = arith.constant 48 : index
      %get3A_1068 = tpu.vector_load %arg8[%get3A_1066, %get3A_1067] {strides = array<i32>} : memref<80x128xi32, #tpu.memory_space<vmem>>, vector<16xi32>,
      %shift_right_arithmetic3A_1069 = arith.constant 13 : i32
      %shift_right_arithmetic3A_1070 = vector.broadcast %shift_right_arithmetic3A_1069 : i32 to vector<16xi32>
      %shift_right_arithmetic3A_1071 = arith.shrsi %get3A_1068, %shift_right_arithmetic3A_1070 : vector<16xi32>
      %shift_left3A_1072 = arith.constant 11 : i32
      %shift_left3A_1073 = vector.broadcast %shift_left3A_1072 : i32 to vector<16xi32>
      %shift_left3A_1074 = arith.shli %shift_right_arithmetic3A_1071, %shift_left3A_1073 : vector<16xi32>
      %and3A_1075 = arith.constant 2047 : i32
      %and3A_1076 = vector.broadcast %and3A_1075 : i32 to vector<16xi32>
      %and3A_1077 = arith.andi %get3A_1068, %and3A_1076 : vector<16xi32>
      %add3A_1078 = arith.addi %shift_left3A_1074, %and3A_1077 : vector<16xi32>
      %shift_right_arithmetic3A_1079 = arith.constant 11 : i32
      %shift_right_arithmetic3A_1080 = vector.broadcast %shift_right_arithmetic3A_1079 : i32 to vector<16xi32>
      %shift_right_arithmetic3A_1081 = arith.shrsi %get3A_1068, %shift_right_arithmetic3A_1080 : vector<16xi32>
      %and3A_1082 = arith.constant 3 : i32
      %and3A_1083 = vector.broadcast %and3A_1082 : i32 to vector<16xi32>
      %and3A_1084 = arith.andi %shift_right_arithmetic3A_1081, %and3A_1083 : vector<16xi32>
      %shift_left3A_1085 = arith.constant 5 : i32
      %shift_left3A_1086 = vector.broadcast %shift_left3A_1085 : i32 to vector<16xi32>
      %shift_left3A_1087 = arith.shli %and3A_1084, %shift_left3A_1086 : vector<16xi32>
      %swap3A_1088 = arith.constant 560 : index
      %swap3A_1089 = tpu.vector_load %arg9[%swap3A_1088] {strides = array<i32>} : memref<640xi32, #tpu.memory_space<vmem>>, vector<16xi32>,
      tpu.vector_store %arg9[%swap3A_1088], %add3A_1078 {strides = array<i32>} : memref<640xi32, #tpu.memory_space<vmem>>, vector<16xi32>,
      %swap3A_1090 = arith.constant 560 : index
      %swap3A_1091 = tpu.vector_load %arg10[%swap3A_1090] {strides = array<i32>} : memref<656xi32, #tpu.memory_space<vmem>>, vector<16xi32>,
      tpu.vector_store %arg10[%swap3A_1090], %shift_left3A_1087 {strides = array<i32>} : memref<656xi32, #tpu.memory_space<vmem>>, vector<16xi32>,
      %mul3A_1092 = arith.constant 5 : i32
      %mul3A_1093 = arith.muli %scan3A_13, %mul3A_1092 : i32
      %add3A_1094 = arith.constant 4 : i32
      %add3A_1095 = arith.addi %mul3A_1093, %add3A_1094 : i32
      %get3A_1096 = arith.index_cast %add3A_1095 : i32 to index
      %get3A_1097 = arith.constant 64 : index
      %get3A_1098 = tpu.vector_load %arg8[%get3A_1096, %get3A_1097] {strides = array<i32>} : memref<80x128xi32, #tpu.memory_space<vmem>>, vector<16xi32>,
      %shift_right_arithmetic3A_1099 = arith.constant 13 : i32
      %shift_right_arithmetic3A_1100 = vector.broadcast %shift_right_arithmetic3A_1099 : i32 to vector<16xi32>
      %shift_right_arithmetic3A_1101 = arith.shrsi %get3A_1098, %shift_right_arithmetic3A_1100 : vector<16xi32>
      %shift_left3A_1102 = arith.constant 11 : i32
      %shift_left3A_1103 = vector.broadcast %shift_left3A_1102 : i32 to vector<16xi32>
      %shift_left3A_1104 = arith.shli %shift_right_arithmetic3A_1101, %shift_left3A_1103 : vector<16xi32>
      %and3A_1105 = arith.constant 2047 : i32
      %and3A_1106 = vector.broadcast %and3A_1105 : i32 to vector<16xi32>
      %and3A_1107 = arith.andi %get3A_1098, %and3A_1106 : vector<16xi32>
      %add3A_1108 = arith.addi %shift_left3A_1104, %and3A_1107 : vector<16xi32>
      %shift_right_arithmetic3A_1109 = arith.constant 11 : i32
      %shift_right_arithmetic3A_1110 = vector.broadcast %shift_right_arithmetic3A_1109 : i32 to vector<16xi32>
      %shift_right_arithmetic3A_1111 = arith.shrsi %get3A_1098, %shift_right_arithmetic3A_1110 : vector<16xi32>
      %and3A_1112 = arith.constant 3 : i32
      %and3A_1113 = vector.broadcast %and3A_1112 : i32 to vector<16xi32>
      %and3A_1114 = arith.andi %shift_right_arithmetic3A_1111, %and3A_1113 : vector<16xi32>
      %shift_left3A_1115 = arith.constant 5 : i32
      %shift_left3A_1116 = vector.broadcast %shift_left3A_1115 : i32 to vector<16xi32>
      %shift_left3A_1117 = arith.shli %and3A_1114, %shift_left3A_1116 : vector<16xi32>
      %swap3A_1118 = arith.constant 576 : index
      %swap3A_1119 = tpu.vector_load %arg9[%swap3A_1118] {strides = array<i32>} : memref<640xi32, #tpu.memory_space<vmem>>, vector<16xi32>,
      tpu.vector_store %arg9[%swap3A_1118], %add3A_1108 {strides = array<i32>} : memref<640xi32, #tpu.memory_space<vmem>>, vector<16xi32>,
      %swap3A_1120 = arith.constant 576 : index
      %swap3A_1121 = tpu.vector_load %arg10[%swap3A_1120] {strides = array<i32>} : memref<656xi32, #tpu.memory_space<vmem>>, vector<16xi32>,
      tpu.vector_store %arg10[%swap3A_1120], %shift_left3A_1117 {strides = array<i32>} : memref<656xi32, #tpu.memory_space<vmem>>, vector<16xi32>,
      %mul3A_1122 = arith.constant 5 : i32
      %mul3A_1123 = arith.muli %scan3A_13, %mul3A_1122 : i32
      %add3A_1124 = arith.constant 4 : i32
      %add3A_1125 = arith.addi %mul3A_1123, %add3A_1124 : i32
      %get3A_1126 = arith.index_cast %add3A_1125 : i32 to index
      %get3A_1127 = arith.constant 80 : index
      %get3A_1128 = tpu.vector_load %arg8[%get3A_1126, %get3A_1127] {strides = array<i32>} : memref<80x128xi32, #tpu.memory_space<vmem>>, vector<16xi32>,
      %shift_right_arithmetic3A_1129 = arith.constant 13 : i32
      %shift_right_arithmetic3A_1130 = vector.broadcast %shift_right_arithmetic3A_1129 : i32 to vector<16xi32>
      %shift_right_arithmetic3A_1131 = arith.shrsi %get3A_1128, %shift_right_arithmetic3A_1130 : vector<16xi32>
      %shift_left3A_1132 = arith.constant 11 : i32
      %shift_left3A_1133 = vector.broadcast %shift_left3A_1132 : i32 to vector<16xi32>
      %shift_left3A_1134 = arith.shli %shift_right_arithmetic3A_1131, %shift_left3A_1133 : vector<16xi32>
      %and3A_1135 = arith.constant 2047 : i32
      %and3A_1136 = vector.broadcast %and3A_1135 : i32 to vector<16xi32>
      %and3A_1137 = arith.andi %get3A_1128, %and3A_1136 : vector<16xi32>
      %add3A_1138 = arith.addi %shift_left3A_1134, %and3A_1137 : vector<16xi32>
      %shift_right_arithmetic3A_1139 = arith.constant 11 : i32
      %shift_right_arithmetic3A_1140 = vector.broadcast %shift_right_arithmetic3A_1139 : i32 to vector<16xi32>
      %shift_right_arithmetic3A_1141 = arith.shrsi %get3A_1128, %shift_right_arithmetic3A_1140 : vector<16xi32>
      %and3A_1142 = arith.constant 3 : i32
      %and3A_1143 = vector.broadcast %and3A_1142 : i32 to vector<16xi32>
      %and3A_1144 = arith.andi %shift_right_arithmetic3A_1141, %and3A_1143 : vector<16xi32>
      %shift_left3A_1145 = arith.constant 5 : i32
      %shift_left3A_1146 = vector.broadcast %shift_left3A_1145 : i32 to vector<16xi32>
      %shift_left3A_1147 = arith.shli %and3A_1144, %shift_left3A_1146 : vector<16xi32>
      %swap3A_1148 = arith.constant 592 : index
      %swap3A_1149 = tpu.vector_load %arg9[%swap3A_1148] {strides = array<i32>} : memref<640xi32, #tpu.memory_space<vmem>>, vector<16xi32>,
      tpu.vector_store %arg9[%swap3A_1148], %add3A_1138 {strides = array<i32>} : memref<640xi32, #tpu.memory_space<vmem>>, vector<16xi32>,
      %swap3A_1150 = arith.constant 592 : index
      %swap3A_1151 = tpu.vector_load %arg10[%swap3A_1150] {strides = array<i32>} : memref<656xi32, #tpu.memory_space<vmem>>, vector<16xi32>,
      tpu.vector_store %arg10[%swap3A_1150], %shift_left3A_1147 {strides = array<i32>} : memref<656xi32, #tpu.memory_space<vmem>>, vector<16xi32>,
      %mul3A_1152 = arith.constant 5 : i32
      %mul3A_1153 = arith.muli %scan3A_13, %mul3A_1152 : i32
      %add3A_1154 = arith.constant 4 : i32
      %add3A_1155 = arith.addi %mul3A_1153, %add3A_1154 : i32
      %get3A_1156 = arith.index_cast %add3A_1155 : i32 to index
      %get3A_1157 = arith.constant 96 : index
      %get3A_1158 = tpu.vector_load %arg8[%get3A_1156, %get3A_1157] {strides = array<i32>} : memref<80x128xi32, #tpu.memory_space<vmem>>, vector<16xi32>,
      %shift_right_arithmetic3A_1159 = arith.constant 13 : i32
      %shift_right_arithmetic3A_1160 = vector.broadcast %shift_right_arithmetic3A_1159 : i32 to vector<16xi32>
      %shift_right_arithmetic3A_1161 = arith.shrsi %get3A_1158, %shift_right_arithmetic3A_1160 : vector<16xi32>
      %shift_left3A_1162 = arith.constant 11 : i32
      %shift_left3A_1163 = vector.broadcast %shift_left3A_1162 : i32 to vector<16xi32>
      %shift_left3A_1164 = arith.shli %shift_right_arithmetic3A_1161, %shift_left3A_1163 : vector<16xi32>
      %and3A_1165 = arith.constant 2047 : i32
      %and3A_1166 = vector.broadcast %and3A_1165 : i32 to vector<16xi32>
      %and3A_1167 = arith.andi %get3A_1158, %and3A_1166 : vector<16xi32>
      %add3A_1168 = arith.addi %shift_left3A_1164, %and3A_1167 : vector<16xi32>
      %shift_right_arithmetic3A_1169 = arith.constant 11 : i32
      %shift_right_arithmetic3A_1170 = vector.broadcast %shift_right_arithmetic3A_1169 : i32 to vector<16xi32>
      %shift_right_arithmetic3A_1171 = arith.shrsi %get3A_1158, %shift_right_arithmetic3A_1170 : vector<16xi32>
      %and3A_1172 = arith.constant 3 : i32
      %and3A_1173 = vector.broadcast %and3A_1172 : i32 to vector<16xi32>
      %and3A_1174 = arith.andi %shift_right_arithmetic3A_1171, %and3A_1173 : vector<16xi32>
      %shift_left3A_1175 = arith.constant 5 : i32
      %shift_left3A_1176 = vector.broadcast %shift_left3A_1175 : i32 to vector<16xi32>
      %shift_left3A_1177 = arith.shli %and3A_1174, %shift_left3A_1176 : vector<16xi32>
      %swap3A_1178 = arith.constant 608 : index
      %swap3A_1179 = tpu.vector_load %arg9[%swap3A_1178] {strides = array<i32>} : memref<640xi32, #tpu.memory_space<vmem>>, vector<16xi32>,
      tpu.vector_store %arg9[%swap3A_1178], %add3A_1168 {strides = array<i32>} : memref<640xi32, #tpu.memory_space<vmem>>, vector<16xi32>,
      %swap3A_1180 = arith.constant 608 : index
      %swap3A_1181 = tpu.vector_load %arg10[%swap3A_1180] {strides = array<i32>} : memref<656xi32, #tpu.memory_space<vmem>>, vector<16xi32>,
      tpu.vector_store %arg10[%swap3A_1180], %shift_left3A_1177 {strides = array<i32>} : memref<656xi32, #tpu.memory_space<vmem>>, vector<16xi32>,
      %mul3A_1182 = arith.constant 5 : i32
      %mul3A_1183 = arith.muli %scan3A_13, %mul3A_1182 : i32
      %add3A_1184 = arith.constant 4 : i32
      %add3A_1185 = arith.addi %mul3A_1183, %add3A_1184 : i32
      %get3A_1186 = arith.index_cast %add3A_1185 : i32 to index
      %get3A_1187 = arith.constant 112 : index
      %get3A_1188 = tpu.vector_load %arg8[%get3A_1186, %get3A_1187] {strides = array<i32>} : memref<80x128xi32, #tpu.memory_space<vmem>>, vector<16xi32>,
      %shift_right_arithmetic3A_1189 = arith.constant 13 : i32
      %shift_right_arithmetic3A_1190 = vector.broadcast %shift_right_arithmetic3A_1189 : i32 to vector<16xi32>
      %shift_right_arithmetic3A_1191 = arith.shrsi %get3A_1188, %shift_right_arithmetic3A_1190 : vector<16xi32>
      %shift_left3A_1192 = arith.constant 11 : i32
      %shift_left3A_1193 = vector.broadcast %shift_left3A_1192 : i32 to vector<16xi32>
      %shift_left3A_1194 = arith.shli %shift_right_arithmetic3A_1191, %shift_left3A_1193 : vector<16xi32>
      %and3A_1195 = arith.constant 2047 : i32
      %and3A_1196 = vector.broadcast %and3A_1195 : i32 to vector<16xi32>
      %and3A_1197 = arith.andi %get3A_1188, %and3A_1196 : vector<16xi32>
      %add3A_1198 = arith.addi %shift_left3A_1194, %and3A_1197 : vector<16xi32>
      %shift_right_arithmetic3A_1199 = arith.constant 11 : i32
      %shift_right_arithmetic3A_1200 = vector.broadcast %shift_right_arithmetic3A_1199 : i32 to vector<16xi32>
      %shift_right_arithmetic3A_1201 = arith.shrsi %get3A_1188, %shift_right_arithmetic3A_1200 : vector<16xi32>
      %and3A_1202 = arith.constant 3 : i32
      %and3A_1203 = vector.broadcast %and3A_1202 : i32 to vector<16xi32>
      %and3A_1204 = arith.andi %shift_right_arithmetic3A_1201, %and3A_1203 : vector<16xi32>
      %shift_left3A_1205 = arith.constant 5 : i32
      %shift_left3A_1206 = vector.broadcast %shift_left3A_1205 : i32 to vector<16xi32>
      %shift_left3A_1207 = arith.shli %and3A_1204, %shift_left3A_1206 : vector<16xi32>
      %swap3A_1208 = arith.constant 624 : index
      %swap3A_1209 = tpu.vector_load %arg9[%swap3A_1208] {strides = array<i32>} : memref<640xi32, #tpu.memory_space<vmem>>, vector<16xi32>,
      tpu.vector_store %arg9[%swap3A_1208], %add3A_1198 {strides = array<i32>} : memref<640xi32, #tpu.memory_space<vmem>>, vector<16xi32>,
      %swap3A_1210 = arith.constant 624 : index
      %swap3A_1211 = tpu.vector_load %arg10[%swap3A_1210] {strides = array<i32>} : memref<656xi32, #tpu.memory_space<vmem>>, vector<16xi32>,
      tpu.vector_store %arg10[%swap3A_1210], %shift_left3A_1207 {strides = array<i32>} : memref<656xi32, #tpu.memory_space<vmem>>, vector<16xi32>,
      %add3A_1212 = arith.constant 0 : i32
      %add3A_1213 = arith.addi %multiple_of3A_16, %add3A_1212 : i32
      %get3A_1214 = arith.index_cast %add3A_1213 : i32 to index
      %get3A_1215 = tpu.vector_load %arg7[%get3A_1214] {strides = array<i32>} : memref<512xi32, #tpu.memory_space<vmem>>, vector<16xi32>,
      %shift_right_arithmetic3A_1216 = arith.constant 13 : i32
      %shift_right_arithmetic3A_1217 = vector.broadcast %shift_right_arithmetic3A_1216 : i32 to vector<16xi32>
      %shift_right_arithmetic3A_1218 = arith.shrsi %get3A_1215, %shift_right_arithmetic3A_1217 : vector<16xi32>
      %shift_left3A_1219 = arith.constant 11 : i32
      %shift_left3A_1220 = vector.broadcast %shift_left3A_1219 : i32 to vector<16xi32>
      %shift_left3A_1221 = arith.shli %shift_right_arithmetic3A_1218, %shift_left3A_1220 : vector<16xi32>
      %and3A_1222 = arith.constant 2047 : i32
      %and3A_1223 = vector.broadcast %and3A_1222 : i32 to vector<16xi32>
      %and3A_1224 = arith.andi %get3A_1215, %and3A_1223 : vector<16xi32>
      %add3A_1225 = arith.addi %shift_left3A_1221, %and3A_1224 : vector<16xi32>
      %shift_right_arithmetic3A_1226 = arith.constant 11 : i32
      %shift_right_arithmetic3A_1227 = vector.broadcast %shift_right_arithmetic3A_1226 : i32 to vector<16xi32>
      %shift_right_arithmetic3A_1228 = arith.shrsi %get3A_1215, %shift_right_arithmetic3A_1227 : vector<16xi32>
      %and3A_1229 = arith.constant 3 : i32
      %and3A_1230 = vector.broadcast %and3A_1229 : i32 to vector<16xi32>
      %and3A_1231 = arith.andi %shift_right_arithmetic3A_1228, %and3A_1230 : vector<16xi32>
      %shift_left3A_1232 = arith.constant 5 : i32
      %shift_left3A_1233 = vector.broadcast %shift_left3A_1232 : i32 to vector<16xi32>
      %shift_left3A_1234 = arith.shli %and3A_1231, %shift_left3A_1233 : vector<16xi32>
      %swap3A_1235 = arith.constant 0 : index
      %swap3A_1236 = tpu.vector_load %arg11[%swap3A_1235] {strides = array<i32>} : memref<32xi32, #tpu.memory_space<vmem>>, vector<16xi32>,
      tpu.vector_store %arg11[%swap3A_1235], %add3A_1225 {strides = array<i32>} : memref<32xi32, #tpu.memory_space<vmem>>, vector<16xi32>,
      %swap3A_1237 = arith.constant 0 : index
      %swap3A_1238 = tpu.vector_load %arg12[%swap3A_1237] {strides = array<i32>} : memref<48xi32, #tpu.memory_space<vmem>>, vector<16xi32>,
      tpu.vector_store %arg12[%swap3A_1237], %shift_left3A_1234 {strides = array<i32>} : memref<48xi32, #tpu.memory_space<vmem>>, vector<16xi32>,
      %add3A_1239 = arith.constant 16 : i32
      %add3A_1240 = arith.addi %multiple_of3A_16, %add3A_1239 : i32
      %get3A_1241 = arith.index_cast %add3A_1240 : i32 to index
      %get3A_1242 = tpu.vector_load %arg7[%get3A_1241] {strides = array<i32>} : memref<512xi32, #tpu.memory_space<vmem>>, vector<16xi32>,
      %shift_right_arithmetic3A_1243 = arith.constant 13 : i32
      %shift_right_arithmetic3A_1244 = vector.broadcast %shift_right_arithmetic3A_1243 : i32 to vector<16xi32>
      %shift_right_arithmetic3A_1245 = arith.shrsi %get3A_1242, %shift_right_arithmetic3A_1244 : vector<16xi32>
      %shift_left3A_1246 = arith.constant 11 : i32
      %shift_left3A_1247 = vector.broadcast %shift_left3A_1246 : i32 to vector<16xi32>
      %shift_left3A_1248 = arith.shli %shift_right_arithmetic3A_1245, %shift_left3A_1247 : vector<16xi32>
      %and3A_1249 = arith.constant 2047 : i32
      %and3A_1250 = vector.broadcast %and3A_1249 : i32 to vector<16xi32>
      %and3A_1251 = arith.andi %get3A_1242, %and3A_1250 : vector<16xi32>
      %add3A_1252 = arith.addi %shift_left3A_1248, %and3A_1251 : vector<16xi32>
      %shift_right_arithmetic3A_1253 = arith.constant 11 : i32
      %shift_right_arithmetic3A_1254 = vector.broadcast %shift_right_arithmetic3A_1253 : i32 to vector<16xi32>
      %shift_right_arithmetic3A_1255 = arith.shrsi %get3A_1242, %shift_right_arithmetic3A_1254 : vector<16xi32>
      %and3A_1256 = arith.constant 3 : i32
      %and3A_1257 = vector.broadcast %and3A_1256 : i32 to vector<16xi32>
      %and3A_1258 = arith.andi %shift_right_arithmetic3A_1255, %and3A_1257 : vector<16xi32>
      %shift_left3A_1259 = arith.constant 5 : i32
      %shift_left3A_1260 = vector.broadcast %shift_left3A_1259 : i32 to vector<16xi32>
      %shift_left3A_1261 = arith.shli %and3A_1258, %shift_left3A_1260 : vector<16xi32>
      %swap3A_1262 = arith.constant 16 : index
      %swap3A_1263 = tpu.vector_load %arg11[%swap3A_1262] {strides = array<i32>} : memref<32xi32, #tpu.memory_space<vmem>>, vector<16xi32>,
      tpu.vector_store %arg11[%swap3A_1262], %add3A_1252 {strides = array<i32>} : memref<32xi32, #tpu.memory_space<vmem>>, vector<16xi32>,
      %swap3A_1264 = arith.constant 16 : index
      %swap3A_1265 = tpu.vector_load %arg12[%swap3A_1264] {strides = array<i32>} : memref<48xi32, #tpu.memory_space<vmem>>, vector<16xi32>,
      tpu.vector_store %arg12[%swap3A_1264], %shift_left3A_1261 {strides = array<i32>} : memref<48xi32, #tpu.memory_space<vmem>>, vector<16xi32>,
      %dma_start3A = arith.constant 0 : i32
      %dma_start3A_1266 = arith.constant 0 : i32
      %dma_start3A_1267 = tpu.memref_slice %arg4[%dma_start3A, %dma_start3A_1266] : memref<251904x128xf32, #tpu.memory_space<hbm>> -> memref<251904x128xf32, #tpu.memory_space<hbm>>
      tpu.enqueue_indirect_dma source(%dma_start3A_1267 : memref<251904x128xf32, #tpu.memory_space<hbm>>) target(%arg13 : memref<32x128xf32, #tpu.memory_space<vmem>>) offsets(%arg11 : memref<32xi32, #tpu.memory_space<vmem>>) semaphore(%arg17 : memref<!tpu.dma_semaphore, #tpu.memory_space<semaphore_mem>>)
      %dma_start3A_1268 = arith.constant 0 : i32
      %dma_start3A_1269 = arith.constant 0 : i32
      %dma_start3A_1270 = tpu.memref_slice %arg14[%dma_start3A_1268, %dma_start3A_1269] : memref<640x128xf32, #tpu.memory_space<vmem>> -> memref<128x128xf32, #tpu.memory_space<vmem>>
      %dma_start3A_1271 = arith.constant 0 : i32
      %dma_start3A_1272 = tpu.memref_slice %arg9[%dma_start3A_1271] : memref<640xi32, #tpu.memory_space<vmem>> -> memref<128xi32, #tpu.memory_space<vmem>>
      %dma_start3A_1273 = arith.constant 0 : i32
      %dma_start3A_1274 = arith.constant 0 : i32
      %dma_start3A_1275 = tpu.memref_slice %arg5[%dma_start3A_1273, %dma_start3A_1274] : memref<251904x128xf32, #tpu.memory_space<hbm>> -> memref<251904x128xf32, #tpu.memory_space<hbm>>
      tpu.enqueue_indirect_dma source(%dma_start3A_1275 : memref<251904x128xf32, #tpu.memory_space<hbm>>) target(%dma_start3A_1270 : memref<128x128xf32, #tpu.memory_space<vmem>>) offsets(%dma_start3A_1272 : memref<128xi32, #tpu.memory_space<vmem>>) semaphore(%arg17 : memref<!tpu.dma_semaphore, #tpu.memory_space<semaphore_mem>>)
      %dma_start3A_1276 = arith.constant 128 : i32
      %dma_start3A_1277 = arith.constant 0 : i32
      %dma_start3A_1278 = tpu.memref_slice %arg14[%dma_start3A_1276, %dma_start3A_1277] : memref<640x128xf32, #tpu.memory_space<vmem>> -> memref<128x128xf32, #tpu.memory_space<vmem>>
      %dma_start3A_1279 = arith.constant 128 : i32
      %dma_start3A_1280 = tpu.memref_slice %arg9[%dma_start3A_1279] : memref<640xi32, #tpu.memory_space<vmem>> -> memref<128xi32, #tpu.memory_space<vmem>>
      %dma_start3A_1281 = arith.constant 0 : i32
      %dma_start3A_1282 = arith.constant 0 : i32
      %dma_start3A_1283 = tpu.memref_slice %arg5[%dma_start3A_1281, %dma_start3A_1282] : memref<251904x128xf32, #tpu.memory_space<hbm>> -> memref<251904x128xf32, #tpu.memory_space<hbm>>
      tpu.enqueue_indirect_dma source(%dma_start3A_1283 : memref<251904x128xf32, #tpu.memory_space<hbm>>) target(%dma_start3A_1278 : memref<128x128xf32, #tpu.memory_space<vmem>>) offsets(%dma_start3A_1280 : memref<128xi32, #tpu.memory_space<vmem>>) semaphore(%arg17 : memref<!tpu.dma_semaphore, #tpu.memory_space<semaphore_mem>>)
      %dma_start3A_1284 = arith.constant 256 : i32
      %dma_start3A_1285 = arith.constant 0 : i32
      %dma_start3A_1286 = tpu.memref_slice %arg14[%dma_start3A_1284, %dma_start3A_1285] : memref<640x128xf32, #tpu.memory_space<vmem>> -> memref<128x128xf32, #tpu.memory_space<vmem>>
      %dma_start3A_1287 = arith.constant 256 : i32
      %dma_start3A_1288 = tpu.memref_slice %arg9[%dma_start3A_1287] : memref<640xi32, #tpu.memory_space<vmem>> -> memref<128xi32, #tpu.memory_space<vmem>>
      %dma_start3A_1289 = arith.constant 0 : i32
      %dma_start3A_1290 = arith.constant 0 : i32
      %dma_start3A_1291 = tpu.memref_slice %arg5[%dma_start3A_1289, %dma_start3A_1290] : memref<251904x128xf32, #tpu.memory_space<hbm>> -> memref<251904x128xf32, #tpu.memory_space<hbm>>
      tpu.enqueue_indirect_dma source(%dma_start3A_1291 : memref<251904x128xf32, #tpu.memory_space<hbm>>) target(%dma_start3A_1286 : memref<128x128xf32, #tpu.memory_space<vmem>>) offsets(%dma_start3A_1288 : memref<128xi32, #tpu.memory_space<vmem>>) semaphore(%arg17 : memref<!tpu.dma_semaphore, #tpu.memory_space<semaphore_mem>>)
      %dma_start3A_1292 = arith.constant 384 : i32
      %dma_start3A_1293 = arith.constant 0 : i32
      %dma_start3A_1294 = tpu.memref_slice %arg14[%dma_start3A_1292, %dma_start3A_1293] : memref<640x128xf32, #tpu.memory_space<vmem>> -> memref<128x128xf32, #tpu.memory_space<vmem>>
      %dma_start3A_1295 = arith.constant 384 : i32
      %dma_start3A_1296 = tpu.memref_slice %arg9[%dma_start3A_1295] : memref<640xi32, #tpu.memory_space<vmem>> -> memref<128xi32, #tpu.memory_space<vmem>>
      %dma_start3A_1297 = arith.constant 0 : i32
      %dma_start3A_1298 = arith.constant 0 : i32
      %dma_start3A_1299 = tpu.memref_slice %arg5[%dma_start3A_1297, %dma_start3A_1298] : memref<251904x128xf32, #tpu.memory_space<hbm>> -> memref<251904x128xf32, #tpu.memory_space<hbm>>
      tpu.enqueue_indirect_dma source(%dma_start3A_1299 : memref<251904x128xf32, #tpu.memory_space<hbm>>) target(%dma_start3A_1294 : memref<128x128xf32, #tpu.memory_space<vmem>>) offsets(%dma_start3A_1296 : memref<128xi32, #tpu.memory_space<vmem>>) semaphore(%arg17 : memref<!tpu.dma_semaphore, #tpu.memory_space<semaphore_mem>>)
      %dma_start3A_1300 = arith.constant 512 : i32
      %dma_start3A_1301 = arith.constant 0 : i32
      %dma_start3A_1302 = tpu.memref_slice %arg14[%dma_start3A_1300, %dma_start3A_1301] : memref<640x128xf32, #tpu.memory_space<vmem>> -> memref<128x128xf32, #tpu.memory_space<vmem>>
      %dma_start3A_1303 = arith.constant 512 : i32
      %dma_start3A_1304 = tpu.memref_slice %arg9[%dma_start3A_1303] : memref<640xi32, #tpu.memory_space<vmem>> -> memref<128xi32, #tpu.memory_space<vmem>>
      %dma_start3A_1305 = arith.constant 0 : i32
      %dma_start3A_1306 = arith.constant 0 : i32
      %dma_start3A_1307 = tpu.memref_slice %arg5[%dma_start3A_1305, %dma_start3A_1306] : memref<251904x128xf32, #tpu.memory_space<hbm>> -> memref<251904x128xf32, #tpu.memory_space<hbm>>
      tpu.enqueue_indirect_dma source(%dma_start3A_1307 : memref<251904x128xf32, #tpu.memory_space<hbm>>) target(%dma_start3A_1302 : memref<128x128xf32, #tpu.memory_space<vmem>>) offsets(%dma_start3A_1304 : memref<128xi32, #tpu.memory_space<vmem>>) semaphore(%arg17 : memref<!tpu.dma_semaphore, #tpu.memory_space<semaphore_mem>>)
      %dma_wait3A = arith.constant 0 : i32
      %dma_wait3A_1308 = arith.constant 0 : i32
      %dma_wait3A_1309 = tpu.memref_slice %arg4[%dma_wait3A, %dma_wait3A_1308] : memref<251904x128xf32, #tpu.memory_space<hbm>> -> memref<251904x128xf32, #tpu.memory_space<hbm>>
      tpu.wait_indirect_dma semaphore(%arg17 : memref<!tpu.dma_semaphore, #tpu.memory_space<semaphore_mem>>) src(%dma_wait3A_1309 : memref<251904x128xf32, #tpu.memory_space<hbm>>) dst(%arg13 : memref<32x128xf32, #tpu.memory_space<vmem>>)
      %dma_wait3A_1310 = arith.constant 0 : i32
      %dma_wait3A_1311 = arith.constant 0 : i32
      %dma_wait3A_1312 = tpu.memref_slice %arg14[%dma_wait3A_1310, %dma_wait3A_1311] : memref<640x128xf32, #tpu.memory_space<vmem>> -> memref<128x128xf32, #tpu.memory_space<vmem>>
      %dma_wait3A_1313 = arith.constant 0 : i32
      %dma_wait3A_1314 = tpu.memref_slice %arg9[%dma_wait3A_1313] : memref<640xi32, #tpu.memory_space<vmem>> -> memref<128xi32, #tpu.memory_space<vmem>>
      %dma_wait3A_1315 = arith.constant 0 : i32
      %dma_wait3A_1316 = arith.constant 0 : i32
      %dma_wait3A_1317 = tpu.memref_slice %arg5[%dma_wait3A_1315, %dma_wait3A_1316] : memref<251904x128xf32, #tpu.memory_space<hbm>> -> memref<251904x128xf32, #tpu.memory_space<hbm>>
      tpu.wait_indirect_dma semaphore(%arg17 : memref<!tpu.dma_semaphore, #tpu.memory_space<semaphore_mem>>) src(%dma_wait3A_1317 : memref<251904x128xf32, #tpu.memory_space<hbm>>) dst(%dma_wait3A_1312 : memref<128x128xf32, #tpu.memory_space<vmem>>)
      %dma_wait3A_1318 = arith.constant 128 : i32
      %dma_wait3A_1319 = arith.constant 0 : i32
      %dma_wait3A_1320 = tpu.memref_slice %arg14[%dma_wait3A_1318, %dma_wait3A_1319] : memref<640x128xf32, #tpu.memory_space<vmem>> -> memref<128x128xf32, #tpu.memory_space<vmem>>
      %dma_wait3A_1321 = arith.constant 128 : i32
      %dma_wait3A_1322 = tpu.memref_slice %arg9[%dma_wait3A_1321] : memref<640xi32, #tpu.memory_space<vmem>> -> memref<128xi32, #tpu.memory_space<vmem>>
      %dma_wait3A_1323 = arith.constant 0 : i32
      %dma_wait3A_1324 = arith.constant 0 : i32
      %dma_wait3A_1325 = tpu.memref_slice %arg5[%dma_wait3A_1323, %dma_wait3A_1324] : memref<251904x128xf32, #tpu.memory_space<hbm>> -> memref<251904x128xf32, #tpu.memory_space<hbm>>
      tpu.wait_indirect_dma semaphore(%arg17 : memref<!tpu.dma_semaphore, #tpu.memory_space<semaphore_mem>>) src(%dma_wait3A_1325 : memref<251904x128xf32, #tpu.memory_space<hbm>>) dst(%dma_wait3A_1320 : memref<128x128xf32, #tpu.memory_space<vmem>>)
      %dma_wait3A_1326 = arith.constant 256 : i32
      %dma_wait3A_1327 = arith.constant 0 : i32
      %dma_wait3A_1328 = tpu.memref_slice %arg14[%dma_wait3A_1326, %dma_wait3A_1327] : memref<640x128xf32, #tpu.memory_space<vmem>> -> memref<128x128xf32, #tpu.memory_space<vmem>>
      %dma_wait3A_1329 = arith.constant 256 : i32
      %dma_wait3A_1330 = tpu.memref_slice %arg9[%dma_wait3A_1329] : memref<640xi32, #tpu.memory_space<vmem>> -> memref<128xi32, #tpu.memory_space<vmem>>
      %dma_wait3A_1331 = arith.constant 0 : i32
      %dma_wait3A_1332 = arith.constant 0 : i32
      %dma_wait3A_1333 = tpu.memref_slice %arg5[%dma_wait3A_1331, %dma_wait3A_1332] : memref<251904x128xf32, #tpu.memory_space<hbm>> -> memref<251904x128xf32, #tpu.memory_space<hbm>>
      tpu.wait_indirect_dma semaphore(%arg17 : memref<!tpu.dma_semaphore, #tpu.memory_space<semaphore_mem>>) src(%dma_wait3A_1333 : memref<251904x128xf32, #tpu.memory_space<hbm>>) dst(%dma_wait3A_1328 : memref<128x128xf32, #tpu.memory_space<vmem>>)
      %dma_wait3A_1334 = arith.constant 384 : i32
      %dma_wait3A_1335 = arith.constant 0 : i32
      %dma_wait3A_1336 = tpu.memref_slice %arg14[%dma_wait3A_1334, %dma_wait3A_1335] : memref<640x128xf32, #tpu.memory_space<vmem>> -> memref<128x128xf32, #tpu.memory_space<vmem>>
      %dma_wait3A_1337 = arith.constant 384 : i32
      %dma_wait3A_1338 = tpu.memref_slice %arg9[%dma_wait3A_1337] : memref<640xi32, #tpu.memory_space<vmem>> -> memref<128xi32, #tpu.memory_space<vmem>>
      %dma_wait3A_1339 = arith.constant 0 : i32
      %dma_wait3A_1340 = arith.constant 0 : i32
      %dma_wait3A_1341 = tpu.memref_slice %arg5[%dma_wait3A_1339, %dma_wait3A_1340] : memref<251904x128xf32, #tpu.memory_space<hbm>> -> memref<251904x128xf32, #tpu.memory_space<hbm>>
      tpu.wait_indirect_dma semaphore(%arg17 : memref<!tpu.dma_semaphore, #tpu.memory_space<semaphore_mem>>) src(%dma_wait3A_1341 : memref<251904x128xf32, #tpu.memory_space<hbm>>) dst(%dma_wait3A_1336 : memref<128x128xf32, #tpu.memory_space<vmem>>)
      %dma_wait3A_1342 = arith.constant 512 : i32
      %dma_wait3A_1343 = arith.constant 0 : i32
      %dma_wait3A_1344 = tpu.memref_slice %arg14[%dma_wait3A_1342, %dma_wait3A_1343] : memref<640x128xf32, #tpu.memory_space<vmem>> -> memref<128x128xf32, #tpu.memory_space<vmem>>
      %dma_wait3A_1345 = arith.constant 512 : i32
      %dma_wait3A_1346 = tpu.memref_slice %arg9[%dma_wait3A_1345] : memref<640xi32, #tpu.memory_space<vmem>> -> memref<128xi32, #tpu.memory_space<vmem>>
      %dma_wait3A_1347 = arith.constant 0 : i32
      %dma_wait3A_1348 = arith.constant 0 : i32
      %dma_wait3A_1349 = tpu.memref_slice %arg5[%dma_wait3A_1347, %dma_wait3A_1348] : memref<251904x128xf32, #tpu.memory_space<hbm>> -> memref<251904x128xf32, #tpu.memory_space<hbm>>
      tpu.wait_indirect_dma semaphore(%arg17 : memref<!tpu.dma_semaphore, #tpu.memory_space<semaphore_mem>>) src(%dma_wait3A_1349 : memref<251904x128xf32, #tpu.memory_space<hbm>>) dst(%dma_wait3A_1344 : memref<128x128xf32, #tpu.memory_space<vmem>>)
      %scan3A_1350 = arith.constant 0 : i32
      %scan3A_1351 = arith.constant 0 : i32
      %scan3A_1352 = arith.constant 8 : i32
      %scan3A_1353 = arith.addi %scan3A_1351, %scan3A_1352 : i32
      %scan3A_1354 = arith.constant 1 : i32
      scf.for %scan3A_1359 = %scan3A_1351 to %scan3A_1353 step %scan3A_1354  : i32 {
        %mul3A_1360 = arith.constant 4 : i32
        %mul3A_1361 = arith.muli %scan3A_1359, %mul3A_1360 : i32
        %get3A_1362 = arith.index_cast %mul3A_1361 : i32 to index
        %get3A_1363 = tpu.vector_load %arg12[%get3A_1362] {strides = array<i32>} : memref<48xi32, #tpu.memory_space<vmem>>, vector<16xi32>,
        %mul3A_1364 = arith.constant 80 : i32
        %mul3A_1365 = arith.muli %scan3A_1359, %mul3A_1364 : i32
        %add3A_1366 = arith.constant 0 : i32
        %add3A_1367 = arith.addi %mul3A_1365, %add3A_1366 : i32
        %get3A_1368 = arith.index_cast %add3A_1367 : i32 to index
        %get3A_1369 = tpu.vector_load %arg10[%get3A_1368] {strides = array<i32>} : memref<656xi32, #tpu.memory_space<vmem>>, vector<16xi32>,
        %mul3A_1370 = arith.constant 80 : i32
        %mul3A_1371 = arith.muli %scan3A_1359, %mul3A_1370 : i32
        %add3A_1372 = arith.constant 16 : i32
        %add3A_1373 = arith.addi %mul3A_1371, %add3A_1372 : i32
        %get3A_1374 = arith.index_cast %add3A_1373 : i32 to index
        %get3A_1375 = tpu.vector_load %arg10[%get3A_1374] {strides = array<i32>} : memref<656xi32, #tpu.memory_space<vmem>>, vector<16xi32>,
        %mul3A_1376 = arith.constant 80 : i32
        %mul3A_1377 = arith.muli %scan3A_1359, %mul3A_1376 : i32
        %add3A_1378 = arith.constant 32 : i32
        %add3A_1379 = arith.addi %mul3A_1377, %add3A_1378 : i32
        %get3A_1380 = arith.index_cast %add3A_1379 : i32 to index
        %get3A_1381 = tpu.vector_load %arg10[%get3A_1380] {strides = array<i32>} : memref<656xi32, #tpu.memory_space<vmem>>, vector<16xi32>,
        %mul3A_1382 = arith.constant 80 : i32
        %mul3A_1383 = arith.muli %scan3A_1359, %mul3A_1382 : i32
        %add3A_1384 = arith.constant 48 : i32
        %add3A_1385 = arith.addi %mul3A_1383, %add3A_1384 : i32
        %get3A_1386 = arith.index_cast %add3A_1385 : i32 to index
        %get3A_1387 = tpu.vector_load %arg10[%get3A_1386] {strides = array<i32>} : memref<656xi32, #tpu.memory_space<vmem>>, vector<16xi32>,
        %mul3A_1388 = arith.constant 80 : i32
        %mul3A_1389 = arith.muli %scan3A_1359, %mul3A_1388 : i32
        %add3A_1390 = arith.constant 64 : i32
        %add3A_1391 = arith.addi %mul3A_1389, %add3A_1390 : i32
        %get3A_1392 = arith.index_cast %add3A_1391 : i32 to index
        %get3A_1393 = tpu.vector_load %arg10[%get3A_1392] {strides = array<i32>} : memref<656xi32, #tpu.memory_space<vmem>>, vector<16xi32>,
        %mul3A_1394 = arith.constant 4 : i32
        %mul3A_1395 = arith.muli %scan3A_1359, %mul3A_1394 : i32
        %add3A_1396 = arith.constant 0 : i32
        %add3A_1397 = arith.addi %mul3A_1395, %add3A_1396 : i32
        %broadcast_in_dim3A = vector.broadcast %add3A_1397 : i32 to vector<16xi32>
        %slice3A = vector.extract_strided_slice %get3A_1363 {offsets = [0], sizes = [1], strides = [1]} : vector<16xi32> to vector<1xi32>
        %squeeze3A = vector.extract %slice3A[0] : i32 from vector<1xi32>
        %broadcast_in_dim3A_1398 = vector.broadcast %squeeze3A : i32 to vector<16xi32>
        %add3A_1399 = arith.addi %broadcast_in_dim3A_1398, %iota3A : vector<16xi32>
        %gather3A = tpu.vector_load_idx %arg13[%broadcast_in_dim3A, %add3A_1399] : memref<32x128xf32, #tpu.memory_space<vmem>>[vector<16xi32>, vector<16xi32>], vector<16xf32>,
        %add3A_1400 = arith.constant 16 : i32
        %add3A_1401 = vector.broadcast %add3A_1400 : i32 to vector<16xi32>
        %add3A_1402 = arith.addi %add3A_1399, %add3A_1401 : vector<16xi32>
        %gather3A_1403 = tpu.vector_load_idx %arg13[%broadcast_in_dim3A, %add3A_1402] : memref<32x128xf32, #tpu.memory_space<vmem>>[vector<16xi32>, vector<16xi32>], vector<16xf32>,
        %mul3A_1404 = arith.constant 80 : i32
        %mul3A_1405 = arith.muli %scan3A_1359, %mul3A_1404 : i32
        %add3A_1406 = arith.constant 0 : i32
        %add3A_1407 = arith.addi %mul3A_1405, %add3A_1406 : i32
        %broadcast_in_dim3A_1408 = vector.broadcast %add3A_1407 : i32 to vector<16xi32>
        %slice3A_1409 = vector.extract_strided_slice %get3A_1369 {offsets = [0], sizes = [1], strides = [1]} : vector<16xi32> to vector<1xi32>
        %squeeze3A_1410 = vector.extract %slice3A_1409[0] : i32 from vector<1xi32>
        %broadcast_in_dim3A_1411 = vector.broadcast %squeeze3A_1410 : i32 to vector<16xi32>
        %add3A_1412 = arith.addi %broadcast_in_dim3A_1411, %iota3A : vector<16xi32>
        %gather3A_1413 = tpu.vector_load_idx %arg14[%broadcast_in_dim3A_1408, %add3A_1412] : memref<640x128xf32, #tpu.memory_space<vmem>>[vector<16xi32>, vector<16xi32>], vector<16xf32>,
        %add3A_1414 = arith.constant 16 : i32
        %add3A_1415 = vector.broadcast %add3A_1414 : i32 to vector<16xi32>
        %add3A_1416 = arith.addi %add3A_1412, %add3A_1415 : vector<16xi32>
        %gather3A_1417 = tpu.vector_load_idx %arg14[%broadcast_in_dim3A_1408, %add3A_1416] : memref<640x128xf32, #tpu.memory_space<vmem>>[vector<16xi32>, vector<16xi32>], vector<16xf32>,
        %mul3A_1418 = arith.mulf %gather3A_1413, %gather3A : vector<16xf32>
        %mul3A_1419 = arith.mulf %gather3A_1417, %gather3A_1403 : vector<16xf32>
        %add3A_1420 = arith.addf %mul3A_1418, %mul3A_1419 : vector<16xf32>
        %swap3A_1421 = arith.constant 0 : index
        %swap3A_1422 = tpu.vector_load %arg16[%swap3A_1421] {strides = array<i32>} : memref<1280xf32, #tpu.memory_space<vmem>>, vector<16xf32>,
        tpu.vector_store %arg16[%swap3A_1421], %add3A_1420 {strides = array<i32>} : memref<1280xf32, #tpu.memory_space<vmem>>, vector<16xf32>,
        %mul3A_1423 = arith.constant 80 : i32
        %mul3A_1424 = arith.muli %scan3A_1359, %mul3A_1423 : i32
        %add3A_1425 = arith.constant 1 : i32
        %add3A_1426 = arith.addi %mul3A_1424, %add3A_1425 : i32
        %broadcast_in_dim3A_1427 = vector.broadcast %add3A_1426 : i32 to vector<16xi32>
        %slice3A_1428 = vector.extract_strided_slice %get3A_1369 {offsets = [1], sizes = [1], strides = [1]} : vector<16xi32> to vector<1xi32>
        %squeeze3A_1429 = vector.extract %slice3A_1428[0] : i32 from vector<1xi32>
        %broadcast_in_dim3A_1430 = vector.broadcast %squeeze3A_1429 : i32 to vector<16xi32>
        %add3A_1431 = arith.addi %broadcast_in_dim3A_1430, %iota3A : vector<16xi32>
        %gather3A_1432 = tpu.vector_load_idx %arg14[%broadcast_in_dim3A_1427, %add3A_1431] : memref<640x128xf32, #tpu.memory_space<vmem>>[vector<16xi32>, vector<16xi32>], vector<16xf32>,
        %add3A_1433 = arith.constant 16 : i32
        %add3A_1434 = vector.broadcast %add3A_1433 : i32 to vector<16xi32>
        %add3A_1435 = arith.addi %add3A_1431, %add3A_1434 : vector<16xi32>
        %gather3A_1436 = tpu.vector_load_idx %arg14[%broadcast_in_dim3A_1427, %add3A_1435] : memref<640x128xf32, #tpu.memory_space<vmem>>[vector<16xi32>, vector<16xi32>], vector<16xf32>,
        %mul3A_1437 = arith.mulf %gather3A_1432, %gather3A : vector<16xf32>
        %mul3A_1438 = arith.mulf %gather3A_1436, %gather3A_1403 : vector<16xf32>
        %add3A_1439 = arith.addf %mul3A_1437, %mul3A_1438 : vector<16xf32>
        %swap3A_1440 = arith.constant 16 : index
        %swap3A_1441 = tpu.vector_load %arg16[%swap3A_1440] {strides = array<i32>} : memref<1280xf32, #tpu.memory_space<vmem>>, vector<16xf32>,
        tpu.vector_store %arg16[%swap3A_1440], %add3A_1439 {strides = array<i32>} : memref<1280xf32, #tpu.memory_space<vmem>>, vector<16xf32>,
        %mul3A_1442 = arith.constant 80 : i32
        %mul3A_1443 = arith.muli %scan3A_1359, %mul3A_1442 : i32
        %add3A_1444 = arith.constant 2 : i32
        %add3A_1445 = arith.addi %mul3A_1443, %add3A_1444 : i32
        %broadcast_in_dim3A_1446 = vector.broadcast %add3A_1445 : i32 to vector<16xi32>
        %slice3A_1447 = vector.extract_strided_slice %get3A_1369 {offsets = [2], sizes = [1], strides = [1]} : vector<16xi32> to vector<1xi32>
        %squeeze3A_1448 = vector.extract %slice3A_1447[0] : i32 from vector<1xi32>
        %broadcast_in_dim3A_1449 = vector.broadcast %squeeze3A_1448 : i32 to vector<16xi32>
        %add3A_1450 = arith.addi %broadcast_in_dim3A_1449, %iota3A : vector<16xi32>
        %gather3A_1451 = tpu.vector_load_idx %arg14[%broadcast_in_dim3A_1446, %add3A_1450] : memref<640x128xf32, #tpu.memory_space<vmem>>[vector<16xi32>, vector<16xi32>], vector<16xf32>,
        %add3A_1452 = arith.constant 16 : i32
        %add3A_1453 = vector.broadcast %add3A_1452 : i32 to vector<16xi32>
        %add3A_1454 = arith.addi %add3A_1450, %add3A_1453 : vector<16xi32>
        %gather3A_1455 = tpu.vector_load_idx %arg14[%broadcast_in_dim3A_1446, %add3A_1454] : memref<640x128xf32, #tpu.memory_space<vmem>>[vector<16xi32>, vector<16xi32>], vector<16xf32>,
        %mul3A_1456 = arith.mulf %gather3A_1451, %gather3A : vector<16xf32>
        %mul3A_1457 = arith.mulf %gather3A_1455, %gather3A_1403 : vector<16xf32>
        %add3A_1458 = arith.addf %mul3A_1456, %mul3A_1457 : vector<16xf32>
        %swap3A_1459 = arith.constant 32 : index
        %swap3A_1460 = tpu.vector_load %arg16[%swap3A_1459] {strides = array<i32>} : memref<1280xf32, #tpu.memory_space<vmem>>, vector<16xf32>,
        tpu.vector_store %arg16[%swap3A_1459], %add3A_1458 {strides = array<i32>} : memref<1280xf32, #tpu.memory_space<vmem>>, vector<16xf32>,
        %mul3A_1461 = arith.constant 80 : i32
        %mul3A_1462 = arith.muli %scan3A_1359, %mul3A_1461 : i32
        %add3A_1463 = arith.constant 3 : i32
        %add3A_1464 = arith.addi %mul3A_1462, %add3A_1463 : i32
        %broadcast_in_dim3A_1465 = vector.broadcast %add3A_1464 : i32 to vector<16xi32>
        %slice3A_1466 = vector.extract_strided_slice %get3A_1369 {offsets = [3], sizes = [1], strides = [1]} : vector<16xi32> to vector<1xi32>
        %squeeze3A_1467 = vector.extract %slice3A_1466[0] : i32 from vector<1xi32>
        %broadcast_in_dim3A_1468 = vector.broadcast %squeeze3A_1467 : i32 to vector<16xi32>
        %add3A_1469 = arith.addi %broadcast_in_dim3A_1468, %iota3A : vector<16xi32>
        %gather3A_1470 = tpu.vector_load_idx %arg14[%broadcast_in_dim3A_1465, %add3A_1469] : memref<640x128xf32, #tpu.memory_space<vmem>>[vector<16xi32>, vector<16xi32>], vector<16xf32>,
        %add3A_1471 = arith.constant 16 : i32
        %add3A_1472 = vector.broadcast %add3A_1471 : i32 to vector<16xi32>
        %add3A_1473 = arith.addi %add3A_1469, %add3A_1472 : vector<16xi32>
        %gather3A_1474 = tpu.vector_load_idx %arg14[%broadcast_in_dim3A_1465, %add3A_1473] : memref<640x128xf32, #tpu.memory_space<vmem>>[vector<16xi32>, vector<16xi32>], vector<16xf32>,
        %mul3A_1475 = arith.mulf %gather3A_1470, %gather3A : vector<16xf32>
        %mul3A_1476 = arith.mulf %gather3A_1474, %gather3A_1403 : vector<16xf32>
        %add3A_1477 = arith.addf %mul3A_1475, %mul3A_1476 : vector<16xf32>
        %swap3A_1478 = arith.constant 48 : index
        %swap3A_1479 = tpu.vector_load %arg16[%swap3A_1478] {strides = array<i32>} : memref<1280xf32, #tpu.memory_space<vmem>>, vector<16xf32>,
        tpu.vector_store %arg16[%swap3A_1478], %add3A_1477 {strides = array<i32>} : memref<1280xf32, #tpu.memory_space<vmem>>, vector<16xf32>,
        %mul3A_1480 = arith.constant 80 : i32
        %mul3A_1481 = arith.muli %scan3A_1359, %mul3A_1480 : i32
        %add3A_1482 = arith.constant 4 : i32
        %add3A_1483 = arith.addi %mul3A_1481, %add3A_1482 : i32
        %broadcast_in_dim3A_1484 = vector.broadcast %add3A_1483 : i32 to vector<16xi32>
        %slice3A_1485 = vector.extract_strided_slice %get3A_1369 {offsets = [4], sizes = [1], strides = [1]} : vector<16xi32> to vector<1xi32>
        %squeeze3A_1486 = vector.extract %slice3A_1485[0] : i32 from vector<1xi32>
        %broadcast_in_dim3A_1487 = vector.broadcast %squeeze3A_1486 : i32 to vector<16xi32>
        %add3A_1488 = arith.addi %broadcast_in_dim3A_1487, %iota3A : vector<16xi32>
        %gather3A_1489 = tpu.vector_load_idx %arg14[%broadcast_in_dim3A_1484, %add3A_1488] : memref<640x128xf32, #tpu.memory_space<vmem>>[vector<16xi32>, vector<16xi32>], vector<16xf32>,
        %add3A_1490 = arith.constant 16 : i32
        %add3A_1491 = vector.broadcast %add3A_1490 : i32 to vector<16xi32>
        %add3A_1492 = arith.addi %add3A_1488, %add3A_1491 : vector<16xi32>
        %gather3A_1493 = tpu.vector_load_idx %arg14[%broadcast_in_dim3A_1484, %add3A_1492] : memref<640x128xf32, #tpu.memory_space<vmem>>[vector<16xi32>, vector<16xi32>], vector<16xf32>,
        %mul3A_1494 = arith.mulf %gather3A_1489, %gather3A : vector<16xf32>
        %mul3A_1495 = arith.mulf %gather3A_1493, %gather3A_1403 : vector<16xf32>
        %add3A_1496 = arith.addf %mul3A_1494, %mul3A_1495 : vector<16xf32>
        %swap3A_1497 = arith.constant 64 : index
        %swap3A_1498 = tpu.vector_load %arg16[%swap3A_1497] {strides = array<i32>} : memref<1280xf32, #tpu.memory_space<vmem>>, vector<16xf32>,
        tpu.vector_store %arg16[%swap3A_1497], %add3A_1496 {strides = array<i32>} : memref<1280xf32, #tpu.memory_space<vmem>>, vector<16xf32>,
        %mul3A_1499 = arith.constant 80 : i32
        %mul3A_1500 = arith.muli %scan3A_1359, %mul3A_1499 : i32
        %add3A_1501 = arith.constant 5 : i32
        %add3A_1502 = arith.addi %mul3A_1500, %add3A_1501 : i32
        %broadcast_in_dim3A_1503 = vector.broadcast %add3A_1502 : i32 to vector<16xi32>
        %slice3A_1504 = vector.extract_strided_slice %get3A_1369 {offsets = [5], sizes = [1], strides = [1]} : vector<16xi32> to vector<1xi32>
        %squeeze3A_1505 = vector.extract %slice3A_1504[0] : i32 from vector<1xi32>
        %broadcast_in_dim3A_1506 = vector.broadcast %squeeze3A_1505 : i32 to vector<16xi32>
        %add3A_1507 = arith.addi %broadcast_in_dim3A_1506, %iota3A : vector<16xi32>
        %gather3A_1508 = tpu.vector_load_idx %arg14[%broadcast_in_dim3A_1503, %add3A_1507] : memref<640x128xf32, #tpu.memory_space<vmem>>[vector<16xi32>, vector<16xi32>], vector<16xf32>,
        %add3A_1509 = arith.constant 16 : i32
        %add3A_1510 = vector.broadcast %add3A_1509 : i32 to vector<16xi32>
        %add3A_1511 = arith.addi %add3A_1507, %add3A_1510 : vector<16xi32>
        %gather3A_1512 = tpu.vector_load_idx %arg14[%broadcast_in_dim3A_1503, %add3A_1511] : memref<640x128xf32, #tpu.memory_space<vmem>>[vector<16xi32>, vector<16xi32>], vector<16xf32>,
        %mul3A_1513 = arith.mulf %gather3A_1508, %gather3A : vector<16xf32>
        %mul3A_1514 = arith.mulf %gather3A_1512, %gather3A_1403 : vector<16xf32>
        %add3A_1515 = arith.addf %mul3A_1513, %mul3A_1514 : vector<16xf32>
        %swap3A_1516 = arith.constant 80 : index
        %swap3A_1517 = tpu.vector_load %arg16[%swap3A_1516] {strides = array<i32>} : memref<1280xf32, #tpu.memory_space<vmem>>, vector<16xf32>,
        tpu.vector_store %arg16[%swap3A_1516], %add3A_1515 {strides = array<i32>} : memref<1280xf32, #tpu.memory_space<vmem>>, vector<16xf32>,
        %mul3A_1518 = arith.constant 80 : i32
        %mul3A_1519 = arith.muli %scan3A_1359, %mul3A_1518 : i32
        %add3A_1520 = arith.constant 6 : i32
        %add3A_1521 = arith.addi %mul3A_1519, %add3A_1520 : i32
        %broadcast_in_dim3A_1522 = vector.broadcast %add3A_1521 : i32 to vector<16xi32>
        %slice3A_1523 = vector.extract_strided_slice %get3A_1369 {offsets = [6], sizes = [1], strides = [1]} : vector<16xi32> to vector<1xi32>
        %squeeze3A_1524 = vector.extract %slice3A_1523[0] : i32 from vector<1xi32>
        %broadcast_in_dim3A_1525 = vector.broadcast %squeeze3A_1524 : i32 to vector<16xi32>
        %add3A_1526 = arith.addi %broadcast_in_dim3A_1525, %iota3A : vector<16xi32>
        %gather3A_1527 = tpu.vector_load_idx %arg14[%broadcast_in_dim3A_1522, %add3A_1526] : memref<640x128xf32, #tpu.memory_space<vmem>>[vector<16xi32>, vector<16xi32>], vector<16xf32>,
        %add3A_1528 = arith.constant 16 : i32
        %add3A_1529 = vector.broadcast %add3A_1528 : i32 to vector<16xi32>
        %add3A_1530 = arith.addi %add3A_1526, %add3A_1529 : vector<16xi32>
        %gather3A_1531 = tpu.vector_load_idx %arg14[%broadcast_in_dim3A_1522, %add3A_1530] : memref<640x128xf32, #tpu.memory_space<vmem>>[vector<16xi32>, vector<16xi32>], vector<16xf32>,
        %mul3A_1532 = arith.mulf %gather3A_1527, %gather3A : vector<16xf32>
        %mul3A_1533 = arith.mulf %gather3A_1531, %gather3A_1403 : vector<16xf32>
        %add3A_1534 = arith.addf %mul3A_1532, %mul3A_1533 : vector<16xf32>
        %swap3A_1535 = arith.constant 96 : index
        %swap3A_1536 = tpu.vector_load %arg16[%swap3A_1535] {strides = array<i32>} : memref<1280xf32, #tpu.memory_space<vmem>>, vector<16xf32>,
        tpu.vector_store %arg16[%swap3A_1535], %add3A_1534 {strides = array<i32>} : memref<1280xf32, #tpu.memory_space<vmem>>, vector<16xf32>,
        %mul3A_1537 = arith.constant 80 : i32
        %mul3A_1538 = arith.muli %scan3A_1359, %mul3A_1537 : i32
        %add3A_1539 = arith.constant 7 : i32
        %add3A_1540 = arith.addi %mul3A_1538, %add3A_1539 : i32
        %broadcast_in_dim3A_1541 = vector.broadcast %add3A_1540 : i32 to vector<16xi32>
        %slice3A_1542 = vector.extract_strided_slice %get3A_1369 {offsets = [7], sizes = [1], strides = [1]} : vector<16xi32> to vector<1xi32>
        %squeeze3A_1543 = vector.extract %slice3A_1542[0] : i32 from vector<1xi32>
        %broadcast_in_dim3A_1544 = vector.broadcast %squeeze3A_1543 : i32 to vector<16xi32>
        %add3A_1545 = arith.addi %broadcast_in_dim3A_1544, %iota3A : vector<16xi32>
        %gather3A_1546 = tpu.vector_load_idx %arg14[%broadcast_in_dim3A_1541, %add3A_1545] : memref<640x128xf32, #tpu.memory_space<vmem>>[vector<16xi32>, vector<16xi32>], vector<16xf32>,
        %add3A_1547 = arith.constant 16 : i32
        %add3A_1548 = vector.broadcast %add3A_1547 : i32 to vector<16xi32>
        %add3A_1549 = arith.addi %add3A_1545, %add3A_1548 : vector<16xi32>
        %gather3A_1550 = tpu.vector_load_idx %arg14[%broadcast_in_dim3A_1541, %add3A_1549] : memref<640x128xf32, #tpu.memory_space<vmem>>[vector<16xi32>, vector<16xi32>], vector<16xf32>,
        %mul3A_1551 = arith.mulf %gather3A_1546, %gather3A : vector<16xf32>
        %mul3A_1552 = arith.mulf %gather3A_1550, %gather3A_1403 : vector<16xf32>
        %add3A_1553 = arith.addf %mul3A_1551, %mul3A_1552 : vector<16xf32>
        %swap3A_1554 = arith.constant 112 : index
        %swap3A_1555 = tpu.vector_load %arg16[%swap3A_1554] {strides = array<i32>} : memref<1280xf32, #tpu.memory_space<vmem>>, vector<16xf32>,
        tpu.vector_store %arg16[%swap3A_1554], %add3A_1553 {strides = array<i32>} : memref<1280xf32, #tpu.memory_space<vmem>>, vector<16xf32>,
        %mul3A_1556 = arith.constant 80 : i32
        %mul3A_1557 = arith.muli %scan3A_1359, %mul3A_1556 : i32
        %add3A_1558 = arith.constant 8 : i32
        %add3A_1559 = arith.addi %mul3A_1557, %add3A_1558 : i32
        %broadcast_in_dim3A_1560 = vector.broadcast %add3A_1559 : i32 to vector<16xi32>
        %slice3A_1561 = vector.extract_strided_slice %get3A_1369 {offsets = [8], sizes = [1], strides = [1]} : vector<16xi32> to vector<1xi32>
        %squeeze3A_1562 = vector.extract %slice3A_1561[0] : i32 from vector<1xi32>
        %broadcast_in_dim3A_1563 = vector.broadcast %squeeze3A_1562 : i32 to vector<16xi32>
        %add3A_1564 = arith.addi %broadcast_in_dim3A_1563, %iota3A : vector<16xi32>
        %gather3A_1565 = tpu.vector_load_idx %arg14[%broadcast_in_dim3A_1560, %add3A_1564] : memref<640x128xf32, #tpu.memory_space<vmem>>[vector<16xi32>, vector<16xi32>], vector<16xf32>,
        %add3A_1566 = arith.constant 16 : i32
        %add3A_1567 = vector.broadcast %add3A_1566 : i32 to vector<16xi32>
        %add3A_1568 = arith.addi %add3A_1564, %add3A_1567 : vector<16xi32>
        %gather3A_1569 = tpu.vector_load_idx %arg14[%broadcast_in_dim3A_1560, %add3A_1568] : memref<640x128xf32, #tpu.memory_space<vmem>>[vector<16xi32>, vector<16xi32>], vector<16xf32>,
        %mul3A_1570 = arith.mulf %gather3A_1565, %gather3A : vector<16xf32>
        %mul3A_1571 = arith.mulf %gather3A_1569, %gather3A_1403 : vector<16xf32>
        %add3A_1572 = arith.addf %mul3A_1570, %mul3A_1571 : vector<16xf32>
        %swap3A_1573 = arith.constant 128 : index
        %swap3A_1574 = tpu.vector_load %arg16[%swap3A_1573] {strides = array<i32>} : memref<1280xf32, #tpu.memory_space<vmem>>, vector<16xf32>,
        tpu.vector_store %arg16[%swap3A_1573], %add3A_1572 {strides = array<i32>} : memref<1280xf32, #tpu.memory_space<vmem>>, vector<16xf32>,
        %mul3A_1575 = arith.constant 80 : i32
        %mul3A_1576 = arith.muli %scan3A_1359, %mul3A_1575 : i32
        %add3A_1577 = arith.constant 9 : i32
        %add3A_1578 = arith.addi %mul3A_1576, %add3A_1577 : i32
        %broadcast_in_dim3A_1579 = vector.broadcast %add3A_1578 : i32 to vector<16xi32>
        %slice3A_1580 = vector.extract_strided_slice %get3A_1369 {offsets = [9], sizes = [1], strides = [1]} : vector<16xi32> to vector<1xi32>
        %squeeze3A_1581 = vector.extract %slice3A_1580[0] : i32 from vector<1xi32>
        %broadcast_in_dim3A_1582 = vector.broadcast %squeeze3A_1581 : i32 to vector<16xi32>
        %add3A_1583 = arith.addi %broadcast_in_dim3A_1582, %iota3A : vector<16xi32>
        %gather3A_1584 = tpu.vector_load_idx %arg14[%broadcast_in_dim3A_1579, %add3A_1583] : memref<640x128xf32, #tpu.memory_space<vmem>>[vector<16xi32>, vector<16xi32>], vector<16xf32>,
        %add3A_1585 = arith.constant 16 : i32
        %add3A_1586 = vector.broadcast %add3A_1585 : i32 to vector<16xi32>
        %add3A_1587 = arith.addi %add3A_1583, %add3A_1586 : vector<16xi32>
        %gather3A_1588 = tpu.vector_load_idx %arg14[%broadcast_in_dim3A_1579, %add3A_1587] : memref<640x128xf32, #tpu.memory_space<vmem>>[vector<16xi32>, vector<16xi32>], vector<16xf32>,
        %mul3A_1589 = arith.mulf %gather3A_1584, %gather3A : vector<16xf32>
        %mul3A_1590 = arith.mulf %gather3A_1588, %gather3A_1403 : vector<16xf32>
        %add3A_1591 = arith.addf %mul3A_1589, %mul3A_1590 : vector<16xf32>
        %swap3A_1592 = arith.constant 144 : index
        %swap3A_1593 = tpu.vector_load %arg16[%swap3A_1592] {strides = array<i32>} : memref<1280xf32, #tpu.memory_space<vmem>>, vector<16xf32>,
        tpu.vector_store %arg16[%swap3A_1592], %add3A_1591 {strides = array<i32>} : memref<1280xf32, #tpu.memory_space<vmem>>, vector<16xf32>,
        %mul3A_1594 = arith.constant 80 : i32
        %mul3A_1595 = arith.muli %scan3A_1359, %mul3A_1594 : i32
        %add3A_1596 = arith.constant 10 : i32
        %add3A_1597 = arith.addi %mul3A_1595, %add3A_1596 : i32
        %broadcast_in_dim3A_1598 = vector.broadcast %add3A_1597 : i32 to vector<16xi32>
        %slice3A_1599 = vector.extract_strided_slice %get3A_1369 {offsets = [10], sizes = [1], strides = [1]} : vector<16xi32> to vector<1xi32>
        %squeeze3A_1600 = vector.extract %slice3A_1599[0] : i32 from vector<1xi32>
        %broadcast_in_dim3A_1601 = vector.broadcast %squeeze3A_1600 : i32 to vector<16xi32>
        %add3A_1602 = arith.addi %broadcast_in_dim3A_1601, %iota3A : vector<16xi32>
        %gather3A_1603 = tpu.vector_load_idx %arg14[%broadcast_in_dim3A_1598, %add3A_1602] : memref<640x128xf32, #tpu.memory_space<vmem>>[vector<16xi32>, vector<16xi32>], vector<16xf32>,
        %add3A_1604 = arith.constant 16 : i32
        %add3A_1605 = vector.broadcast %add3A_1604 : i32 to vector<16xi32>
        %add3A_1606 = arith.addi %add3A_1602, %add3A_1605 : vector<16xi32>
        %gather3A_1607 = tpu.vector_load_idx %arg14[%broadcast_in_dim3A_1598, %add3A_1606] : memref<640x128xf32, #tpu.memory_space<vmem>>[vector<16xi32>, vector<16xi32>], vector<16xf32>,
        %mul3A_1608 = arith.mulf %gather3A_1603, %gather3A : vector<16xf32>
        %mul3A_1609 = arith.mulf %gather3A_1607, %gather3A_1403 : vector<16xf32>
        %add3A_1610 = arith.addf %mul3A_1608, %mul3A_1609 : vector<16xf32>
        %swap3A_1611 = arith.constant 160 : index
        %swap3A_1612 = tpu.vector_load %arg16[%swap3A_1611] {strides = array<i32>} : memref<1280xf32, #tpu.memory_space<vmem>>, vector<16xf32>,
        tpu.vector_store %arg16[%swap3A_1611], %add3A_1610 {strides = array<i32>} : memref<1280xf32, #tpu.memory_space<vmem>>, vector<16xf32>,
        %mul3A_1613 = arith.constant 80 : i32
        %mul3A_1614 = arith.muli %scan3A_1359, %mul3A_1613 : i32
        %add3A_1615 = arith.constant 11 : i32
        %add3A_1616 = arith.addi %mul3A_1614, %add3A_1615 : i32
        %broadcast_in_dim3A_1617 = vector.broadcast %add3A_1616 : i32 to vector<16xi32>
        %slice3A_1618 = vector.extract_strided_slice %get3A_1369 {offsets = [11], sizes = [1], strides = [1]} : vector<16xi32> to vector<1xi32>
        %squeeze3A_1619 = vector.extract %slice3A_1618[0] : i32 from vector<1xi32>
        %broadcast_in_dim3A_1620 = vector.broadcast %squeeze3A_1619 : i32 to vector<16xi32>
        %add3A_1621 = arith.addi %broadcast_in_dim3A_1620, %iota3A : vector<16xi32>
        %gather3A_1622 = tpu.vector_load_idx %arg14[%broadcast_in_dim3A_1617, %add3A_1621] : memref<640x128xf32, #tpu.memory_space<vmem>>[vector<16xi32>, vector<16xi32>], vector<16xf32>,
        %add3A_1623 = arith.constant 16 : i32
        %add3A_1624 = vector.broadcast %add3A_1623 : i32 to vector<16xi32>
        %add3A_1625 = arith.addi %add3A_1621, %add3A_1624 : vector<16xi32>
        %gather3A_1626 = tpu.vector_load_idx %arg14[%broadcast_in_dim3A_1617, %add3A_1625] : memref<640x128xf32, #tpu.memory_space<vmem>>[vector<16xi32>, vector<16xi32>], vector<16xf32>,
        %mul3A_1627 = arith.mulf %gather3A_1622, %gather3A : vector<16xf32>
        %mul3A_1628 = arith.mulf %gather3A_1626, %gather3A_1403 : vector<16xf32>
        %add3A_1629 = arith.addf %mul3A_1627, %mul3A_1628 : vector<16xf32>
        %swap3A_1630 = arith.constant 176 : index
        %swap3A_1631 = tpu.vector_load %arg16[%swap3A_1630] {strides = array<i32>} : memref<1280xf32, #tpu.memory_space<vmem>>, vector<16xf32>,
        tpu.vector_store %arg16[%swap3A_1630], %add3A_1629 {strides = array<i32>} : memref<1280xf32, #tpu.memory_space<vmem>>, vector<16xf32>,
        %mul3A_1632 = arith.constant 80 : i32
        %mul3A_1633 = arith.muli %scan3A_1359, %mul3A_1632 : i32
        %add3A_1634 = arith.constant 12 : i32
        %add3A_1635 = arith.addi %mul3A_1633, %add3A_1634 : i32
        %broadcast_in_dim3A_1636 = vector.broadcast %add3A_1635 : i32 to vector<16xi32>
        %slice3A_1637 = vector.extract_strided_slice %get3A_1369 {offsets = [12], sizes = [1], strides = [1]} : vector<16xi32> to vector<1xi32>
        %squeeze3A_1638 = vector.extract %slice3A_1637[0] : i32 from vector<1xi32>
        %broadcast_in_dim3A_1639 = vector.broadcast %squeeze3A_1638 : i32 to vector<16xi32>
        %add3A_1640 = arith.addi %broadcast_in_dim3A_1639, %iota3A : vector<16xi32>
        %gather3A_1641 = tpu.vector_load_idx %arg14[%broadcast_in_dim3A_1636, %add3A_1640] : memref<640x128xf32, #tpu.memory_space<vmem>>[vector<16xi32>, vector<16xi32>], vector<16xf32>,
        %add3A_1642 = arith.constant 16 : i32
        %add3A_1643 = vector.broadcast %add3A_1642 : i32 to vector<16xi32>
        %add3A_1644 = arith.addi %add3A_1640, %add3A_1643 : vector<16xi32>
        %gather3A_1645 = tpu.vector_load_idx %arg14[%broadcast_in_dim3A_1636, %add3A_1644] : memref<640x128xf32, #tpu.memory_space<vmem>>[vector<16xi32>, vector<16xi32>], vector<16xf32>,
        %mul3A_1646 = arith.mulf %gather3A_1641, %gather3A : vector<16xf32>
        %mul3A_1647 = arith.mulf %gather3A_1645, %gather3A_1403 : vector<16xf32>
        %add3A_1648 = arith.addf %mul3A_1646, %mul3A_1647 : vector<16xf32>
        %swap3A_1649 = arith.constant 192 : index
        %swap3A_1650 = tpu.vector_load %arg16[%swap3A_1649] {strides = array<i32>} : memref<1280xf32, #tpu.memory_space<vmem>>, vector<16xf32>,
        tpu.vector_store %arg16[%swap3A_1649], %add3A_1648 {strides = array<i32>} : memref<1280xf32, #tpu.memory_space<vmem>>, vector<16xf32>,
        %mul3A_1651 = arith.constant 80 : i32
        %mul3A_1652 = arith.muli %scan3A_1359, %mul3A_1651 : i32
        %add3A_1653 = arith.constant 13 : i32
        %add3A_1654 = arith.addi %mul3A_1652, %add3A_1653 : i32
        %broadcast_in_dim3A_1655 = vector.broadcast %add3A_1654 : i32 to vector<16xi32>
        %slice3A_1656 = vector.extract_strided_slice %get3A_1369 {offsets = [13], sizes = [1], strides = [1]} : vector<16xi32> to vector<1xi32>
        %squeeze3A_1657 = vector.extract %slice3A_1656[0] : i32 from vector<1xi32>
        %broadcast_in_dim3A_1658 = vector.broadcast %squeeze3A_1657 : i32 to vector<16xi32>
        %add3A_1659 = arith.addi %broadcast_in_dim3A_1658, %iota3A : vector<16xi32>
        %gather3A_1660 = tpu.vector_load_idx %arg14[%broadcast_in_dim3A_1655, %add3A_1659] : memref<640x128xf32, #tpu.memory_space<vmem>>[vector<16xi32>, vector<16xi32>], vector<16xf32>,
        %add3A_1661 = arith.constant 16 : i32
        %add3A_1662 = vector.broadcast %add3A_1661 : i32 to vector<16xi32>
        %add3A_1663 = arith.addi %add3A_1659, %add3A_1662 : vector<16xi32>
        %gather3A_1664 = tpu.vector_load_idx %arg14[%broadcast_in_dim3A_1655, %add3A_1663] : memref<640x128xf32, #tpu.memory_space<vmem>>[vector<16xi32>, vector<16xi32>], vector<16xf32>,
        %mul3A_1665 = arith.mulf %gather3A_1660, %gather3A : vector<16xf32>
        %mul3A_1666 = arith.mulf %gather3A_1664, %gather3A_1403 : vector<16xf32>
        %add3A_1667 = arith.addf %mul3A_1665, %mul3A_1666 : vector<16xf32>
        %swap3A_1668 = arith.constant 208 : index
        %swap3A_1669 = tpu.vector_load %arg16[%swap3A_1668] {strides = array<i32>} : memref<1280xf32, #tpu.memory_space<vmem>>, vector<16xf32>,
        tpu.vector_store %arg16[%swap3A_1668], %add3A_1667 {strides = array<i32>} : memref<1280xf32, #tpu.memory_space<vmem>>, vector<16xf32>,
        %mul3A_1670 = arith.constant 80 : i32
        %mul3A_1671 = arith.muli %scan3A_1359, %mul3A_1670 : i32
        %add3A_1672 = arith.constant 14 : i32
        %add3A_1673 = arith.addi %mul3A_1671, %add3A_1672 : i32
        %broadcast_in_dim3A_1674 = vector.broadcast %add3A_1673 : i32 to vector<16xi32>
        %slice3A_1675 = vector.extract_strided_slice %get3A_1369 {offsets = [14], sizes = [1], strides = [1]} : vector<16xi32> to vector<1xi32>
        %squeeze3A_1676 = vector.extract %slice3A_1675[0] : i32 from vector<1xi32>
        %broadcast_in_dim3A_1677 = vector.broadcast %squeeze3A_1676 : i32 to vector<16xi32>
        %add3A_1678 = arith.addi %broadcast_in_dim3A_1677, %iota3A : vector<16xi32>
        %gather3A_1679 = tpu.vector_load_idx %arg14[%broadcast_in_dim3A_1674, %add3A_1678] : memref<640x128xf32, #tpu.memory_space<vmem>>[vector<16xi32>, vector<16xi32>], vector<16xf32>,
        %add3A_1680 = arith.constant 16 : i32
        %add3A_1681 = vector.broadcast %add3A_1680 : i32 to vector<16xi32>
        %add3A_1682 = arith.addi %add3A_1678, %add3A_1681 : vector<16xi32>
        %gather3A_1683 = tpu.vector_load_idx %arg14[%broadcast_in_dim3A_1674, %add3A_1682] : memref<640x128xf32, #tpu.memory_space<vmem>>[vector<16xi32>, vector<16xi32>], vector<16xf32>,
        %mul3A_1684 = arith.mulf %gather3A_1679, %gather3A : vector<16xf32>
        %mul3A_1685 = arith.mulf %gather3A_1683, %gather3A_1403 : vector<16xf32>
        %add3A_1686 = arith.addf %mul3A_1684, %mul3A_1685 : vector<16xf32>
        %swap3A_1687 = arith.constant 224 : index
        %swap3A_1688 = tpu.vector_load %arg16[%swap3A_1687] {strides = array<i32>} : memref<1280xf32, #tpu.memory_space<vmem>>, vector<16xf32>,
        tpu.vector_store %arg16[%swap3A_1687], %add3A_1686 {strides = array<i32>} : memref<1280xf32, #tpu.memory_space<vmem>>, vector<16xf32>,
        %mul3A_1689 = arith.constant 80 : i32
        %mul3A_1690 = arith.muli %scan3A_1359, %mul3A_1689 : i32
        %add3A_1691 = arith.constant 15 : i32
        %add3A_1692 = arith.addi %mul3A_1690, %add3A_1691 : i32
        %broadcast_in_dim3A_1693 = vector.broadcast %add3A_1692 : i32 to vector<16xi32>
        %slice3A_1694 = vector.extract_strided_slice %get3A_1369 {offsets = [15], sizes = [1], strides = [1]} : vector<16xi32> to vector<1xi32>
        %squeeze3A_1695 = vector.extract %slice3A_1694[0] : i32 from vector<1xi32>
        %broadcast_in_dim3A_1696 = vector.broadcast %squeeze3A_1695 : i32 to vector<16xi32>
        %add3A_1697 = arith.addi %broadcast_in_dim3A_1696, %iota3A : vector<16xi32>
        %gather3A_1698 = tpu.vector_load_idx %arg14[%broadcast_in_dim3A_1693, %add3A_1697] : memref<640x128xf32, #tpu.memory_space<vmem>>[vector<16xi32>, vector<16xi32>], vector<16xf32>,
        %add3A_1699 = arith.constant 16 : i32
        %add3A_1700 = vector.broadcast %add3A_1699 : i32 to vector<16xi32>
        %add3A_1701 = arith.addi %add3A_1697, %add3A_1700 : vector<16xi32>
        %gather3A_1702 = tpu.vector_load_idx %arg14[%broadcast_in_dim3A_1693, %add3A_1701] : memref<640x128xf32, #tpu.memory_space<vmem>>[vector<16xi32>, vector<16xi32>], vector<16xf32>,
        %mul3A_1703 = arith.mulf %gather3A_1698, %gather3A : vector<16xf32>
        %mul3A_1704 = arith.mulf %gather3A_1702, %gather3A_1403 : vector<16xf32>
        %add3A_1705 = arith.addf %mul3A_1703, %mul3A_1704 : vector<16xf32>
        %swap3A_1706 = arith.constant 240 : index
        %swap3A_1707 = tpu.vector_load %arg16[%swap3A_1706] {strides = array<i32>} : memref<1280xf32, #tpu.memory_space<vmem>>, vector<16xf32>,
        tpu.vector_store %arg16[%swap3A_1706], %add3A_1705 {strides = array<i32>} : memref<1280xf32, #tpu.memory_space<vmem>>, vector<16xf32>,
        %mul3A_1708 = arith.constant 80 : i32
        %mul3A_1709 = arith.muli %scan3A_1359, %mul3A_1708 : i32
        %add3A_1710 = arith.constant 16 : i32
        %add3A_1711 = arith.addi %mul3A_1709, %add3A_1710 : i32
        %broadcast_in_dim3A_1712 = vector.broadcast %add3A_1711 : i32 to vector<16xi32>
        %slice3A_1713 = vector.extract_strided_slice %get3A_1375 {offsets = [0], sizes = [1], strides = [1]} : vector<16xi32> to vector<1xi32>
        %squeeze3A_1714 = vector.extract %slice3A_1713[0] : i32 from vector<1xi32>
        %broadcast_in_dim3A_1715 = vector.broadcast %squeeze3A_1714 : i32 to vector<16xi32>
        %add3A_1716 = arith.addi %broadcast_in_dim3A_1715, %iota3A : vector<16xi32>
        %gather3A_1717 = tpu.vector_load_idx %arg14[%broadcast_in_dim3A_1712, %add3A_1716] : memref<640x128xf32, #tpu.memory_space<vmem>>[vector<16xi32>, vector<16xi32>], vector<16xf32>,
        %add3A_1718 = arith.constant 16 : i32
        %add3A_1719 = vector.broadcast %add3A_1718 : i32 to vector<16xi32>
        %add3A_1720 = arith.addi %add3A_1716, %add3A_1719 : vector<16xi32>
        %gather3A_1721 = tpu.vector_load_idx %arg14[%broadcast_in_dim3A_1712, %add3A_1720] : memref<640x128xf32, #tpu.memory_space<vmem>>[vector<16xi32>, vector<16xi32>], vector<16xf32>,
        %mul3A_1722 = arith.mulf %gather3A_1717, %gather3A : vector<16xf32>
        %mul3A_1723 = arith.mulf %gather3A_1721, %gather3A_1403 : vector<16xf32>
        %add3A_1724 = arith.addf %mul3A_1722, %mul3A_1723 : vector<16xf32>
        %swap3A_1725 = arith.constant 256 : index
        %swap3A_1726 = tpu.vector_load %arg16[%swap3A_1725] {strides = array<i32>} : memref<1280xf32, #tpu.memory_space<vmem>>, vector<16xf32>,
        tpu.vector_store %arg16[%swap3A_1725], %add3A_1724 {strides = array<i32>} : memref<1280xf32, #tpu.memory_space<vmem>>, vector<16xf32>,
        %mul3A_1727 = arith.constant 80 : i32
        %mul3A_1728 = arith.muli %scan3A_1359, %mul3A_1727 : i32
        %add3A_1729 = arith.constant 17 : i32
        %add3A_1730 = arith.addi %mul3A_1728, %add3A_1729 : i32
        %broadcast_in_dim3A_1731 = vector.broadcast %add3A_1730 : i32 to vector<16xi32>
        %slice3A_1732 = vector.extract_strided_slice %get3A_1375 {offsets = [1], sizes = [1], strides = [1]} : vector<16xi32> to vector<1xi32>
        %squeeze3A_1733 = vector.extract %slice3A_1732[0] : i32 from vector<1xi32>
        %broadcast_in_dim3A_1734 = vector.broadcast %squeeze3A_1733 : i32 to vector<16xi32>
        %add3A_1735 = arith.addi %broadcast_in_dim3A_1734, %iota3A : vector<16xi32>
        %gather3A_1736 = tpu.vector_load_idx %arg14[%broadcast_in_dim3A_1731, %add3A_1735] : memref<640x128xf32, #tpu.memory_space<vmem>>[vector<16xi32>, vector<16xi32>], vector<16xf32>,
        %add3A_1737 = arith.constant 16 : i32
        %add3A_1738 = vector.broadcast %add3A_1737 : i32 to vector<16xi32>
        %add3A_1739 = arith.addi %add3A_1735, %add3A_1738 : vector<16xi32>
        %gather3A_1740 = tpu.vector_load_idx %arg14[%broadcast_in_dim3A_1731, %add3A_1739] : memref<640x128xf32, #tpu.memory_space<vmem>>[vector<16xi32>, vector<16xi32>], vector<16xf32>,
        %mul3A_1741 = arith.mulf %gather3A_1736, %gather3A : vector<16xf32>
        %mul3A_1742 = arith.mulf %gather3A_1740, %gather3A_1403 : vector<16xf32>
        %add3A_1743 = arith.addf %mul3A_1741, %mul3A_1742 : vector<16xf32>
        %swap3A_1744 = arith.constant 272 : index
        %swap3A_1745 = tpu.vector_load %arg16[%swap3A_1744] {strides = array<i32>} : memref<1280xf32, #tpu.memory_space<vmem>>, vector<16xf32>,
        tpu.vector_store %arg16[%swap3A_1744], %add3A_1743 {strides = array<i32>} : memref<1280xf32, #tpu.memory_space<vmem>>, vector<16xf32>,
        %mul3A_1746 = arith.constant 80 : i32
        %mul3A_1747 = arith.muli %scan3A_1359, %mul3A_1746 : i32
        %add3A_1748 = arith.constant 18 : i32
        %add3A_1749 = arith.addi %mul3A_1747, %add3A_1748 : i32
        %broadcast_in_dim3A_1750 = vector.broadcast %add3A_1749 : i32 to vector<16xi32>
        %slice3A_1751 = vector.extract_strided_slice %get3A_1375 {offsets = [2], sizes = [1], strides = [1]} : vector<16xi32> to vector<1xi32>
        %squeeze3A_1752 = vector.extract %slice3A_1751[0] : i32 from vector<1xi32>
        %broadcast_in_dim3A_1753 = vector.broadcast %squeeze3A_1752 : i32 to vector<16xi32>
        %add3A_1754 = arith.addi %broadcast_in_dim3A_1753, %iota3A : vector<16xi32>
        %gather3A_1755 = tpu.vector_load_idx %arg14[%broadcast_in_dim3A_1750, %add3A_1754] : memref<640x128xf32, #tpu.memory_space<vmem>>[vector<16xi32>, vector<16xi32>], vector<16xf32>,
        %add3A_1756 = arith.constant 16 : i32
        %add3A_1757 = vector.broadcast %add3A_1756 : i32 to vector<16xi32>
        %add3A_1758 = arith.addi %add3A_1754, %add3A_1757 : vector<16xi32>
        %gather3A_1759 = tpu.vector_load_idx %arg14[%broadcast_in_dim3A_1750, %add3A_1758] : memref<640x128xf32, #tpu.memory_space<vmem>>[vector<16xi32>, vector<16xi32>], vector<16xf32>,
        %mul3A_1760 = arith.mulf %gather3A_1755, %gather3A : vector<16xf32>
        %mul3A_1761 = arith.mulf %gather3A_1759, %gather3A_1403 : vector<16xf32>
        %add3A_1762 = arith.addf %mul3A_1760, %mul3A_1761 : vector<16xf32>
        %swap3A_1763 = arith.constant 288 : index
        %swap3A_1764 = tpu.vector_load %arg16[%swap3A_1763] {strides = array<i32>} : memref<1280xf32, #tpu.memory_space<vmem>>, vector<16xf32>,
        tpu.vector_store %arg16[%swap3A_1763], %add3A_1762 {strides = array<i32>} : memref<1280xf32, #tpu.memory_space<vmem>>, vector<16xf32>,
        %mul3A_1765 = arith.constant 80 : i32
        %mul3A_1766 = arith.muli %scan3A_1359, %mul3A_1765 : i32
        %add3A_1767 = arith.constant 19 : i32
        %add3A_1768 = arith.addi %mul3A_1766, %add3A_1767 : i32
        %broadcast_in_dim3A_1769 = vector.broadcast %add3A_1768 : i32 to vector<16xi32>
        %slice3A_1770 = vector.extract_strided_slice %get3A_1375 {offsets = [3], sizes = [1], strides = [1]} : vector<16xi32> to vector<1xi32>
        %squeeze3A_1771 = vector.extract %slice3A_1770[0] : i32 from vector<1xi32>
        %broadcast_in_dim3A_1772 = vector.broadcast %squeeze3A_1771 : i32 to vector<16xi32>
        %add3A_1773 = arith.addi %broadcast_in_dim3A_1772, %iota3A : vector<16xi32>
        %gather3A_1774 = tpu.vector_load_idx %arg14[%broadcast_in_dim3A_1769, %add3A_1773] : memref<640x128xf32, #tpu.memory_space<vmem>>[vector<16xi32>, vector<16xi32>], vector<16xf32>,
        %add3A_1775 = arith.constant 16 : i32
        %add3A_1776 = vector.broadcast %add3A_1775 : i32 to vector<16xi32>
        %add3A_1777 = arith.addi %add3A_1773, %add3A_1776 : vector<16xi32>
        %gather3A_1778 = tpu.vector_load_idx %arg14[%broadcast_in_dim3A_1769, %add3A_1777] : memref<640x128xf32, #tpu.memory_space<vmem>>[vector<16xi32>, vector<16xi32>], vector<16xf32>,
        %mul3A_1779 = arith.mulf %gather3A_1774, %gather3A : vector<16xf32>
        %mul3A_1780 = arith.mulf %gather3A_1778, %gather3A_1403 : vector<16xf32>
        %add3A_1781 = arith.addf %mul3A_1779, %mul3A_1780 : vector<16xf32>
        %swap3A_1782 = arith.constant 304 : index
        %swap3A_1783 = tpu.vector_load %arg16[%swap3A_1782] {strides = array<i32>} : memref<1280xf32, #tpu.memory_space<vmem>>, vector<16xf32>,
        tpu.vector_store %arg16[%swap3A_1782], %add3A_1781 {strides = array<i32>} : memref<1280xf32, #tpu.memory_space<vmem>>, vector<16xf32>,
        %mul3A_1784 = arith.constant 4 : i32
        %mul3A_1785 = arith.muli %scan3A_1359, %mul3A_1784 : i32
        %add3A_1786 = arith.constant 1 : i32
        %add3A_1787 = arith.addi %mul3A_1785, %add3A_1786 : i32
        %broadcast_in_dim3A_1788 = vector.broadcast %add3A_1787 : i32 to vector<16xi32>
        %slice3A_1789 = vector.extract_strided_slice %get3A_1363 {offsets = [1], sizes = [1], strides = [1]} : vector<16xi32> to vector<1xi32>
        %squeeze3A_1790 = vector.extract %slice3A_1789[0] : i32 from vector<1xi32>
        %broadcast_in_dim3A_1791 = vector.broadcast %squeeze3A_1790 : i32 to vector<16xi32>
        %add3A_1792 = arith.addi %broadcast_in_dim3A_1791, %iota3A : vector<16xi32>
        %gather3A_1793 = tpu.vector_load_idx %arg13[%broadcast_in_dim3A_1788, %add3A_1792] : memref<32x128xf32, #tpu.memory_space<vmem>>[vector<16xi32>, vector<16xi32>], vector<16xf32>,
        %add3A_1794 = arith.constant 16 : i32
        %add3A_1795 = vector.broadcast %add3A_1794 : i32 to vector<16xi32>
        %add3A_1796 = arith.addi %add3A_1792, %add3A_1795 : vector<16xi32>
        %gather3A_1797 = tpu.vector_load_idx %arg13[%broadcast_in_dim3A_1788, %add3A_1796] : memref<32x128xf32, #tpu.memory_space<vmem>>[vector<16xi32>, vector<16xi32>], vector<16xf32>,
        %mul3A_1798 = arith.constant 80 : i32
        %mul3A_1799 = arith.muli %scan3A_1359, %mul3A_1798 : i32
        %add3A_1800 = arith.constant 20 : i32
        %add3A_1801 = arith.addi %mul3A_1799, %add3A_1800 : i32
        %broadcast_in_dim3A_1802 = vector.broadcast %add3A_1801 : i32 to vector<16xi32>
        %slice3A_1803 = vector.extract_strided_slice %get3A_1375 {offsets = [4], sizes = [1], strides = [1]} : vector<16xi32> to vector<1xi32>
        %squeeze3A_1804 = vector.extract %slice3A_1803[0] : i32 from vector<1xi32>
        %broadcast_in_dim3A_1805 = vector.broadcast %squeeze3A_1804 : i32 to vector<16xi32>
        %add3A_1806 = arith.addi %broadcast_in_dim3A_1805, %iota3A : vector<16xi32>
        %gather3A_1807 = tpu.vector_load_idx %arg14[%broadcast_in_dim3A_1802, %add3A_1806] : memref<640x128xf32, #tpu.memory_space<vmem>>[vector<16xi32>, vector<16xi32>], vector<16xf32>,
        %add3A_1808 = arith.constant 16 : i32
        %add3A_1809 = vector.broadcast %add3A_1808 : i32 to vector<16xi32>
        %add3A_1810 = arith.addi %add3A_1806, %add3A_1809 : vector<16xi32>
        %gather3A_1811 = tpu.vector_load_idx %arg14[%broadcast_in_dim3A_1802, %add3A_1810] : memref<640x128xf32, #tpu.memory_space<vmem>>[vector<16xi32>, vector<16xi32>], vector<16xf32>,
        %mul3A_1812 = arith.mulf %gather3A_1807, %gather3A_1793 : vector<16xf32>
        %mul3A_1813 = arith.mulf %gather3A_1811, %gather3A_1797 : vector<16xf32>
        %add3A_1814 = arith.addf %mul3A_1812, %mul3A_1813 : vector<16xf32>
        %swap3A_1815 = arith.constant 320 : index
        %swap3A_1816 = tpu.vector_load %arg16[%swap3A_1815] {strides = array<i32>} : memref<1280xf32, #tpu.memory_space<vmem>>, vector<16xf32>,
        tpu.vector_store %arg16[%swap3A_1815], %add3A_1814 {strides = array<i32>} : memref<1280xf32, #tpu.memory_space<vmem>>, vector<16xf32>,
        %mul3A_1817 = arith.constant 80 : i32
        %mul3A_1818 = arith.muli %scan3A_1359, %mul3A_1817 : i32
        %add3A_1819 = arith.constant 21 : i32
        %add3A_1820 = arith.addi %mul3A_1818, %add3A_1819 : i32
        %broadcast_in_dim3A_1821 = vector.broadcast %add3A_1820 : i32 to vector<16xi32>
        %slice3A_1822 = vector.extract_strided_slice %get3A_1375 {offsets = [5], sizes = [1], strides = [1]} : vector<16xi32> to vector<1xi32>
        %squeeze3A_1823 = vector.extract %slice3A_1822[0] : i32 from vector<1xi32>
        %broadcast_in_dim3A_1824 = vector.broadcast %squeeze3A_1823 : i32 to vector<16xi32>
        %add3A_1825 = arith.addi %broadcast_in_dim3A_1824, %iota3A : vector<16xi32>
        %gather3A_1826 = tpu.vector_load_idx %arg14[%broadcast_in_dim3A_1821, %add3A_1825] : memref<640x128xf32, #tpu.memory_space<vmem>>[vector<16xi32>, vector<16xi32>], vector<16xf32>,
        %add3A_1827 = arith.constant 16 : i32
        %add3A_1828 = vector.broadcast %add3A_1827 : i32 to vector<16xi32>
        %add3A_1829 = arith.addi %add3A_1825, %add3A_1828 : vector<16xi32>
        %gather3A_1830 = tpu.vector_load_idx %arg14[%broadcast_in_dim3A_1821, %add3A_1829] : memref<640x128xf32, #tpu.memory_space<vmem>>[vector<16xi32>, vector<16xi32>], vector<16xf32>,
        %mul3A_1831 = arith.mulf %gather3A_1826, %gather3A_1793 : vector<16xf32>
        %mul3A_1832 = arith.mulf %gather3A_1830, %gather3A_1797 : vector<16xf32>
        %add3A_1833 = arith.addf %mul3A_1831, %mul3A_1832 : vector<16xf32>
        %swap3A_1834 = arith.constant 336 : index
        %swap3A_1835 = tpu.vector_load %arg16[%swap3A_1834] {strides = array<i32>} : memref<1280xf32, #tpu.memory_space<vmem>>, vector<16xf32>,
        tpu.vector_store %arg16[%swap3A_1834], %add3A_1833 {strides = array<i32>} : memref<1280xf32, #tpu.memory_space<vmem>>, vector<16xf32>,
        %mul3A_1836 = arith.constant 80 : i32
        %mul3A_1837 = arith.muli %scan3A_1359, %mul3A_1836 : i32
        %add3A_1838 = arith.constant 22 : i32
        %add3A_1839 = arith.addi %mul3A_1837, %add3A_1838 : i32
        %broadcast_in_dim3A_1840 = vector.broadcast %add3A_1839 : i32 to vector<16xi32>
        %slice3A_1841 = vector.extract_strided_slice %get3A_1375 {offsets = [6], sizes = [1], strides = [1]} : vector<16xi32> to vector<1xi32>
        %squeeze3A_1842 = vector.extract %slice3A_1841[0] : i32 from vector<1xi32>
        %broadcast_in_dim3A_1843 = vector.broadcast %squeeze3A_1842 : i32 to vector<16xi32>
        %add3A_1844 = arith.addi %broadcast_in_dim3A_1843, %iota3A : vector<16xi32>
        %gather3A_1845 = tpu.vector_load_idx %arg14[%broadcast_in_dim3A_1840, %add3A_1844] : memref<640x128xf32, #tpu.memory_space<vmem>>[vector<16xi32>, vector<16xi32>], vector<16xf32>,
        %add3A_1846 = arith.constant 16 : i32
        %add3A_1847 = vector.broadcast %add3A_1846 : i32 to vector<16xi32>
        %add3A_1848 = arith.addi %add3A_1844, %add3A_1847 : vector<16xi32>
        %gather3A_1849 = tpu.vector_load_idx %arg14[%broadcast_in_dim3A_1840, %add3A_1848] : memref<640x128xf32, #tpu.memory_space<vmem>>[vector<16xi32>, vector<16xi32>], vector<16xf32>,
        %mul3A_1850 = arith.mulf %gather3A_1845, %gather3A_1793 : vector<16xf32>
        %mul3A_1851 = arith.mulf %gather3A_1849, %gather3A_1797 : vector<16xf32>
        %add3A_1852 = arith.addf %mul3A_1850, %mul3A_1851 : vector<16xf32>
        %swap3A_1853 = arith.constant 352 : index
        %swap3A_1854 = tpu.vector_load %arg16[%swap3A_1853] {strides = array<i32>} : memref<1280xf32, #tpu.memory_space<vmem>>, vector<16xf32>,
        tpu.vector_store %arg16[%swap3A_1853], %add3A_1852 {strides = array<i32>} : memref<1280xf32, #tpu.memory_space<vmem>>, vector<16xf32>,
        %mul3A_1855 = arith.constant 80 : i32
        %mul3A_1856 = arith.muli %scan3A_1359, %mul3A_1855 : i32
        %add3A_1857 = arith.constant 23 : i32
        %add3A_1858 = arith.addi %mul3A_1856, %add3A_1857 : i32
        %broadcast_in_dim3A_1859 = vector.broadcast %add3A_1858 : i32 to vector<16xi32>
        %slice3A_1860 = vector.extract_strided_slice %get3A_1375 {offsets = [7], sizes = [1], strides = [1]} : vector<16xi32> to vector<1xi32>
        %squeeze3A_1861 = vector.extract %slice3A_1860[0] : i32 from vector<1xi32>
        %broadcast_in_dim3A_1862 = vector.broadcast %squeeze3A_1861 : i32 to vector<16xi32>
        %add3A_1863 = arith.addi %broadcast_in_dim3A_1862, %iota3A : vector<16xi32>
        %gather3A_1864 = tpu.vector_load_idx %arg14[%broadcast_in_dim3A_1859, %add3A_1863] : memref<640x128xf32, #tpu.memory_space<vmem>>[vector<16xi32>, vector<16xi32>], vector<16xf32>,
        %add3A_1865 = arith.constant 16 : i32
        %add3A_1866 = vector.broadcast %add3A_1865 : i32 to vector<16xi32>
        %add3A_1867 = arith.addi %add3A_1863, %add3A_1866 : vector<16xi32>
        %gather3A_1868 = tpu.vector_load_idx %arg14[%broadcast_in_dim3A_1859, %add3A_1867] : memref<640x128xf32, #tpu.memory_space<vmem>>[vector<16xi32>, vector<16xi32>], vector<16xf32>,
        %mul3A_1869 = arith.mulf %gather3A_1864, %gather3A_1793 : vector<16xf32>
        %mul3A_1870 = arith.mulf %gather3A_1868, %gather3A_1797 : vector<16xf32>
        %add3A_1871 = arith.addf %mul3A_1869, %mul3A_1870 : vector<16xf32>
        %swap3A_1872 = arith.constant 368 : index
        %swap3A_1873 = tpu.vector_load %arg16[%swap3A_1872] {strides = array<i32>} : memref<1280xf32, #tpu.memory_space<vmem>>, vector<16xf32>,
        tpu.vector_store %arg16[%swap3A_1872], %add3A_1871 {strides = array<i32>} : memref<1280xf32, #tpu.memory_space<vmem>>, vector<16xf32>,
        %mul3A_1874 = arith.constant 80 : i32
        %mul3A_1875 = arith.muli %scan3A_1359, %mul3A_1874 : i32
        %add3A_1876 = arith.constant 24 : i32
        %add3A_1877 = arith.addi %mul3A_1875, %add3A_1876 : i32
        %broadcast_in_dim3A_1878 = vector.broadcast %add3A_1877 : i32 to vector<16xi32>
        %slice3A_1879 = vector.extract_strided_slice %get3A_1375 {offsets = [8], sizes = [1], strides = [1]} : vector<16xi32> to vector<1xi32>
        %squeeze3A_1880 = vector.extract %slice3A_1879[0] : i32 from vector<1xi32>
        %broadcast_in_dim3A_1881 = vector.broadcast %squeeze3A_1880 : i32 to vector<16xi32>
        %add3A_1882 = arith.addi %broadcast_in_dim3A_1881, %iota3A : vector<16xi32>
        %gather3A_1883 = tpu.vector_load_idx %arg14[%broadcast_in_dim3A_1878, %add3A_1882] : memref<640x128xf32, #tpu.memory_space<vmem>>[vector<16xi32>, vector<16xi32>], vector<16xf32>,
        %add3A_1884 = arith.constant 16 : i32
        %add3A_1885 = vector.broadcast %add3A_1884 : i32 to vector<16xi32>
        %add3A_1886 = arith.addi %add3A_1882, %add3A_1885 : vector<16xi32>
        %gather3A_1887 = tpu.vector_load_idx %arg14[%broadcast_in_dim3A_1878, %add3A_1886] : memref<640x128xf32, #tpu.memory_space<vmem>>[vector<16xi32>, vector<16xi32>], vector<16xf32>,
        %mul3A_1888 = arith.mulf %gather3A_1883, %gather3A_1793 : vector<16xf32>
        %mul3A_1889 = arith.mulf %gather3A_1887, %gather3A_1797 : vector<16xf32>
        %add3A_1890 = arith.addf %mul3A_1888, %mul3A_1889 : vector<16xf32>
        %swap3A_1891 = arith.constant 384 : index
        %swap3A_1892 = tpu.vector_load %arg16[%swap3A_1891] {strides = array<i32>} : memref<1280xf32, #tpu.memory_space<vmem>>, vector<16xf32>,
        tpu.vector_store %arg16[%swap3A_1891], %add3A_1890 {strides = array<i32>} : memref<1280xf32, #tpu.memory_space<vmem>>, vector<16xf32>,
        %mul3A_1893 = arith.constant 80 : i32
        %mul3A_1894 = arith.muli %scan3A_1359, %mul3A_1893 : i32
        %add3A_1895 = arith.constant 25 : i32
        %add3A_1896 = arith.addi %mul3A_1894, %add3A_1895 : i32
        %broadcast_in_dim3A_1897 = vector.broadcast %add3A_1896 : i32 to vector<16xi32>
        %slice3A_1898 = vector.extract_strided_slice %get3A_1375 {offsets = [9], sizes = [1], strides = [1]} : vector<16xi32> to vector<1xi32>
        %squeeze3A_1899 = vector.extract %slice3A_1898[0] : i32 from vector<1xi32>
        %broadcast_in_dim3A_1900 = vector.broadcast %squeeze3A_1899 : i32 to vector<16xi32>
        %add3A_1901 = arith.addi %broadcast_in_dim3A_1900, %iota3A : vector<16xi32>
        %gather3A_1902 = tpu.vector_load_idx %arg14[%broadcast_in_dim3A_1897, %add3A_1901] : memref<640x128xf32, #tpu.memory_space<vmem>>[vector<16xi32>, vector<16xi32>], vector<16xf32>,
        %add3A_1903 = arith.constant 16 : i32
        %add3A_1904 = vector.broadcast %add3A_1903 : i32 to vector<16xi32>
        %add3A_1905 = arith.addi %add3A_1901, %add3A_1904 : vector<16xi32>
        %gather3A_1906 = tpu.vector_load_idx %arg14[%broadcast_in_dim3A_1897, %add3A_1905] : memref<640x128xf32, #tpu.memory_space<vmem>>[vector<16xi32>, vector<16xi32>], vector<16xf32>,
        %mul3A_1907 = arith.mulf %gather3A_1902, %gather3A_1793 : vector<16xf32>
        %mul3A_1908 = arith.mulf %gather3A_1906, %gather3A_1797 : vector<16xf32>
        %add3A_1909 = arith.addf %mul3A_1907, %mul3A_1908 : vector<16xf32>
        %swap3A_1910 = arith.constant 400 : index
        %swap3A_1911 = tpu.vector_load %arg16[%swap3A_1910] {strides = array<i32>} : memref<1280xf32, #tpu.memory_space<vmem>>, vector<16xf32>,
        tpu.vector_store %arg16[%swap3A_1910], %add3A_1909 {strides = array<i32>} : memref<1280xf32, #tpu.memory_space<vmem>>, vector<16xf32>,
        %mul3A_1912 = arith.constant 80 : i32
        %mul3A_1913 = arith.muli %scan3A_1359, %mul3A_1912 : i32
        %add3A_1914 = arith.constant 26 : i32
        %add3A_1915 = arith.addi %mul3A_1913, %add3A_1914 : i32
        %broadcast_in_dim3A_1916 = vector.broadcast %add3A_1915 : i32 to vector<16xi32>
        %slice3A_1917 = vector.extract_strided_slice %get3A_1375 {offsets = [10], sizes = [1], strides = [1]} : vector<16xi32> to vector<1xi32>
        %squeeze3A_1918 = vector.extract %slice3A_1917[0] : i32 from vector<1xi32>
        %broadcast_in_dim3A_1919 = vector.broadcast %squeeze3A_1918 : i32 to vector<16xi32>
        %add3A_1920 = arith.addi %broadcast_in_dim3A_1919, %iota3A : vector<16xi32>
        %gather3A_1921 = tpu.vector_load_idx %arg14[%broadcast_in_dim3A_1916, %add3A_1920] : memref<640x128xf32, #tpu.memory_space<vmem>>[vector<16xi32>, vector<16xi32>], vector<16xf32>,
        %add3A_1922 = arith.constant 16 : i32
        %add3A_1923 = vector.broadcast %add3A_1922 : i32 to vector<16xi32>
        %add3A_1924 = arith.addi %add3A_1920, %add3A_1923 : vector<16xi32>
        %gather3A_1925 = tpu.vector_load_idx %arg14[%broadcast_in_dim3A_1916, %add3A_1924] : memref<640x128xf32, #tpu.memory_space<vmem>>[vector<16xi32>, vector<16xi32>], vector<16xf32>,
        %mul3A_1926 = arith.mulf %gather3A_1921, %gather3A_1793 : vector<16xf32>
        %mul3A_1927 = arith.mulf %gather3A_1925, %gather3A_1797 : vector<16xf32>
        %add3A_1928 = arith.addf %mul3A_1926, %mul3A_1927 : vector<16xf32>
        %swap3A_1929 = arith.constant 416 : index
        %swap3A_1930 = tpu.vector_load %arg16[%swap3A_1929] {strides = array<i32>} : memref<1280xf32, #tpu.memory_space<vmem>>, vector<16xf32>,
        tpu.vector_store %arg16[%swap3A_1929], %add3A_1928 {strides = array<i32>} : memref<1280xf32, #tpu.memory_space<vmem>>, vector<16xf32>,
        %mul3A_1931 = arith.constant 80 : i32
        %mul3A_1932 = arith.muli %scan3A_1359, %mul3A_1931 : i32
        %add3A_1933 = arith.constant 27 : i32
        %add3A_1934 = arith.addi %mul3A_1932, %add3A_1933 : i32
        %broadcast_in_dim3A_1935 = vector.broadcast %add3A_1934 : i32 to vector<16xi32>
        %slice3A_1936 = vector.extract_strided_slice %get3A_1375 {offsets = [11], sizes = [1], strides = [1]} : vector<16xi32> to vector<1xi32>
        %squeeze3A_1937 = vector.extract %slice3A_1936[0] : i32 from vector<1xi32>
        %broadcast_in_dim3A_1938 = vector.broadcast %squeeze3A_1937 : i32 to vector<16xi32>
        %add3A_1939 = arith.addi %broadcast_in_dim3A_1938, %iota3A : vector<16xi32>
        %gather3A_1940 = tpu.vector_load_idx %arg14[%broadcast_in_dim3A_1935, %add3A_1939] : memref<640x128xf32, #tpu.memory_space<vmem>>[vector<16xi32>, vector<16xi32>], vector<16xf32>,
        %add3A_1941 = arith.constant 16 : i32
        %add3A_1942 = vector.broadcast %add3A_1941 : i32 to vector<16xi32>
        %add3A_1943 = arith.addi %add3A_1939, %add3A_1942 : vector<16xi32>
        %gather3A_1944 = tpu.vector_load_idx %arg14[%broadcast_in_dim3A_1935, %add3A_1943] : memref<640x128xf32, #tpu.memory_space<vmem>>[vector<16xi32>, vector<16xi32>], vector<16xf32>,
        %mul3A_1945 = arith.mulf %gather3A_1940, %gather3A_1793 : vector<16xf32>
        %mul3A_1946 = arith.mulf %gather3A_1944, %gather3A_1797 : vector<16xf32>
        %add3A_1947 = arith.addf %mul3A_1945, %mul3A_1946 : vector<16xf32>
        %swap3A_1948 = arith.constant 432 : index
        %swap3A_1949 = tpu.vector_load %arg16[%swap3A_1948] {strides = array<i32>} : memref<1280xf32, #tpu.memory_space<vmem>>, vector<16xf32>,
        tpu.vector_store %arg16[%swap3A_1948], %add3A_1947 {strides = array<i32>} : memref<1280xf32, #tpu.memory_space<vmem>>, vector<16xf32>,
        %mul3A_1950 = arith.constant 80 : i32
        %mul3A_1951 = arith.muli %scan3A_1359, %mul3A_1950 : i32
        %add3A_1952 = arith.constant 28 : i32
        %add3A_1953 = arith.addi %mul3A_1951, %add3A_1952 : i32
        %broadcast_in_dim3A_1954 = vector.broadcast %add3A_1953 : i32 to vector<16xi32>
        %slice3A_1955 = vector.extract_strided_slice %get3A_1375 {offsets = [12], sizes = [1], strides = [1]} : vector<16xi32> to vector<1xi32>
        %squeeze3A_1956 = vector.extract %slice3A_1955[0] : i32 from vector<1xi32>
        %broadcast_in_dim3A_1957 = vector.broadcast %squeeze3A_1956 : i32 to vector<16xi32>
        %add3A_1958 = arith.addi %broadcast_in_dim3A_1957, %iota3A : vector<16xi32>
        %gather3A_1959 = tpu.vector_load_idx %arg14[%broadcast_in_dim3A_1954, %add3A_1958] : memref<640x128xf32, #tpu.memory_space<vmem>>[vector<16xi32>, vector<16xi32>], vector<16xf32>,
        %add3A_1960 = arith.constant 16 : i32
        %add3A_1961 = vector.broadcast %add3A_1960 : i32 to vector<16xi32>
        %add3A_1962 = arith.addi %add3A_1958, %add3A_1961 : vector<16xi32>
        %gather3A_1963 = tpu.vector_load_idx %arg14[%broadcast_in_dim3A_1954, %add3A_1962] : memref<640x128xf32, #tpu.memory_space<vmem>>[vector<16xi32>, vector<16xi32>], vector<16xf32>,
        %mul3A_1964 = arith.mulf %gather3A_1959, %gather3A_1793 : vector<16xf32>
        %mul3A_1965 = arith.mulf %gather3A_1963, %gather3A_1797 : vector<16xf32>
        %add3A_1966 = arith.addf %mul3A_1964, %mul3A_1965 : vector<16xf32>
        %swap3A_1967 = arith.constant 448 : index
        %swap3A_1968 = tpu.vector_load %arg16[%swap3A_1967] {strides = array<i32>} : memref<1280xf32, #tpu.memory_space<vmem>>, vector<16xf32>,
        tpu.vector_store %arg16[%swap3A_1967], %add3A_1966 {strides = array<i32>} : memref<1280xf32, #tpu.memory_space<vmem>>, vector<16xf32>,
        %mul3A_1969 = arith.constant 80 : i32
        %mul3A_1970 = arith.muli %scan3A_1359, %mul3A_1969 : i32
        %add3A_1971 = arith.constant 29 : i32
        %add3A_1972 = arith.addi %mul3A_1970, %add3A_1971 : i32
        %broadcast_in_dim3A_1973 = vector.broadcast %add3A_1972 : i32 to vector<16xi32>
        %slice3A_1974 = vector.extract_strided_slice %get3A_1375 {offsets = [13], sizes = [1], strides = [1]} : vector<16xi32> to vector<1xi32>
        %squeeze3A_1975 = vector.extract %slice3A_1974[0] : i32 from vector<1xi32>
        %broadcast_in_dim3A_1976 = vector.broadcast %squeeze3A_1975 : i32 to vector<16xi32>
        %add3A_1977 = arith.addi %broadcast_in_dim3A_1976, %iota3A : vector<16xi32>
        %gather3A_1978 = tpu.vector_load_idx %arg14[%broadcast_in_dim3A_1973, %add3A_1977] : memref<640x128xf32, #tpu.memory_space<vmem>>[vector<16xi32>, vector<16xi32>], vector<16xf32>,
        %add3A_1979 = arith.constant 16 : i32
        %add3A_1980 = vector.broadcast %add3A_1979 : i32 to vector<16xi32>
        %add3A_1981 = arith.addi %add3A_1977, %add3A_1980 : vector<16xi32>
        %gather3A_1982 = tpu.vector_load_idx %arg14[%broadcast_in_dim3A_1973, %add3A_1981] : memref<640x128xf32, #tpu.memory_space<vmem>>[vector<16xi32>, vector<16xi32>], vector<16xf32>,
        %mul3A_1983 = arith.mulf %gather3A_1978, %gather3A_1793 : vector<16xf32>
        %mul3A_1984 = arith.mulf %gather3A_1982, %gather3A_1797 : vector<16xf32>
        %add3A_1985 = arith.addf %mul3A_1983, %mul3A_1984 : vector<16xf32>
        %swap3A_1986 = arith.constant 464 : index
        %swap3A_1987 = tpu.vector_load %arg16[%swap3A_1986] {strides = array<i32>} : memref<1280xf32, #tpu.memory_space<vmem>>, vector<16xf32>,
        tpu.vector_store %arg16[%swap3A_1986], %add3A_1985 {strides = array<i32>} : memref<1280xf32, #tpu.memory_space<vmem>>, vector<16xf32>,
        %mul3A_1988 = arith.constant 80 : i32
        %mul3A_1989 = arith.muli %scan3A_1359, %mul3A_1988 : i32
        %add3A_1990 = arith.constant 30 : i32
        %add3A_1991 = arith.addi %mul3A_1989, %add3A_1990 : i32
        %broadcast_in_dim3A_1992 = vector.broadcast %add3A_1991 : i32 to vector<16xi32>
        %slice3A_1993 = vector.extract_strided_slice %get3A_1375 {offsets = [14], sizes = [1], strides = [1]} : vector<16xi32> to vector<1xi32>
        %squeeze3A_1994 = vector.extract %slice3A_1993[0] : i32 from vector<1xi32>
        %broadcast_in_dim3A_1995 = vector.broadcast %squeeze3A_1994 : i32 to vector<16xi32>
        %add3A_1996 = arith.addi %broadcast_in_dim3A_1995, %iota3A : vector<16xi32>
        %gather3A_1997 = tpu.vector_load_idx %arg14[%broadcast_in_dim3A_1992, %add3A_1996] : memref<640x128xf32, #tpu.memory_space<vmem>>[vector<16xi32>, vector<16xi32>], vector<16xf32>,
        %add3A_1998 = arith.constant 16 : i32
        %add3A_1999 = vector.broadcast %add3A_1998 : i32 to vector<16xi32>
        %add3A_2000 = arith.addi %add3A_1996, %add3A_1999 : vector<16xi32>
        %gather3A_2001 = tpu.vector_load_idx %arg14[%broadcast_in_dim3A_1992, %add3A_2000] : memref<640x128xf32, #tpu.memory_space<vmem>>[vector<16xi32>, vector<16xi32>], vector<16xf32>,
        %mul3A_2002 = arith.mulf %gather3A_1997, %gather3A_1793 : vector<16xf32>
        %mul3A_2003 = arith.mulf %gather3A_2001, %gather3A_1797 : vector<16xf32>
        %add3A_2004 = arith.addf %mul3A_2002, %mul3A_2003 : vector<16xf32>
        %swap3A_2005 = arith.constant 480 : index
        %swap3A_2006 = tpu.vector_load %arg16[%swap3A_2005] {strides = array<i32>} : memref<1280xf32, #tpu.memory_space<vmem>>, vector<16xf32>,
        tpu.vector_store %arg16[%swap3A_2005], %add3A_2004 {strides = array<i32>} : memref<1280xf32, #tpu.memory_space<vmem>>, vector<16xf32>,
        %mul3A_2007 = arith.constant 80 : i32
        %mul3A_2008 = arith.muli %scan3A_1359, %mul3A_2007 : i32
        %add3A_2009 = arith.constant 31 : i32
        %add3A_2010 = arith.addi %mul3A_2008, %add3A_2009 : i32
        %broadcast_in_dim3A_2011 = vector.broadcast %add3A_2010 : i32 to vector<16xi32>
        %slice3A_2012 = vector.extract_strided_slice %get3A_1375 {offsets = [15], sizes = [1], strides = [1]} : vector<16xi32> to vector<1xi32>
        %squeeze3A_2013 = vector.extract %slice3A_2012[0] : i32 from vector<1xi32>
        %broadcast_in_dim3A_2014 = vector.broadcast %squeeze3A_2013 : i32 to vector<16xi32>
        %add3A_2015 = arith.addi %broadcast_in_dim3A_2014, %iota3A : vector<16xi32>
        %gather3A_2016 = tpu.vector_load_idx %arg14[%broadcast_in_dim3A_2011, %add3A_2015] : memref<640x128xf32, #tpu.memory_space<vmem>>[vector<16xi32>, vector<16xi32>], vector<16xf32>,
        %add3A_2017 = arith.constant 16 : i32
        %add3A_2018 = vector.broadcast %add3A_2017 : i32 to vector<16xi32>
        %add3A_2019 = arith.addi %add3A_2015, %add3A_2018 : vector<16xi32>
        %gather3A_2020 = tpu.vector_load_idx %arg14[%broadcast_in_dim3A_2011, %add3A_2019] : memref<640x128xf32, #tpu.memory_space<vmem>>[vector<16xi32>, vector<16xi32>], vector<16xf32>,
        %mul3A_2021 = arith.mulf %gather3A_2016, %gather3A_1793 : vector<16xf32>
        %mul3A_2022 = arith.mulf %gather3A_2020, %gather3A_1797 : vector<16xf32>
        %add3A_2023 = arith.addf %mul3A_2021, %mul3A_2022 : vector<16xf32>
        %swap3A_2024 = arith.constant 496 : index
        %swap3A_2025 = tpu.vector_load %arg16[%swap3A_2024] {strides = array<i32>} : memref<1280xf32, #tpu.memory_space<vmem>>, vector<16xf32>,
        tpu.vector_store %arg16[%swap3A_2024], %add3A_2023 {strides = array<i32>} : memref<1280xf32, #tpu.memory_space<vmem>>, vector<16xf32>,
        %mul3A_2026 = arith.constant 80 : i32
        %mul3A_2027 = arith.muli %scan3A_1359, %mul3A_2026 : i32
        %add3A_2028 = arith.constant 32 : i32
        %add3A_2029 = arith.addi %mul3A_2027, %add3A_2028 : i32
        %broadcast_in_dim3A_2030 = vector.broadcast %add3A_2029 : i32 to vector<16xi32>
        %slice3A_2031 = vector.extract_strided_slice %get3A_1381 {offsets = [0], sizes = [1], strides = [1]} : vector<16xi32> to vector<1xi32>
        %squeeze3A_2032 = vector.extract %slice3A_2031[0] : i32 from vector<1xi32>
        %broadcast_in_dim3A_2033 = vector.broadcast %squeeze3A_2032 : i32 to vector<16xi32>
        %add3A_2034 = arith.addi %broadcast_in_dim3A_2033, %iota3A : vector<16xi32>
        %gather3A_2035 = tpu.vector_load_idx %arg14[%broadcast_in_dim3A_2030, %add3A_2034] : memref<640x128xf32, #tpu.memory_space<vmem>>[vector<16xi32>, vector<16xi32>], vector<16xf32>,
        %add3A_2036 = arith.constant 16 : i32
        %add3A_2037 = vector.broadcast %add3A_2036 : i32 to vector<16xi32>
        %add3A_2038 = arith.addi %add3A_2034, %add3A_2037 : vector<16xi32>
        %gather3A_2039 = tpu.vector_load_idx %arg14[%broadcast_in_dim3A_2030, %add3A_2038] : memref<640x128xf32, #tpu.memory_space<vmem>>[vector<16xi32>, vector<16xi32>], vector<16xf32>,
        %mul3A_2040 = arith.mulf %gather3A_2035, %gather3A_1793 : vector<16xf32>
        %mul3A_2041 = arith.mulf %gather3A_2039, %gather3A_1797 : vector<16xf32>
        %add3A_2042 = arith.addf %mul3A_2040, %mul3A_2041 : vector<16xf32>
        %swap3A_2043 = arith.constant 512 : index
        %swap3A_2044 = tpu.vector_load %arg16[%swap3A_2043] {strides = array<i32>} : memref<1280xf32, #tpu.memory_space<vmem>>, vector<16xf32>,
        tpu.vector_store %arg16[%swap3A_2043], %add3A_2042 {strides = array<i32>} : memref<1280xf32, #tpu.memory_space<vmem>>, vector<16xf32>,
        %mul3A_2045 = arith.constant 80 : i32
        %mul3A_2046 = arith.muli %scan3A_1359, %mul3A_2045 : i32
        %add3A_2047 = arith.constant 33 : i32
        %add3A_2048 = arith.addi %mul3A_2046, %add3A_2047 : i32
        %broadcast_in_dim3A_2049 = vector.broadcast %add3A_2048 : i32 to vector<16xi32>
        %slice3A_2050 = vector.extract_strided_slice %get3A_1381 {offsets = [1], sizes = [1], strides = [1]} : vector<16xi32> to vector<1xi32>
        %squeeze3A_2051 = vector.extract %slice3A_2050[0] : i32 from vector<1xi32>
        %broadcast_in_dim3A_2052 = vector.broadcast %squeeze3A_2051 : i32 to vector<16xi32>
        %add3A_2053 = arith.addi %broadcast_in_dim3A_2052, %iota3A : vector<16xi32>
        %gather3A_2054 = tpu.vector_load_idx %arg14[%broadcast_in_dim3A_2049, %add3A_2053] : memref<640x128xf32, #tpu.memory_space<vmem>>[vector<16xi32>, vector<16xi32>], vector<16xf32>,
        %add3A_2055 = arith.constant 16 : i32
        %add3A_2056 = vector.broadcast %add3A_2055 : i32 to vector<16xi32>
        %add3A_2057 = arith.addi %add3A_2053, %add3A_2056 : vector<16xi32>
        %gather3A_2058 = tpu.vector_load_idx %arg14[%broadcast_in_dim3A_2049, %add3A_2057] : memref<640x128xf32, #tpu.memory_space<vmem>>[vector<16xi32>, vector<16xi32>], vector<16xf32>,
        %mul3A_2059 = arith.mulf %gather3A_2054, %gather3A_1793 : vector<16xf32>
        %mul3A_2060 = arith.mulf %gather3A_2058, %gather3A_1797 : vector<16xf32>
        %add3A_2061 = arith.addf %mul3A_2059, %mul3A_2060 : vector<16xf32>
        %swap3A_2062 = arith.constant 528 : index
        %swap3A_2063 = tpu.vector_load %arg16[%swap3A_2062] {strides = array<i32>} : memref<1280xf32, #tpu.memory_space<vmem>>, vector<16xf32>,
        tpu.vector_store %arg16[%swap3A_2062], %add3A_2061 {strides = array<i32>} : memref<1280xf32, #tpu.memory_space<vmem>>, vector<16xf32>,
        %mul3A_2064 = arith.constant 80 : i32
        %mul3A_2065 = arith.muli %scan3A_1359, %mul3A_2064 : i32
        %add3A_2066 = arith.constant 34 : i32
        %add3A_2067 = arith.addi %mul3A_2065, %add3A_2066 : i32
        %broadcast_in_dim3A_2068 = vector.broadcast %add3A_2067 : i32 to vector<16xi32>
        %slice3A_2069 = vector.extract_strided_slice %get3A_1381 {offsets = [2], sizes = [1], strides = [1]} : vector<16xi32> to vector<1xi32>
        %squeeze3A_2070 = vector.extract %slice3A_2069[0] : i32 from vector<1xi32>
        %broadcast_in_dim3A_2071 = vector.broadcast %squeeze3A_2070 : i32 to vector<16xi32>
        %add3A_2072 = arith.addi %broadcast_in_dim3A_2071, %iota3A : vector<16xi32>
        %gather3A_2073 = tpu.vector_load_idx %arg14[%broadcast_in_dim3A_2068, %add3A_2072] : memref<640x128xf32, #tpu.memory_space<vmem>>[vector<16xi32>, vector<16xi32>], vector<16xf32>,
        %add3A_2074 = arith.constant 16 : i32
        %add3A_2075 = vector.broadcast %add3A_2074 : i32 to vector<16xi32>
        %add3A_2076 = arith.addi %add3A_2072, %add3A_2075 : vector<16xi32>
        %gather3A_2077 = tpu.vector_load_idx %arg14[%broadcast_in_dim3A_2068, %add3A_2076] : memref<640x128xf32, #tpu.memory_space<vmem>>[vector<16xi32>, vector<16xi32>], vector<16xf32>,
        %mul3A_2078 = arith.mulf %gather3A_2073, %gather3A_1793 : vector<16xf32>
        %mul3A_2079 = arith.mulf %gather3A_2077, %gather3A_1797 : vector<16xf32>
        %add3A_2080 = arith.addf %mul3A_2078, %mul3A_2079 : vector<16xf32>
        %swap3A_2081 = arith.constant 544 : index
        %swap3A_2082 = tpu.vector_load %arg16[%swap3A_2081] {strides = array<i32>} : memref<1280xf32, #tpu.memory_space<vmem>>, vector<16xf32>,
        tpu.vector_store %arg16[%swap3A_2081], %add3A_2080 {strides = array<i32>} : memref<1280xf32, #tpu.memory_space<vmem>>, vector<16xf32>,
        %mul3A_2083 = arith.constant 80 : i32
        %mul3A_2084 = arith.muli %scan3A_1359, %mul3A_2083 : i32
        %add3A_2085 = arith.constant 35 : i32
        %add3A_2086 = arith.addi %mul3A_2084, %add3A_2085 : i32
        %broadcast_in_dim3A_2087 = vector.broadcast %add3A_2086 : i32 to vector<16xi32>
        %slice3A_2088 = vector.extract_strided_slice %get3A_1381 {offsets = [3], sizes = [1], strides = [1]} : vector<16xi32> to vector<1xi32>
        %squeeze3A_2089 = vector.extract %slice3A_2088[0] : i32 from vector<1xi32>
        %broadcast_in_dim3A_2090 = vector.broadcast %squeeze3A_2089 : i32 to vector<16xi32>
        %add3A_2091 = arith.addi %broadcast_in_dim3A_2090, %iota3A : vector<16xi32>
        %gather3A_2092 = tpu.vector_load_idx %arg14[%broadcast_in_dim3A_2087, %add3A_2091] : memref<640x128xf32, #tpu.memory_space<vmem>>[vector<16xi32>, vector<16xi32>], vector<16xf32>,
        %add3A_2093 = arith.constant 16 : i32
        %add3A_2094 = vector.broadcast %add3A_2093 : i32 to vector<16xi32>
        %add3A_2095 = arith.addi %add3A_2091, %add3A_2094 : vector<16xi32>
        %gather3A_2096 = tpu.vector_load_idx %arg14[%broadcast_in_dim3A_2087, %add3A_2095] : memref<640x128xf32, #tpu.memory_space<vmem>>[vector<16xi32>, vector<16xi32>], vector<16xf32>,
        %mul3A_2097 = arith.mulf %gather3A_2092, %gather3A_1793 : vector<16xf32>
        %mul3A_2098 = arith.mulf %gather3A_2096, %gather3A_1797 : vector<16xf32>
        %add3A_2099 = arith.addf %mul3A_2097, %mul3A_2098 : vector<16xf32>
        %swap3A_2100 = arith.constant 560 : index
        %swap3A_2101 = tpu.vector_load %arg16[%swap3A_2100] {strides = array<i32>} : memref<1280xf32, #tpu.memory_space<vmem>>, vector<16xf32>,
        tpu.vector_store %arg16[%swap3A_2100], %add3A_2099 {strides = array<i32>} : memref<1280xf32, #tpu.memory_space<vmem>>, vector<16xf32>,
        %mul3A_2102 = arith.constant 80 : i32
        %mul3A_2103 = arith.muli %scan3A_1359, %mul3A_2102 : i32
        %add3A_2104 = arith.constant 36 : i32
        %add3A_2105 = arith.addi %mul3A_2103, %add3A_2104 : i32
        %broadcast_in_dim3A_2106 = vector.broadcast %add3A_2105 : i32 to vector<16xi32>
        %slice3A_2107 = vector.extract_strided_slice %get3A_1381 {offsets = [4], sizes = [1], strides = [1]} : vector<16xi32> to vector<1xi32>
        %squeeze3A_2108 = vector.extract %slice3A_2107[0] : i32 from vector<1xi32>
        %broadcast_in_dim3A_2109 = vector.broadcast %squeeze3A_2108 : i32 to vector<16xi32>
        %add3A_2110 = arith.addi %broadcast_in_dim3A_2109, %iota3A : vector<16xi32>
        %gather3A_2111 = tpu.vector_load_idx %arg14[%broadcast_in_dim3A_2106, %add3A_2110] : memref<640x128xf32, #tpu.memory_space<vmem>>[vector<16xi32>, vector<16xi32>], vector<16xf32>,
        %add3A_2112 = arith.constant 16 : i32
        %add3A_2113 = vector.broadcast %add3A_2112 : i32 to vector<16xi32>
        %add3A_2114 = arith.addi %add3A_2110, %add3A_2113 : vector<16xi32>
        %gather3A_2115 = tpu.vector_load_idx %arg14[%broadcast_in_dim3A_2106, %add3A_2114] : memref<640x128xf32, #tpu.memory_space<vmem>>[vector<16xi32>, vector<16xi32>], vector<16xf32>,
        %mul3A_2116 = arith.mulf %gather3A_2111, %gather3A_1793 : vector<16xf32>
        %mul3A_2117 = arith.mulf %gather3A_2115, %gather3A_1797 : vector<16xf32>
        %add3A_2118 = arith.addf %mul3A_2116, %mul3A_2117 : vector<16xf32>
        %swap3A_2119 = arith.constant 576 : index
        %swap3A_2120 = tpu.vector_load %arg16[%swap3A_2119] {strides = array<i32>} : memref<1280xf32, #tpu.memory_space<vmem>>, vector<16xf32>,
        tpu.vector_store %arg16[%swap3A_2119], %add3A_2118 {strides = array<i32>} : memref<1280xf32, #tpu.memory_space<vmem>>, vector<16xf32>,
        %mul3A_2121 = arith.constant 80 : i32
        %mul3A_2122 = arith.muli %scan3A_1359, %mul3A_2121 : i32
        %add3A_2123 = arith.constant 37 : i32
        %add3A_2124 = arith.addi %mul3A_2122, %add3A_2123 : i32
        %broadcast_in_dim3A_2125 = vector.broadcast %add3A_2124 : i32 to vector<16xi32>
        %slice3A_2126 = vector.extract_strided_slice %get3A_1381 {offsets = [5], sizes = [1], strides = [1]} : vector<16xi32> to vector<1xi32>
        %squeeze3A_2127 = vector.extract %slice3A_2126[0] : i32 from vector<1xi32>
        %broadcast_in_dim3A_2128 = vector.broadcast %squeeze3A_2127 : i32 to vector<16xi32>
        %add3A_2129 = arith.addi %broadcast_in_dim3A_2128, %iota3A : vector<16xi32>
        %gather3A_2130 = tpu.vector_load_idx %arg14[%broadcast_in_dim3A_2125, %add3A_2129] : memref<640x128xf32, #tpu.memory_space<vmem>>[vector<16xi32>, vector<16xi32>], vector<16xf32>,
        %add3A_2131 = arith.constant 16 : i32
        %add3A_2132 = vector.broadcast %add3A_2131 : i32 to vector<16xi32>
        %add3A_2133 = arith.addi %add3A_2129, %add3A_2132 : vector<16xi32>
        %gather3A_2134 = tpu.vector_load_idx %arg14[%broadcast_in_dim3A_2125, %add3A_2133] : memref<640x128xf32, #tpu.memory_space<vmem>>[vector<16xi32>, vector<16xi32>], vector<16xf32>,
        %mul3A_2135 = arith.mulf %gather3A_2130, %gather3A_1793 : vector<16xf32>
        %mul3A_2136 = arith.mulf %gather3A_2134, %gather3A_1797 : vector<16xf32>
        %add3A_2137 = arith.addf %mul3A_2135, %mul3A_2136 : vector<16xf32>
        %swap3A_2138 = arith.constant 592 : index
        %swap3A_2139 = tpu.vector_load %arg16[%swap3A_2138] {strides = array<i32>} : memref<1280xf32, #tpu.memory_space<vmem>>, vector<16xf32>,
        tpu.vector_store %arg16[%swap3A_2138], %add3A_2137 {strides = array<i32>} : memref<1280xf32, #tpu.memory_space<vmem>>, vector<16xf32>,
        %mul3A_2140 = arith.constant 80 : i32
        %mul3A_2141 = arith.muli %scan3A_1359, %mul3A_2140 : i32
        %add3A_2142 = arith.constant 38 : i32
        %add3A_2143 = arith.addi %mul3A_2141, %add3A_2142 : i32
        %broadcast_in_dim3A_2144 = vector.broadcast %add3A_2143 : i32 to vector<16xi32>
        %slice3A_2145 = vector.extract_strided_slice %get3A_1381 {offsets = [6], sizes = [1], strides = [1]} : vector<16xi32> to vector<1xi32>
        %squeeze3A_2146 = vector.extract %slice3A_2145[0] : i32 from vector<1xi32>
        %broadcast_in_dim3A_2147 = vector.broadcast %squeeze3A_2146 : i32 to vector<16xi32>
        %add3A_2148 = arith.addi %broadcast_in_dim3A_2147, %iota3A : vector<16xi32>
        %gather3A_2149 = tpu.vector_load_idx %arg14[%broadcast_in_dim3A_2144, %add3A_2148] : memref<640x128xf32, #tpu.memory_space<vmem>>[vector<16xi32>, vector<16xi32>], vector<16xf32>,
        %add3A_2150 = arith.constant 16 : i32
        %add3A_2151 = vector.broadcast %add3A_2150 : i32 to vector<16xi32>
        %add3A_2152 = arith.addi %add3A_2148, %add3A_2151 : vector<16xi32>
        %gather3A_2153 = tpu.vector_load_idx %arg14[%broadcast_in_dim3A_2144, %add3A_2152] : memref<640x128xf32, #tpu.memory_space<vmem>>[vector<16xi32>, vector<16xi32>], vector<16xf32>,
        %mul3A_2154 = arith.mulf %gather3A_2149, %gather3A_1793 : vector<16xf32>
        %mul3A_2155 = arith.mulf %gather3A_2153, %gather3A_1797 : vector<16xf32>
        %add3A_2156 = arith.addf %mul3A_2154, %mul3A_2155 : vector<16xf32>
        %swap3A_2157 = arith.constant 608 : index
        %swap3A_2158 = tpu.vector_load %arg16[%swap3A_2157] {strides = array<i32>} : memref<1280xf32, #tpu.memory_space<vmem>>, vector<16xf32>,
        tpu.vector_store %arg16[%swap3A_2157], %add3A_2156 {strides = array<i32>} : memref<1280xf32, #tpu.memory_space<vmem>>, vector<16xf32>,
        %mul3A_2159 = arith.constant 80 : i32
        %mul3A_2160 = arith.muli %scan3A_1359, %mul3A_2159 : i32
        %add3A_2161 = arith.constant 39 : i32
        %add3A_2162 = arith.addi %mul3A_2160, %add3A_2161 : i32
        %broadcast_in_dim3A_2163 = vector.broadcast %add3A_2162 : i32 to vector<16xi32>
        %slice3A_2164 = vector.extract_strided_slice %get3A_1381 {offsets = [7], sizes = [1], strides = [1]} : vector<16xi32> to vector<1xi32>
        %squeeze3A_2165 = vector.extract %slice3A_2164[0] : i32 from vector<1xi32>
        %broadcast_in_dim3A_2166 = vector.broadcast %squeeze3A_2165 : i32 to vector<16xi32>
        %add3A_2167 = arith.addi %broadcast_in_dim3A_2166, %iota3A : vector<16xi32>
        %gather3A_2168 = tpu.vector_load_idx %arg14[%broadcast_in_dim3A_2163, %add3A_2167] : memref<640x128xf32, #tpu.memory_space<vmem>>[vector<16xi32>, vector<16xi32>], vector<16xf32>,
        %add3A_2169 = arith.constant 16 : i32
        %add3A_2170 = vector.broadcast %add3A_2169 : i32 to vector<16xi32>
        %add3A_2171 = arith.addi %add3A_2167, %add3A_2170 : vector<16xi32>
        %gather3A_2172 = tpu.vector_load_idx %arg14[%broadcast_in_dim3A_2163, %add3A_2171] : memref<640x128xf32, #tpu.memory_space<vmem>>[vector<16xi32>, vector<16xi32>], vector<16xf32>,
        %mul3A_2173 = arith.mulf %gather3A_2168, %gather3A_1793 : vector<16xf32>
        %mul3A_2174 = arith.mulf %gather3A_2172, %gather3A_1797 : vector<16xf32>
        %add3A_2175 = arith.addf %mul3A_2173, %mul3A_2174 : vector<16xf32>
        %swap3A_2176 = arith.constant 624 : index
        %swap3A_2177 = tpu.vector_load %arg16[%swap3A_2176] {strides = array<i32>} : memref<1280xf32, #tpu.memory_space<vmem>>, vector<16xf32>,
        tpu.vector_store %arg16[%swap3A_2176], %add3A_2175 {strides = array<i32>} : memref<1280xf32, #tpu.memory_space<vmem>>, vector<16xf32>,
        %mul3A_2178 = arith.constant 4 : i32
        %mul3A_2179 = arith.muli %scan3A_1359, %mul3A_2178 : i32
        %add3A_2180 = arith.constant 2 : i32
        %add3A_2181 = arith.addi %mul3A_2179, %add3A_2180 : i32
        %broadcast_in_dim3A_2182 = vector.broadcast %add3A_2181 : i32 to vector<16xi32>
        %slice3A_2183 = vector.extract_strided_slice %get3A_1363 {offsets = [2], sizes = [1], strides = [1]} : vector<16xi32> to vector<1xi32>
        %squeeze3A_2184 = vector.extract %slice3A_2183[0] : i32 from vector<1xi32>
        %broadcast_in_dim3A_2185 = vector.broadcast %squeeze3A_2184 : i32 to vector<16xi32>
        %add3A_2186 = arith.addi %broadcast_in_dim3A_2185, %iota3A : vector<16xi32>
        %gather3A_2187 = tpu.vector_load_idx %arg13[%broadcast_in_dim3A_2182, %add3A_2186] : memref<32x128xf32, #tpu.memory_space<vmem>>[vector<16xi32>, vector<16xi32>], vector<16xf32>,
        %add3A_2188 = arith.constant 16 : i32
        %add3A_2189 = vector.broadcast %add3A_2188 : i32 to vector<16xi32>
        %add3A_2190 = arith.addi %add3A_2186, %add3A_2189 : vector<16xi32>
        %gather3A_2191 = tpu.vector_load_idx %arg13[%broadcast_in_dim3A_2182, %add3A_2190] : memref<32x128xf32, #tpu.memory_space<vmem>>[vector<16xi32>, vector<16xi32>], vector<16xf32>,
        %mul3A_2192 = arith.constant 80 : i32
        %mul3A_2193 = arith.muli %scan3A_1359, %mul3A_2192 : i32
        %add3A_2194 = arith.constant 40 : i32
        %add3A_2195 = arith.addi %mul3A_2193, %add3A_2194 : i32
        %broadcast_in_dim3A_2196 = vector.broadcast %add3A_2195 : i32 to vector<16xi32>
        %slice3A_2197 = vector.extract_strided_slice %get3A_1381 {offsets = [8], sizes = [1], strides = [1]} : vector<16xi32> to vector<1xi32>
        %squeeze3A_2198 = vector.extract %slice3A_2197[0] : i32 from vector<1xi32>
        %broadcast_in_dim3A_2199 = vector.broadcast %squeeze3A_2198 : i32 to vector<16xi32>
        %add3A_2200 = arith.addi %broadcast_in_dim3A_2199, %iota3A : vector<16xi32>
        %gather3A_2201 = tpu.vector_load_idx %arg14[%broadcast_in_dim3A_2196, %add3A_2200] : memref<640x128xf32, #tpu.memory_space<vmem>>[vector<16xi32>, vector<16xi32>], vector<16xf32>,
        %add3A_2202 = arith.constant 16 : i32
        %add3A_2203 = vector.broadcast %add3A_2202 : i32 to vector<16xi32>
        %add3A_2204 = arith.addi %add3A_2200, %add3A_2203 : vector<16xi32>
        %gather3A_2205 = tpu.vector_load_idx %arg14[%broadcast_in_dim3A_2196, %add3A_2204] : memref<640x128xf32, #tpu.memory_space<vmem>>[vector<16xi32>, vector<16xi32>], vector<16xf32>,
        %mul3A_2206 = arith.mulf %gather3A_2201, %gather3A_2187 : vector<16xf32>
        %mul3A_2207 = arith.mulf %gather3A_2205, %gather3A_2191 : vector<16xf32>
        %add3A_2208 = arith.addf %mul3A_2206, %mul3A_2207 : vector<16xf32>
        %swap3A_2209 = arith.constant 640 : index
        %swap3A_2210 = tpu.vector_load %arg16[%swap3A_2209] {strides = array<i32>} : memref<1280xf32, #tpu.memory_space<vmem>>, vector<16xf32>,
        tpu.vector_store %arg16[%swap3A_2209], %add3A_2208 {strides = array<i32>} : memref<1280xf32, #tpu.memory_space<vmem>>, vector<16xf32>,
        %mul3A_2211 = arith.constant 80 : i32
        %mul3A_2212 = arith.muli %scan3A_1359, %mul3A_2211 : i32
        %add3A_2213 = arith.constant 41 : i32
        %add3A_2214 = arith.addi %mul3A_2212, %add3A_2213 : i32
        %broadcast_in_dim3A_2215 = vector.broadcast %add3A_2214 : i32 to vector<16xi32>
        %slice3A_2216 = vector.extract_strided_slice %get3A_1381 {offsets = [9], sizes = [1], strides = [1]} : vector<16xi32> to vector<1xi32>
        %squeeze3A_2217 = vector.extract %slice3A_2216[0] : i32 from vector<1xi32>
        %broadcast_in_dim3A_2218 = vector.broadcast %squeeze3A_2217 : i32 to vector<16xi32>
        %add3A_2219 = arith.addi %broadcast_in_dim3A_2218, %iota3A : vector<16xi32>
        %gather3A_2220 = tpu.vector_load_idx %arg14[%broadcast_in_dim3A_2215, %add3A_2219] : memref<640x128xf32, #tpu.memory_space<vmem>>[vector<16xi32>, vector<16xi32>], vector<16xf32>,
        %add3A_2221 = arith.constant 16 : i32
        %add3A_2222 = vector.broadcast %add3A_2221 : i32 to vector<16xi32>
        %add3A_2223 = arith.addi %add3A_2219, %add3A_2222 : vector<16xi32>
        %gather3A_2224 = tpu.vector_load_idx %arg14[%broadcast_in_dim3A_2215, %add3A_2223] : memref<640x128xf32, #tpu.memory_space<vmem>>[vector<16xi32>, vector<16xi32>], vector<16xf32>,
        %mul3A_2225 = arith.mulf %gather3A_2220, %gather3A_2187 : vector<16xf32>
        %mul3A_2226 = arith.mulf %gather3A_2224, %gather3A_2191 : vector<16xf32>
        %add3A_2227 = arith.addf %mul3A_2225, %mul3A_2226 : vector<16xf32>
        %swap3A_2228 = arith.constant 656 : index
        %swap3A_2229 = tpu.vector_load %arg16[%swap3A_2228] {strides = array<i32>} : memref<1280xf32, #tpu.memory_space<vmem>>, vector<16xf32>,
        tpu.vector_store %arg16[%swap3A_2228], %add3A_2227 {strides = array<i32>} : memref<1280xf32, #tpu.memory_space<vmem>>, vector<16xf32>,
        %mul3A_2230 = arith.constant 80 : i32
        %mul3A_2231 = arith.muli %scan3A_1359, %mul3A_2230 : i32
        %add3A_2232 = arith.constant 42 : i32
        %add3A_2233 = arith.addi %mul3A_2231, %add3A_2232 : i32
        %broadcast_in_dim3A_2234 = vector.broadcast %add3A_2233 : i32 to vector<16xi32>
        %slice3A_2235 = vector.extract_strided_slice %get3A_1381 {offsets = [10], sizes = [1], strides = [1]} : vector<16xi32> to vector<1xi32>
        %squeeze3A_2236 = vector.extract %slice3A_2235[0] : i32 from vector<1xi32>
        %broadcast_in_dim3A_2237 = vector.broadcast %squeeze3A_2236 : i32 to vector<16xi32>
        %add3A_2238 = arith.addi %broadcast_in_dim3A_2237, %iota3A : vector<16xi32>
        %gather3A_2239 = tpu.vector_load_idx %arg14[%broadcast_in_dim3A_2234, %add3A_2238] : memref<640x128xf32, #tpu.memory_space<vmem>>[vector<16xi32>, vector<16xi32>], vector<16xf32>,
        %add3A_2240 = arith.constant 16 : i32
        %add3A_2241 = vector.broadcast %add3A_2240 : i32 to vector<16xi32>
        %add3A_2242 = arith.addi %add3A_2238, %add3A_2241 : vector<16xi32>
        %gather3A_2243 = tpu.vector_load_idx %arg14[%broadcast_in_dim3A_2234, %add3A_2242] : memref<640x128xf32, #tpu.memory_space<vmem>>[vector<16xi32>, vector<16xi32>], vector<16xf32>,
        %mul3A_2244 = arith.mulf %gather3A_2239, %gather3A_2187 : vector<16xf32>
        %mul3A_2245 = arith.mulf %gather3A_2243, %gather3A_2191 : vector<16xf32>
        %add3A_2246 = arith.addf %mul3A_2244, %mul3A_2245 : vector<16xf32>
        %swap3A_2247 = arith.constant 672 : index
        %swap3A_2248 = tpu.vector_load %arg16[%swap3A_2247] {strides = array<i32>} : memref<1280xf32, #tpu.memory_space<vmem>>, vector<16xf32>,
        tpu.vector_store %arg16[%swap3A_2247], %add3A_2246 {strides = array<i32>} : memref<1280xf32, #tpu.memory_space<vmem>>, vector<16xf32>,
        %mul3A_2249 = arith.constant 80 : i32
        %mul3A_2250 = arith.muli %scan3A_1359, %mul3A_2249 : i32
        %add3A_2251 = arith.constant 43 : i32
        %add3A_2252 = arith.addi %mul3A_2250, %add3A_2251 : i32
        %broadcast_in_dim3A_2253 = vector.broadcast %add3A_2252 : i32 to vector<16xi32>
        %slice3A_2254 = vector.extract_strided_slice %get3A_1381 {offsets = [11], sizes = [1], strides = [1]} : vector<16xi32> to vector<1xi32>
        %squeeze3A_2255 = vector.extract %slice3A_2254[0] : i32 from vector<1xi32>
        %broadcast_in_dim3A_2256 = vector.broadcast %squeeze3A_2255 : i32 to vector<16xi32>
        %add3A_2257 = arith.addi %broadcast_in_dim3A_2256, %iota3A : vector<16xi32>
        %gather3A_2258 = tpu.vector_load_idx %arg14[%broadcast_in_dim3A_2253, %add3A_2257] : memref<640x128xf32, #tpu.memory_space<vmem>>[vector<16xi32>, vector<16xi32>], vector<16xf32>,
        %add3A_2259 = arith.constant 16 : i32
        %add3A_2260 = vector.broadcast %add3A_2259 : i32 to vector<16xi32>
        %add3A_2261 = arith.addi %add3A_2257, %add3A_2260 : vector<16xi32>
        %gather3A_2262 = tpu.vector_load_idx %arg14[%broadcast_in_dim3A_2253, %add3A_2261] : memref<640x128xf32, #tpu.memory_space<vmem>>[vector<16xi32>, vector<16xi32>], vector<16xf32>,
        %mul3A_2263 = arith.mulf %gather3A_2258, %gather3A_2187 : vector<16xf32>
        %mul3A_2264 = arith.mulf %gather3A_2262, %gather3A_2191 : vector<16xf32>
        %add3A_2265 = arith.addf %mul3A_2263, %mul3A_2264 : vector<16xf32>
        %swap3A_2266 = arith.constant 688 : index
        %swap3A_2267 = tpu.vector_load %arg16[%swap3A_2266] {strides = array<i32>} : memref<1280xf32, #tpu.memory_space<vmem>>, vector<16xf32>,
        tpu.vector_store %arg16[%swap3A_2266], %add3A_2265 {strides = array<i32>} : memref<1280xf32, #tpu.memory_space<vmem>>, vector<16xf32>,
        %mul3A_2268 = arith.constant 80 : i32
        %mul3A_2269 = arith.muli %scan3A_1359, %mul3A_2268 : i32
        %add3A_2270 = arith.constant 44 : i32
        %add3A_2271 = arith.addi %mul3A_2269, %add3A_2270 : i32
        %broadcast_in_dim3A_2272 = vector.broadcast %add3A_2271 : i32 to vector<16xi32>
        %slice3A_2273 = vector.extract_strided_slice %get3A_1381 {offsets = [12], sizes = [1], strides = [1]} : vector<16xi32> to vector<1xi32>
        %squeeze3A_2274 = vector.extract %slice3A_2273[0] : i32 from vector<1xi32>
        %broadcast_in_dim3A_2275 = vector.broadcast %squeeze3A_2274 : i32 to vector<16xi32>
        %add3A_2276 = arith.addi %broadcast_in_dim3A_2275, %iota3A : vector<16xi32>
        %gather3A_2277 = tpu.vector_load_idx %arg14[%broadcast_in_dim3A_2272, %add3A_2276] : memref<640x128xf32, #tpu.memory_space<vmem>>[vector<16xi32>, vector<16xi32>], vector<16xf32>,
        %add3A_2278 = arith.constant 16 : i32
        %add3A_2279 = vector.broadcast %add3A_2278 : i32 to vector<16xi32>
        %add3A_2280 = arith.addi %add3A_2276, %add3A_2279 : vector<16xi32>
        %gather3A_2281 = tpu.vector_load_idx %arg14[%broadcast_in_dim3A_2272, %add3A_2280] : memref<640x128xf32, #tpu.memory_space<vmem>>[vector<16xi32>, vector<16xi32>], vector<16xf32>,
        %mul3A_2282 = arith.mulf %gather3A_2277, %gather3A_2187 : vector<16xf32>
        %mul3A_2283 = arith.mulf %gather3A_2281, %gather3A_2191 : vector<16xf32>
        %add3A_2284 = arith.addf %mul3A_2282, %mul3A_2283 : vector<16xf32>
        %swap3A_2285 = arith.constant 704 : index
        %swap3A_2286 = tpu.vector_load %arg16[%swap3A_2285] {strides = array<i32>} : memref<1280xf32, #tpu.memory_space<vmem>>, vector<16xf32>,
        tpu.vector_store %arg16[%swap3A_2285], %add3A_2284 {strides = array<i32>} : memref<1280xf32, #tpu.memory_space<vmem>>, vector<16xf32>,
        %mul3A_2287 = arith.constant 80 : i32
        %mul3A_2288 = arith.muli %scan3A_1359, %mul3A_2287 : i32
        %add3A_2289 = arith.constant 45 : i32
        %add3A_2290 = arith.addi %mul3A_2288, %add3A_2289 : i32
        %broadcast_in_dim3A_2291 = vector.broadcast %add3A_2290 : i32 to vector<16xi32>
        %slice3A_2292 = vector.extract_strided_slice %get3A_1381 {offsets = [13], sizes = [1], strides = [1]} : vector<16xi32> to vector<1xi32>
        %squeeze3A_2293 = vector.extract %slice3A_2292[0] : i32 from vector<1xi32>
        %broadcast_in_dim3A_2294 = vector.broadcast %squeeze3A_2293 : i32 to vector<16xi32>
        %add3A_2295 = arith.addi %broadcast_in_dim3A_2294, %iota3A : vector<16xi32>
        %gather3A_2296 = tpu.vector_load_idx %arg14[%broadcast_in_dim3A_2291, %add3A_2295] : memref<640x128xf32, #tpu.memory_space<vmem>>[vector<16xi32>, vector<16xi32>], vector<16xf32>,
        %add3A_2297 = arith.constant 16 : i32
        %add3A_2298 = vector.broadcast %add3A_2297 : i32 to vector<16xi32>
        %add3A_2299 = arith.addi %add3A_2295, %add3A_2298 : vector<16xi32>
        %gather3A_2300 = tpu.vector_load_idx %arg14[%broadcast_in_dim3A_2291, %add3A_2299] : memref<640x128xf32, #tpu.memory_space<vmem>>[vector<16xi32>, vector<16xi32>], vector<16xf32>,
        %mul3A_2301 = arith.mulf %gather3A_2296, %gather3A_2187 : vector<16xf32>
        %mul3A_2302 = arith.mulf %gather3A_2300, %gather3A_2191 : vector<16xf32>
        %add3A_2303 = arith.addf %mul3A_2301, %mul3A_2302 : vector<16xf32>
        %swap3A_2304 = arith.constant 720 : index
        %swap3A_2305 = tpu.vector_load %arg16[%swap3A_2304] {strides = array<i32>} : memref<1280xf32, #tpu.memory_space<vmem>>, vector<16xf32>,
        tpu.vector_store %arg16[%swap3A_2304], %add3A_2303 {strides = array<i32>} : memref<1280xf32, #tpu.memory_space<vmem>>, vector<16xf32>,
        %mul3A_2306 = arith.constant 80 : i32
        %mul3A_2307 = arith.muli %scan3A_1359, %mul3A_2306 : i32
        %add3A_2308 = arith.constant 46 : i32
        %add3A_2309 = arith.addi %mul3A_2307, %add3A_2308 : i32
        %broadcast_in_dim3A_2310 = vector.broadcast %add3A_2309 : i32 to vector<16xi32>
        %slice3A_2311 = vector.extract_strided_slice %get3A_1381 {offsets = [14], sizes = [1], strides = [1]} : vector<16xi32> to vector<1xi32>
        %squeeze3A_2312 = vector.extract %slice3A_2311[0] : i32 from vector<1xi32>
        %broadcast_in_dim3A_2313 = vector.broadcast %squeeze3A_2312 : i32 to vector<16xi32>
        %add3A_2314 = arith.addi %broadcast_in_dim3A_2313, %iota3A : vector<16xi32>
        %gather3A_2315 = tpu.vector_load_idx %arg14[%broadcast_in_dim3A_2310, %add3A_2314] : memref<640x128xf32, #tpu.memory_space<vmem>>[vector<16xi32>, vector<16xi32>], vector<16xf32>,
        %add3A_2316 = arith.constant 16 : i32
        %add3A_2317 = vector.broadcast %add3A_2316 : i32 to vector<16xi32>
        %add3A_2318 = arith.addi %add3A_2314, %add3A_2317 : vector<16xi32>
        %gather3A_2319 = tpu.vector_load_idx %arg14[%broadcast_in_dim3A_2310, %add3A_2318] : memref<640x128xf32, #tpu.memory_space<vmem>>[vector<16xi32>, vector<16xi32>], vector<16xf32>,
        %mul3A_2320 = arith.mulf %gather3A_2315, %gather3A_2187 : vector<16xf32>
        %mul3A_2321 = arith.mulf %gather3A_2319, %gather3A_2191 : vector<16xf32>
        %add3A_2322 = arith.addf %mul3A_2320, %mul3A_2321 : vector<16xf32>
        %swap3A_2323 = arith.constant 736 : index
        %swap3A_2324 = tpu.vector_load %arg16[%swap3A_2323] {strides = array<i32>} : memref<1280xf32, #tpu.memory_space<vmem>>, vector<16xf32>,
        tpu.vector_store %arg16[%swap3A_2323], %add3A_2322 {strides = array<i32>} : memref<1280xf32, #tpu.memory_space<vmem>>, vector<16xf32>,
        %mul3A_2325 = arith.constant 80 : i32
        %mul3A_2326 = arith.muli %scan3A_1359, %mul3A_2325 : i32
        %add3A_2327 = arith.constant 47 : i32
        %add3A_2328 = arith.addi %mul3A_2326, %add3A_2327 : i32
        %broadcast_in_dim3A_2329 = vector.broadcast %add3A_2328 : i32 to vector<16xi32>
        %slice3A_2330 = vector.extract_strided_slice %get3A_1381 {offsets = [15], sizes = [1], strides = [1]} : vector<16xi32> to vector<1xi32>
        %squeeze3A_2331 = vector.extract %slice3A_2330[0] : i32 from vector<1xi32>
        %broadcast_in_dim3A_2332 = vector.broadcast %squeeze3A_2331 : i32 to vector<16xi32>
        %add3A_2333 = arith.addi %broadcast_in_dim3A_2332, %iota3A : vector<16xi32>
        %gather3A_2334 = tpu.vector_load_idx %arg14[%broadcast_in_dim3A_2329, %add3A_2333] : memref<640x128xf32, #tpu.memory_space<vmem>>[vector<16xi32>, vector<16xi32>], vector<16xf32>,
        %add3A_2335 = arith.constant 16 : i32
        %add3A_2336 = vector.broadcast %add3A_2335 : i32 to vector<16xi32>
        %add3A_2337 = arith.addi %add3A_2333, %add3A_2336 : vector<16xi32>
        %gather3A_2338 = tpu.vector_load_idx %arg14[%broadcast_in_dim3A_2329, %add3A_2337] : memref<640x128xf32, #tpu.memory_space<vmem>>[vector<16xi32>, vector<16xi32>], vector<16xf32>,
        %mul3A_2339 = arith.mulf %gather3A_2334, %gather3A_2187 : vector<16xf32>
        %mul3A_2340 = arith.mulf %gather3A_2338, %gather3A_2191 : vector<16xf32>
        %add3A_2341 = arith.addf %mul3A_2339, %mul3A_2340 : vector<16xf32>
        %swap3A_2342 = arith.constant 752 : index
        %swap3A_2343 = tpu.vector_load %arg16[%swap3A_2342] {strides = array<i32>} : memref<1280xf32, #tpu.memory_space<vmem>>, vector<16xf32>,
        tpu.vector_store %arg16[%swap3A_2342], %add3A_2341 {strides = array<i32>} : memref<1280xf32, #tpu.memory_space<vmem>>, vector<16xf32>,
        %mul3A_2344 = arith.constant 80 : i32
        %mul3A_2345 = arith.muli %scan3A_1359, %mul3A_2344 : i32
        %add3A_2346 = arith.constant 48 : i32
        %add3A_2347 = arith.addi %mul3A_2345, %add3A_2346 : i32
        %broadcast_in_dim3A_2348 = vector.broadcast %add3A_2347 : i32 to vector<16xi32>
        %slice3A_2349 = vector.extract_strided_slice %get3A_1387 {offsets = [0], sizes = [1], strides = [1]} : vector<16xi32> to vector<1xi32>
        %squeeze3A_2350 = vector.extract %slice3A_2349[0] : i32 from vector<1xi32>
        %broadcast_in_dim3A_2351 = vector.broadcast %squeeze3A_2350 : i32 to vector<16xi32>
        %add3A_2352 = arith.addi %broadcast_in_dim3A_2351, %iota3A : vector<16xi32>
        %gather3A_2353 = tpu.vector_load_idx %arg14[%broadcast_in_dim3A_2348, %add3A_2352] : memref<640x128xf32, #tpu.memory_space<vmem>>[vector<16xi32>, vector<16xi32>], vector<16xf32>,
        %add3A_2354 = arith.constant 16 : i32
        %add3A_2355 = vector.broadcast %add3A_2354 : i32 to vector<16xi32>
        %add3A_2356 = arith.addi %add3A_2352, %add3A_2355 : vector<16xi32>
        %gather3A_2357 = tpu.vector_load_idx %arg14[%broadcast_in_dim3A_2348, %add3A_2356] : memref<640x128xf32, #tpu.memory_space<vmem>>[vector<16xi32>, vector<16xi32>], vector<16xf32>,
        %mul3A_2358 = arith.mulf %gather3A_2353, %gather3A_2187 : vector<16xf32>
        %mul3A_2359 = arith.mulf %gather3A_2357, %gather3A_2191 : vector<16xf32>
        %add3A_2360 = arith.addf %mul3A_2358, %mul3A_2359 : vector<16xf32>
        %swap3A_2361 = arith.constant 768 : index
        %swap3A_2362 = tpu.vector_load %arg16[%swap3A_2361] {strides = array<i32>} : memref<1280xf32, #tpu.memory_space<vmem>>, vector<16xf32>,
        tpu.vector_store %arg16[%swap3A_2361], %add3A_2360 {strides = array<i32>} : memref<1280xf32, #tpu.memory_space<vmem>>, vector<16xf32>,
        %mul3A_2363 = arith.constant 80 : i32
        %mul3A_2364 = arith.muli %scan3A_1359, %mul3A_2363 : i32
        %add3A_2365 = arith.constant 49 : i32
        %add3A_2366 = arith.addi %mul3A_2364, %add3A_2365 : i32
        %broadcast_in_dim3A_2367 = vector.broadcast %add3A_2366 : i32 to vector<16xi32>
        %slice3A_2368 = vector.extract_strided_slice %get3A_1387 {offsets = [1], sizes = [1], strides = [1]} : vector<16xi32> to vector<1xi32>
        %squeeze3A_2369 = vector.extract %slice3A_2368[0] : i32 from vector<1xi32>
        %broadcast_in_dim3A_2370 = vector.broadcast %squeeze3A_2369 : i32 to vector<16xi32>
        %add3A_2371 = arith.addi %broadcast_in_dim3A_2370, %iota3A : vector<16xi32>
        %gather3A_2372 = tpu.vector_load_idx %arg14[%broadcast_in_dim3A_2367, %add3A_2371] : memref<640x128xf32, #tpu.memory_space<vmem>>[vector<16xi32>, vector<16xi32>], vector<16xf32>,
        %add3A_2373 = arith.constant 16 : i32
        %add3A_2374 = vector.broadcast %add3A_2373 : i32 to vector<16xi32>
        %add3A_2375 = arith.addi %add3A_2371, %add3A_2374 : vector<16xi32>
        %gather3A_2376 = tpu.vector_load_idx %arg14[%broadcast_in_dim3A_2367, %add3A_2375] : memref<640x128xf32, #tpu.memory_space<vmem>>[vector<16xi32>, vector<16xi32>], vector<16xf32>,
        %mul3A_2377 = arith.mulf %gather3A_2372, %gather3A_2187 : vector<16xf32>
        %mul3A_2378 = arith.mulf %gather3A_2376, %gather3A_2191 : vector<16xf32>
        %add3A_2379 = arith.addf %mul3A_2377, %mul3A_2378 : vector<16xf32>
        %swap3A_2380 = arith.constant 784 : index
        %swap3A_2381 = tpu.vector_load %arg16[%swap3A_2380] {strides = array<i32>} : memref<1280xf32, #tpu.memory_space<vmem>>, vector<16xf32>,
        tpu.vector_store %arg16[%swap3A_2380], %add3A_2379 {strides = array<i32>} : memref<1280xf32, #tpu.memory_space<vmem>>, vector<16xf32>,
        %mul3A_2382 = arith.constant 80 : i32
        %mul3A_2383 = arith.muli %scan3A_1359, %mul3A_2382 : i32
        %add3A_2384 = arith.constant 50 : i32
        %add3A_2385 = arith.addi %mul3A_2383, %add3A_2384 : i32
        %broadcast_in_dim3A_2386 = vector.broadcast %add3A_2385 : i32 to vector<16xi32>
        %slice3A_2387 = vector.extract_strided_slice %get3A_1387 {offsets = [2], sizes = [1], strides = [1]} : vector<16xi32> to vector<1xi32>
        %squeeze3A_2388 = vector.extract %slice3A_2387[0] : i32 from vector<1xi32>
        %broadcast_in_dim3A_2389 = vector.broadcast %squeeze3A_2388 : i32 to vector<16xi32>
        %add3A_2390 = arith.addi %broadcast_in_dim3A_2389, %iota3A : vector<16xi32>
        %gather3A_2391 = tpu.vector_load_idx %arg14[%broadcast_in_dim3A_2386, %add3A_2390] : memref<640x128xf32, #tpu.memory_space<vmem>>[vector<16xi32>, vector<16xi32>], vector<16xf32>,
        %add3A_2392 = arith.constant 16 : i32
        %add3A_2393 = vector.broadcast %add3A_2392 : i32 to vector<16xi32>
        %add3A_2394 = arith.addi %add3A_2390, %add3A_2393 : vector<16xi32>
        %gather3A_2395 = tpu.vector_load_idx %arg14[%broadcast_in_dim3A_2386, %add3A_2394] : memref<640x128xf32, #tpu.memory_space<vmem>>[vector<16xi32>, vector<16xi32>], vector<16xf32>,
        %mul3A_2396 = arith.mulf %gather3A_2391, %gather3A_2187 : vector<16xf32>
        %mul3A_2397 = arith.mulf %gather3A_2395, %gather3A_2191 : vector<16xf32>
        %add3A_2398 = arith.addf %mul3A_2396, %mul3A_2397 : vector<16xf32>
        %swap3A_2399 = arith.constant 800 : index
        %swap3A_2400 = tpu.vector_load %arg16[%swap3A_2399] {strides = array<i32>} : memref<1280xf32, #tpu.memory_space<vmem>>, vector<16xf32>,
        tpu.vector_store %arg16[%swap3A_2399], %add3A_2398 {strides = array<i32>} : memref<1280xf32, #tpu.memory_space<vmem>>, vector<16xf32>,
        %mul3A_2401 = arith.constant 80 : i32
        %mul3A_2402 = arith.muli %scan3A_1359, %mul3A_2401 : i32
        %add3A_2403 = arith.constant 51 : i32
        %add3A_2404 = arith.addi %mul3A_2402, %add3A_2403 : i32
        %broadcast_in_dim3A_2405 = vector.broadcast %add3A_2404 : i32 to vector<16xi32>
        %slice3A_2406 = vector.extract_strided_slice %get3A_1387 {offsets = [3], sizes = [1], strides = [1]} : vector<16xi32> to vector<1xi32>
        %squeeze3A_2407 = vector.extract %slice3A_2406[0] : i32 from vector<1xi32>
        %broadcast_in_dim3A_2408 = vector.broadcast %squeeze3A_2407 : i32 to vector<16xi32>
        %add3A_2409 = arith.addi %broadcast_in_dim3A_2408, %iota3A : vector<16xi32>
        %gather3A_2410 = tpu.vector_load_idx %arg14[%broadcast_in_dim3A_2405, %add3A_2409] : memref<640x128xf32, #tpu.memory_space<vmem>>[vector<16xi32>, vector<16xi32>], vector<16xf32>,
        %add3A_2411 = arith.constant 16 : i32
        %add3A_2412 = vector.broadcast %add3A_2411 : i32 to vector<16xi32>
        %add3A_2413 = arith.addi %add3A_2409, %add3A_2412 : vector<16xi32>
        %gather3A_2414 = tpu.vector_load_idx %arg14[%broadcast_in_dim3A_2405, %add3A_2413] : memref<640x128xf32, #tpu.memory_space<vmem>>[vector<16xi32>, vector<16xi32>], vector<16xf32>,
        %mul3A_2415 = arith.mulf %gather3A_2410, %gather3A_2187 : vector<16xf32>
        %mul3A_2416 = arith.mulf %gather3A_2414, %gather3A_2191 : vector<16xf32>
        %add3A_2417 = arith.addf %mul3A_2415, %mul3A_2416 : vector<16xf32>
        %swap3A_2418 = arith.constant 816 : index
        %swap3A_2419 = tpu.vector_load %arg16[%swap3A_2418] {strides = array<i32>} : memref<1280xf32, #tpu.memory_space<vmem>>, vector<16xf32>,
        tpu.vector_store %arg16[%swap3A_2418], %add3A_2417 {strides = array<i32>} : memref<1280xf32, #tpu.memory_space<vmem>>, vector<16xf32>,
        %mul3A_2420 = arith.constant 80 : i32
        %mul3A_2421 = arith.muli %scan3A_1359, %mul3A_2420 : i32
        %add3A_2422 = arith.constant 52 : i32
        %add3A_2423 = arith.addi %mul3A_2421, %add3A_2422 : i32
        %broadcast_in_dim3A_2424 = vector.broadcast %add3A_2423 : i32 to vector<16xi32>
        %slice3A_2425 = vector.extract_strided_slice %get3A_1387 {offsets = [4], sizes = [1], strides = [1]} : vector<16xi32> to vector<1xi32>
        %squeeze3A_2426 = vector.extract %slice3A_2425[0] : i32 from vector<1xi32>
        %broadcast_in_dim3A_2427 = vector.broadcast %squeeze3A_2426 : i32 to vector<16xi32>
        %add3A_2428 = arith.addi %broadcast_in_dim3A_2427, %iota3A : vector<16xi32>
        %gather3A_2429 = tpu.vector_load_idx %arg14[%broadcast_in_dim3A_2424, %add3A_2428] : memref<640x128xf32, #tpu.memory_space<vmem>>[vector<16xi32>, vector<16xi32>], vector<16xf32>,
        %add3A_2430 = arith.constant 16 : i32
        %add3A_2431 = vector.broadcast %add3A_2430 : i32 to vector<16xi32>
        %add3A_2432 = arith.addi %add3A_2428, %add3A_2431 : vector<16xi32>
        %gather3A_2433 = tpu.vector_load_idx %arg14[%broadcast_in_dim3A_2424, %add3A_2432] : memref<640x128xf32, #tpu.memory_space<vmem>>[vector<16xi32>, vector<16xi32>], vector<16xf32>,
        %mul3A_2434 = arith.mulf %gather3A_2429, %gather3A_2187 : vector<16xf32>
        %mul3A_2435 = arith.mulf %gather3A_2433, %gather3A_2191 : vector<16xf32>
        %add3A_2436 = arith.addf %mul3A_2434, %mul3A_2435 : vector<16xf32>
        %swap3A_2437 = arith.constant 832 : index
        %swap3A_2438 = tpu.vector_load %arg16[%swap3A_2437] {strides = array<i32>} : memref<1280xf32, #tpu.memory_space<vmem>>, vector<16xf32>,
        tpu.vector_store %arg16[%swap3A_2437], %add3A_2436 {strides = array<i32>} : memref<1280xf32, #tpu.memory_space<vmem>>, vector<16xf32>,
        %mul3A_2439 = arith.constant 80 : i32
        %mul3A_2440 = arith.muli %scan3A_1359, %mul3A_2439 : i32
        %add3A_2441 = arith.constant 53 : i32
        %add3A_2442 = arith.addi %mul3A_2440, %add3A_2441 : i32
        %broadcast_in_dim3A_2443 = vector.broadcast %add3A_2442 : i32 to vector<16xi32>
        %slice3A_2444 = vector.extract_strided_slice %get3A_1387 {offsets = [5], sizes = [1], strides = [1]} : vector<16xi32> to vector<1xi32>
        %squeeze3A_2445 = vector.extract %slice3A_2444[0] : i32 from vector<1xi32>
        %broadcast_in_dim3A_2446 = vector.broadcast %squeeze3A_2445 : i32 to vector<16xi32>
        %add3A_2447 = arith.addi %broadcast_in_dim3A_2446, %iota3A : vector<16xi32>
        %gather3A_2448 = tpu.vector_load_idx %arg14[%broadcast_in_dim3A_2443, %add3A_2447] : memref<640x128xf32, #tpu.memory_space<vmem>>[vector<16xi32>, vector<16xi32>], vector<16xf32>,
        %add3A_2449 = arith.constant 16 : i32
        %add3A_2450 = vector.broadcast %add3A_2449 : i32 to vector<16xi32>
        %add3A_2451 = arith.addi %add3A_2447, %add3A_2450 : vector<16xi32>
        %gather3A_2452 = tpu.vector_load_idx %arg14[%broadcast_in_dim3A_2443, %add3A_2451] : memref<640x128xf32, #tpu.memory_space<vmem>>[vector<16xi32>, vector<16xi32>], vector<16xf32>,
        %mul3A_2453 = arith.mulf %gather3A_2448, %gather3A_2187 : vector<16xf32>
        %mul3A_2454 = arith.mulf %gather3A_2452, %gather3A_2191 : vector<16xf32>
        %add3A_2455 = arith.addf %mul3A_2453, %mul3A_2454 : vector<16xf32>
        %swap3A_2456 = arith.constant 848 : index
        %swap3A_2457 = tpu.vector_load %arg16[%swap3A_2456] {strides = array<i32>} : memref<1280xf32, #tpu.memory_space<vmem>>, vector<16xf32>,
        tpu.vector_store %arg16[%swap3A_2456], %add3A_2455 {strides = array<i32>} : memref<1280xf32, #tpu.memory_space<vmem>>, vector<16xf32>,
        %mul3A_2458 = arith.constant 80 : i32
        %mul3A_2459 = arith.muli %scan3A_1359, %mul3A_2458 : i32
        %add3A_2460 = arith.constant 54 : i32
        %add3A_2461 = arith.addi %mul3A_2459, %add3A_2460 : i32
        %broadcast_in_dim3A_2462 = vector.broadcast %add3A_2461 : i32 to vector<16xi32>
        %slice3A_2463 = vector.extract_strided_slice %get3A_1387 {offsets = [6], sizes = [1], strides = [1]} : vector<16xi32> to vector<1xi32>
        %squeeze3A_2464 = vector.extract %slice3A_2463[0] : i32 from vector<1xi32>
        %broadcast_in_dim3A_2465 = vector.broadcast %squeeze3A_2464 : i32 to vector<16xi32>
        %add3A_2466 = arith.addi %broadcast_in_dim3A_2465, %iota3A : vector<16xi32>
        %gather3A_2467 = tpu.vector_load_idx %arg14[%broadcast_in_dim3A_2462, %add3A_2466] : memref<640x128xf32, #tpu.memory_space<vmem>>[vector<16xi32>, vector<16xi32>], vector<16xf32>,
        %add3A_2468 = arith.constant 16 : i32
        %add3A_2469 = vector.broadcast %add3A_2468 : i32 to vector<16xi32>
        %add3A_2470 = arith.addi %add3A_2466, %add3A_2469 : vector<16xi32>
        %gather3A_2471 = tpu.vector_load_idx %arg14[%broadcast_in_dim3A_2462, %add3A_2470] : memref<640x128xf32, #tpu.memory_space<vmem>>[vector<16xi32>, vector<16xi32>], vector<16xf32>,
        %mul3A_2472 = arith.mulf %gather3A_2467, %gather3A_2187 : vector<16xf32>
        %mul3A_2473 = arith.mulf %gather3A_2471, %gather3A_2191 : vector<16xf32>
        %add3A_2474 = arith.addf %mul3A_2472, %mul3A_2473 : vector<16xf32>
        %swap3A_2475 = arith.constant 864 : index
        %swap3A_2476 = tpu.vector_load %arg16[%swap3A_2475] {strides = array<i32>} : memref<1280xf32, #tpu.memory_space<vmem>>, vector<16xf32>,
        tpu.vector_store %arg16[%swap3A_2475], %add3A_2474 {strides = array<i32>} : memref<1280xf32, #tpu.memory_space<vmem>>, vector<16xf32>,
        %mul3A_2477 = arith.constant 80 : i32
        %mul3A_2478 = arith.muli %scan3A_1359, %mul3A_2477 : i32
        %add3A_2479 = arith.constant 55 : i32
        %add3A_2480 = arith.addi %mul3A_2478, %add3A_2479 : i32
        %broadcast_in_dim3A_2481 = vector.broadcast %add3A_2480 : i32 to vector<16xi32>
        %slice3A_2482 = vector.extract_strided_slice %get3A_1387 {offsets = [7], sizes = [1], strides = [1]} : vector<16xi32> to vector<1xi32>
        %squeeze3A_2483 = vector.extract %slice3A_2482[0] : i32 from vector<1xi32>
        %broadcast_in_dim3A_2484 = vector.broadcast %squeeze3A_2483 : i32 to vector<16xi32>
        %add3A_2485 = arith.addi %broadcast_in_dim3A_2484, %iota3A : vector<16xi32>
        %gather3A_2486 = tpu.vector_load_idx %arg14[%broadcast_in_dim3A_2481, %add3A_2485] : memref<640x128xf32, #tpu.memory_space<vmem>>[vector<16xi32>, vector<16xi32>], vector<16xf32>,
        %add3A_2487 = arith.constant 16 : i32
        %add3A_2488 = vector.broadcast %add3A_2487 : i32 to vector<16xi32>
        %add3A_2489 = arith.addi %add3A_2485, %add3A_2488 : vector<16xi32>
        %gather3A_2490 = tpu.vector_load_idx %arg14[%broadcast_in_dim3A_2481, %add3A_2489] : memref<640x128xf32, #tpu.memory_space<vmem>>[vector<16xi32>, vector<16xi32>], vector<16xf32>,
        %mul3A_2491 = arith.mulf %gather3A_2486, %gather3A_2187 : vector<16xf32>
        %mul3A_2492 = arith.mulf %gather3A_2490, %gather3A_2191 : vector<16xf32>
        %add3A_2493 = arith.addf %mul3A_2491, %mul3A_2492 : vector<16xf32>
        %swap3A_2494 = arith.constant 880 : index
        %swap3A_2495 = tpu.vector_load %arg16[%swap3A_2494] {strides = array<i32>} : memref<1280xf32, #tpu.memory_space<vmem>>, vector<16xf32>,
        tpu.vector_store %arg16[%swap3A_2494], %add3A_2493 {strides = array<i32>} : memref<1280xf32, #tpu.memory_space<vmem>>, vector<16xf32>,
        %mul3A_2496 = arith.constant 80 : i32
        %mul3A_2497 = arith.muli %scan3A_1359, %mul3A_2496 : i32
        %add3A_2498 = arith.constant 56 : i32
        %add3A_2499 = arith.addi %mul3A_2497, %add3A_2498 : i32
        %broadcast_in_dim3A_2500 = vector.broadcast %add3A_2499 : i32 to vector<16xi32>
        %slice3A_2501 = vector.extract_strided_slice %get3A_1387 {offsets = [8], sizes = [1], strides = [1]} : vector<16xi32> to vector<1xi32>
        %squeeze3A_2502 = vector.extract %slice3A_2501[0] : i32 from vector<1xi32>
        %broadcast_in_dim3A_2503 = vector.broadcast %squeeze3A_2502 : i32 to vector<16xi32>
        %add3A_2504 = arith.addi %broadcast_in_dim3A_2503, %iota3A : vector<16xi32>
        %gather3A_2505 = tpu.vector_load_idx %arg14[%broadcast_in_dim3A_2500, %add3A_2504] : memref<640x128xf32, #tpu.memory_space<vmem>>[vector<16xi32>, vector<16xi32>], vector<16xf32>,
        %add3A_2506 = arith.constant 16 : i32
        %add3A_2507 = vector.broadcast %add3A_2506 : i32 to vector<16xi32>
        %add3A_2508 = arith.addi %add3A_2504, %add3A_2507 : vector<16xi32>
        %gather3A_2509 = tpu.vector_load_idx %arg14[%broadcast_in_dim3A_2500, %add3A_2508] : memref<640x128xf32, #tpu.memory_space<vmem>>[vector<16xi32>, vector<16xi32>], vector<16xf32>,
        %mul3A_2510 = arith.mulf %gather3A_2505, %gather3A_2187 : vector<16xf32>
        %mul3A_2511 = arith.mulf %gather3A_2509, %gather3A_2191 : vector<16xf32>
        %add3A_2512 = arith.addf %mul3A_2510, %mul3A_2511 : vector<16xf32>
        %swap3A_2513 = arith.constant 896 : index
        %swap3A_2514 = tpu.vector_load %arg16[%swap3A_2513] {strides = array<i32>} : memref<1280xf32, #tpu.memory_space<vmem>>, vector<16xf32>,
        tpu.vector_store %arg16[%swap3A_2513], %add3A_2512 {strides = array<i32>} : memref<1280xf32, #tpu.memory_space<vmem>>, vector<16xf32>,
        %mul3A_2515 = arith.constant 80 : i32
        %mul3A_2516 = arith.muli %scan3A_1359, %mul3A_2515 : i32
        %add3A_2517 = arith.constant 57 : i32
        %add3A_2518 = arith.addi %mul3A_2516, %add3A_2517 : i32
        %broadcast_in_dim3A_2519 = vector.broadcast %add3A_2518 : i32 to vector<16xi32>
        %slice3A_2520 = vector.extract_strided_slice %get3A_1387 {offsets = [9], sizes = [1], strides = [1]} : vector<16xi32> to vector<1xi32>
        %squeeze3A_2521 = vector.extract %slice3A_2520[0] : i32 from vector<1xi32>
        %broadcast_in_dim3A_2522 = vector.broadcast %squeeze3A_2521 : i32 to vector<16xi32>
        %add3A_2523 = arith.addi %broadcast_in_dim3A_2522, %iota3A : vector<16xi32>
        %gather3A_2524 = tpu.vector_load_idx %arg14[%broadcast_in_dim3A_2519, %add3A_2523] : memref<640x128xf32, #tpu.memory_space<vmem>>[vector<16xi32>, vector<16xi32>], vector<16xf32>,
        %add3A_2525 = arith.constant 16 : i32
        %add3A_2526 = vector.broadcast %add3A_2525 : i32 to vector<16xi32>
        %add3A_2527 = arith.addi %add3A_2523, %add3A_2526 : vector<16xi32>
        %gather3A_2528 = tpu.vector_load_idx %arg14[%broadcast_in_dim3A_2519, %add3A_2527] : memref<640x128xf32, #tpu.memory_space<vmem>>[vector<16xi32>, vector<16xi32>], vector<16xf32>,
        %mul3A_2529 = arith.mulf %gather3A_2524, %gather3A_2187 : vector<16xf32>
        %mul3A_2530 = arith.mulf %gather3A_2528, %gather3A_2191 : vector<16xf32>
        %add3A_2531 = arith.addf %mul3A_2529, %mul3A_2530 : vector<16xf32>
        %swap3A_2532 = arith.constant 912 : index
        %swap3A_2533 = tpu.vector_load %arg16[%swap3A_2532] {strides = array<i32>} : memref<1280xf32, #tpu.memory_space<vmem>>, vector<16xf32>,
        tpu.vector_store %arg16[%swap3A_2532], %add3A_2531 {strides = array<i32>} : memref<1280xf32, #tpu.memory_space<vmem>>, vector<16xf32>,
        %mul3A_2534 = arith.constant 80 : i32
        %mul3A_2535 = arith.muli %scan3A_1359, %mul3A_2534 : i32
        %add3A_2536 = arith.constant 58 : i32
        %add3A_2537 = arith.addi %mul3A_2535, %add3A_2536 : i32
        %broadcast_in_dim3A_2538 = vector.broadcast %add3A_2537 : i32 to vector<16xi32>
        %slice3A_2539 = vector.extract_strided_slice %get3A_1387 {offsets = [10], sizes = [1], strides = [1]} : vector<16xi32> to vector<1xi32>
        %squeeze3A_2540 = vector.extract %slice3A_2539[0] : i32 from vector<1xi32>
        %broadcast_in_dim3A_2541 = vector.broadcast %squeeze3A_2540 : i32 to vector<16xi32>
        %add3A_2542 = arith.addi %broadcast_in_dim3A_2541, %iota3A : vector<16xi32>
        %gather3A_2543 = tpu.vector_load_idx %arg14[%broadcast_in_dim3A_2538, %add3A_2542] : memref<640x128xf32, #tpu.memory_space<vmem>>[vector<16xi32>, vector<16xi32>], vector<16xf32>,
        %add3A_2544 = arith.constant 16 : i32
        %add3A_2545 = vector.broadcast %add3A_2544 : i32 to vector<16xi32>
        %add3A_2546 = arith.addi %add3A_2542, %add3A_2545 : vector<16xi32>
        %gather3A_2547 = tpu.vector_load_idx %arg14[%broadcast_in_dim3A_2538, %add3A_2546] : memref<640x128xf32, #tpu.memory_space<vmem>>[vector<16xi32>, vector<16xi32>], vector<16xf32>,
        %mul3A_2548 = arith.mulf %gather3A_2543, %gather3A_2187 : vector<16xf32>
        %mul3A_2549 = arith.mulf %gather3A_2547, %gather3A_2191 : vector<16xf32>
        %add3A_2550 = arith.addf %mul3A_2548, %mul3A_2549 : vector<16xf32>
        %swap3A_2551 = arith.constant 928 : index
        %swap3A_2552 = tpu.vector_load %arg16[%swap3A_2551] {strides = array<i32>} : memref<1280xf32, #tpu.memory_space<vmem>>, vector<16xf32>,
        tpu.vector_store %arg16[%swap3A_2551], %add3A_2550 {strides = array<i32>} : memref<1280xf32, #tpu.memory_space<vmem>>, vector<16xf32>,
        %mul3A_2553 = arith.constant 80 : i32
        %mul3A_2554 = arith.muli %scan3A_1359, %mul3A_2553 : i32
        %add3A_2555 = arith.constant 59 : i32
        %add3A_2556 = arith.addi %mul3A_2554, %add3A_2555 : i32
        %broadcast_in_dim3A_2557 = vector.broadcast %add3A_2556 : i32 to vector<16xi32>
        %slice3A_2558 = vector.extract_strided_slice %get3A_1387 {offsets = [11], sizes = [1], strides = [1]} : vector<16xi32> to vector<1xi32>
        %squeeze3A_2559 = vector.extract %slice3A_2558[0] : i32 from vector<1xi32>
        %broadcast_in_dim3A_2560 = vector.broadcast %squeeze3A_2559 : i32 to vector<16xi32>
        %add3A_2561 = arith.addi %broadcast_in_dim3A_2560, %iota3A : vector<16xi32>
        %gather3A_2562 = tpu.vector_load_idx %arg14[%broadcast_in_dim3A_2557, %add3A_2561] : memref<640x128xf32, #tpu.memory_space<vmem>>[vector<16xi32>, vector<16xi32>], vector<16xf32>,
        %add3A_2563 = arith.constant 16 : i32
        %add3A_2564 = vector.broadcast %add3A_2563 : i32 to vector<16xi32>
        %add3A_2565 = arith.addi %add3A_2561, %add3A_2564 : vector<16xi32>
        %gather3A_2566 = tpu.vector_load_idx %arg14[%broadcast_in_dim3A_2557, %add3A_2565] : memref<640x128xf32, #tpu.memory_space<vmem>>[vector<16xi32>, vector<16xi32>], vector<16xf32>,
        %mul3A_2567 = arith.mulf %gather3A_2562, %gather3A_2187 : vector<16xf32>
        %mul3A_2568 = arith.mulf %gather3A_2566, %gather3A_2191 : vector<16xf32>
        %add3A_2569 = arith.addf %mul3A_2567, %mul3A_2568 : vector<16xf32>
        %swap3A_2570 = arith.constant 944 : index
        %swap3A_2571 = tpu.vector_load %arg16[%swap3A_2570] {strides = array<i32>} : memref<1280xf32, #tpu.memory_space<vmem>>, vector<16xf32>,
        tpu.vector_store %arg16[%swap3A_2570], %add3A_2569 {strides = array<i32>} : memref<1280xf32, #tpu.memory_space<vmem>>, vector<16xf32>,
        %mul3A_2572 = arith.constant 4 : i32
        %mul3A_2573 = arith.muli %scan3A_1359, %mul3A_2572 : i32
        %add3A_2574 = arith.constant 3 : i32
        %add3A_2575 = arith.addi %mul3A_2573, %add3A_2574 : i32
        %broadcast_in_dim3A_2576 = vector.broadcast %add3A_2575 : i32 to vector<16xi32>
        %slice3A_2577 = vector.extract_strided_slice %get3A_1363 {offsets = [3], sizes = [1], strides = [1]} : vector<16xi32> to vector<1xi32>
        %squeeze3A_2578 = vector.extract %slice3A_2577[0] : i32 from vector<1xi32>
        %broadcast_in_dim3A_2579 = vector.broadcast %squeeze3A_2578 : i32 to vector<16xi32>
        %add3A_2580 = arith.addi %broadcast_in_dim3A_2579, %iota3A : vector<16xi32>
        %gather3A_2581 = tpu.vector_load_idx %arg13[%broadcast_in_dim3A_2576, %add3A_2580] : memref<32x128xf32, #tpu.memory_space<vmem>>[vector<16xi32>, vector<16xi32>], vector<16xf32>,
        %add3A_2582 = arith.constant 16 : i32
        %add3A_2583 = vector.broadcast %add3A_2582 : i32 to vector<16xi32>
        %add3A_2584 = arith.addi %add3A_2580, %add3A_2583 : vector<16xi32>
        %gather3A_2585 = tpu.vector_load_idx %arg13[%broadcast_in_dim3A_2576, %add3A_2584] : memref<32x128xf32, #tpu.memory_space<vmem>>[vector<16xi32>, vector<16xi32>], vector<16xf32>,
        %mul3A_2586 = arith.constant 80 : i32
        %mul3A_2587 = arith.muli %scan3A_1359, %mul3A_2586 : i32
        %add3A_2588 = arith.constant 60 : i32
        %add3A_2589 = arith.addi %mul3A_2587, %add3A_2588 : i32
        %broadcast_in_dim3A_2590 = vector.broadcast %add3A_2589 : i32 to vector<16xi32>
        %slice3A_2591 = vector.extract_strided_slice %get3A_1387 {offsets = [12], sizes = [1], strides = [1]} : vector<16xi32> to vector<1xi32>
        %squeeze3A_2592 = vector.extract %slice3A_2591[0] : i32 from vector<1xi32>
        %broadcast_in_dim3A_2593 = vector.broadcast %squeeze3A_2592 : i32 to vector<16xi32>
        %add3A_2594 = arith.addi %broadcast_in_dim3A_2593, %iota3A : vector<16xi32>
        %gather3A_2595 = tpu.vector_load_idx %arg14[%broadcast_in_dim3A_2590, %add3A_2594] : memref<640x128xf32, #tpu.memory_space<vmem>>[vector<16xi32>, vector<16xi32>], vector<16xf32>,
        %add3A_2596 = arith.constant 16 : i32
        %add3A_2597 = vector.broadcast %add3A_2596 : i32 to vector<16xi32>
        %add3A_2598 = arith.addi %add3A_2594, %add3A_2597 : vector<16xi32>
        %gather3A_2599 = tpu.vector_load_idx %arg14[%broadcast_in_dim3A_2590, %add3A_2598] : memref<640x128xf32, #tpu.memory_space<vmem>>[vector<16xi32>, vector<16xi32>], vector<16xf32>,
        %mul3A_2600 = arith.mulf %gather3A_2595, %gather3A_2581 : vector<16xf32>
        %mul3A_2601 = arith.mulf %gather3A_2599, %gather3A_2585 : vector<16xf32>
        %add3A_2602 = arith.addf %mul3A_2600, %mul3A_2601 : vector<16xf32>
        %swap3A_2603 = arith.constant 960 : index
        %swap3A_2604 = tpu.vector_load %arg16[%swap3A_2603] {strides = array<i32>} : memref<1280xf32, #tpu.memory_space<vmem>>, vector<16xf32>,
        tpu.vector_store %arg16[%swap3A_2603], %add3A_2602 {strides = array<i32>} : memref<1280xf32, #tpu.memory_space<vmem>>, vector<16xf32>,
        %mul3A_2605 = arith.constant 80 : i32
        %mul3A_2606 = arith.muli %scan3A_1359, %mul3A_2605 : i32
        %add3A_2607 = arith.constant 61 : i32
        %add3A_2608 = arith.addi %mul3A_2606, %add3A_2607 : i32
        %broadcast_in_dim3A_2609 = vector.broadcast %add3A_2608 : i32 to vector<16xi32>
        %slice3A_2610 = vector.extract_strided_slice %get3A_1387 {offsets = [13], sizes = [1], strides = [1]} : vector<16xi32> to vector<1xi32>
        %squeeze3A_2611 = vector.extract %slice3A_2610[0] : i32 from vector<1xi32>
        %broadcast_in_dim3A_2612 = vector.broadcast %squeeze3A_2611 : i32 to vector<16xi32>
        %add3A_2613 = arith.addi %broadcast_in_dim3A_2612, %iota3A : vector<16xi32>
        %gather3A_2614 = tpu.vector_load_idx %arg14[%broadcast_in_dim3A_2609, %add3A_2613] : memref<640x128xf32, #tpu.memory_space<vmem>>[vector<16xi32>, vector<16xi32>], vector<16xf32>,
        %add3A_2615 = arith.constant 16 : i32
        %add3A_2616 = vector.broadcast %add3A_2615 : i32 to vector<16xi32>
        %add3A_2617 = arith.addi %add3A_2613, %add3A_2616 : vector<16xi32>
        %gather3A_2618 = tpu.vector_load_idx %arg14[%broadcast_in_dim3A_2609, %add3A_2617] : memref<640x128xf32, #tpu.memory_space<vmem>>[vector<16xi32>, vector<16xi32>], vector<16xf32>,
        %mul3A_2619 = arith.mulf %gather3A_2614, %gather3A_2581 : vector<16xf32>
        %mul3A_2620 = arith.mulf %gather3A_2618, %gather3A_2585 : vector<16xf32>
        %add3A_2621 = arith.addf %mul3A_2619, %mul3A_2620 : vector<16xf32>
        %swap3A_2622 = arith.constant 976 : index
        %swap3A_2623 = tpu.vector_load %arg16[%swap3A_2622] {strides = array<i32>} : memref<1280xf32, #tpu.memory_space<vmem>>, vector<16xf32>,
        tpu.vector_store %arg16[%swap3A_2622], %add3A_2621 {strides = array<i32>} : memref<1280xf32, #tpu.memory_space<vmem>>, vector<16xf32>,
        %mul3A_2624 = arith.constant 80 : i32
        %mul3A_2625 = arith.muli %scan3A_1359, %mul3A_2624 : i32
        %add3A_2626 = arith.constant 62 : i32
        %add3A_2627 = arith.addi %mul3A_2625, %add3A_2626 : i32
        %broadcast_in_dim3A_2628 = vector.broadcast %add3A_2627 : i32 to vector<16xi32>
        %slice3A_2629 = vector.extract_strided_slice %get3A_1387 {offsets = [14], sizes = [1], strides = [1]} : vector<16xi32> to vector<1xi32>
        %squeeze3A_2630 = vector.extract %slice3A_2629[0] : i32 from vector<1xi32>
        %broadcast_in_dim3A_2631 = vector.broadcast %squeeze3A_2630 : i32 to vector<16xi32>
        %add3A_2632 = arith.addi %broadcast_in_dim3A_2631, %iota3A : vector<16xi32>
        %gather3A_2633 = tpu.vector_load_idx %arg14[%broadcast_in_dim3A_2628, %add3A_2632] : memref<640x128xf32, #tpu.memory_space<vmem>>[vector<16xi32>, vector<16xi32>], vector<16xf32>,
        %add3A_2634 = arith.constant 16 : i32
        %add3A_2635 = vector.broadcast %add3A_2634 : i32 to vector<16xi32>
        %add3A_2636 = arith.addi %add3A_2632, %add3A_2635 : vector<16xi32>
        %gather3A_2637 = tpu.vector_load_idx %arg14[%broadcast_in_dim3A_2628, %add3A_2636] : memref<640x128xf32, #tpu.memory_space<vmem>>[vector<16xi32>, vector<16xi32>], vector<16xf32>,
        %mul3A_2638 = arith.mulf %gather3A_2633, %gather3A_2581 : vector<16xf32>
        %mul3A_2639 = arith.mulf %gather3A_2637, %gather3A_2585 : vector<16xf32>
        %add3A_2640 = arith.addf %mul3A_2638, %mul3A_2639 : vector<16xf32>
        %swap3A_2641 = arith.constant 992 : index
        %swap3A_2642 = tpu.vector_load %arg16[%swap3A_2641] {strides = array<i32>} : memref<1280xf32, #tpu.memory_space<vmem>>, vector<16xf32>,
        tpu.vector_store %arg16[%swap3A_2641], %add3A_2640 {strides = array<i32>} : memref<1280xf32, #tpu.memory_space<vmem>>, vector<16xf32>,
        %mul3A_2643 = arith.constant 80 : i32
        %mul3A_2644 = arith.muli %scan3A_1359, %mul3A_2643 : i32
        %add3A_2645 = arith.constant 63 : i32
        %add3A_2646 = arith.addi %mul3A_2644, %add3A_2645 : i32
        %broadcast_in_dim3A_2647 = vector.broadcast %add3A_2646 : i32 to vector<16xi32>
        %slice3A_2648 = vector.extract_strided_slice %get3A_1387 {offsets = [15], sizes = [1], strides = [1]} : vector<16xi32> to vector<1xi32>
        %squeeze3A_2649 = vector.extract %slice3A_2648[0] : i32 from vector<1xi32>
        %broadcast_in_dim3A_2650 = vector.broadcast %squeeze3A_2649 : i32 to vector<16xi32>
        %add3A_2651 = arith.addi %broadcast_in_dim3A_2650, %iota3A : vector<16xi32>
        %gather3A_2652 = tpu.vector_load_idx %arg14[%broadcast_in_dim3A_2647, %add3A_2651] : memref<640x128xf32, #tpu.memory_space<vmem>>[vector<16xi32>, vector<16xi32>], vector<16xf32>,
        %add3A_2653 = arith.constant 16 : i32
        %add3A_2654 = vector.broadcast %add3A_2653 : i32 to vector<16xi32>
        %add3A_2655 = arith.addi %add3A_2651, %add3A_2654 : vector<16xi32>
        %gather3A_2656 = tpu.vector_load_idx %arg14[%broadcast_in_dim3A_2647, %add3A_2655] : memref<640x128xf32, #tpu.memory_space<vmem>>[vector<16xi32>, vector<16xi32>], vector<16xf32>,
        %mul3A_2657 = arith.mulf %gather3A_2652, %gather3A_2581 : vector<16xf32>
        %mul3A_2658 = arith.mulf %gather3A_2656, %gather3A_2585 : vector<16xf32>
        %add3A_2659 = arith.addf %mul3A_2657, %mul3A_2658 : vector<16xf32>
        %swap3A_2660 = arith.constant 1008 : index
        %swap3A_2661 = tpu.vector_load %arg16[%swap3A_2660] {strides = array<i32>} : memref<1280xf32, #tpu.memory_space<vmem>>, vector<16xf32>,
        tpu.vector_store %arg16[%swap3A_2660], %add3A_2659 {strides = array<i32>} : memref<1280xf32, #tpu.memory_space<vmem>>, vector<16xf32>,
        %mul3A_2662 = arith.constant 80 : i32
        %mul3A_2663 = arith.muli %scan3A_1359, %mul3A_2662 : i32
        %add3A_2664 = arith.constant 64 : i32
        %add3A_2665 = arith.addi %mul3A_2663, %add3A_2664 : i32
        %broadcast_in_dim3A_2666 = vector.broadcast %add3A_2665 : i32 to vector<16xi32>
        %slice3A_2667 = vector.extract_strided_slice %get3A_1393 {offsets = [0], sizes = [1], strides = [1]} : vector<16xi32> to vector<1xi32>
        %squeeze3A_2668 = vector.extract %slice3A_2667[0] : i32 from vector<1xi32>
        %broadcast_in_dim3A_2669 = vector.broadcast %squeeze3A_2668 : i32 to vector<16xi32>
        %add3A_2670 = arith.addi %broadcast_in_dim3A_2669, %iota3A : vector<16xi32>
        %gather3A_2671 = tpu.vector_load_idx %arg14[%broadcast_in_dim3A_2666, %add3A_2670] : memref<640x128xf32, #tpu.memory_space<vmem>>[vector<16xi32>, vector<16xi32>], vector<16xf32>,
        %add3A_2672 = arith.constant 16 : i32
        %add3A_2673 = vector.broadcast %add3A_2672 : i32 to vector<16xi32>
        %add3A_2674 = arith.addi %add3A_2670, %add3A_2673 : vector<16xi32>
        %gather3A_2675 = tpu.vector_load_idx %arg14[%broadcast_in_dim3A_2666, %add3A_2674] : memref<640x128xf32, #tpu.memory_space<vmem>>[vector<16xi32>, vector<16xi32>], vector<16xf32>,
        %mul3A_2676 = arith.mulf %gather3A_2671, %gather3A_2581 : vector<16xf32>
        %mul3A_2677 = arith.mulf %gather3A_2675, %gather3A_2585 : vector<16xf32>
        %add3A_2678 = arith.addf %mul3A_2676, %mul3A_2677 : vector<16xf32>
        %swap3A_2679 = arith.constant 1024 : index
        %swap3A_2680 = tpu.vector_load %arg16[%swap3A_2679] {strides = array<i32>} : memref<1280xf32, #tpu.memory_space<vmem>>, vector<16xf32>,
        tpu.vector_store %arg16[%swap3A_2679], %add3A_2678 {strides = array<i32>} : memref<1280xf32, #tpu.memory_space<vmem>>, vector<16xf32>,
        %mul3A_2681 = arith.constant 80 : i32
        %mul3A_2682 = arith.muli %scan3A_1359, %mul3A_2681 : i32
        %add3A_2683 = arith.constant 65 : i32
        %add3A_2684 = arith.addi %mul3A_2682, %add3A_2683 : i32
        %broadcast_in_dim3A_2685 = vector.broadcast %add3A_2684 : i32 to vector<16xi32>
        %slice3A_2686 = vector.extract_strided_slice %get3A_1393 {offsets = [1], sizes = [1], strides = [1]} : vector<16xi32> to vector<1xi32>
        %squeeze3A_2687 = vector.extract %slice3A_2686[0] : i32 from vector<1xi32>
        %broadcast_in_dim3A_2688 = vector.broadcast %squeeze3A_2687 : i32 to vector<16xi32>
        %add3A_2689 = arith.addi %broadcast_in_dim3A_2688, %iota3A : vector<16xi32>
        %gather3A_2690 = tpu.vector_load_idx %arg14[%broadcast_in_dim3A_2685, %add3A_2689] : memref<640x128xf32, #tpu.memory_space<vmem>>[vector<16xi32>, vector<16xi32>], vector<16xf32>,
        %add3A_2691 = arith.constant 16 : i32
        %add3A_2692 = vector.broadcast %add3A_2691 : i32 to vector<16xi32>
        %add3A_2693 = arith.addi %add3A_2689, %add3A_2692 : vector<16xi32>
        %gather3A_2694 = tpu.vector_load_idx %arg14[%broadcast_in_dim3A_2685, %add3A_2693] : memref<640x128xf32, #tpu.memory_space<vmem>>[vector<16xi32>, vector<16xi32>], vector<16xf32>,
        %mul3A_2695 = arith.mulf %gather3A_2690, %gather3A_2581 : vector<16xf32>
        %mul3A_2696 = arith.mulf %gather3A_2694, %gather3A_2585 : vector<16xf32>
        %add3A_2697 = arith.addf %mul3A_2695, %mul3A_2696 : vector<16xf32>
        %swap3A_2698 = arith.constant 1040 : index
        %swap3A_2699 = tpu.vector_load %arg16[%swap3A_2698] {strides = array<i32>} : memref<1280xf32, #tpu.memory_space<vmem>>, vector<16xf32>,
        tpu.vector_store %arg16[%swap3A_2698], %add3A_2697 {strides = array<i32>} : memref<1280xf32, #tpu.memory_space<vmem>>, vector<16xf32>,
        %mul3A_2700 = arith.constant 80 : i32
        %mul3A_2701 = arith.muli %scan3A_1359, %mul3A_2700 : i32
        %add3A_2702 = arith.constant 66 : i32
        %add3A_2703 = arith.addi %mul3A_2701, %add3A_2702 : i32
        %broadcast_in_dim3A_2704 = vector.broadcast %add3A_2703 : i32 to vector<16xi32>
        %slice3A_2705 = vector.extract_strided_slice %get3A_1393 {offsets = [2], sizes = [1], strides = [1]} : vector<16xi32> to vector<1xi32>
        %squeeze3A_2706 = vector.extract %slice3A_2705[0] : i32 from vector<1xi32>
        %broadcast_in_dim3A_2707 = vector.broadcast %squeeze3A_2706 : i32 to vector<16xi32>
        %add3A_2708 = arith.addi %broadcast_in_dim3A_2707, %iota3A : vector<16xi32>
        %gather3A_2709 = tpu.vector_load_idx %arg14[%broadcast_in_dim3A_2704, %add3A_2708] : memref<640x128xf32, #tpu.memory_space<vmem>>[vector<16xi32>, vector<16xi32>], vector<16xf32>,
        %add3A_2710 = arith.constant 16 : i32
        %add3A_2711 = vector.broadcast %add3A_2710 : i32 to vector<16xi32>
        %add3A_2712 = arith.addi %add3A_2708, %add3A_2711 : vector<16xi32>
        %gather3A_2713 = tpu.vector_load_idx %arg14[%broadcast_in_dim3A_2704, %add3A_2712] : memref<640x128xf32, #tpu.memory_space<vmem>>[vector<16xi32>, vector<16xi32>], vector<16xf32>,
        %mul3A_2714 = arith.mulf %gather3A_2709, %gather3A_2581 : vector<16xf32>
        %mul3A_2715 = arith.mulf %gather3A_2713, %gather3A_2585 : vector<16xf32>
        %add3A_2716 = arith.addf %mul3A_2714, %mul3A_2715 : vector<16xf32>
        %swap3A_2717 = arith.constant 1056 : index
        %swap3A_2718 = tpu.vector_load %arg16[%swap3A_2717] {strides = array<i32>} : memref<1280xf32, #tpu.memory_space<vmem>>, vector<16xf32>,
        tpu.vector_store %arg16[%swap3A_2717], %add3A_2716 {strides = array<i32>} : memref<1280xf32, #tpu.memory_space<vmem>>, vector<16xf32>,
        %mul3A_2719 = arith.constant 80 : i32
        %mul3A_2720 = arith.muli %scan3A_1359, %mul3A_2719 : i32
        %add3A_2721 = arith.constant 67 : i32
        %add3A_2722 = arith.addi %mul3A_2720, %add3A_2721 : i32
        %broadcast_in_dim3A_2723 = vector.broadcast %add3A_2722 : i32 to vector<16xi32>
        %slice3A_2724 = vector.extract_strided_slice %get3A_1393 {offsets = [3], sizes = [1], strides = [1]} : vector<16xi32> to vector<1xi32>
        %squeeze3A_2725 = vector.extract %slice3A_2724[0] : i32 from vector<1xi32>
        %broadcast_in_dim3A_2726 = vector.broadcast %squeeze3A_2725 : i32 to vector<16xi32>
        %add3A_2727 = arith.addi %broadcast_in_dim3A_2726, %iota3A : vector<16xi32>
        %gather3A_2728 = tpu.vector_load_idx %arg14[%broadcast_in_dim3A_2723, %add3A_2727] : memref<640x128xf32, #tpu.memory_space<vmem>>[vector<16xi32>, vector<16xi32>], vector<16xf32>,
        %add3A_2729 = arith.constant 16 : i32
        %add3A_2730 = vector.broadcast %add3A_2729 : i32 to vector<16xi32>
        %add3A_2731 = arith.addi %add3A_2727, %add3A_2730 : vector<16xi32>
        %gather3A_2732 = tpu.vector_load_idx %arg14[%broadcast_in_dim3A_2723, %add3A_2731] : memref<640x128xf32, #tpu.memory_space<vmem>>[vector<16xi32>, vector<16xi32>], vector<16xf32>,
        %mul3A_2733 = arith.mulf %gather3A_2728, %gather3A_2581 : vector<16xf32>
        %mul3A_2734 = arith.mulf %gather3A_2732, %gather3A_2585 : vector<16xf32>
        %add3A_2735 = arith.addf %mul3A_2733, %mul3A_2734 : vector<16xf32>
        %swap3A_2736 = arith.constant 1072 : index
        %swap3A_2737 = tpu.vector_load %arg16[%swap3A_2736] {strides = array<i32>} : memref<1280xf32, #tpu.memory_space<vmem>>, vector<16xf32>,
        tpu.vector_store %arg16[%swap3A_2736], %add3A_2735 {strides = array<i32>} : memref<1280xf32, #tpu.memory_space<vmem>>, vector<16xf32>,
        %mul3A_2738 = arith.constant 80 : i32
        %mul3A_2739 = arith.muli %scan3A_1359, %mul3A_2738 : i32
        %add3A_2740 = arith.constant 68 : i32
        %add3A_2741 = arith.addi %mul3A_2739, %add3A_2740 : i32
        %broadcast_in_dim3A_2742 = vector.broadcast %add3A_2741 : i32 to vector<16xi32>
        %slice3A_2743 = vector.extract_strided_slice %get3A_1393 {offsets = [4], sizes = [1], strides = [1]} : vector<16xi32> to vector<1xi32>
        %squeeze3A_2744 = vector.extract %slice3A_2743[0] : i32 from vector<1xi32>
        %broadcast_in_dim3A_2745 = vector.broadcast %squeeze3A_2744 : i32 to vector<16xi32>
        %add3A_2746 = arith.addi %broadcast_in_dim3A_2745, %iota3A : vector<16xi32>
        %gather3A_2747 = tpu.vector_load_idx %arg14[%broadcast_in_dim3A_2742, %add3A_2746] : memref<640x128xf32, #tpu.memory_space<vmem>>[vector<16xi32>, vector<16xi32>], vector<16xf32>,
        %add3A_2748 = arith.constant 16 : i32
        %add3A_2749 = vector.broadcast %add3A_2748 : i32 to vector<16xi32>
        %add3A_2750 = arith.addi %add3A_2746, %add3A_2749 : vector<16xi32>
        %gather3A_2751 = tpu.vector_load_idx %arg14[%broadcast_in_dim3A_2742, %add3A_2750] : memref<640x128xf32, #tpu.memory_space<vmem>>[vector<16xi32>, vector<16xi32>], vector<16xf32>,
        %mul3A_2752 = arith.mulf %gather3A_2747, %gather3A_2581 : vector<16xf32>
        %mul3A_2753 = arith.mulf %gather3A_2751, %gather3A_2585 : vector<16xf32>
        %add3A_2754 = arith.addf %mul3A_2752, %mul3A_2753 : vector<16xf32>
        %swap3A_2755 = arith.constant 1088 : index
        %swap3A_2756 = tpu.vector_load %arg16[%swap3A_2755] {strides = array<i32>} : memref<1280xf32, #tpu.memory_space<vmem>>, vector<16xf32>,
        tpu.vector_store %arg16[%swap3A_2755], %add3A_2754 {strides = array<i32>} : memref<1280xf32, #tpu.memory_space<vmem>>, vector<16xf32>,
        %mul3A_2757 = arith.constant 80 : i32
        %mul3A_2758 = arith.muli %scan3A_1359, %mul3A_2757 : i32
        %add3A_2759 = arith.constant 69 : i32
        %add3A_2760 = arith.addi %mul3A_2758, %add3A_2759 : i32
        %broadcast_in_dim3A_2761 = vector.broadcast %add3A_2760 : i32 to vector<16xi32>
        %slice3A_2762 = vector.extract_strided_slice %get3A_1393 {offsets = [5], sizes = [1], strides = [1]} : vector<16xi32> to vector<1xi32>
        %squeeze3A_2763 = vector.extract %slice3A_2762[0] : i32 from vector<1xi32>
        %broadcast_in_dim3A_2764 = vector.broadcast %squeeze3A_2763 : i32 to vector<16xi32>
        %add3A_2765 = arith.addi %broadcast_in_dim3A_2764, %iota3A : vector<16xi32>
        %gather3A_2766 = tpu.vector_load_idx %arg14[%broadcast_in_dim3A_2761, %add3A_2765] : memref<640x128xf32, #tpu.memory_space<vmem>>[vector<16xi32>, vector<16xi32>], vector<16xf32>,
        %add3A_2767 = arith.constant 16 : i32
        %add3A_2768 = vector.broadcast %add3A_2767 : i32 to vector<16xi32>
        %add3A_2769 = arith.addi %add3A_2765, %add3A_2768 : vector<16xi32>
        %gather3A_2770 = tpu.vector_load_idx %arg14[%broadcast_in_dim3A_2761, %add3A_2769] : memref<640x128xf32, #tpu.memory_space<vmem>>[vector<16xi32>, vector<16xi32>], vector<16xf32>,
        %mul3A_2771 = arith.mulf %gather3A_2766, %gather3A_2581 : vector<16xf32>
        %mul3A_2772 = arith.mulf %gather3A_2770, %gather3A_2585 : vector<16xf32>
        %add3A_2773 = arith.addf %mul3A_2771, %mul3A_2772 : vector<16xf32>
        %swap3A_2774 = arith.constant 1104 : index
        %swap3A_2775 = tpu.vector_load %arg16[%swap3A_2774] {strides = array<i32>} : memref<1280xf32, #tpu.memory_space<vmem>>, vector<16xf32>,
        tpu.vector_store %arg16[%swap3A_2774], %add3A_2773 {strides = array<i32>} : memref<1280xf32, #tpu.memory_space<vmem>>, vector<16xf32>,
        %mul3A_2776 = arith.constant 80 : i32
        %mul3A_2777 = arith.muli %scan3A_1359, %mul3A_2776 : i32
        %add3A_2778 = arith.constant 70 : i32
        %add3A_2779 = arith.addi %mul3A_2777, %add3A_2778 : i32
        %broadcast_in_dim3A_2780 = vector.broadcast %add3A_2779 : i32 to vector<16xi32>
        %slice3A_2781 = vector.extract_strided_slice %get3A_1393 {offsets = [6], sizes = [1], strides = [1]} : vector<16xi32> to vector<1xi32>
        %squeeze3A_2782 = vector.extract %slice3A_2781[0] : i32 from vector<1xi32>
        %broadcast_in_dim3A_2783 = vector.broadcast %squeeze3A_2782 : i32 to vector<16xi32>
        %add3A_2784 = arith.addi %broadcast_in_dim3A_2783, %iota3A : vector<16xi32>
        %gather3A_2785 = tpu.vector_load_idx %arg14[%broadcast_in_dim3A_2780, %add3A_2784] : memref<640x128xf32, #tpu.memory_space<vmem>>[vector<16xi32>, vector<16xi32>], vector<16xf32>,
        %add3A_2786 = arith.constant 16 : i32
        %add3A_2787 = vector.broadcast %add3A_2786 : i32 to vector<16xi32>
        %add3A_2788 = arith.addi %add3A_2784, %add3A_2787 : vector<16xi32>
        %gather3A_2789 = tpu.vector_load_idx %arg14[%broadcast_in_dim3A_2780, %add3A_2788] : memref<640x128xf32, #tpu.memory_space<vmem>>[vector<16xi32>, vector<16xi32>], vector<16xf32>,
        %mul3A_2790 = arith.mulf %gather3A_2785, %gather3A_2581 : vector<16xf32>
        %mul3A_2791 = arith.mulf %gather3A_2789, %gather3A_2585 : vector<16xf32>
        %add3A_2792 = arith.addf %mul3A_2790, %mul3A_2791 : vector<16xf32>
        %swap3A_2793 = arith.constant 1120 : index
        %swap3A_2794 = tpu.vector_load %arg16[%swap3A_2793] {strides = array<i32>} : memref<1280xf32, #tpu.memory_space<vmem>>, vector<16xf32>,
        tpu.vector_store %arg16[%swap3A_2793], %add3A_2792 {strides = array<i32>} : memref<1280xf32, #tpu.memory_space<vmem>>, vector<16xf32>,
        %mul3A_2795 = arith.constant 80 : i32
        %mul3A_2796 = arith.muli %scan3A_1359, %mul3A_2795 : i32
        %add3A_2797 = arith.constant 71 : i32
        %add3A_2798 = arith.addi %mul3A_2796, %add3A_2797 : i32
        %broadcast_in_dim3A_2799 = vector.broadcast %add3A_2798 : i32 to vector<16xi32>
        %slice3A_2800 = vector.extract_strided_slice %get3A_1393 {offsets = [7], sizes = [1], strides = [1]} : vector<16xi32> to vector<1xi32>
        %squeeze3A_2801 = vector.extract %slice3A_2800[0] : i32 from vector<1xi32>
        %broadcast_in_dim3A_2802 = vector.broadcast %squeeze3A_2801 : i32 to vector<16xi32>
        %add3A_2803 = arith.addi %broadcast_in_dim3A_2802, %iota3A : vector<16xi32>
        %gather3A_2804 = tpu.vector_load_idx %arg14[%broadcast_in_dim3A_2799, %add3A_2803] : memref<640x128xf32, #tpu.memory_space<vmem>>[vector<16xi32>, vector<16xi32>], vector<16xf32>,
        %add3A_2805 = arith.constant 16 : i32
        %add3A_2806 = vector.broadcast %add3A_2805 : i32 to vector<16xi32>
        %add3A_2807 = arith.addi %add3A_2803, %add3A_2806 : vector<16xi32>
        %gather3A_2808 = tpu.vector_load_idx %arg14[%broadcast_in_dim3A_2799, %add3A_2807] : memref<640x128xf32, #tpu.memory_space<vmem>>[vector<16xi32>, vector<16xi32>], vector<16xf32>,
        %mul3A_2809 = arith.mulf %gather3A_2804, %gather3A_2581 : vector<16xf32>
        %mul3A_2810 = arith.mulf %gather3A_2808, %gather3A_2585 : vector<16xf32>
        %add3A_2811 = arith.addf %mul3A_2809, %mul3A_2810 : vector<16xf32>
        %swap3A_2812 = arith.constant 1136 : index
        %swap3A_2813 = tpu.vector_load %arg16[%swap3A_2812] {strides = array<i32>} : memref<1280xf32, #tpu.memory_space<vmem>>, vector<16xf32>,
        tpu.vector_store %arg16[%swap3A_2812], %add3A_2811 {strides = array<i32>} : memref<1280xf32, #tpu.memory_space<vmem>>, vector<16xf32>,
        %mul3A_2814 = arith.constant 80 : i32
        %mul3A_2815 = arith.muli %scan3A_1359, %mul3A_2814 : i32
        %add3A_2816 = arith.constant 72 : i32
        %add3A_2817 = arith.addi %mul3A_2815, %add3A_2816 : i32
        %broadcast_in_dim3A_2818 = vector.broadcast %add3A_2817 : i32 to vector<16xi32>
        %slice3A_2819 = vector.extract_strided_slice %get3A_1393 {offsets = [8], sizes = [1], strides = [1]} : vector<16xi32> to vector<1xi32>
        %squeeze3A_2820 = vector.extract %slice3A_2819[0] : i32 from vector<1xi32>
        %broadcast_in_dim3A_2821 = vector.broadcast %squeeze3A_2820 : i32 to vector<16xi32>
        %add3A_2822 = arith.addi %broadcast_in_dim3A_2821, %iota3A : vector<16xi32>
        %gather3A_2823 = tpu.vector_load_idx %arg14[%broadcast_in_dim3A_2818, %add3A_2822] : memref<640x128xf32, #tpu.memory_space<vmem>>[vector<16xi32>, vector<16xi32>], vector<16xf32>,
        %add3A_2824 = arith.constant 16 : i32
        %add3A_2825 = vector.broadcast %add3A_2824 : i32 to vector<16xi32>
        %add3A_2826 = arith.addi %add3A_2822, %add3A_2825 : vector<16xi32>
        %gather3A_2827 = tpu.vector_load_idx %arg14[%broadcast_in_dim3A_2818, %add3A_2826] : memref<640x128xf32, #tpu.memory_space<vmem>>[vector<16xi32>, vector<16xi32>], vector<16xf32>,
        %mul3A_2828 = arith.mulf %gather3A_2823, %gather3A_2581 : vector<16xf32>
        %mul3A_2829 = arith.mulf %gather3A_2827, %gather3A_2585 : vector<16xf32>
        %add3A_2830 = arith.addf %mul3A_2828, %mul3A_2829 : vector<16xf32>
        %swap3A_2831 = arith.constant 1152 : index
        %swap3A_2832 = tpu.vector_load %arg16[%swap3A_2831] {strides = array<i32>} : memref<1280xf32, #tpu.memory_space<vmem>>, vector<16xf32>,
        tpu.vector_store %arg16[%swap3A_2831], %add3A_2830 {strides = array<i32>} : memref<1280xf32, #tpu.memory_space<vmem>>, vector<16xf32>,
        %mul3A_2833 = arith.constant 80 : i32
        %mul3A_2834 = arith.muli %scan3A_1359, %mul3A_2833 : i32
        %add3A_2835 = arith.constant 73 : i32
        %add3A_2836 = arith.addi %mul3A_2834, %add3A_2835 : i32
        %broadcast_in_dim3A_2837 = vector.broadcast %add3A_2836 : i32 to vector<16xi32>
        %slice3A_2838 = vector.extract_strided_slice %get3A_1393 {offsets = [9], sizes = [1], strides = [1]} : vector<16xi32> to vector<1xi32>
        %squeeze3A_2839 = vector.extract %slice3A_2838[0] : i32 from vector<1xi32>
        %broadcast_in_dim3A_2840 = vector.broadcast %squeeze3A_2839 : i32 to vector<16xi32>
        %add3A_2841 = arith.addi %broadcast_in_dim3A_2840, %iota3A : vector<16xi32>
        %gather3A_2842 = tpu.vector_load_idx %arg14[%broadcast_in_dim3A_2837, %add3A_2841] : memref<640x128xf32, #tpu.memory_space<vmem>>[vector<16xi32>, vector<16xi32>], vector<16xf32>,
        %add3A_2843 = arith.constant 16 : i32
        %add3A_2844 = vector.broadcast %add3A_2843 : i32 to vector<16xi32>
        %add3A_2845 = arith.addi %add3A_2841, %add3A_2844 : vector<16xi32>
        %gather3A_2846 = tpu.vector_load_idx %arg14[%broadcast_in_dim3A_2837, %add3A_2845] : memref<640x128xf32, #tpu.memory_space<vmem>>[vector<16xi32>, vector<16xi32>], vector<16xf32>,
        %mul3A_2847 = arith.mulf %gather3A_2842, %gather3A_2581 : vector<16xf32>
        %mul3A_2848 = arith.mulf %gather3A_2846, %gather3A_2585 : vector<16xf32>
        %add3A_2849 = arith.addf %mul3A_2847, %mul3A_2848 : vector<16xf32>
        %swap3A_2850 = arith.constant 1168 : index
        %swap3A_2851 = tpu.vector_load %arg16[%swap3A_2850] {strides = array<i32>} : memref<1280xf32, #tpu.memory_space<vmem>>, vector<16xf32>,
        tpu.vector_store %arg16[%swap3A_2850], %add3A_2849 {strides = array<i32>} : memref<1280xf32, #tpu.memory_space<vmem>>, vector<16xf32>,
        %mul3A_2852 = arith.constant 80 : i32
        %mul3A_2853 = arith.muli %scan3A_1359, %mul3A_2852 : i32
        %add3A_2854 = arith.constant 74 : i32
        %add3A_2855 = arith.addi %mul3A_2853, %add3A_2854 : i32
        %broadcast_in_dim3A_2856 = vector.broadcast %add3A_2855 : i32 to vector<16xi32>
        %slice3A_2857 = vector.extract_strided_slice %get3A_1393 {offsets = [10], sizes = [1], strides = [1]} : vector<16xi32> to vector<1xi32>
        %squeeze3A_2858 = vector.extract %slice3A_2857[0] : i32 from vector<1xi32>
        %broadcast_in_dim3A_2859 = vector.broadcast %squeeze3A_2858 : i32 to vector<16xi32>
        %add3A_2860 = arith.addi %broadcast_in_dim3A_2859, %iota3A : vector<16xi32>
        %gather3A_2861 = tpu.vector_load_idx %arg14[%broadcast_in_dim3A_2856, %add3A_2860] : memref<640x128xf32, #tpu.memory_space<vmem>>[vector<16xi32>, vector<16xi32>], vector<16xf32>,
        %add3A_2862 = arith.constant 16 : i32
        %add3A_2863 = vector.broadcast %add3A_2862 : i32 to vector<16xi32>
        %add3A_2864 = arith.addi %add3A_2860, %add3A_2863 : vector<16xi32>
        %gather3A_2865 = tpu.vector_load_idx %arg14[%broadcast_in_dim3A_2856, %add3A_2864] : memref<640x128xf32, #tpu.memory_space<vmem>>[vector<16xi32>, vector<16xi32>], vector<16xf32>,
        %mul3A_2866 = arith.mulf %gather3A_2861, %gather3A_2581 : vector<16xf32>
        %mul3A_2867 = arith.mulf %gather3A_2865, %gather3A_2585 : vector<16xf32>
        %add3A_2868 = arith.addf %mul3A_2866, %mul3A_2867 : vector<16xf32>
        %swap3A_2869 = arith.constant 1184 : index
        %swap3A_2870 = tpu.vector_load %arg16[%swap3A_2869] {strides = array<i32>} : memref<1280xf32, #tpu.memory_space<vmem>>, vector<16xf32>,
        tpu.vector_store %arg16[%swap3A_2869], %add3A_2868 {strides = array<i32>} : memref<1280xf32, #tpu.memory_space<vmem>>, vector<16xf32>,
        %mul3A_2871 = arith.constant 80 : i32
        %mul3A_2872 = arith.muli %scan3A_1359, %mul3A_2871 : i32
        %add3A_2873 = arith.constant 75 : i32
        %add3A_2874 = arith.addi %mul3A_2872, %add3A_2873 : i32
        %broadcast_in_dim3A_2875 = vector.broadcast %add3A_2874 : i32 to vector<16xi32>
        %slice3A_2876 = vector.extract_strided_slice %get3A_1393 {offsets = [11], sizes = [1], strides = [1]} : vector<16xi32> to vector<1xi32>
        %squeeze3A_2877 = vector.extract %slice3A_2876[0] : i32 from vector<1xi32>
        %broadcast_in_dim3A_2878 = vector.broadcast %squeeze3A_2877 : i32 to vector<16xi32>
        %add3A_2879 = arith.addi %broadcast_in_dim3A_2878, %iota3A : vector<16xi32>
        %gather3A_2880 = tpu.vector_load_idx %arg14[%broadcast_in_dim3A_2875, %add3A_2879] : memref<640x128xf32, #tpu.memory_space<vmem>>[vector<16xi32>, vector<16xi32>], vector<16xf32>,
        %add3A_2881 = arith.constant 16 : i32
        %add3A_2882 = vector.broadcast %add3A_2881 : i32 to vector<16xi32>
        %add3A_2883 = arith.addi %add3A_2879, %add3A_2882 : vector<16xi32>
        %gather3A_2884 = tpu.vector_load_idx %arg14[%broadcast_in_dim3A_2875, %add3A_2883] : memref<640x128xf32, #tpu.memory_space<vmem>>[vector<16xi32>, vector<16xi32>], vector<16xf32>,
        %mul3A_2885 = arith.mulf %gather3A_2880, %gather3A_2581 : vector<16xf32>
        %mul3A_2886 = arith.mulf %gather3A_2884, %gather3A_2585 : vector<16xf32>
        %add3A_2887 = arith.addf %mul3A_2885, %mul3A_2886 : vector<16xf32>
        %swap3A_2888 = arith.constant 1200 : index
        %swap3A_2889 = tpu.vector_load %arg16[%swap3A_2888] {strides = array<i32>} : memref<1280xf32, #tpu.memory_space<vmem>>, vector<16xf32>,
        tpu.vector_store %arg16[%swap3A_2888], %add3A_2887 {strides = array<i32>} : memref<1280xf32, #tpu.memory_space<vmem>>, vector<16xf32>,
        %mul3A_2890 = arith.constant 80 : i32
        %mul3A_2891 = arith.muli %scan3A_1359, %mul3A_2890 : i32
        %add3A_2892 = arith.constant 76 : i32
        %add3A_2893 = arith.addi %mul3A_2891, %add3A_2892 : i32
        %broadcast_in_dim3A_2894 = vector.broadcast %add3A_2893 : i32 to vector<16xi32>
        %slice3A_2895 = vector.extract_strided_slice %get3A_1393 {offsets = [12], sizes = [1], strides = [1]} : vector<16xi32> to vector<1xi32>
        %squeeze3A_2896 = vector.extract %slice3A_2895[0] : i32 from vector<1xi32>
        %broadcast_in_dim3A_2897 = vector.broadcast %squeeze3A_2896 : i32 to vector<16xi32>
        %add3A_2898 = arith.addi %broadcast_in_dim3A_2897, %iota3A : vector<16xi32>
        %gather3A_2899 = tpu.vector_load_idx %arg14[%broadcast_in_dim3A_2894, %add3A_2898] : memref<640x128xf32, #tpu.memory_space<vmem>>[vector<16xi32>, vector<16xi32>], vector<16xf32>,
        %add3A_2900 = arith.constant 16 : i32
        %add3A_2901 = vector.broadcast %add3A_2900 : i32 to vector<16xi32>
        %add3A_2902 = arith.addi %add3A_2898, %add3A_2901 : vector<16xi32>
        %gather3A_2903 = tpu.vector_load_idx %arg14[%broadcast_in_dim3A_2894, %add3A_2902] : memref<640x128xf32, #tpu.memory_space<vmem>>[vector<16xi32>, vector<16xi32>], vector<16xf32>,
        %mul3A_2904 = arith.mulf %gather3A_2899, %gather3A_2581 : vector<16xf32>
        %mul3A_2905 = arith.mulf %gather3A_2903, %gather3A_2585 : vector<16xf32>
        %add3A_2906 = arith.addf %mul3A_2904, %mul3A_2905 : vector<16xf32>
        %swap3A_2907 = arith.constant 1216 : index
        %swap3A_2908 = tpu.vector_load %arg16[%swap3A_2907] {strides = array<i32>} : memref<1280xf32, #tpu.memory_space<vmem>>, vector<16xf32>,
        tpu.vector_store %arg16[%swap3A_2907], %add3A_2906 {strides = array<i32>} : memref<1280xf32, #tpu.memory_space<vmem>>, vector<16xf32>,
        %mul3A_2909 = arith.constant 80 : i32
        %mul3A_2910 = arith.muli %scan3A_1359, %mul3A_2909 : i32
        %add3A_2911 = arith.constant 77 : i32
        %add3A_2912 = arith.addi %mul3A_2910, %add3A_2911 : i32
        %broadcast_in_dim3A_2913 = vector.broadcast %add3A_2912 : i32 to vector<16xi32>
        %slice3A_2914 = vector.extract_strided_slice %get3A_1393 {offsets = [13], sizes = [1], strides = [1]} : vector<16xi32> to vector<1xi32>
        %squeeze3A_2915 = vector.extract %slice3A_2914[0] : i32 from vector<1xi32>
        %broadcast_in_dim3A_2916 = vector.broadcast %squeeze3A_2915 : i32 to vector<16xi32>
        %add3A_2917 = arith.addi %broadcast_in_dim3A_2916, %iota3A : vector<16xi32>
        %gather3A_2918 = tpu.vector_load_idx %arg14[%broadcast_in_dim3A_2913, %add3A_2917] : memref<640x128xf32, #tpu.memory_space<vmem>>[vector<16xi32>, vector<16xi32>], vector<16xf32>,
        %add3A_2919 = arith.constant 16 : i32
        %add3A_2920 = vector.broadcast %add3A_2919 : i32 to vector<16xi32>
        %add3A_2921 = arith.addi %add3A_2917, %add3A_2920 : vector<16xi32>
        %gather3A_2922 = tpu.vector_load_idx %arg14[%broadcast_in_dim3A_2913, %add3A_2921] : memref<640x128xf32, #tpu.memory_space<vmem>>[vector<16xi32>, vector<16xi32>], vector<16xf32>,
        %mul3A_2923 = arith.mulf %gather3A_2918, %gather3A_2581 : vector<16xf32>
        %mul3A_2924 = arith.mulf %gather3A_2922, %gather3A_2585 : vector<16xf32>
        %add3A_2925 = arith.addf %mul3A_2923, %mul3A_2924 : vector<16xf32>
        %swap3A_2926 = arith.constant 1232 : index
        %swap3A_2927 = tpu.vector_load %arg16[%swap3A_2926] {strides = array<i32>} : memref<1280xf32, #tpu.memory_space<vmem>>, vector<16xf32>,
        tpu.vector_store %arg16[%swap3A_2926], %add3A_2925 {strides = array<i32>} : memref<1280xf32, #tpu.memory_space<vmem>>, vector<16xf32>,
        %mul3A_2928 = arith.constant 80 : i32
        %mul3A_2929 = arith.muli %scan3A_1359, %mul3A_2928 : i32
        %add3A_2930 = arith.constant 78 : i32
        %add3A_2931 = arith.addi %mul3A_2929, %add3A_2930 : i32
        %broadcast_in_dim3A_2932 = vector.broadcast %add3A_2931 : i32 to vector<16xi32>
        %slice3A_2933 = vector.extract_strided_slice %get3A_1393 {offsets = [14], sizes = [1], strides = [1]} : vector<16xi32> to vector<1xi32>
        %squeeze3A_2934 = vector.extract %slice3A_2933[0] : i32 from vector<1xi32>
        %broadcast_in_dim3A_2935 = vector.broadcast %squeeze3A_2934 : i32 to vector<16xi32>
        %add3A_2936 = arith.addi %broadcast_in_dim3A_2935, %iota3A : vector<16xi32>
        %gather3A_2937 = tpu.vector_load_idx %arg14[%broadcast_in_dim3A_2932, %add3A_2936] : memref<640x128xf32, #tpu.memory_space<vmem>>[vector<16xi32>, vector<16xi32>], vector<16xf32>,
        %add3A_2938 = arith.constant 16 : i32
        %add3A_2939 = vector.broadcast %add3A_2938 : i32 to vector<16xi32>
        %add3A_2940 = arith.addi %add3A_2936, %add3A_2939 : vector<16xi32>
        %gather3A_2941 = tpu.vector_load_idx %arg14[%broadcast_in_dim3A_2932, %add3A_2940] : memref<640x128xf32, #tpu.memory_space<vmem>>[vector<16xi32>, vector<16xi32>], vector<16xf32>,
        %mul3A_2942 = arith.mulf %gather3A_2937, %gather3A_2581 : vector<16xf32>
        %mul3A_2943 = arith.mulf %gather3A_2941, %gather3A_2585 : vector<16xf32>
        %add3A_2944 = arith.addf %mul3A_2942, %mul3A_2943 : vector<16xf32>
        %swap3A_2945 = arith.constant 1248 : index
        %swap3A_2946 = tpu.vector_load %arg16[%swap3A_2945] {strides = array<i32>} : memref<1280xf32, #tpu.memory_space<vmem>>, vector<16xf32>,
        tpu.vector_store %arg16[%swap3A_2945], %add3A_2944 {strides = array<i32>} : memref<1280xf32, #tpu.memory_space<vmem>>, vector<16xf32>,
        %mul3A_2947 = arith.constant 80 : i32
        %mul3A_2948 = arith.muli %scan3A_1359, %mul3A_2947 : i32
        %add3A_2949 = arith.constant 79 : i32
        %add3A_2950 = arith.addi %mul3A_2948, %add3A_2949 : i32
        %broadcast_in_dim3A_2951 = vector.broadcast %add3A_2950 : i32 to vector<16xi32>
        %slice3A_2952 = vector.extract_strided_slice %get3A_1393 {offsets = [15], sizes = [1], strides = [1]} : vector<16xi32> to vector<1xi32>
        %squeeze3A_2953 = vector.extract %slice3A_2952[0] : i32 from vector<1xi32>
        %broadcast_in_dim3A_2954 = vector.broadcast %squeeze3A_2953 : i32 to vector<16xi32>
        %add3A_2955 = arith.addi %broadcast_in_dim3A_2954, %iota3A : vector<16xi32>
        %gather3A_2956 = tpu.vector_load_idx %arg14[%broadcast_in_dim3A_2951, %add3A_2955] : memref<640x128xf32, #tpu.memory_space<vmem>>[vector<16xi32>, vector<16xi32>], vector<16xf32>,
        %add3A_2957 = arith.constant 16 : i32
        %add3A_2958 = vector.broadcast %add3A_2957 : i32 to vector<16xi32>
        %add3A_2959 = arith.addi %add3A_2955, %add3A_2958 : vector<16xi32>
        %gather3A_2960 = tpu.vector_load_idx %arg14[%broadcast_in_dim3A_2951, %add3A_2959] : memref<640x128xf32, #tpu.memory_space<vmem>>[vector<16xi32>, vector<16xi32>], vector<16xf32>,
        %mul3A_2961 = arith.mulf %gather3A_2956, %gather3A_2581 : vector<16xf32>
        %mul3A_2962 = arith.mulf %gather3A_2960, %gather3A_2585 : vector<16xf32>
        %add3A_2963 = arith.addf %mul3A_2961, %mul3A_2962 : vector<16xf32>
        %swap3A_2964 = arith.constant 1264 : index
        %swap3A_2965 = tpu.vector_load %arg16[%swap3A_2964] {strides = array<i32>} : memref<1280xf32, #tpu.memory_space<vmem>>, vector<16xf32>,
        tpu.vector_store %arg16[%swap3A_2964], %add3A_2963 {strides = array<i32>} : memref<1280xf32, #tpu.memory_space<vmem>>, vector<16xf32>,
        %add3A_2966 = arith.constant 0 : i32
        %add3A_2967 = vector.broadcast %add3A_2966 : i32 to vector<16xi32>
        %add3A_2968 = arith.addi %mul3A_7, %add3A_2967 : vector<16xi32>
        %gather3A_2969 = tpu.vector_load_idx %arg16[%add3A_2968] : memref<1280xf32, #tpu.memory_space<vmem>>[vector<16xi32>], vector<16xf32>,
        %add3A_2970 = arith.constant 1 : i32
        %add3A_2971 = vector.broadcast %add3A_2970 : i32 to vector<16xi32>
        %add3A_2972 = arith.addi %mul3A_7, %add3A_2971 : vector<16xi32>
        %gather3A_2973 = tpu.vector_load_idx %arg16[%add3A_2972] : memref<1280xf32, #tpu.memory_space<vmem>>[vector<16xi32>], vector<16xf32>,
        %add3A_2974 = arith.addf %gather3A_2969, %gather3A_2973 : vector<16xf32>
        %add3A_2975 = arith.constant 2 : i32
        %add3A_2976 = vector.broadcast %add3A_2975 : i32 to vector<16xi32>
        %add3A_2977 = arith.addi %mul3A_7, %add3A_2976 : vector<16xi32>
        %gather3A_2978 = tpu.vector_load_idx %arg16[%add3A_2977] : memref<1280xf32, #tpu.memory_space<vmem>>[vector<16xi32>], vector<16xf32>,
        %add3A_2979 = arith.addf %add3A_2974, %gather3A_2978 : vector<16xf32>
        %add3A_2980 = arith.constant 3 : i32
        %add3A_2981 = vector.broadcast %add3A_2980 : i32 to vector<16xi32>
        %add3A_2982 = arith.addi %mul3A_7, %add3A_2981 : vector<16xi32>
        %gather3A_2983 = tpu.vector_load_idx %arg16[%add3A_2982] : memref<1280xf32, #tpu.memory_space<vmem>>[vector<16xi32>], vector<16xf32>,
        %add3A_2984 = arith.addf %add3A_2979, %gather3A_2983 : vector<16xf32>
        %add3A_2985 = arith.constant 4 : i32
        %add3A_2986 = vector.broadcast %add3A_2985 : i32 to vector<16xi32>
        %add3A_2987 = arith.addi %mul3A_7, %add3A_2986 : vector<16xi32>
        %gather3A_2988 = tpu.vector_load_idx %arg16[%add3A_2987] : memref<1280xf32, #tpu.memory_space<vmem>>[vector<16xi32>], vector<16xf32>,
        %add3A_2989 = arith.addf %add3A_2984, %gather3A_2988 : vector<16xf32>
        %add3A_2990 = arith.constant 5 : i32
        %add3A_2991 = vector.broadcast %add3A_2990 : i32 to vector<16xi32>
        %add3A_2992 = arith.addi %mul3A_7, %add3A_2991 : vector<16xi32>
        %gather3A_2993 = tpu.vector_load_idx %arg16[%add3A_2992] : memref<1280xf32, #tpu.memory_space<vmem>>[vector<16xi32>], vector<16xf32>,
        %add3A_2994 = arith.addf %add3A_2989, %gather3A_2993 : vector<16xf32>
        %add3A_2995 = arith.constant 6 : i32
        %add3A_2996 = vector.broadcast %add3A_2995 : i32 to vector<16xi32>
        %add3A_2997 = arith.addi %mul3A_7, %add3A_2996 : vector<16xi32>
        %gather3A_2998 = tpu.vector_load_idx %arg16[%add3A_2997] : memref<1280xf32, #tpu.memory_space<vmem>>[vector<16xi32>], vector<16xf32>,
        %add3A_2999 = arith.addf %add3A_2994, %gather3A_2998 : vector<16xf32>
        %add3A_3000 = arith.constant 7 : i32
        %add3A_3001 = vector.broadcast %add3A_3000 : i32 to vector<16xi32>
        %add3A_3002 = arith.addi %mul3A_7, %add3A_3001 : vector<16xi32>
        %gather3A_3003 = tpu.vector_load_idx %arg16[%add3A_3002] : memref<1280xf32, #tpu.memory_space<vmem>>[vector<16xi32>], vector<16xf32>,
        %add3A_3004 = arith.addf %add3A_2999, %gather3A_3003 : vector<16xf32>
        %add3A_3005 = arith.constant 8 : i32
        %add3A_3006 = vector.broadcast %add3A_3005 : i32 to vector<16xi32>
        %add3A_3007 = arith.addi %mul3A_7, %add3A_3006 : vector<16xi32>
        %gather3A_3008 = tpu.vector_load_idx %arg16[%add3A_3007] : memref<1280xf32, #tpu.memory_space<vmem>>[vector<16xi32>], vector<16xf32>,
        %add3A_3009 = arith.addf %add3A_3004, %gather3A_3008 : vector<16xf32>
        %add3A_3010 = arith.constant 9 : i32
        %add3A_3011 = vector.broadcast %add3A_3010 : i32 to vector<16xi32>
        %add3A_3012 = arith.addi %mul3A_7, %add3A_3011 : vector<16xi32>
        %gather3A_3013 = tpu.vector_load_idx %arg16[%add3A_3012] : memref<1280xf32, #tpu.memory_space<vmem>>[vector<16xi32>], vector<16xf32>,
        %add3A_3014 = arith.addf %add3A_3009, %gather3A_3013 : vector<16xf32>
        %add3A_3015 = arith.constant 10 : i32
        %add3A_3016 = vector.broadcast %add3A_3015 : i32 to vector<16xi32>
        %add3A_3017 = arith.addi %mul3A_7, %add3A_3016 : vector<16xi32>
        %gather3A_3018 = tpu.vector_load_idx %arg16[%add3A_3017] : memref<1280xf32, #tpu.memory_space<vmem>>[vector<16xi32>], vector<16xf32>,
        %add3A_3019 = arith.addf %add3A_3014, %gather3A_3018 : vector<16xf32>
        %add3A_3020 = arith.constant 11 : i32
        %add3A_3021 = vector.broadcast %add3A_3020 : i32 to vector<16xi32>
        %add3A_3022 = arith.addi %mul3A_7, %add3A_3021 : vector<16xi32>
        %gather3A_3023 = tpu.vector_load_idx %arg16[%add3A_3022] : memref<1280xf32, #tpu.memory_space<vmem>>[vector<16xi32>], vector<16xf32>,
        %add3A_3024 = arith.addf %add3A_3019, %gather3A_3023 : vector<16xf32>
        %add3A_3025 = arith.constant 12 : i32
        %add3A_3026 = vector.broadcast %add3A_3025 : i32 to vector<16xi32>
        %add3A_3027 = arith.addi %mul3A_7, %add3A_3026 : vector<16xi32>
        %gather3A_3028 = tpu.vector_load_idx %arg16[%add3A_3027] : memref<1280xf32, #tpu.memory_space<vmem>>[vector<16xi32>], vector<16xf32>,
        %add3A_3029 = arith.addf %add3A_3024, %gather3A_3028 : vector<16xf32>
        %add3A_3030 = arith.constant 13 : i32
        %add3A_3031 = vector.broadcast %add3A_3030 : i32 to vector<16xi32>
        %add3A_3032 = arith.addi %mul3A_7, %add3A_3031 : vector<16xi32>
        %gather3A_3033 = tpu.vector_load_idx %arg16[%add3A_3032] : memref<1280xf32, #tpu.memory_space<vmem>>[vector<16xi32>], vector<16xf32>,
        %add3A_3034 = arith.addf %add3A_3029, %gather3A_3033 : vector<16xf32>
        %add3A_3035 = arith.constant 14 : i32
        %add3A_3036 = vector.broadcast %add3A_3035 : i32 to vector<16xi32>
        %add3A_3037 = arith.addi %mul3A_7, %add3A_3036 : vector<16xi32>
        %gather3A_3038 = tpu.vector_load_idx %arg16[%add3A_3037] : memref<1280xf32, #tpu.memory_space<vmem>>[vector<16xi32>], vector<16xf32>,
        %add3A_3039 = arith.addf %add3A_3034, %gather3A_3038 : vector<16xf32>
        %add3A_3040 = arith.constant 15 : i32
        %add3A_3041 = vector.broadcast %add3A_3040 : i32 to vector<16xi32>
        %add3A_3042 = arith.addi %mul3A_7, %add3A_3041 : vector<16xi32>
        %gather3A_3043 = tpu.vector_load_idx %arg16[%add3A_3042] : memref<1280xf32, #tpu.memory_space<vmem>>[vector<16xi32>], vector<16xf32>,
        %add3A_3044 = arith.addf %add3A_3039, %gather3A_3043 : vector<16xf32>
        %mul3A_3045 = arith.constant 80 : i32
        %mul3A_3046 = arith.muli %scan3A_1359, %mul3A_3045 : i32
        %add3A_3047 = arith.constant 0 : i32
        %add3A_3048 = arith.addi %mul3A_3046, %add3A_3047 : i32
        %swap3A_3049 = arith.index_cast %add3A_3048 : i32 to index
        %swap3A_3050 = tpu.vector_load %arg15[%swap3A_3049] {strides = array<i32>} : memref<640xf32, #tpu.memory_space<vmem>>, vector<16xf32>,
        tpu.vector_store %arg15[%swap3A_3049], %add3A_3044 {strides = array<i32>} : memref<640xf32, #tpu.memory_space<vmem>>, vector<16xf32>,
        %add3A_3051 = arith.constant 256 : i32
        %add3A_3052 = vector.broadcast %add3A_3051 : i32 to vector<16xi32>
        %add3A_3053 = arith.addi %mul3A_7, %add3A_3052 : vector<16xi32>
        %gather3A_3054 = tpu.vector_load_idx %arg16[%add3A_3053] : memref<1280xf32, #tpu.memory_space<vmem>>[vector<16xi32>], vector<16xf32>,
        %add3A_3055 = arith.constant 257 : i32
        %add3A_3056 = vector.broadcast %add3A_3055 : i32 to vector<16xi32>
        %add3A_3057 = arith.addi %mul3A_7, %add3A_3056 : vector<16xi32>
        %gather3A_3058 = tpu.vector_load_idx %arg16[%add3A_3057] : memref<1280xf32, #tpu.memory_space<vmem>>[vector<16xi32>], vector<16xf32>,
        %add3A_3059 = arith.addf %gather3A_3054, %gather3A_3058 : vector<16xf32>
        %add3A_3060 = arith.constant 258 : i32
        %add3A_3061 = vector.broadcast %add3A_3060 : i32 to vector<16xi32>
        %add3A_3062 = arith.addi %mul3A_7, %add3A_3061 : vector<16xi32>
        %gather3A_3063 = tpu.vector_load_idx %arg16[%add3A_3062] : memref<1280xf32, #tpu.memory_space<vmem>>[vector<16xi32>], vector<16xf32>,
        %add3A_3064 = arith.addf %add3A_3059, %gather3A_3063 : vector<16xf32>
        %add3A_3065 = arith.constant 259 : i32
        %add3A_3066 = vector.broadcast %add3A_3065 : i32 to vector<16xi32>
        %add3A_3067 = arith.addi %mul3A_7, %add3A_3066 : vector<16xi32>
        %gather3A_3068 = tpu.vector_load_idx %arg16[%add3A_3067] : memref<1280xf32, #tpu.memory_space<vmem>>[vector<16xi32>], vector<16xf32>,
        %add3A_3069 = arith.addf %add3A_3064, %gather3A_3068 : vector<16xf32>
        %add3A_3070 = arith.constant 260 : i32
        %add3A_3071 = vector.broadcast %add3A_3070 : i32 to vector<16xi32>
        %add3A_3072 = arith.addi %mul3A_7, %add3A_3071 : vector<16xi32>
        %gather3A_3073 = tpu.vector_load_idx %arg16[%add3A_3072] : memref<1280xf32, #tpu.memory_space<vmem>>[vector<16xi32>], vector<16xf32>,
        %add3A_3074 = arith.addf %add3A_3069, %gather3A_3073 : vector<16xf32>
        %add3A_3075 = arith.constant 261 : i32
        %add3A_3076 = vector.broadcast %add3A_3075 : i32 to vector<16xi32>
        %add3A_3077 = arith.addi %mul3A_7, %add3A_3076 : vector<16xi32>
        %gather3A_3078 = tpu.vector_load_idx %arg16[%add3A_3077] : memref<1280xf32, #tpu.memory_space<vmem>>[vector<16xi32>], vector<16xf32>,
        %add3A_3079 = arith.addf %add3A_3074, %gather3A_3078 : vector<16xf32>
        %add3A_3080 = arith.constant 262 : i32
        %add3A_3081 = vector.broadcast %add3A_3080 : i32 to vector<16xi32>
        %add3A_3082 = arith.addi %mul3A_7, %add3A_3081 : vector<16xi32>
        %gather3A_3083 = tpu.vector_load_idx %arg16[%add3A_3082] : memref<1280xf32, #tpu.memory_space<vmem>>[vector<16xi32>], vector<16xf32>,
        %add3A_3084 = arith.addf %add3A_3079, %gather3A_3083 : vector<16xf32>
        %add3A_3085 = arith.constant 263 : i32
        %add3A_3086 = vector.broadcast %add3A_3085 : i32 to vector<16xi32>
        %add3A_3087 = arith.addi %mul3A_7, %add3A_3086 : vector<16xi32>
        %gather3A_3088 = tpu.vector_load_idx %arg16[%add3A_3087] : memref<1280xf32, #tpu.memory_space<vmem>>[vector<16xi32>], vector<16xf32>,
        %add3A_3089 = arith.addf %add3A_3084, %gather3A_3088 : vector<16xf32>
        %add3A_3090 = arith.constant 264 : i32
        %add3A_3091 = vector.broadcast %add3A_3090 : i32 to vector<16xi32>
        %add3A_3092 = arith.addi %mul3A_7, %add3A_3091 : vector<16xi32>
        %gather3A_3093 = tpu.vector_load_idx %arg16[%add3A_3092] : memref<1280xf32, #tpu.memory_space<vmem>>[vector<16xi32>], vector<16xf32>,
        %add3A_3094 = arith.addf %add3A_3089, %gather3A_3093 : vector<16xf32>
        %add3A_3095 = arith.constant 265 : i32
        %add3A_3096 = vector.broadcast %add3A_3095 : i32 to vector<16xi32>
        %add3A_3097 = arith.addi %mul3A_7, %add3A_3096 : vector<16xi32>
        %gather3A_3098 = tpu.vector_load_idx %arg16[%add3A_3097] : memref<1280xf32, #tpu.memory_space<vmem>>[vector<16xi32>], vector<16xf32>,
        %add3A_3099 = arith.addf %add3A_3094, %gather3A_3098 : vector<16xf32>
        %add3A_3100 = arith.constant 266 : i32
        %add3A_3101 = vector.broadcast %add3A_3100 : i32 to vector<16xi32>
        %add3A_3102 = arith.addi %mul3A_7, %add3A_3101 : vector<16xi32>
        %gather3A_3103 = tpu.vector_load_idx %arg16[%add3A_3102] : memref<1280xf32, #tpu.memory_space<vmem>>[vector<16xi32>], vector<16xf32>,
        %add3A_3104 = arith.addf %add3A_3099, %gather3A_3103 : vector<16xf32>
        %add3A_3105 = arith.constant 267 : i32
        %add3A_3106 = vector.broadcast %add3A_3105 : i32 to vector<16xi32>
        %add3A_3107 = arith.addi %mul3A_7, %add3A_3106 : vector<16xi32>
        %gather3A_3108 = tpu.vector_load_idx %arg16[%add3A_3107] : memref<1280xf32, #tpu.memory_space<vmem>>[vector<16xi32>], vector<16xf32>,
        %add3A_3109 = arith.addf %add3A_3104, %gather3A_3108 : vector<16xf32>
        %add3A_3110 = arith.constant 268 : i32
        %add3A_3111 = vector.broadcast %add3A_3110 : i32 to vector<16xi32>
        %add3A_3112 = arith.addi %mul3A_7, %add3A_3111 : vector<16xi32>
        %gather3A_3113 = tpu.vector_load_idx %arg16[%add3A_3112] : memref<1280xf32, #tpu.memory_space<vmem>>[vector<16xi32>], vector<16xf32>,
        %add3A_3114 = arith.addf %add3A_3109, %gather3A_3113 : vector<16xf32>
        %add3A_3115 = arith.constant 269 : i32
        %add3A_3116 = vector.broadcast %add3A_3115 : i32 to vector<16xi32>
        %add3A_3117 = arith.addi %mul3A_7, %add3A_3116 : vector<16xi32>
        %gather3A_3118 = tpu.vector_load_idx %arg16[%add3A_3117] : memref<1280xf32, #tpu.memory_space<vmem>>[vector<16xi32>], vector<16xf32>,
        %add3A_3119 = arith.addf %add3A_3114, %gather3A_3118 : vector<16xf32>
        %add3A_3120 = arith.constant 270 : i32
        %add3A_3121 = vector.broadcast %add3A_3120 : i32 to vector<16xi32>
        %add3A_3122 = arith.addi %mul3A_7, %add3A_3121 : vector<16xi32>
        %gather3A_3123 = tpu.vector_load_idx %arg16[%add3A_3122] : memref<1280xf32, #tpu.memory_space<vmem>>[vector<16xi32>], vector<16xf32>,
        %add3A_3124 = arith.addf %add3A_3119, %gather3A_3123 : vector<16xf32>
        %add3A_3125 = arith.constant 271 : i32
        %add3A_3126 = vector.broadcast %add3A_3125 : i32 to vector<16xi32>
        %add3A_3127 = arith.addi %mul3A_7, %add3A_3126 : vector<16xi32>
        %gather3A_3128 = tpu.vector_load_idx %arg16[%add3A_3127] : memref<1280xf32, #tpu.memory_space<vmem>>[vector<16xi32>], vector<16xf32>,
        %add3A_3129 = arith.addf %add3A_3124, %gather3A_3128 : vector<16xf32>
        %mul3A_3130 = arith.constant 80 : i32
        %mul3A_3131 = arith.muli %scan3A_1359, %mul3A_3130 : i32
        %add3A_3132 = arith.constant 16 : i32
        %add3A_3133 = arith.addi %mul3A_3131, %add3A_3132 : i32
        %swap3A_3134 = arith.index_cast %add3A_3133 : i32 to index
        %swap3A_3135 = tpu.vector_load %arg15[%swap3A_3134] {strides = array<i32>} : memref<640xf32, #tpu.memory_space<vmem>>, vector<16xf32>,
        tpu.vector_store %arg15[%swap3A_3134], %add3A_3129 {strides = array<i32>} : memref<640xf32, #tpu.memory_space<vmem>>, vector<16xf32>,
        %add3A_3136 = arith.constant 512 : i32
        %add3A_3137 = vector.broadcast %add3A_3136 : i32 to vector<16xi32>
        %add3A_3138 = arith.addi %mul3A_7, %add3A_3137 : vector<16xi32>
        %gather3A_3139 = tpu.vector_load_idx %arg16[%add3A_3138] : memref<1280xf32, #tpu.memory_space<vmem>>[vector<16xi32>], vector<16xf32>,
        %add3A_3140 = arith.constant 513 : i32
        %add3A_3141 = vector.broadcast %add3A_3140 : i32 to vector<16xi32>
        %add3A_3142 = arith.addi %mul3A_7, %add3A_3141 : vector<16xi32>
        %gather3A_3143 = tpu.vector_load_idx %arg16[%add3A_3142] : memref<1280xf32, #tpu.memory_space<vmem>>[vector<16xi32>], vector<16xf32>,
        %add3A_3144 = arith.addf %gather3A_3139, %gather3A_3143 : vector<16xf32>
        %add3A_3145 = arith.constant 514 : i32
        %add3A_3146 = vector.broadcast %add3A_3145 : i32 to vector<16xi32>
        %add3A_3147 = arith.addi %mul3A_7, %add3A_3146 : vector<16xi32>
        %gather3A_3148 = tpu.vector_load_idx %arg16[%add3A_3147] : memref<1280xf32, #tpu.memory_space<vmem>>[vector<16xi32>], vector<16xf32>,
        %add3A_3149 = arith.addf %add3A_3144, %gather3A_3148 : vector<16xf32>
        %add3A_3150 = arith.constant 515 : i32
        %add3A_3151 = vector.broadcast %add3A_3150 : i32 to vector<16xi32>
        %add3A_3152 = arith.addi %mul3A_7, %add3A_3151 : vector<16xi32>
        %gather3A_3153 = tpu.vector_load_idx %arg16[%add3A_3152] : memref<1280xf32, #tpu.memory_space<vmem>>[vector<16xi32>], vector<16xf32>,
        %add3A_3154 = arith.addf %add3A_3149, %gather3A_3153 : vector<16xf32>
        %add3A_3155 = arith.constant 516 : i32
        %add3A_3156 = vector.broadcast %add3A_3155 : i32 to vector<16xi32>
        %add3A_3157 = arith.addi %mul3A_7, %add3A_3156 : vector<16xi32>
        %gather3A_3158 = tpu.vector_load_idx %arg16[%add3A_3157] : memref<1280xf32, #tpu.memory_space<vmem>>[vector<16xi32>], vector<16xf32>,
        %add3A_3159 = arith.addf %add3A_3154, %gather3A_3158 : vector<16xf32>
        %add3A_3160 = arith.constant 517 : i32
        %add3A_3161 = vector.broadcast %add3A_3160 : i32 to vector<16xi32>
        %add3A_3162 = arith.addi %mul3A_7, %add3A_3161 : vector<16xi32>
        %gather3A_3163 = tpu.vector_load_idx %arg16[%add3A_3162] : memref<1280xf32, #tpu.memory_space<vmem>>[vector<16xi32>], vector<16xf32>,
        %add3A_3164 = arith.addf %add3A_3159, %gather3A_3163 : vector<16xf32>
        %add3A_3165 = arith.constant 518 : i32
        %add3A_3166 = vector.broadcast %add3A_3165 : i32 to vector<16xi32>
        %add3A_3167 = arith.addi %mul3A_7, %add3A_3166 : vector<16xi32>
        %gather3A_3168 = tpu.vector_load_idx %arg16[%add3A_3167] : memref<1280xf32, #tpu.memory_space<vmem>>[vector<16xi32>], vector<16xf32>,
        %add3A_3169 = arith.addf %add3A_3164, %gather3A_3168 : vector<16xf32>
        %add3A_3170 = arith.constant 519 : i32
        %add3A_3171 = vector.broadcast %add3A_3170 : i32 to vector<16xi32>
        %add3A_3172 = arith.addi %mul3A_7, %add3A_3171 : vector<16xi32>
        %gather3A_3173 = tpu.vector_load_idx %arg16[%add3A_3172] : memref<1280xf32, #tpu.memory_space<vmem>>[vector<16xi32>], vector<16xf32>,
        %add3A_3174 = arith.addf %add3A_3169, %gather3A_3173 : vector<16xf32>
        %add3A_3175 = arith.constant 520 : i32
        %add3A_3176 = vector.broadcast %add3A_3175 : i32 to vector<16xi32>
        %add3A_3177 = arith.addi %mul3A_7, %add3A_3176 : vector<16xi32>
        %gather3A_3178 = tpu.vector_load_idx %arg16[%add3A_3177] : memref<1280xf32, #tpu.memory_space<vmem>>[vector<16xi32>], vector<16xf32>,
        %add3A_3179 = arith.addf %add3A_3174, %gather3A_3178 : vector<16xf32>
        %add3A_3180 = arith.constant 521 : i32
        %add3A_3181 = vector.broadcast %add3A_3180 : i32 to vector<16xi32>
        %add3A_3182 = arith.addi %mul3A_7, %add3A_3181 : vector<16xi32>
        %gather3A_3183 = tpu.vector_load_idx %arg16[%add3A_3182] : memref<1280xf32, #tpu.memory_space<vmem>>[vector<16xi32>], vector<16xf32>,
        %add3A_3184 = arith.addf %add3A_3179, %gather3A_3183 : vector<16xf32>
        %add3A_3185 = arith.constant 522 : i32
        %add3A_3186 = vector.broadcast %add3A_3185 : i32 to vector<16xi32>
        %add3A_3187 = arith.addi %mul3A_7, %add3A_3186 : vector<16xi32>
        %gather3A_3188 = tpu.vector_load_idx %arg16[%add3A_3187] : memref<1280xf32, #tpu.memory_space<vmem>>[vector<16xi32>], vector<16xf32>,
        %add3A_3189 = arith.addf %add3A_3184, %gather3A_3188 : vector<16xf32>
        %add3A_3190 = arith.constant 523 : i32
        %add3A_3191 = vector.broadcast %add3A_3190 : i32 to vector<16xi32>
        %add3A_3192 = arith.addi %mul3A_7, %add3A_3191 : vector<16xi32>
        %gather3A_3193 = tpu.vector_load_idx %arg16[%add3A_3192] : memref<1280xf32, #tpu.memory_space<vmem>>[vector<16xi32>], vector<16xf32>,
        %add3A_3194 = arith.addf %add3A_3189, %gather3A_3193 : vector<16xf32>
        %add3A_3195 = arith.constant 524 : i32
        %add3A_3196 = vector.broadcast %add3A_3195 : i32 to vector<16xi32>
        %add3A_3197 = arith.addi %mul3A_7, %add3A_3196 : vector<16xi32>
        %gather3A_3198 = tpu.vector_load_idx %arg16[%add3A_3197] : memref<1280xf32, #tpu.memory_space<vmem>>[vector<16xi32>], vector<16xf32>,
        %add3A_3199 = arith.addf %add3A_3194, %gather3A_3198 : vector<16xf32>
        %add3A_3200 = arith.constant 525 : i32
        %add3A_3201 = vector.broadcast %add3A_3200 : i32 to vector<16xi32>
        %add3A_3202 = arith.addi %mul3A_7, %add3A_3201 : vector<16xi32>
        %gather3A_3203 = tpu.vector_load_idx %arg16[%add3A_3202] : memref<1280xf32, #tpu.memory_space<vmem>>[vector<16xi32>], vector<16xf32>,
        %add3A_3204 = arith.addf %add3A_3199, %gather3A_3203 : vector<16xf32>
        %add3A_3205 = arith.constant 526 : i32
        %add3A_3206 = vector.broadcast %add3A_3205 : i32 to vector<16xi32>
        %add3A_3207 = arith.addi %mul3A_7, %add3A_3206 : vector<16xi32>
        %gather3A_3208 = tpu.vector_load_idx %arg16[%add3A_3207] : memref<1280xf32, #tpu.memory_space<vmem>>[vector<16xi32>], vector<16xf32>,
        %add3A_3209 = arith.addf %add3A_3204, %gather3A_3208 : vector<16xf32>
        %add3A_3210 = arith.constant 527 : i32
        %add3A_3211 = vector.broadcast %add3A_3210 : i32 to vector<16xi32>
        %add3A_3212 = arith.addi %mul3A_7, %add3A_3211 : vector<16xi32>
        %gather3A_3213 = tpu.vector_load_idx %arg16[%add3A_3212] : memref<1280xf32, #tpu.memory_space<vmem>>[vector<16xi32>], vector<16xf32>,
        %add3A_3214 = arith.addf %add3A_3209, %gather3A_3213 : vector<16xf32>
        %mul3A_3215 = arith.constant 80 : i32
        %mul3A_3216 = arith.muli %scan3A_1359, %mul3A_3215 : i32
        %add3A_3217 = arith.constant 32 : i32
        %add3A_3218 = arith.addi %mul3A_3216, %add3A_3217 : i32
        %swap3A_3219 = arith.index_cast %add3A_3218 : i32 to index
        %swap3A_3220 = tpu.vector_load %arg15[%swap3A_3219] {strides = array<i32>} : memref<640xf32, #tpu.memory_space<vmem>>, vector<16xf32>,
        tpu.vector_store %arg15[%swap3A_3219], %add3A_3214 {strides = array<i32>} : memref<640xf32, #tpu.memory_space<vmem>>, vector<16xf32>,
        %add3A_3221 = arith.constant 768 : i32
        %add3A_3222 = vector.broadcast %add3A_3221 : i32 to vector<16xi32>
        %add3A_3223 = arith.addi %mul3A_7, %add3A_3222 : vector<16xi32>
        %gather3A_3224 = tpu.vector_load_idx %arg16[%add3A_3223] : memref<1280xf32, #tpu.memory_space<vmem>>[vector<16xi32>], vector<16xf32>,
        %add3A_3225 = arith.constant 769 : i32
        %add3A_3226 = vector.broadcast %add3A_3225 : i32 to vector<16xi32>
        %add3A_3227 = arith.addi %mul3A_7, %add3A_3226 : vector<16xi32>
        %gather3A_3228 = tpu.vector_load_idx %arg16[%add3A_3227] : memref<1280xf32, #tpu.memory_space<vmem>>[vector<16xi32>], vector<16xf32>,
        %add3A_3229 = arith.addf %gather3A_3224, %gather3A_3228 : vector<16xf32>
        %add3A_3230 = arith.constant 770 : i32
        %add3A_3231 = vector.broadcast %add3A_3230 : i32 to vector<16xi32>
        %add3A_3232 = arith.addi %mul3A_7, %add3A_3231 : vector<16xi32>
        %gather3A_3233 = tpu.vector_load_idx %arg16[%add3A_3232] : memref<1280xf32, #tpu.memory_space<vmem>>[vector<16xi32>], vector<16xf32>,
        %add3A_3234 = arith.addf %add3A_3229, %gather3A_3233 : vector<16xf32>
        %add3A_3235 = arith.constant 771 : i32
        %add3A_3236 = vector.broadcast %add3A_3235 : i32 to vector<16xi32>
        %add3A_3237 = arith.addi %mul3A_7, %add3A_3236 : vector<16xi32>
        %gather3A_3238 = tpu.vector_load_idx %arg16[%add3A_3237] : memref<1280xf32, #tpu.memory_space<vmem>>[vector<16xi32>], vector<16xf32>,
        %add3A_3239 = arith.addf %add3A_3234, %gather3A_3238 : vector<16xf32>
        %add3A_3240 = arith.constant 772 : i32
        %add3A_3241 = vector.broadcast %add3A_3240 : i32 to vector<16xi32>
        %add3A_3242 = arith.addi %mul3A_7, %add3A_3241 : vector<16xi32>
        %gather3A_3243 = tpu.vector_load_idx %arg16[%add3A_3242] : memref<1280xf32, #tpu.memory_space<vmem>>[vector<16xi32>], vector<16xf32>,
        %add3A_3244 = arith.addf %add3A_3239, %gather3A_3243 : vector<16xf32>
        %add3A_3245 = arith.constant 773 : i32
        %add3A_3246 = vector.broadcast %add3A_3245 : i32 to vector<16xi32>
        %add3A_3247 = arith.addi %mul3A_7, %add3A_3246 : vector<16xi32>
        %gather3A_3248 = tpu.vector_load_idx %arg16[%add3A_3247] : memref<1280xf32, #tpu.memory_space<vmem>>[vector<16xi32>], vector<16xf32>,
        %add3A_3249 = arith.addf %add3A_3244, %gather3A_3248 : vector<16xf32>
        %add3A_3250 = arith.constant 774 : i32
        %add3A_3251 = vector.broadcast %add3A_3250 : i32 to vector<16xi32>
        %add3A_3252 = arith.addi %mul3A_7, %add3A_3251 : vector<16xi32>
        %gather3A_3253 = tpu.vector_load_idx %arg16[%add3A_3252] : memref<1280xf32, #tpu.memory_space<vmem>>[vector<16xi32>], vector<16xf32>,
        %add3A_3254 = arith.addf %add3A_3249, %gather3A_3253 : vector<16xf32>
        %add3A_3255 = arith.constant 775 : i32
        %add3A_3256 = vector.broadcast %add3A_3255 : i32 to vector<16xi32>
        %add3A_3257 = arith.addi %mul3A_7, %add3A_3256 : vector<16xi32>
        %gather3A_3258 = tpu.vector_load_idx %arg16[%add3A_3257] : memref<1280xf32, #tpu.memory_space<vmem>>[vector<16xi32>], vector<16xf32>,
        %add3A_3259 = arith.addf %add3A_3254, %gather3A_3258 : vector<16xf32>
        %add3A_3260 = arith.constant 776 : i32
        %add3A_3261 = vector.broadcast %add3A_3260 : i32 to vector<16xi32>
        %add3A_3262 = arith.addi %mul3A_7, %add3A_3261 : vector<16xi32>
        %gather3A_3263 = tpu.vector_load_idx %arg16[%add3A_3262] : memref<1280xf32, #tpu.memory_space<vmem>>[vector<16xi32>], vector<16xf32>,
        %add3A_3264 = arith.addf %add3A_3259, %gather3A_3263 : vector<16xf32>
        %add3A_3265 = arith.constant 777 : i32
        %add3A_3266 = vector.broadcast %add3A_3265 : i32 to vector<16xi32>
        %add3A_3267 = arith.addi %mul3A_7, %add3A_3266 : vector<16xi32>
        %gather3A_3268 = tpu.vector_load_idx %arg16[%add3A_3267] : memref<1280xf32, #tpu.memory_space<vmem>>[vector<16xi32>], vector<16xf32>,
        %add3A_3269 = arith.addf %add3A_3264, %gather3A_3268 : vector<16xf32>
        %add3A_3270 = arith.constant 778 : i32
        %add3A_3271 = vector.broadcast %add3A_3270 : i32 to vector<16xi32>
        %add3A_3272 = arith.addi %mul3A_7, %add3A_3271 : vector<16xi32>
        %gather3A_3273 = tpu.vector_load_idx %arg16[%add3A_3272] : memref<1280xf32, #tpu.memory_space<vmem>>[vector<16xi32>], vector<16xf32>,
        %add3A_3274 = arith.addf %add3A_3269, %gather3A_3273 : vector<16xf32>
        %add3A_3275 = arith.constant 779 : i32
        %add3A_3276 = vector.broadcast %add3A_3275 : i32 to vector<16xi32>
        %add3A_3277 = arith.addi %mul3A_7, %add3A_3276 : vector<16xi32>
        %gather3A_3278 = tpu.vector_load_idx %arg16[%add3A_3277] : memref<1280xf32, #tpu.memory_space<vmem>>[vector<16xi32>], vector<16xf32>,
        %add3A_3279 = arith.addf %add3A_3274, %gather3A_3278 : vector<16xf32>
        %add3A_3280 = arith.constant 780 : i32
        %add3A_3281 = vector.broadcast %add3A_3280 : i32 to vector<16xi32>
        %add3A_3282 = arith.addi %mul3A_7, %add3A_3281 : vector<16xi32>
        %gather3A_3283 = tpu.vector_load_idx %arg16[%add3A_3282] : memref<1280xf32, #tpu.memory_space<vmem>>[vector<16xi32>], vector<16xf32>,
        %add3A_3284 = arith.addf %add3A_3279, %gather3A_3283 : vector<16xf32>
        %add3A_3285 = arith.constant 781 : i32
        %add3A_3286 = vector.broadcast %add3A_3285 : i32 to vector<16xi32>
        %add3A_3287 = arith.addi %mul3A_7, %add3A_3286 : vector<16xi32>
        %gather3A_3288 = tpu.vector_load_idx %arg16[%add3A_3287] : memref<1280xf32, #tpu.memory_space<vmem>>[vector<16xi32>], vector<16xf32>,
        %add3A_3289 = arith.addf %add3A_3284, %gather3A_3288 : vector<16xf32>
        %add3A_3290 = arith.constant 782 : i32
        %add3A_3291 = vector.broadcast %add3A_3290 : i32 to vector<16xi32>
        %add3A_3292 = arith.addi %mul3A_7, %add3A_3291 : vector<16xi32>
        %gather3A_3293 = tpu.vector_load_idx %arg16[%add3A_3292] : memref<1280xf32, #tpu.memory_space<vmem>>[vector<16xi32>], vector<16xf32>,
        %add3A_3294 = arith.addf %add3A_3289, %gather3A_3293 : vector<16xf32>
        %add3A_3295 = arith.constant 783 : i32
        %add3A_3296 = vector.broadcast %add3A_3295 : i32 to vector<16xi32>
        %add3A_3297 = arith.addi %mul3A_7, %add3A_3296 : vector<16xi32>
        %gather3A_3298 = tpu.vector_load_idx %arg16[%add3A_3297] : memref<1280xf32, #tpu.memory_space<vmem>>[vector<16xi32>], vector<16xf32>,
        %add3A_3299 = arith.addf %add3A_3294, %gather3A_3298 : vector<16xf32>
        %mul3A_3300 = arith.constant 80 : i32
        %mul3A_3301 = arith.muli %scan3A_1359, %mul3A_3300 : i32
        %add3A_3302 = arith.constant 48 : i32
        %add3A_3303 = arith.addi %mul3A_3301, %add3A_3302 : i32
        %swap3A_3304 = arith.index_cast %add3A_3303 : i32 to index
        %swap3A_3305 = tpu.vector_load %arg15[%swap3A_3304] {strides = array<i32>} : memref<640xf32, #tpu.memory_space<vmem>>, vector<16xf32>,
        tpu.vector_store %arg15[%swap3A_3304], %add3A_3299 {strides = array<i32>} : memref<640xf32, #tpu.memory_space<vmem>>, vector<16xf32>,
        %add3A_3306 = arith.constant 1024 : i32
        %add3A_3307 = vector.broadcast %add3A_3306 : i32 to vector<16xi32>
        %add3A_3308 = arith.addi %mul3A_7, %add3A_3307 : vector<16xi32>
        %gather3A_3309 = tpu.vector_load_idx %arg16[%add3A_3308] : memref<1280xf32, #tpu.memory_space<vmem>>[vector<16xi32>], vector<16xf32>,
        %add3A_3310 = arith.constant 1025 : i32
        %add3A_3311 = vector.broadcast %add3A_3310 : i32 to vector<16xi32>
        %add3A_3312 = arith.addi %mul3A_7, %add3A_3311 : vector<16xi32>
        %gather3A_3313 = tpu.vector_load_idx %arg16[%add3A_3312] : memref<1280xf32, #tpu.memory_space<vmem>>[vector<16xi32>], vector<16xf32>,
        %add3A_3314 = arith.addf %gather3A_3309, %gather3A_3313 : vector<16xf32>
        %add3A_3315 = arith.constant 1026 : i32
        %add3A_3316 = vector.broadcast %add3A_3315 : i32 to vector<16xi32>
        %add3A_3317 = arith.addi %mul3A_7, %add3A_3316 : vector<16xi32>
        %gather3A_3318 = tpu.vector_load_idx %arg16[%add3A_3317] : memref<1280xf32, #tpu.memory_space<vmem>>[vector<16xi32>], vector<16xf32>,
        %add3A_3319 = arith.addf %add3A_3314, %gather3A_3318 : vector<16xf32>
        %add3A_3320 = arith.constant 1027 : i32
        %add3A_3321 = vector.broadcast %add3A_3320 : i32 to vector<16xi32>
        %add3A_3322 = arith.addi %mul3A_7, %add3A_3321 : vector<16xi32>
        %gather3A_3323 = tpu.vector_load_idx %arg16[%add3A_3322] : memref<1280xf32, #tpu.memory_space<vmem>>[vector<16xi32>], vector<16xf32>,
        %add3A_3324 = arith.addf %add3A_3319, %gather3A_3323 : vector<16xf32>
        %add3A_3325 = arith.constant 1028 : i32
        %add3A_3326 = vector.broadcast %add3A_3325 : i32 to vector<16xi32>
        %add3A_3327 = arith.addi %mul3A_7, %add3A_3326 : vector<16xi32>
        %gather3A_3328 = tpu.vector_load_idx %arg16[%add3A_3327] : memref<1280xf32, #tpu.memory_space<vmem>>[vector<16xi32>], vector<16xf32>,
        %add3A_3329 = arith.addf %add3A_3324, %gather3A_3328 : vector<16xf32>
        %add3A_3330 = arith.constant 1029 : i32
        %add3A_3331 = vector.broadcast %add3A_3330 : i32 to vector<16xi32>
        %add3A_3332 = arith.addi %mul3A_7, %add3A_3331 : vector<16xi32>
        %gather3A_3333 = tpu.vector_load_idx %arg16[%add3A_3332] : memref<1280xf32, #tpu.memory_space<vmem>>[vector<16xi32>], vector<16xf32>,
        %add3A_3334 = arith.addf %add3A_3329, %gather3A_3333 : vector<16xf32>
        %add3A_3335 = arith.constant 1030 : i32
        %add3A_3336 = vector.broadcast %add3A_3335 : i32 to vector<16xi32>
        %add3A_3337 = arith.addi %mul3A_7, %add3A_3336 : vector<16xi32>
        %gather3A_3338 = tpu.vector_load_idx %arg16[%add3A_3337] : memref<1280xf32, #tpu.memory_space<vmem>>[vector<16xi32>], vector<16xf32>,
        %add3A_3339 = arith.addf %add3A_3334, %gather3A_3338 : vector<16xf32>
        %add3A_3340 = arith.constant 1031 : i32
        %add3A_3341 = vector.broadcast %add3A_3340 : i32 to vector<16xi32>
        %add3A_3342 = arith.addi %mul3A_7, %add3A_3341 : vector<16xi32>
        %gather3A_3343 = tpu.vector_load_idx %arg16[%add3A_3342] : memref<1280xf32, #tpu.memory_space<vmem>>[vector<16xi32>], vector<16xf32>,
        %add3A_3344 = arith.addf %add3A_3339, %gather3A_3343 : vector<16xf32>
        %add3A_3345 = arith.constant 1032 : i32
        %add3A_3346 = vector.broadcast %add3A_3345 : i32 to vector<16xi32>
        %add3A_3347 = arith.addi %mul3A_7, %add3A_3346 : vector<16xi32>
        %gather3A_3348 = tpu.vector_load_idx %arg16[%add3A_3347] : memref<1280xf32, #tpu.memory_space<vmem>>[vector<16xi32>], vector<16xf32>,
        %add3A_3349 = arith.addf %add3A_3344, %gather3A_3348 : vector<16xf32>
        %add3A_3350 = arith.constant 1033 : i32
        %add3A_3351 = vector.broadcast %add3A_3350 : i32 to vector<16xi32>
        %add3A_3352 = arith.addi %mul3A_7, %add3A_3351 : vector<16xi32>
        %gather3A_3353 = tpu.vector_load_idx %arg16[%add3A_3352] : memref<1280xf32, #tpu.memory_space<vmem>>[vector<16xi32>], vector<16xf32>,
        %add3A_3354 = arith.addf %add3A_3349, %gather3A_3353 : vector<16xf32>
        %add3A_3355 = arith.constant 1034 : i32
        %add3A_3356 = vector.broadcast %add3A_3355 : i32 to vector<16xi32>
        %add3A_3357 = arith.addi %mul3A_7, %add3A_3356 : vector<16xi32>
        %gather3A_3358 = tpu.vector_load_idx %arg16[%add3A_3357] : memref<1280xf32, #tpu.memory_space<vmem>>[vector<16xi32>], vector<16xf32>,
        %add3A_3359 = arith.addf %add3A_3354, %gather3A_3358 : vector<16xf32>
        %add3A_3360 = arith.constant 1035 : i32
        %add3A_3361 = vector.broadcast %add3A_3360 : i32 to vector<16xi32>
        %add3A_3362 = arith.addi %mul3A_7, %add3A_3361 : vector<16xi32>
        %gather3A_3363 = tpu.vector_load_idx %arg16[%add3A_3362] : memref<1280xf32, #tpu.memory_space<vmem>>[vector<16xi32>], vector<16xf32>,
        %add3A_3364 = arith.addf %add3A_3359, %gather3A_3363 : vector<16xf32>
        %add3A_3365 = arith.constant 1036 : i32
        %add3A_3366 = vector.broadcast %add3A_3365 : i32 to vector<16xi32>
        %add3A_3367 = arith.addi %mul3A_7, %add3A_3366 : vector<16xi32>
        %gather3A_3368 = tpu.vector_load_idx %arg16[%add3A_3367] : memref<1280xf32, #tpu.memory_space<vmem>>[vector<16xi32>], vector<16xf32>,
        %add3A_3369 = arith.addf %add3A_3364, %gather3A_3368 : vector<16xf32>
        %add3A_3370 = arith.constant 1037 : i32
        %add3A_3371 = vector.broadcast %add3A_3370 : i32 to vector<16xi32>
        %add3A_3372 = arith.addi %mul3A_7, %add3A_3371 : vector<16xi32>
        %gather3A_3373 = tpu.vector_load_idx %arg16[%add3A_3372] : memref<1280xf32, #tpu.memory_space<vmem>>[vector<16xi32>], vector<16xf32>,
        %add3A_3374 = arith.addf %add3A_3369, %gather3A_3373 : vector<16xf32>
        %add3A_3375 = arith.constant 1038 : i32
        %add3A_3376 = vector.broadcast %add3A_3375 : i32 to vector<16xi32>
        %add3A_3377 = arith.addi %mul3A_7, %add3A_3376 : vector<16xi32>
        %gather3A_3378 = tpu.vector_load_idx %arg16[%add3A_3377] : memref<1280xf32, #tpu.memory_space<vmem>>[vector<16xi32>], vector<16xf32>,
        %add3A_3379 = arith.addf %add3A_3374, %gather3A_3378 : vector<16xf32>
        %add3A_3380 = arith.constant 1039 : i32
        %add3A_3381 = vector.broadcast %add3A_3380 : i32 to vector<16xi32>
        %add3A_3382 = arith.addi %mul3A_7, %add3A_3381 : vector<16xi32>
        %gather3A_3383 = tpu.vector_load_idx %arg16[%add3A_3382] : memref<1280xf32, #tpu.memory_space<vmem>>[vector<16xi32>], vector<16xf32>,
        %add3A_3384 = arith.addf %add3A_3379, %gather3A_3383 : vector<16xf32>
        %mul3A_3385 = arith.constant 80 : i32
        %mul3A_3386 = arith.muli %scan3A_1359, %mul3A_3385 : i32
        %add3A_3387 = arith.constant 64 : i32
        %add3A_3388 = arith.addi %mul3A_3386, %add3A_3387 : i32
        %swap3A_3389 = arith.index_cast %add3A_3388 : i32 to index
        %swap3A_3390 = tpu.vector_load %arg15[%swap3A_3389] {strides = array<i32>} : memref<640xf32, #tpu.memory_space<vmem>>, vector<16xf32>,
        tpu.vector_store %arg15[%swap3A_3389], %add3A_3384 {strides = array<i32>} : memref<640xf32, #tpu.memory_space<vmem>>, vector<16xf32>,
      }
      %scan3A_1355 = arith.constant 8 : i32
      %add3A_1356 = arith.addi %multiple_of3A, %multiple_of3A_16 : i32
      %mul3A_1357 = arith.constant 20 : i32
      %mul3A_1358 = arith.muli %add3A_1356, %mul3A_1357 : i32
      "tpu.region"() ({
        %run_scoped3A = tpu.sem_alloc : memref<!tpu.dma_semaphore, #tpu.memory_space<semaphore_mem>>
        %dma_start3A_1359 = tpu.memref_slice %arg6[%mul3A_1358] : memref<327680xf32, #tpu.memory_space<hbm>> -> memref<640xf32, #tpu.memory_space<hbm>>
        %dma_start3A_1360 = tpu.memref_slice %arg6[%mul3A_1358] : memref<327680xf32, #tpu.memory_space<hbm>> -> memref<640xf32, #tpu.memory_space<hbm>>
        tpu.enqueue_dma source(%arg15 : memref<640xf32, #tpu.memory_space<vmem>>) target(%dma_start3A_1360 : memref<640xf32, #tpu.memory_space<hbm>>) target_semaphore(%run_scoped3A : memref<!tpu.dma_semaphore, #tpu.memory_space<semaphore_mem>>)
        %dma_wait3A_1361 = tpu.memref_slice %arg6[%mul3A_1358] : memref<327680xf32, #tpu.memory_space<hbm>> -> memref<640xf32, #tpu.memory_space<hbm>>
        %dma_wait3A_1362 = tpu.memref_slice %arg6[%mul3A_1358] : memref<327680xf32, #tpu.memory_space<hbm>> -> memref<640xf32, #tpu.memory_space<hbm>>
        tpu.wait_dma2 semaphore(%run_scoped3A : memref<!tpu.dma_semaphore, #tpu.memory_space<semaphore_mem>>) src(%arg15 : memref<640xf32, #tpu.memory_space<vmem>>) dst(%dma_wait3A_1362 : memref<640xf32, #tpu.memory_space<hbm>>)
        tpu.yield
      }) : () -> ()
    }
    %scan3A_12 = arith.constant 16 : i32
    return
  }
}

module attributes {stable_mosaic.version = 14 : i64} {
  func.func @_stage_body(%arg0: i32, %arg1: memref<32x2048xf32, #tpu.memory_space<vmem>>, %arg2: memref<32x2048xf32, #tpu.memory_space<vmem>>, %arg3: memref<32x2048xf32, #tpu.memory_space<vmem>>, %arg4: memref<32x2048xf32, #tpu.memory_space<vmem>>, %arg5: memref<2048x128xf32, #tpu.memory_space<vmem>>) attributes {dimension_semantics = [#tpu.dimension_semantics<arbitrary>], iteration_bounds = array<i64: 123>, scalar_prefetch = 0 : i64, scratch_operands = 0 : i64, tpu.core_type = #tpu.core_type<tc>, window_params = [{transform_indices = @transform_0, window_bounds = array<i64: 32, 2048>}, {transform_indices = @transform_1, window_bounds = array<i64: 32, 2048>}, {transform_indices = @transform_2, window_bounds = array<i64: 32, 2048>}, {transform_indices = @transform_3, window_bounds = array<i64: 32, 2048>}, {transform_indices = @transform_4, window_bounds = array<i64: 2048, 128>}]} {
    %get3A = arith.constant 0 : index
    %get3A_0 = arith.constant 0 : index
    %get3A_1 = vector.load %arg1[%get3A, %get3A_0] : memref<32x2048xf32, #tpu.memory_space<vmem>>, vector<32x2048xf32>
    %get3A_2 = arith.constant 0 : index
    %get3A_3 = arith.constant 0 : index
    %get3A_4 = vector.load %arg2[%get3A_2, %get3A_3] : memref<32x2048xf32, #tpu.memory_space<vmem>>, vector<32x2048xf32>
    %get3A_5 = arith.constant 0 : index
    %get3A_6 = arith.constant 0 : index
    %get3A_7 = vector.load %arg3[%get3A_5, %get3A_6] : memref<32x2048xf32, #tpu.memory_space<vmem>>, vector<32x2048xf32>
    %get3A_8 = arith.constant 0 : index
    %get3A_9 = arith.constant 0 : index
    %get3A_10 = vector.load %arg4[%get3A_8, %get3A_9] : memref<32x2048xf32, #tpu.memory_space<vmem>>, vector<32x2048xf32>
    %concatenate3A = tpu.concatenate %get3A_1, %get3A_4, %get3A_7, %get3A_10 in 0 : vector<32x2048xf32>, vector<32x2048xf32>, vector<32x2048xf32>, vector<32x2048xf32> -> vector<128x2048xf32>
    %iota3A = tpu.iota {dimensions = array<i32: 0>} : vector<128x128xi32>
    %iota3A_11 = tpu.iota {dimensions = array<i32: 1>} : vector<128x128xi32>
    %eq3A = arith.cmpi eq, %iota3A, %iota3A_11 : vector<128x128xi32>
    %convert_element_type3A = arith.extui %eq3A : vector<128x128xi1> to vector<128x128xi32>
    %convert_element_type3A_12 = arith.sitofp %convert_element_type3A : vector<128x128xi32> to vector<128x128xf32>
    %dot_general3A = arith.constant dense<0.000000e+00> : vector<2048x128xf32>
    %dot_general3A_13 = tpu.matmul %concatenate3A, %convert_element_type3A_12, %dot_general3A {dimension_numbers = #tpu.dot_dimension_numbers<[0], [0], [1], [1], [0, 1, 1, 1], [], []>, transpose_lhs_hint = false} : vector<128x2048xf32>, vector<128x128xf32>, vector<2048x128xf32> -> vector<2048x128xf32>
    %swap3A = arith.constant 0 : index
    %swap3A_14 = arith.constant 0 : index
    %swap3A_15 = vector.load %arg5[%swap3A, %swap3A_14] : memref<2048x128xf32, #tpu.memory_space<vmem>>, vector<2048x128xf32>
    tpu.vector_store %arg5[%swap3A, %swap3A_14], %dot_general3A_13 {strides = array<i32>} : memref<2048x128xf32, #tpu.memory_space<vmem>>, vector<2048x128xf32>,
    return
  }
  func.func @transform_0(%arg0: i32) -> (i32, i32) {
    %mul3A = arith.constant 4 : i32
    %mul3A_0 = arith.muli %mul3A, %arg0 : i32
    %add3A = arith.constant 0 : i32
    %add3A_1 = arith.addi %mul3A_0, %add3A : i32
    %min3A = arith.constant 488 : i32
    %min3A_2 = arith.minsi %add3A_1, %min3A : i32
    %c0_i32 = arith.constant 0 : i32
    %c0_i32_3 = arith.constant 0 : i32
    return %c0_i32, %min3A_2 : i32, i32
  }
  func.func @transform_1(%arg0: i32) -> (i32, i32) {
    %mul3A = arith.constant 4 : i32
    %mul3A_0 = arith.muli %mul3A, %arg0 : i32
    %add3A = arith.constant 1 : i32
    %add3A_1 = arith.addi %mul3A_0, %add3A : i32
    %min3A = arith.constant 488 : i32
    %min3A_2 = arith.minsi %add3A_1, %min3A : i32
    %c0_i32 = arith.constant 0 : i32
    %c0_i32_3 = arith.constant 0 : i32
    return %c0_i32, %min3A_2 : i32, i32
  }
  func.func @transform_2(%arg0: i32) -> (i32, i32) {
    %mul3A = arith.constant 4 : i32
    %mul3A_0 = arith.muli %mul3A, %arg0 : i32
    %add3A = arith.constant 2 : i32
    %add3A_1 = arith.addi %mul3A_0, %add3A : i32
    %min3A = arith.constant 488 : i32
    %min3A_2 = arith.minsi %add3A_1, %min3A : i32
    %c0_i32 = arith.constant 0 : i32
    %c0_i32_3 = arith.constant 0 : i32
    return %c0_i32, %min3A_2 : i32, i32
  }
  func.func @transform_3(%arg0: i32) -> (i32, i32) {
    %mul3A = arith.constant 4 : i32
    %mul3A_0 = arith.muli %mul3A, %arg0 : i32
    %add3A = arith.constant 3 : i32
    %add3A_1 = arith.addi %mul3A_0, %add3A : i32
    %min3A = arith.constant 488 : i32
    %min3A_2 = arith.minsi %add3A_1, %min3A : i32
    %c0_i32 = arith.constant 0 : i32
    %c0_i32_3 = arith.constant 0 : i32
    return %c0_i32, %min3A_2 : i32, i32
  }
  func.func @transform_4(%arg0: i32) -> (i32, i32) {
    %c0_i32 = arith.constant 0 : i32
    %c0_i32_0 = arith.constant 0 : i32
    return %arg0, %c0_i32 : i32, i32
  }
}

module attributes {stable_mosaic.version = 14 : i64} {
  func.func @_loss_body(%arg0: memref<16384x20xf32, #tpu.memory_space<vmem>>, %arg1: memref<16384x19xf32, #tpu.memory_space<vmem>>, %arg2: memref<1x1xf32, #tpu.memory_space<smem>>) attributes {dimension_semantics = [], scalar_prefetch = 0 : i64, scratch_operands = 0 : i64, tpu.core_type = #tpu.core_type<tc>} {
    %get3A = arith.constant 0 : index
    %get3A_0 = arith.constant 0 : index
    %get3A_1 = vector.load %arg0[%get3A, %get3A_0] : memref<16384x20xf32, #tpu.memory_space<vmem>>, vector<16384x20xf32>
    %get3A_2 = arith.constant 0 : index
    %get3A_3 = arith.constant 0 : index
    %get3A_4 = vector.load %arg1[%get3A_2, %get3A_3] : memref<16384x19xf32, #tpu.memory_space<vmem>>, vector<16384x19xf32>
    %slice3A = vector.extract_strided_slice %get3A_1 {offsets = [0, 0], sizes = [16384, 1], strides = [1, 1]} : vector<16384x20xf32> to vector<16384x1xf32>
    %slice3A_5 = vector.extract_strided_slice %get3A_1 {offsets = [0, 1], sizes = [16384, 19], strides = [1, 1]} : vector<16384x20xf32> to vector<16384x19xf32>
    %sub3A = vector.broadcast %slice3A : vector<16384x1xf32> to vector<16384x19xf32>
    %sub3A_6 = arith.subf %sub3A, %slice3A_5 : vector<16384x19xf32>
    %neg3A = arith.constant 0.000000e+00 : f32
    %neg3A_7 = vector.broadcast %neg3A : f32 to vector<16384x19xf32>
    %neg3A_8 = arith.subf %neg3A_7, %sub3A_6 : vector<16384x19xf32>
    %custom_jvp_call3A = arith.constant 0.000000e+00 : f32
    %max3A = vector.broadcast %custom_jvp_call3A : f32 to vector<16384x19xf32>
    %max3A_9 = arith.maximumf %neg3A_8, %max3A : vector<16384x19xf32>
    %sub3A_10 = vector.broadcast %custom_jvp_call3A : f32 to vector<16384x19xf32>
    %sub3A_11 = arith.subf %neg3A_8, %sub3A_10 : vector<16384x19xf32>
    %ne3A = arith.cmpf one, %sub3A_11, %sub3A_11 : vector<16384x19xf32>
    %add3A = vector.broadcast %custom_jvp_call3A : f32 to vector<16384x19xf32>
    %add3A_12 = arith.addf %neg3A_8, %add3A : vector<16384x19xf32>
    %abs3A = math.absf %sub3A_11 : vector<16384x19xf32>
    %neg3A_13 = arith.constant 0.000000e+00 : f32
    %neg3A_14 = vector.broadcast %neg3A_13 : f32 to vector<16384x19xf32>
    %neg3A_15 = arith.subf %neg3A_14, %abs3A : vector<16384x19xf32>
    %exp3A = math.exp %neg3A_15 : vector<16384x19xf32>
    %log1p3A = math.log1p %exp3A : vector<16384x19xf32>
    %add3A_16 = arith.addf %max3A_9, %log1p3A : vector<16384x19xf32>
    %select_n3A = arith.select %ne3A, %add3A_12, %add3A_16 : vector<16384x19xi1>, vector<16384x19xf32>
    %neg3A_17 = arith.constant 0.000000e+00 : f32
    %neg3A_18 = vector.broadcast %neg3A_17 : f32 to vector<16384x19xf32>
    %neg3A_19 = arith.subf %neg3A_18, %select_n3A : vector<16384x19xf32>
    %neg3A_20 = arith.constant 0.000000e+00 : f32
    %neg3A_21 = vector.broadcast %neg3A_20 : f32 to vector<16384x19xf32>
    %neg3A_22 = arith.subf %neg3A_21, %neg3A_19 : vector<16384x19xf32>
    %mul3A = arith.mulf %neg3A_22, %get3A_4 : vector<16384x19xf32>
    %reduce_sum3A = vector.shape_cast %mul3A : vector<16384x19xf32> to vector<1x16384x19xf32>
    %reduce_sum3A_23 = arith.constant dense<0.000000e+00> : vector<1xf32>
    %reduce_sum3A_24 = vector.multi_reduction <add>, %reduce_sum3A, %reduce_sum3A_23 [1, 2] : vector<1x16384x19xf32> to vector<1xf32>
    %reduce_sum3A_25 = vector.shape_cast %reduce_sum3A_24 : vector<1xf32> to vector<1x1x1xf32>
    %reduce_sum3A_26 = vector.extract %reduce_sum3A_25[0, 0, 0] : f32 from vector<1x1x1xf32>
    %div3A = arith.constant 3.112960e+05 : f32
    %div3A_27 = arith.divf %reduce_sum3A_26, %div3A : f32
    %swap3A = arith.constant 0 : index
    %swap3A_28 = arith.constant 0 : index
    %swap3A_29 = memref.load %arg2[%swap3A, %swap3A_28] : memref<1x1xf32, #tpu.memory_space<smem>>
    memref.store %div3A_27, %arg2[%swap3A, %swap3A_28] : memref<1x1xf32, #tpu.memory_space<smem>>
    return
  }
}

</mosaic_0001>

<sc_bundles>
// kernel: kernel.6.cloned.1.call-start
scs
__scs_entry_jumppad:
0x0: {  	(pc) =	sbr.rel $0x88, $3  }
0x1: {  	(tag) =	ssettag $0x0;
	lr =	simm.s32 $0x1  }
0x2: {  	[smem:$0x3F9C] =	sst lr;
	_ =	strace $0xD0000000  }
0x3: {  	_ = 	snop  }
0x4: {  	_ = 	snop  }
0x5: {  	_ = 	snop  }
0x6: {  	_ = 	snop  }
0x7: {  	_ = 	snop  }
__scs_overlays_trampoline_lowered:
0x8: {  	[smem:$0x3FAB] =	sst s0  }
0x9: {  	[smem:$0x3FAC] =	sst s1  }
0xa: {  	[smem:$0x3FAD] =	sst s2  }
0xb: {  	[smem:$0x3FAE] =	sst s3  }
0xc: {  	[smem:$0x3FAF] =	sst s4  }
0xd: {  	[smem:$0x3FB0] =	sst s5  }
0xe: {  	[smem:$0x3FB1] =	sst s6  }
0xf: {  	[smem:$0x3FB2] =	sst s7  }
0x10: {  	[smem:$0x3FB3] =	sst s8  }
0x11: {  	[smem:$0x3FB4] =	sst s9;
	s0 =	simm.s32 @!p0 $0x0  }
0x12: {  	s1 =	sld [smem:$0x3F9A];
	s0 =	simm.s32 @p0 $0x1  }
0x13: {  	[smem:$0x3FB5] =	sst s0;
	s0 =	simm.s32 @!p1 $0x0  }
0x14: {  	s2 =	sld [smem:$0x3F99];
	s0 =	simm.s32 @p1 $0x1  }
0x15: {  	[smem:$0x3FB6] =	sst s0;
	s0 =	simm.s32 @!p2 $0x0  }
0x16: {  	s3 =	sld [smem:$0x3FDB];
	s0 =	simm.s32 @p2 $0x1  }
0x17: {  	s4 =	simm.s32 $0x1BF5;
	[smem:$0x3FB8] =	sst s0  }
0x18: {  	s0 =	sld [smem:$0x3F9B];
	_ =	swait.ge [sflag:s4], $0x0  }
0x19: {  	s7 =	sld [smem:$0x3F9C]  }
0x1a: {  	s8 =	sadd.s32 $0xFFFFE003, lr  }
0x1b: {  	s9 =	sadd.s32 $0xFFFFFEF7, lr;
	s5 =	simm.s32 $0xFFFFFFFF;
	p2 =	slt.u32 s8, $0xFFFFF086  }
0x1c: {  	p1 =	slt.u32 s9, $0xF7A;
	s5 =	simm.s32 @!p2 $0x0  }
0x1d: {  	s5 =	simm.s32 @p1 $0x1;
	p0 =	seq.s32 s7, s2  }
0x1e: {  	s7 =	smul.u32 @!p0 $0xF7A, s2;
	p2 =	seq.s32 @!p0 s5, $0x0  }
0x1f: {  	s9 =	smul.u32 $0xF7A, s1;
	s8 =	simm.s32 @!p0 $0x1BF5;
	p2 =	por !p2, p0  }
0x20: {  	[sflag:s8] =	ssyncset.s32 @!p0 $0xFFFFF086;
	s6 =	sadd.s32 @!p0 s3, s7;
	s7 =	simm.s32 @!p0 $0x108  }
0x21: {  	s3 =	sadd.s32 s3, s9;
	s6 =	sadd.s32 @!p0 $0x88, s6;
	s7 =	simm.s32 @p2 $0x1082  }
0x22: {  	[simem:s7], [sflag:s8] =	dma.local @!p0 [hbm:s6], $0xF7A  }
0x23: {  	s9 =	sor.u32 $0xD0000000, s2;
	s6 =	simm.s32 $0x108;
	_ =	swait.ge @!p0 [sflag:s8], $0x0  }
0x24: {  	s3 =	sadd.s32 $0x88, s3;
	s6 =	simm.s32 @!p1 $0x1082;
	[sflag:s4] =	ssyncset.s32 $0xFFFFF086  }
0x25: {  	[simem:s6], [sflag:s4] =	dma.local [hbm:s3], $0xF7A  }
0x26: {  	[smem:$0x3F9C] =	sst s1;
	(tag) =	ssettag s2;
	_ =	strace s9  }
0x27: {  	s1 =	sld [smem:$0x3FAC]  }
0x28: {  	s2 =	sld [smem:$0x3FAD]  }
0x29: {  	s4 =	sld [smem:$0x3FAF]  }
0x2a: {  	p0 =	seq.s32 s5, $0x0;
	s5 =	sld [smem:$0x3FB0]  }
0x2b: {  	s6 =	sld [smem:$0x3FB1]  }
0x2c: {  	s7 =	sld [smem:$0x3FB2]  }
0x2d: {  	s3 =	simm.s32 $0x108;
	s8 =	sld [smem:$0x3FB3]  }
0x2e: {  	s3 =	simm.s32 @!p0 $0x1082;
	s9 =	sld [smem:$0x3FB4]  }
0x2f: {  	lr =	sadd.s32 s0, s3;
	s0 =	sld [smem:$0x3FAB]  }
0x30: {  	s3 =	sld [smem:$0x3FAE]  }
0x31: {  	[smem:$0x3FB7] =	sst s10  }
0x32: {  	s10 =	sld [smem:$0x3FB5];
	_ =	sdelay $0x3  }
0x33: {  	p0 =	seq.s32 s10, $0x1;
	s10 =	sld [smem:$0x3FB7];
	_ =	sdelay $0x3  }
0x34: {  	[smem:$0x3FB7] =	sst s10  }
0x35: {  	s10 =	sld [smem:$0x3FB6];
	_ =	sdelay $0x3  }
0x36: {  	p1 =	seq.s32 s10, $0x1;
	s10 =	sld [smem:$0x3FB7];
	_ =	sdelay $0x3  }
0x37: {  	[smem:$0x3FB7] =	sst s10  }
0x38: {  	s10 =	sld [smem:$0x3FB8]  }
0x39: {  	_ = 	snop;
	(pc) =	sbr.ind lr, $3  }
0x3a: {  	_ = 	snop  }
0x3b: {  	_ = 	snop  }
0x3c: {  	p2 =	seq.s32 s10, $0x1;
	s10 =	sld [smem:$0x3FB7]  }
0x3d: {  	_ =	shalt  }
0x3e: {  	_ =	shalt  }
0x3f: {  	_ =	shalt  }
0x40: {  	_ =	shalt  }
0x41: {  	_ =	shalt  }
0x42: {  	_ =	shalt  }
0x43: {  	_ =	shalt  }
0x44: {  	_ =	shalt  }
0x45: {  	_ =	shalt  }
0x46: {  	_ =	shalt  }
0x47: {  	_ =	shalt  }
0x48: {  	_ =	shalt  }
0x49: {  	_ =	shalt  }
0x4a: {  	_ =	shalt  }
0x4b: {  	_ =	shalt  }
0x4c: {  	_ =	shalt  }
0x4d: {  	_ =	shalt  }
0x4e: {  	_ =	shalt  }
0x4f: {  	_ =	shalt  }
0x50: {  	_ =	shalt  }
0x51: {  	_ =	shalt  }
0x52: {  	_ =	shalt  }
0x53: {  	_ =	shalt  }
0x54: {  	_ =	shalt  }
0x55: {  	_ =	shalt  }
0x56: {  	_ =	shalt  }
0x57: {  	_ =	shalt  }
0x58: {  	_ =	shalt  }
0x59: {  	_ =	shalt  }
0x5a: {  	_ =	shalt  }
0x5b: {  	_ =	shalt  }
0x5c: {  	_ =	shalt  }
0x5d: {  	_ =	shalt  }
0x5e: {  	_ =	shalt  }
0x5f: {  	_ =	shalt  }
0x60: {  	_ =	shalt  }
0x61: {  	_ =	shalt  }
0x62: {  	_ =	shalt  }
0x63: {  	_ =	shalt  }
0x64: {  	_ =	shalt  }
0x65: {  	_ =	shalt  }
0x66: {  	_ =	shalt  }
0x67: {  	_ =	shalt  }
0x68: {  	_ =	shalt  }
0x69: {  	_ =	shalt  }
0x6a: {  	_ =	shalt  }
0x6b: {  	_ =	shalt  }
0x6c: {  	_ =	shalt  }
0x6d: {  	_ =	shalt  }
0x6e: {  	_ =	shalt  }
0x6f: {  	_ =	shalt  }
0x70: {  	_ =	shalt  }
0x71: {  	_ =	shalt  }
0x72: {  	_ =	shalt  }
0x73: {  	_ =	shalt  }
0x74: {  	_ =	shalt  }
0x75: {  	_ =	shalt  }
0x76: {  	_ =	shalt  }
0x77: {  	_ =	shalt  }
0x78: {  	_ =	shalt  }
0x79: {  	_ =	shalt  }
0x7a: {  	_ =	shalt  }
0x7b: {  	_ =	shalt  }
0x7c: {  	_ =	shalt  }
0x7d: {  	_ =	shalt  }
0x7e: {  	_ =	shalt  }
0x7f: {  	_ =	shalt  }
0x80: {  	_ =	shalt  }
0x81: {  	_ =	shalt  }
0x82: {  	_ =	shalt  }
0x83: {  	_ =	shalt  }
0x84: {  	_ =	shalt  }
0x85: {  	_ =	shalt  }
0x86: {  	_ =	shalt  }
0x87: {  	_ =	shalt  }
.Lfunc_end0:
.L_simem_size_0:
called_computation_lowered:
.L_overlay_start_0:
0x88: {  	s2 =	sld [smem:$0x3FD9]  }
0x89: {  	s3 =	sld [smem:$0x3FFE];
	_ =	sdelay $0x1  }
0x8a: {  	s1 =	srdreg.scid  }
0x8b: {  	s0 =	sand.u32 $0x1, s1  }
0x8c: {  	s17 =	sshll.u32 s0, $0xA;
	s2 =	sadd.s32 s3, s2  }
0x8d: {  	s2 =	sadd.s32 s2, s17  }
0x8e: {  	[smem:$0x3FC3] =	sst s2  }
0x8f: {  	_ = 	snop  }
0x90: {  	s2 =	sld [smem:$0x3FC9];
	(tm) =	ssettm $0x1  }
0x91: {  	s18 =	sld [smem:$0x3FFB];
	_ =	sdelay $0x3  }
0x92: {  	_ =	strace s18  }
0x93: {  	s3 =	sld [smem:$0x3FFC];
	_ =	sdelay $0x3  }
0x94: {  	_ =	strace s3  }
0x95: {  	s3 =	sld [smem:$0x3FFD];
	_ =	sdelay $0x3  }
0x96: {  	_ =	strace s3  }
0x97: {  	_ =	strace $0x8FFFFFFF  }
0x98: {  	s19 =	sld [smem:$0x3FDB];
	_ =	sdelay $0x1  }
0x99: {  	s4 =	simm.s32 $_scs_section_size  }
0x9a: {  	s5 =	simm.s32 $_size__tile_overlayer_lowered;
	s6 =	simm.s32 $_tile_overlayer_lowered  }
0x9b: {  	s22 =	simm.s32 $0x1BFF;
	s21 =	sshll.u32 s6, $0x1;
	s3 =	sadd.s32 s4, s19  }
0x9c: {  	s7 =	simm.s32 $0x0;
	s20 =	sshll.u32 s5, $0x1;
	s5 =	sadd.s32 s21, s3  }
0x9d: {  	[timem:s7], [sflag:s22] =	dma.local [hbm:s5], s20  }
0x9e: {  	_ =	swait.ge [sflag:s22], s20  }
0x9f: {  	s4 =	ssub.s32 $0x0, s20;
	[sflag:s22] =	ssyncset.done $0x0  }
0xa0: {  	[sflag:s22] =	ssyncadd.s32 s4;
	_ =	sdelay $0x1  }
0xa1: {  	s23 =	simm.s32 $0x1B8B  }
0xa2: {  	_ =	swait.ge [sflag:s23], $0x1  }
0xa3: {  	[sflag:s23] =	ssyncset.done $0x0  }
0xa4: {  	s25 =	simm.s32 $0x1B8E;
	s24 =	sld [smem:$0x3FFE];
	[sflag:s23] =	ssyncadd.s32 $0xFFFFFFFF  }
0xa5: {  	s26 =	simm.s32 $execute0_lowered;
	[smem:$0x3FD2] =	sst s25  }
0xa6: {  	s5 =	sshll.u32 s26, $0x1;
	_ =	strace $0x80000046;
	[dreg:$0x1] =	wrdreg $0xFFFFFFFF  }
0xa7: {  	s28 =	simm.s32 $_size_execute0_lowered;
	s3 =	sadd.s32 s3, s5;
	[dreg:$0x0] =	wrdreg $0x0  }
0xa8: {  	s5 =	sshll.u32 s28, $0x1;
	[dreg:$0x2] =	wrdreg s3  }
0xa9: {  	[dreg:$0x3] =	wrdreg s5  }
0xaa: {  	[dreg:$0x4] =	wrdreg $0xC0  }
0xab: {  	_ =	task [dreg:s7], $0x5FFFF  }
0xac: {  	[dreg:$0x1] =	wrdreg $0xFFFFFFFF  }
0xad: {  	[dreg:$0x0] =	wrdreg $0x60  }
0xae: {  	[dreg:$0x2] =	wrdreg s2  }
0xaf: {  	[dreg:$0x3] =	wrdreg s24  }
0xb0: {  	[dreg:$0x4] =	wrdreg $0x9  }
0xb1: {  	_ =	task.clear_ibuf [dreg:s7], $0x5FFFF;
	_ =	strace $0x90000046  }
0xb2: {  	s29 =	simm.s32 $0x9;
	_ =	strace $0x80000048  }
0xb3: {  	_ =	swait.ge [sflag:s29], $0x1  }
0xb4: {  	[sflag:s29] =	ssyncadd.s32 $0xFFFFFFFF  }
0xb5: {  	_ =	strace $0x90000048  }
0xb6: {  	_ =	sfence  }
0xb7: {  	s30 =	sld [smem:$0x0];
	_ =	sdelay $0x2  }
0xb8: {  	s31 =	sshll.u32 s1, $0xD;
	s1 =	sshrl.u32 s1, $0x2  }
0xb9: {  	s3 =	sand.u32 $0x4000, s31;
	s1 =	sadd.s32 s1, s30  }
0xba: {  	s0 =	sor.u32 s3, s0;
	s1 =	sshll.u32 s1, $0x11  }
0xbb: {  	s0 =	sor.u32 s1, s0  }
0xbc: {  	s0 =	sadd.s32 $0x8F2B, s0  }
0xbd: {  	[sflag:s0] =	ssyncadd.remote.s32 $0x1  }
0xbe: {  	_ =	sfence.sel $0xFFFF  }
0xbf: {  	[dreg:$0x0] =	wrdreg $0xFFFFFFFF;
	(pc) =	sbr.abs _section_cstart, $3  }
0xc0: {  	[dreg:$0x1] =	wrdreg $0xFFFFFFFF  }
0xc1: {  	_ =	task.clear_ibuf [dreg:s7], $0x2FFFF;
	_ =	strace $0x9FFFFFFF  }
0xc2: {  	(tm) =	ssettm $0x7FFFFFFF  }
0xc3: {  	_ =	shalt  }
tec
execute0_lowered:
.L_overlay_start_1:
0x0: {  	(tag) =	ssettag $0x1  }
0x1: {  	s0 =	srdreg.scid;
	s1 =	rddreg [dreg:$0x0]  }
0x2: {  	s2 =	stileid.u32;
	s5 =	rddreg [dreg:$0x1]  }
0x3: {  	s10 =	simm.s32 $0x2;
	s14 =	simm.s32 $0x2F60;
	s15 =	simm.s32 $0x80  }
0x4: {  	s16 =	simm.s32 $0x2A00;
	s17 =	simm.s32 $0x3F60;
	s18 =	simm.s32 $0x2A80  }
0x5: {  	s19 =	simm.s32 $0x7F60;
	s20 =	simm.s32 $0x2B00;
	s21 =	simm.s32 $0xBF60  }
0x6: {  	v0 =	vlaneseq.u32;
	s22 =	simm.s32 $0x2B80;
	s23 =	simm.s32 $0xFF60;
	s24 =	simm.s32 $0x2C00  }
0x7: {  	s25 =	simm.s32 $0x13F60;
	s26 =	simm.s32 $0x1;
	s28 =	simm.s32 $0x181E0;
	v1 =	vmul.u32 $0x10, v0  }
0x8: {  	s29 =	simm.s32 $0x17F60;
	s0 =	sand.u32 $0x1, s0;
	s2 =	sshll.u32 s2, $0x1  }
0x9: {  	s4 =	sadd.s32 $0x3E2600, s5;
	v2 =	vor.u32 $0x10, v0;
	s6 =	sor.u32 s0, s2;
	s2 =	simm.s32 $0x0;
	v3 =	vor.u32 $0x1, v1  }
0xa: {  	s0 =	ssub.s32 $0x2, s0;
	s3 =	smul.u32 $0x500, s6;
	[smem:$0x7FF] =	sst s2;
	v4 =	vor.u32 $0x2, v1;
	v5 =	vor.u32 $0x3, v1;
	v6 =	vor.u32 $0x4, v1  }
0xb: {  	s8 =	sshrl.u32 s0, $0x1;
	s30 =	sshll.u32 s6, $0x6;
	s6 =	sshll.u32 s6, $0x9;
	v7 =	vor.u32 $0x5, v1;
	v8 =	vor.u32 $0x6, v1;
	v9 =	vor.u32 $0x7, v1  }
0xc: {  	v10 =	vor.u32 $0x8, v1;
	v11 =	vor.u32 $0x9, v1;
	v12 =	vor.u32 $0xA, v1;
	_ =	strace $0x80000047;
	s0 =	ssub.s32 s0, s8;
	s1 =	sadd.s32 s1, s30  }
0xd: {  	v13 =	vor.u32 $0xB, v1;
	v14 =	vor.u32 $0xC, v1;
	v15 =	vor.u32 $0xD, v1;
	s7 =	sadd.s32 s3, s5;
	[dreg:$0x3] =	wrdreg s1;
	s0 =	smax.u32 s0, $0x1  }
0xe: {  	v16 =	vor.u32 $0xE, v1;
	v17 =	vor.u32 $0xF, v1;
	v18 =	vor.u32 $0x100, v1;
	s3 =	sadd.s32 $0xA600, s5;
	s31 =	sadd.s32 $0x600, s7;
	[dreg:$0x5] =	wrdreg s0  }
0xf: {  	v19 =	vor.u32 $0x101, v1;
	v20 =	vor.u32 $0x102, v1;
	v21 =	vor.u32 $0x103, v1;
	s5 =	sadd.s32 $0x7BA600, s5;
	s1 =	simm.s32 $0x0;
	[dreg:$0x4] =	wrdreg s31  }
.LBB2_1:
0x10: {  	[dreg:$0x6] =	wrdreg s1  }
0x11: {  	s0 =	rddreg [dreg:$0x3]  }
0x12: {  	[tilespmem:s2], [sflag:$0x2] =	stream.linear.gather [hbm4b:s0+s2], $0x200, $0x38;
	[tilespmem:$0x186E0] =	vst v63  }
0x13: {  	_ =	swait.ge [sflag:s10], $0x200  }
0x14: {  	[sflag:s10] =	ssyncset.done $0x0  }
0x15: {  	s30 =	simm.s32 $0x200;
	s13 =	rddreg [dreg:$0x4];
	[sflag:s10] =	ssyncadd.s32 $0xFFFFFE00  }
0x16: {  	[tilespmem:s30], [sflag:$0x2] =	stream.linear.gather [hbm4b:s13+s2], $0x2800, $0x38;
	[tilespmem:$0x186E0] =	vst v63  }
0x17: {  	_ =	swait.ge [sflag:s10], $0x2800  }
0x18: {  	[sflag:s10] =	ssyncset.done $0x0  }
0x19: {  	s31 =	simm.s32 $0x0;
	[sflag:s10] =	ssyncadd.s32 $0xFFFFD800  }
.LBB2_2:
0x1a: {  	s0 =	smul.u32 $0xA00, s31;
	_ =	sdelay $0x1  }
0x1b: {  	s0 =	sshra.s32 s0, $0x2  }
0x1c: {  	v22 =	vld [tilespmem:s0+$0x200];
	_ =	sdelay $0x4  }
0x1d: {  	v23 =	vshra.s32 v22, $0x2;
	v24 =	vand.u32 $0x7FF, v22;
	v22 =	vshrl.u32 v22, $0x6  }
0x1e: {  	v23 =	vand.u32 $0xFFFFF800, v23;
	v22 =	vand.u32 $0x60, v22  }
0x1f: {  	v23 =	vor.u32 v24, v23;
	[tilespmem:$0x2C80] =	vst v22  }
0x20: {  	[tilespmem:$0x2A00] =	vst v23  }
0x21: {  	v22 =	vld [tilespmem:s0+$0x210];
	_ =	sdelay $0x4  }
0x22: {  	v23 =	vshra.s32 v22, $0x2;
	v59 =	vand.u32 $0x7FF, v22;
	v22 =	vshrl.u32 v22, $0x6  }
0x23: {  	v23 =	vand.u32 $0xFFFFF800, v23;
	v22 =	vand.u32 $0x60, v22  }
0x24: {  	v23 =	vor.u32 v59, v23;
	[tilespmem:$0x2C90] =	vst v22  }
0x25: {  	[tilespmem:$0x2A10] =	vst v23  }
0x26: {  	v22 =	vld [tilespmem:s0+$0x220];
	_ =	sdelay $0x4  }
0x27: {  	v23 =	vshra.s32 v22, $0x2;
	v60 =	vand.u32 $0x7FF, v22;
	v22 =	vshrl.u32 v22, $0x6  }
0x28: {  	v23 =	vand.u32 $0xFFFFF800, v23;
	v22 =	vand.u32 $0x60, v22  }
0x29: {  	v23 =	vor.u32 v60, v23;
	[tilespmem:$0x2CA0] =	vst v22  }
0x2a: {  	[tilespmem:$0x2A20] =	vst v23  }
0x2b: {  	v22 =	vld [tilespmem:s0+$0x230];
	_ =	sdelay $0x4  }
0x2c: {  	v23 =	vshra.s32 v22, $0x2;
	v61 =	vand.u32 $0x7FF, v22;
	v22 =	vshrl.u32 v22, $0x6  }
0x2d: {  	v23 =	vand.u32 $0xFFFFF800, v23;
	v22 =	vand.u32 $0x60, v22  }
0x2e: {  	v23 =	vor.u32 v61, v23;
	[tilespmem:$0x2CB0] =	vst v22  }
0x2f: {  	[tilespmem:$0x2A30] =	vst v23  }
0x30: {  	v22 =	vld [tilespmem:s0+$0x240];
	_ =	sdelay $0x4  }
0x31: {  	v23 =	vshra.s32 v22, $0x2;
	v62 =	vand.u32 $0x7FF, v22;
	v22 =	vshrl.u32 v22, $0x6  }
0x32: {  	v23 =	vand.u32 $0xFFFFF800, v23;
	v22 =	vand.u32 $0x60, v22  }
0x33: {  	v23 =	vor.u32 v62, v23;
	[tilespmem:$0x2CC0] =	vst v22  }
0x34: {  	[tilespmem:$0x2A40] =	vst v23  }
0x35: {  	v22 =	vld [tilespmem:s0+$0x250];
	_ =	sdelay $0x4  }
0x36: {  	v23 =	vshra.s32 v22, $0x2;
	v63 =	vand.u32 $0x7FF, v22;
	v22 =	vshrl.u32 v22, $0x6  }
0x37: {  	v23 =	vand.u32 $0xFFFFF800, v23;
	v22 =	vand.u32 $0x60, v22  }
0x38: {  	v23 =	vor.u32 v63, v23;
	[tilespmem:$0x2CD0] =	vst v22  }
0x39: {  	[tilespmem:$0x2A50] =	vst v23  }
0x3a: {  	v22 =	vld [tilespmem:s0+$0x260];
	_ =	sdelay $0x4  }
0x3b: {  	v23 =	vshra.s32 v22, $0x2;
	v28 =	vand.u32 $0x7FF, v22;
	v22 =	vshrl.u32 v22, $0x6  }
0x3c: {  	v23 =	vand.u32 $0xFFFFF800, v23;
	v22 =	vand.u32 $0x60, v22  }
0x3d: {  	v23 =	vor.u32 v28, v23;
	[tilespmem:$0x2CE0] =	vst v22  }
0x3e: {  	[tilespmem:$0x2A60] =	vst v23  }
0x3f: {  	v22 =	vld [tilespmem:s0+$0x270];
	_ =	sdelay $0x4  }
0x40: {  	v23 =	vshra.s32 v22, $0x2;
	v29 =	vand.u32 $0x7FF, v22;
	v22 =	vshrl.u32 v22, $0x6  }
0x41: {  	v23 =	vand.u32 $0xFFFFF800, v23;
	v22 =	vand.u32 $0x60, v22  }
0x42: {  	v23 =	vor.u32 v29, v23;
	[tilespmem:$0x2CF0] =	vst v22  }
0x43: {  	[tilespmem:$0x2A70] =	vst v23  }
0x44: {  	v22 =	vld [tilespmem:s0+$0x280];
	_ =	sdelay $0x4  }
0x45: {  	v23 =	vshra.s32 v22, $0x2;
	v30 =	vand.u32 $0x7FF, v22;
	v22 =	vshrl.u32 v22, $0x6  }
0x46: {  	v23 =	vand.u32 $0xFFFFF800, v23;
	v22 =	vand.u32 $0x60, v22  }
0x47: {  	v23 =	vor.u32 v30, v23;
	[tilespmem:$0x2D00] =	vst v22  }
0x48: {  	[tilespmem:$0x2A80] =	vst v23  }
0x49: {  	v22 =	vld [tilespmem:s0+$0x290];
	_ =	sdelay $0x4  }
0x4a: {  	v23 =	vshra.s32 v22, $0x2;
	v31 =	vand.u32 $0x7FF, v22;
	v22 =	vshrl.u32 v22, $0x6  }
0x4b: {  	v23 =	vand.u32 $0xFFFFF800, v23;
	v22 =	vand.u32 $0x60, v22  }
0x4c: {  	v23 =	vor.u32 v31, v23;
	[tilespmem:$0x2D10] =	vst v22  }
0x4d: {  	[tilespmem:$0x2A90] =	vst v23  }
0x4e: {  	v22 =	vld [tilespmem:s0+$0x2A0];
	_ =	sdelay $0x4  }
0x4f: {  	v23 =	vshra.s32 v22, $0x2;
	v32 =	vand.u32 $0x7FF, v22;
	v22 =	vshrl.u32 v22, $0x6  }
0x50: {  	v23 =	vand.u32 $0xFFFFF800, v23;
	v22 =	vand.u32 $0x60, v22  }
0x51: {  	v23 =	vor.u32 v32, v23;
	[tilespmem:$0x2D20] =	vst v22  }
0x52: {  	[tilespmem:$0x2AA0] =	vst v23  }
0x53: {  	v22 =	vld [tilespmem:s0+$0x2B0];
	_ =	sdelay $0x4  }
0x54: {  	v23 =	vshra.s32 v22, $0x2;
	v33 =	vand.u32 $0x7FF, v22;
	v22 =	vshrl.u32 v22, $0x6  }
0x55: {  	v23 =	vand.u32 $0xFFFFF800, v23;
	v22 =	vand.u32 $0x60, v22  }
0x56: {  	v23 =	vor.u32 v33, v23;
	[tilespmem:$0x2D30] =	vst v22  }
0x57: {  	[tilespmem:$0x2AB0] =	vst v23  }
0x58: {  	v22 =	vld [tilespmem:s0+$0x2C0];
	_ =	sdelay $0x4  }
0x59: {  	v23 =	vshra.s32 v22, $0x2;
	v34 =	vand.u32 $0x7FF, v22;
	v22 =	vshrl.u32 v22, $0x6  }
0x5a: {  	v23 =	vand.u32 $0xFFFFF800, v23;
	v22 =	vand.u32 $0x60, v22  }
0x5b: {  	v23 =	vor.u32 v34, v23;
	[tilespmem:$0x2D40] =	vst v22  }
0x5c: {  	[tilespmem:$0x2AC0] =	vst v23  }
0x5d: {  	v22 =	vld [tilespmem:s0+$0x2D0];
	_ =	sdelay $0x4  }
0x5e: {  	v23 =	vshra.s32 v22, $0x2;
	v35 =	vand.u32 $0x7FF, v22;
	v22 =	vshrl.u32 v22, $0x6  }
0x5f: {  	v23 =	vand.u32 $0xFFFFF800, v23;
	v22 =	vand.u32 $0x60, v22  }
0x60: {  	v23 =	vor.u32 v35, v23;
	[tilespmem:$0x2D50] =	vst v22  }
0x61: {  	[tilespmem:$0x2AD0] =	vst v23  }
0x62: {  	v22 =	vld [tilespmem:s0+$0x2E0];
	_ =	sdelay $0x4  }
0x63: {  	v23 =	vshra.s32 v22, $0x2;
	v36 =	vand.u32 $0x7FF, v22;
	v22 =	vshrl.u32 v22, $0x6  }
0x64: {  	v23 =	vand.u32 $0xFFFFF800, v23;
	v22 =	vand.u32 $0x60, v22  }
0x65: {  	v23 =	vor.u32 v36, v23;
	[tilespmem:$0x2D60] =	vst v22  }
0x66: {  	[tilespmem:$0x2AE0] =	vst v23  }
0x67: {  	v22 =	vld [tilespmem:s0+$0x2F0];
	_ =	sdelay $0x4  }
0x68: {  	v23 =	vshra.s32 v22, $0x2;
	v37 =	vand.u32 $0x7FF, v22;
	v22 =	vshrl.u32 v22, $0x6  }
0x69: {  	v23 =	vand.u32 $0xFFFFF800, v23;
	v22 =	vand.u32 $0x60, v22  }
0x6a: {  	v23 =	vor.u32 v37, v23;
	[tilespmem:$0x2D70] =	vst v22  }
0x6b: {  	[tilespmem:$0x2AF0] =	vst v23  }
0x6c: {  	v22 =	vld [tilespmem:s0+$0x300];
	_ =	sdelay $0x4  }
0x6d: {  	v23 =	vshra.s32 v22, $0x2;
	v38 =	vand.u32 $0x7FF, v22;
	v22 =	vshrl.u32 v22, $0x6  }
0x6e: {  	v23 =	vand.u32 $0xFFFFF800, v23;
	v22 =	vand.u32 $0x60, v22  }
0x6f: {  	v23 =	vor.u32 v38, v23;
	[tilespmem:$0x2D80] =	vst v22  }
0x70: {  	[tilespmem:$0x2B00] =	vst v23  }
0x71: {  	v22 =	vld [tilespmem:s0+$0x310];
	_ =	sdelay $0x4  }
0x72: {  	v23 =	vshra.s32 v22, $0x2;
	v39 =	vand.u32 $0x7FF, v22;
	v22 =	vshrl.u32 v22, $0x6  }
0x73: {  	v23 =	vand.u32 $0xFFFFF800, v23;
	v22 =	vand.u32 $0x60, v22  }
0x74: {  	v23 =	vor.u32 v39, v23;
	[tilespmem:$0x2D90] =	vst v22  }
0x75: {  	[tilespmem:$0x2B10] =	vst v23  }
0x76: {  	v22 =	vld [tilespmem:s0+$0x320];
	_ =	sdelay $0x4  }
0x77: {  	v23 =	vshra.s32 v22, $0x2;
	v40 =	vand.u32 $0x7FF, v22;
	v22 =	vshrl.u32 v22, $0x6  }
0x78: {  	v23 =	vand.u32 $0xFFFFF800, v23;
	v22 =	vand.u32 $0x60, v22  }
0x79: {  	v23 =	vor.u32 v40, v23;
	[tilespmem:$0x2DA0] =	vst v22  }
0x7a: {  	[tilespmem:$0x2B20] =	vst v23  }
0x7b: {  	v22 =	vld [tilespmem:s0+$0x330];
	_ =	sdelay $0x4  }
0x7c: {  	v23 =	vshra.s32 v22, $0x2;
	v41 =	vand.u32 $0x7FF, v22;
	v22 =	vshrl.u32 v22, $0x6  }
0x7d: {  	v23 =	vand.u32 $0xFFFFF800, v23;
	v22 =	vand.u32 $0x60, v22  }
0x7e: {  	v23 =	vor.u32 v41, v23;
	[tilespmem:$0x2DB0] =	vst v22  }
0x7f: {  	[tilespmem:$0x2B30] =	vst v23  }
0x80: {  	v22 =	vld [tilespmem:s0+$0x340];
	_ =	sdelay $0x4  }
0x81: {  	v23 =	vshra.s32 v22, $0x2;
	v42 =	vand.u32 $0x7FF, v22;
	v22 =	vshrl.u32 v22, $0x6  }
0x82: {  	v23 =	vand.u32 $0xFFFFF800, v23;
	v22 =	vand.u32 $0x60, v22  }
0x83: {  	v23 =	vor.u32 v42, v23;
	[tilespmem:$0x2DC0] =	vst v22  }
0x84: {  	[tilespmem:$0x2B40] =	vst v23  }
0x85: {  	v22 =	vld [tilespmem:s0+$0x350];
	_ =	sdelay $0x4  }
0x86: {  	v23 =	vshra.s32 v22, $0x2;
	v43 =	vand.u32 $0x7FF, v22;
	v22 =	vshrl.u32 v22, $0x6  }
0x87: {  	v23 =	vand.u32 $0xFFFFF800, v23;
	v22 =	vand.u32 $0x60, v22  }
0x88: {  	v23 =	vor.u32 v43, v23;
	[tilespmem:$0x2DD0] =	vst v22  }
0x89: {  	[tilespmem:$0x2B50] =	vst v23  }
0x8a: {  	v22 =	vld [tilespmem:s0+$0x360];
	_ =	sdelay $0x4  }
0x8b: {  	v23 =	vshra.s32 v22, $0x2;
	v44 =	vand.u32 $0x7FF, v22;
	v22 =	vshrl.u32 v22, $0x6  }
0x8c: {  	v23 =	vand.u32 $0xFFFFF800, v23;
	v22 =	vand.u32 $0x60, v22  }
0x8d: {  	v23 =	vor.u32 v44, v23;
	[tilespmem:$0x2DE0] =	vst v22  }
0x8e: {  	[tilespmem:$0x2B60] =	vst v23  }
0x8f: {  	v22 =	vld [tilespmem:s0+$0x370];
	_ =	sdelay $0x4  }
0x90: {  	v23 =	vshra.s32 v22, $0x2;
	v45 =	vand.u32 $0x7FF, v22;
	v22 =	vshrl.u32 v22, $0x6  }
0x91: {  	v23 =	vand.u32 $0xFFFFF800, v23;
	v22 =	vand.u32 $0x60, v22  }
0x92: {  	v23 =	vor.u32 v45, v23;
	[tilespmem:$0x2DF0] =	vst v22  }
0x93: {  	[tilespmem:$0x2B70] =	vst v23  }
0x94: {  	v22 =	vld [tilespmem:s0+$0x380];
	_ =	sdelay $0x4  }
0x95: {  	v23 =	vshra.s32 v22, $0x2;
	v46 =	vand.u32 $0x7FF, v22;
	v22 =	vshrl.u32 v22, $0x6  }
0x96: {  	v23 =	vand.u32 $0xFFFFF800, v23;
	v22 =	vand.u32 $0x60, v22  }
0x97: {  	v23 =	vor.u32 v46, v23;
	[tilespmem:$0x2E00] =	vst v22  }
0x98: {  	[tilespmem:$0x2B80] =	vst v23  }
0x99: {  	v22 =	vld [tilespmem:s0+$0x390];
	_ =	sdelay $0x4  }
0x9a: {  	v23 =	vshra.s32 v22, $0x2;
	v47 =	vand.u32 $0x7FF, v22;
	v22 =	vshrl.u32 v22, $0x6  }
0x9b: {  	v23 =	vand.u32 $0xFFFFF800, v23;
	v22 =	vand.u32 $0x60, v22  }
0x9c: {  	v23 =	vor.u32 v47, v23;
	[tilespmem:$0x2E10] =	vst v22  }
0x9d: {  	[tilespmem:$0x2B90] =	vst v23  }
0x9e: {  	v22 =	vld [tilespmem:s0+$0x3A0];
	_ =	sdelay $0x4  }
0x9f: {  	v23 =	vshra.s32 v22, $0x2;
	v48 =	vand.u32 $0x7FF, v22;
	v22 =	vshrl.u32 v22, $0x6  }
0xa0: {  	v23 =	vand.u32 $0xFFFFF800, v23;
	v22 =	vand.u32 $0x60, v22  }
0xa1: {  	v23 =	vor.u32 v48, v23;
	[tilespmem:$0x2E20] =	vst v22  }
0xa2: {  	[tilespmem:$0x2BA0] =	vst v23  }
0xa3: {  	v22 =	vld [tilespmem:s0+$0x3B0];
	_ =	sdelay $0x4  }
0xa4: {  	v23 =	vshra.s32 v22, $0x2;
	v49 =	vand.u32 $0x7FF, v22;
	v22 =	vshrl.u32 v22, $0x6  }
0xa5: {  	v23 =	vand.u32 $0xFFFFF800, v23;
	v22 =	vand.u32 $0x60, v22  }
0xa6: {  	v23 =	vor.u32 v49, v23;
	[tilespmem:$0x2E30] =	vst v22  }
0xa7: {  	[tilespmem:$0x2BB0] =	vst v23  }
0xa8: {  	v22 =	vld [tilespmem:s0+$0x3C0];
	_ =	sdelay $0x4  }
0xa9: {  	v23 =	vshra.s32 v22, $0x2;
	v50 =	vand.u32 $0x7FF, v22;
	v22 =	vshrl.u32 v22, $0x6  }
0xaa: {  	v23 =	vand.u32 $0xFFFFF800, v23;
	v22 =	vand.u32 $0x60, v22  }
0xab: {  	v23 =	vor.u32 v50, v23;
	[tilespmem:$0x2E40] =	vst v22  }
0xac: {  	[tilespmem:$0x2BC0] =	vst v23  }
0xad: {  	v22 =	vld [tilespmem:s0+$0x3D0];
	_ =	sdelay $0x4  }
0xae: {  	v23 =	vshra.s32 v22, $0x2;
	v51 =	vand.u32 $0x7FF, v22;
	v22 =	vshrl.u32 v22, $0x6  }
0xaf: {  	v23 =	vand.u32 $0xFFFFF800, v23;
	v22 =	vand.u32 $0x60, v22  }
0xb0: {  	v23 =	vor.u32 v51, v23;
	[tilespmem:$0x2E50] =	vst v22  }
0xb1: {  	[tilespmem:$0x2BD0] =	vst v23  }
0xb2: {  	v22 =	vld [tilespmem:s0+$0x3E0];
	_ =	sdelay $0x4  }
0xb3: {  	v23 =	vshra.s32 v22, $0x2;
	v52 =	vand.u32 $0x7FF, v22;
	v22 =	vshrl.u32 v22, $0x6  }
0xb4: {  	v23 =	vand.u32 $0xFFFFF800, v23;
	v22 =	vand.u32 $0x60, v22  }
0xb5: {  	v23 =	vor.u32 v52, v23;
	[tilespmem:$0x2E60] =	vst v22  }
0xb6: {  	[tilespmem:$0x2BE0] =	vst v23  }
0xb7: {  	v22 =	vld [tilespmem:s0+$0x3F0];
	_ =	sdelay $0x4  }
0xb8: {  	v23 =	vshra.s32 v22, $0x2;
	v53 =	vand.u32 $0x7FF, v22;
	v22 =	vshrl.u32 v22, $0x6  }
0xb9: {  	v23 =	vand.u32 $0xFFFFF800, v23;
	v22 =	vand.u32 $0x60, v22  }
0xba: {  	v23 =	vor.u32 v53, v23;
	[tilespmem:$0x2E70] =	vst v22  }
0xbb: {  	[tilespmem:$0x2BF0] =	vst v23  }
0xbc: {  	v22 =	vld [tilespmem:s0+$0x400];
	_ =	sdelay $0x4  }
0xbd: {  	v23 =	vshra.s32 v22, $0x2;
	v54 =	vand.u32 $0x7FF, v22;
	v22 =	vshrl.u32 v22, $0x6  }
0xbe: {  	v23 =	vand.u32 $0xFFFFF800, v23;
	v22 =	vand.u32 $0x60, v22  }
0xbf: {  	v23 =	vor.u32 v54, v23;
	[tilespmem:$0x2E80] =	vst v22  }
0xc0: {  	[tilespmem:$0x2C00] =	vst v23  }
0xc1: {  	v22 =	vld [tilespmem:s0+$0x410];
	_ =	sdelay $0x4  }
0xc2: {  	v23 =	vshra.s32 v22, $0x2;
	v55 =	vand.u32 $0x7FF, v22;
	v22 =	vshrl.u32 v22, $0x6  }
0xc3: {  	v23 =	vand.u32 $0xFFFFF800, v23;
	v22 =	vand.u32 $0x60, v22  }
0xc4: {  	v23 =	vor.u32 v55, v23;
	[tilespmem:$0x2E90] =	vst v22  }
0xc5: {  	[tilespmem:$0x2C10] =	vst v23  }
0xc6: {  	v22 =	vld [tilespmem:s0+$0x420];
	_ =	sdelay $0x4  }
0xc7: {  	v23 =	vshra.s32 v22, $0x2;
	v56 =	vand.u32 $0x7FF, v22;
	v22 =	vshrl.u32 v22, $0x6  }
0xc8: {  	v23 =	vand.u32 $0xFFFFF800, v23;
	v22 =	vand.u32 $0x60, v22  }
0xc9: {  	v23 =	vor.u32 v56, v23;
	[tilespmem:$0x2EA0] =	vst v22  }
0xca: {  	[tilespmem:$0x2C20] =	vst v23  }
0xcb: {  	v22 =	vld [tilespmem:s0+$0x430];
	_ =	sdelay $0x4  }
0xcc: {  	v23 =	vshra.s32 v22, $0x2;
	v57 =	vand.u32 $0x7FF, v22;
	v22 =	vshrl.u32 v22, $0x6  }
0xcd: {  	v23 =	vand.u32 $0xFFFFF800, v23;
	v22 =	vand.u32 $0x60, v22  }
0xce: {  	v23 =	vor.u32 v57, v23;
	[tilespmem:$0x2EB0] =	vst v22  }
0xcf: {  	[tilespmem:$0x2C30] =	vst v23  }
0xd0: {  	v22 =	vld [tilespmem:s0+$0x440];
	_ =	sdelay $0x4  }
0xd1: {  	v23 =	vshra.s32 v22, $0x2;
	v58 =	vand.u32 $0x7FF, v22;
	v22 =	vshrl.u32 v22, $0x6  }
0xd2: {  	v23 =	vand.u32 $0xFFFFF800, v23;
	v22 =	vand.u32 $0x60, v22  }
0xd3: {  	v23 =	vor.u32 v58, v23;
	[tilespmem:$0x2EC0] =	vst v22  }
0xd4: {  	[tilespmem:$0x2C40] =	vst v23  }
0xd5: {  	v22 =	vld [tilespmem:s0+$0x450];
	_ =	sdelay $0x4  }
0xd6: {  	v23 =	vshra.s32 v22, $0x2;
	v59 =	vand.u32 $0x7FF, v22;
	v22 =	vshrl.u32 v22, $0x6  }
0xd7: {  	v23 =	vand.u32 $0xFFFFF800, v23;
	v22 =	vand.u32 $0x60, v22  }
0xd8: {  	v23 =	vor.u32 v59, v23;
	[tilespmem:$0x2ED0] =	vst v22  }
0xd9: {  	[tilespmem:$0x2C50] =	vst v23  }
0xda: {  	v22 =	vld [tilespmem:s0+$0x460];
	_ =	sdelay $0x4  }
0xdb: {  	v23 =	vshra.s32 v22, $0x2;
	v60 =	vand.u32 $0x7FF, v22;
	v22 =	vshrl.u32 v22, $0x6  }
0xdc: {  	v23 =	vand.u32 $0xFFFFF800, v23;
	v22 =	vand.u32 $0x60, v22  }
0xdd: {  	v23 =	vor.u32 v60, v23;
	[tilespmem:$0x2EE0] =	vst v22  }
0xde: {  	[tilespmem:$0x2C60] =	vst v23  }
0xdf: {  	v22 =	vld [tilespmem:s0+$0x470];
	_ =	sdelay $0x4  }
0xe0: {  	v23 =	vshra.s32 v22, $0x2;
	v61 =	vand.u32 $0x7FF, v22;
	v22 =	vshrl.u32 v22, $0x6  }
0xe1: {  	v23 =	vand.u32 $0xFFFFF800, v23;
	v22 =	vand.u32 $0x60, v22  }
0xe2: {  	v23 =	vor.u32 v61, v23;
	[tilespmem:$0x2EF0] =	vst v22  }
0xe3: {  	s1 =	sshll.u32 s31, $0x5;
	[tilespmem:$0x2C70] =	vst v23  }
0xe4: {  	v22 =	vld [tilespmem:s1+$0x0];
	_ =	sdelay $0x4  }
0xe5: {  	v23 =	vshra.s32 v22, $0x2;
	v62 =	vand.u32 $0x7FF, v22;
	v22 =	vshrl.u32 v22, $0x6  }
0xe6: {  	v23 =	vand.u32 $0xFFFFF800, v23;
	v22 =	vand.u32 $0x60, v22  }
0xe7: {  	v23 =	vor.u32 v62, v23;
	[tilespmem:$0x2F30] =	vst v22  }
0xe8: {  	[tilespmem:$0x2F10] =	vst v23  }
0xe9: {  	v22 =	vld [tilespmem:s1+$0x10];
	_ =	sdelay $0x4  }
0xea: {  	v23 =	vshra.s32 v22, $0x2;
	v63 =	vand.u32 $0x7FF, v22;
	v22 =	vshrl.u32 v22, $0x6  }
0xeb: {  	v23 =	vand.u32 $0xFFFFF800, v23;
	v22 =	vand.u32 $0x60, v22  }
0xec: {  	v23 =	vor.u32 v63, v23;
	[tilespmem:$0x2F40] =	vst v22  }
0xed: {  	s30 =	simm.s32 $0x20;
	s7 =	simm.s32 $0x2F10;
	[tilespmem:$0x2F20] =	vst v23  }
0xee: {  	[tilespmem:s14], [sflag:$0x1] =	stream.indirect.gather [hbm4b:s3+s30], $0x80, s7, s30, $0xb8;
	[tilespmem:$0x186E0] =	vst v63  }
0xef: {  	_ = 	snop  }
0xf0: {  	[tilespmem:s17], [sflag:$0x1] =	stream.indirect.gather [hbm4b:s4+s15], $0x80, s16, s15, $0xb8;
	[tilespmem:$0x186E0] =	vst v63  }
0xf1: {  	_ = 	snop  }
0xf2: {  	[tilespmem:s19], [sflag:$0x1] =	stream.indirect.gather [hbm4b:s4+s15], $0x80, s18, s15, $0xb8;
	[tilespmem:$0x186E0] =	vst v63  }
0xf3: {  	_ = 	snop  }
0xf4: {  	[tilespmem:s21], [sflag:$0x1] =	stream.indirect.gather [hbm4b:s4+s15], $0x80, s20, s15, $0xb8;
	[tilespmem:$0x186E0] =	vst v63  }
0xf5: {  	_ = 	snop  }
0xf6: {  	[tilespmem:s23], [sflag:$0x1] =	stream.indirect.gather [hbm4b:s4+s15], $0x80, s22, s15, $0xb8;
	[tilespmem:$0x186E0] =	vst v63  }
0xf7: {  	_ = 	snop  }
0xf8: {  	[tilespmem:s25], [sflag:$0x1] =	stream.indirect.gather [hbm4b:s4+s15], $0x80, s24, s15, $0xb8;
	[tilespmem:$0x186E0] =	vst v63  }
0xf9: {  	_ =	swait.ge [sflag:s26], $0x1000  }
0xfa: {  	[sflag:s26] =	ssyncset.done $0x0  }
0xfb: {  	[sflag:s26] =	ssyncadd.s32 $0xFFFFF000  }
0xfc: {  	_ =	swait.ge [sflag:s26], $0x4000  }
0xfd: {  	[sflag:s26] =	ssyncset.done $0x0  }
0xfe: {  	[sflag:s26] =	ssyncadd.s32 $0xFFFFC000  }
0xff: {  	_ =	swait.ge [sflag:s26], $0x4000  }
0x100: {  	[sflag:s26] =	ssyncset.done $0x0  }
0x101: {  	[sflag:s26] =	ssyncadd.s32 $0xFFFFC000  }
0x102: {  	_ =	swait.ge [sflag:s26], $0x4000  }
0x103: {  	[sflag:s26] =	ssyncset.done $0x0  }
0x104: {  	[sflag:s26] =	ssyncadd.s32 $0xFFFFC000  }
0x105: {  	_ =	swait.ge [sflag:s26], $0x4000  }
0x106: {  	[sflag:s26] =	ssyncset.done $0x0  }
0x107: {  	[sflag:s26] =	ssyncadd.s32 $0xFFFFC000  }
0x108: {  	s11 =	simm.s32 $0x0;
	_ =	swait.ge [sflag:s26], $0x4000  }
0x109: {  	s8 =	simm.s32 $0x2CA0;
	s9 =	simm.s32 $0x17F80;
	[sflag:s26] =	ssyncset.done $0x0  }
0x10a: {  	s0 =	simm.s32 $0x4F;
	s7 =	simm.s32 $0x2F30;
	[sflag:s26] =	ssyncadd.s32 $0xFFFFC000  }
.LBB2_3:
0x10b: {  	v24 =	vld [tilespmem:s7+$0x0]  }
0x10c: {  	v29 =	vld [tilespmem:s8+$0xFFFFFFE0];
	_ =	sdelay $0x4  }
0x10d: {  	v22 =	vbroadcast v24, $0x0;
	v26 =	vbroadcast v29, $0x0;
	_ =	sdelay $0x1  }
0x10e: {  	v23 =	vadd.s32 v0, v22;
	v22 =	vadd.s32 v2, v22;
	v27 =	vadd.s32 v0, v26  }
0x10f: {  	s12 =	sshll.u32 s11, $0x7;
	s30 =	sshll.u32 s0, $0x7;
	v26 =	vadd.s32 v2, v26;
	v25 =	vand.u32 $0xFFFFFFF8, v23;
	v23 =	vand.u32 $0x7, v23  }
0x110: {  	s13 =	sadd.s32 $0xFFFFD880, s30;
	v51 =	vand.u32 $0xFFFFFFF8, v22;
	v28 =	vand.u32 $0xFFFFFFF8, v26;
	v25 =	vadd.s32 s12, v25  }
0x111: {  	v26 =	vand.u32 $0x7, v26;
	v53 =	vadd.s32 s13, v28;
	v23 =	vor.u32 v23, v25  }
0x112: {  	v22 =	vand.u32 $0x7, v22;
	v25 =	vadd.s32 s12, v51;
	v26 =	vor.u32 v26, v53  }
0x113: {  	v52 =	vand.u32 $0xFFFFFFF8, v27;
	v22 =	vor.u32 v22, v25  }
0x114: {  	v27 =	vand.u32 $0x7, v27;
	v25 =	vadd.s32 s13, v52  }
0x115: {  	v25 =	vor.u32 v27, v25  }
0x116: {  	v28 =	vld.idx.msk [tilespmem:v23+s14+$0x0], $0xffff  }
0x117: {  	v23 =	vld.idx.msk [tilespmem:v26+s17+$0x0], $0xffff  }
0x118: {  	v27 =	vld.idx.msk [tilespmem:v22+s14+$0x0], $0xffff;
	_ =	sdelay $0x1  }
0x119: {  	v54 =	vbroadcast v29, $0x1;
	v22 =	vld.idx.msk [tilespmem:v25+s17+$0x0], $0xffff;
	_ =	sdelay $0x1  }
0x11a: {  	v55 =	vadd.s32 v0, v54;
	v25 =	vadd.s32 v2, v54  }
0x11b: {  	s13 =	sadd.s32 $0xFFFFD900, s30;
	v32 =	vand.u32 $0xFFFFFFF8, v25;
	v30 =	vmul.f32 v23, v27;
	v23 =	vand.u32 $0xFFFFFFF8, v55  }
0x11c: {  	v31 =	vand.u32 $0x7, v55;
	v32 =	vadd.s32 s13, v32;
	v23 =	vadd.s32 s13, v23  }
0x11d: {  	v22 =	vmul.f32 v22, v28;
	v31 =	vor.u32 v31, v23;
	v23 =	vand.u32 $0x7, v25  }
0x11e: {  	v26 =	vld [tilespmem:s8+$0xFFFFFFF0];
	v32 =	vor.u32 v23, v32  }
0x11f: {  	v25 =	vld [tilespmem:s8+$0x0];
	v30 =	vadd.f32 v30, v22  }
0x120: {  	v23 =	vld [tilespmem:s8+$0x10]  }
0x121: {  	v22 =	vld [tilespmem:s8+$0x20];
	[tilespmem:$0x181E0] =	vst v30  }
0x122: {  	v56 =	vbroadcast v29, $0x2;
	v30 =	vld.idx.msk [tilespmem:v31+s17+$0x0], $0xffff  }
0x123: {  	v32 =	vld.idx.msk [tilespmem:v32+s17+$0x0], $0xffff  }
0x124: {  	v33 =	vadd.s32 v0, v56  }
0x125: {  	v34 =	vand.u32 $0xFFFFFFF8, v33;
	s13 =	sadd.s32 $0xFFFFD980, s30  }
0x126: {  	v33 =	vand.u32 $0x7, v33;
	v34 =	vadd.s32 s13, v34;
	v31 =	vadd.s32 v2, v56  }
0x127: {  	v33 =	vor.u32 v33, v34;
	v57 =	vand.u32 $0xFFFFFFF8, v31;
	v31 =	vand.u32 $0x7, v31  }
0x128: {  	v34 =	vadd.s32 s13, v57;
	v30 =	vmul.f32 v30, v28;
	v32 =	vmul.f32 v32, v27  }
0x129: {  	v31 =	vor.u32 v31, v34  }
0x12a: {  	v30 =	vadd.f32 v32, v30;
	_ =	sdelay $0x1  }
0x12b: {  	[tilespmem:$0x181F0] =	vst v30  }
0x12c: {  	v58 =	vbroadcast v29, $0x3;
	v30 =	vld.idx.msk [tilespmem:v33+s17+$0x0], $0xffff  }
0x12d: {  	v31 =	vld.idx.msk [tilespmem:v31+s17+$0x0], $0xffff  }
0x12e: {  	v59 =	vadd.s32 v0, v58  }
0x12f: {  	v60 =	vand.u32 $0xFFFFFFF8, v59;
	s13 =	sadd.s32 $0xFFFFDA00, s30  }
0x130: {  	v34 =	vadd.s32 s13, v60;
	v32 =	vadd.s32 v2, v58;
	v33 =	vand.u32 $0x7, v59  }
0x131: {  	v61 =	vand.u32 $0xFFFFFFF8, v32;
	v32 =	vand.u32 $0x7, v32;
	v33 =	vor.u32 v33, v34  }
0x132: {  	v34 =	vadd.s32 s13, v61;
	v30 =	vmul.f32 v30, v28;
	v31 =	vmul.f32 v31, v27  }
0x133: {  	v32 =	vor.u32 v32, v34  }
0x134: {  	v30 =	vadd.f32 v31, v30;
	_ =	sdelay $0x1  }
0x135: {  	[tilespmem:$0x18200] =	vst v30  }
0x136: {  	v62 =	vbroadcast v29, $0x4;
	v30 =	vld.idx.msk [tilespmem:v33+s17+$0x0], $0xffff  }
0x137: {  	v32 =	vld.idx.msk [tilespmem:v32+s17+$0x0], $0xffff  }
0x138: {  	v63 =	vadd.s32 v0, v62  }
0x139: {  	v36 =	vand.u32 $0xFFFFFFF8, v63;
	s13 =	sadd.s32 $0xFFFFDA80, s30  }
0x13a: {  	v34 =	vadd.s32 s13, v36;
	v31 =	vadd.s32 v2, v62;
	v33 =	vand.u32 $0x7, v63  }
0x13b: {  	v37 =	vand.u32 $0xFFFFFFF8, v31;
	v31 =	vand.u32 $0x7, v31;
	v33 =	vor.u32 v33, v34  }
0x13c: {  	v34 =	vadd.s32 s13, v37;
	v30 =	vmul.f32 v30, v28;
	v32 =	vmul.f32 v32, v27  }
0x13d: {  	v31 =	vor.u32 v31, v34  }
0x13e: {  	v30 =	vadd.f32 v32, v30;
	_ =	sdelay $0x1  }
0x13f: {  	[tilespmem:$0x18210] =	vst v30  }
0x140: {  	v38 =	vbroadcast v29, $0x5;
	v30 =	vld.idx.msk [tilespmem:v33+s17+$0x0], $0xffff  }
0x141: {  	v31 =	vld.idx.msk [tilespmem:v31+s17+$0x0], $0xffff  }
0x142: {  	v39 =	vadd.s32 v0, v38  }
0x143: {  	v40 =	vand.u32 $0xFFFFFFF8, v39;
	s13 =	sadd.s32 $0xFFFFDB00, s30  }
0x144: {  	v34 =	vadd.s32 s13, v40;
	v32 =	vadd.s32 v2, v38;
	v33 =	vand.u32 $0x7, v39  }
0x145: {  	v41 =	vand.u32 $0xFFFFFFF8, v32;
	v32 =	vand.u32 $0x7, v32;
	v33 =	vor.u32 v33, v34  }
0x146: {  	v34 =	vadd.s32 s13, v41;
	v30 =	vmul.f32 v30, v28;
	v31 =	vmul.f32 v31, v27  }
0x147: {  	v32 =	vor.u32 v32, v34  }
0x148: {  	v30 =	vadd.f32 v31, v30;
	_ =	sdelay $0x1  }
0x149: {  	[tilespmem:$0x18220] =	vst v30  }
0x14a: {  	v42 =	vbroadcast v29, $0x6;
	v30 =	vld.idx.msk [tilespmem:v33+s17+$0x0], $0xffff  }
0x14b: {  	v32 =	vld.idx.msk [tilespmem:v32+s17+$0x0], $0xffff  }
0x14c: {  	v43 =	vadd.s32 v0, v42  }
0x14d: {  	v44 =	vand.u32 $0xFFFFFFF8, v43;
	s13 =	sadd.s32 $0xFFFFDB80, s30  }
0x14e: {  	v34 =	vadd.s32 s13, v44;
	v31 =	vadd.s32 v2, v42;
	v33 =	vand.u32 $0x7, v43  }
0x14f: {  	v45 =	vand.u32 $0xFFFFFFF8, v31;
	v31 =	vand.u32 $0x7, v31;
	v33 =	vor.u32 v33, v34  }
0x150: {  	v34 =	vadd.s32 s13, v45;
	v30 =	vmul.f32 v30, v28;
	v32 =	vmul.f32 v32, v27  }
0x151: {  	v31 =	vor.u32 v31, v34  }
0x152: {  	v30 =	vadd.f32 v32, v30;
	_ =	sdelay $0x1  }
0x153: {  	[tilespmem:$0x18230] =	vst v30  }
0x154: {  	v46 =	vbroadcast v29, $0x7;
	v30 =	vld.idx.msk [tilespmem:v33+s17+$0x0], $0xffff  }
0x155: {  	v31 =	vld.idx.msk [tilespmem:v31+s17+$0x0], $0xffff  }
0x156: {  	v47 =	vadd.s32 v0, v46  }
0x157: {  	v48 =	vand.u32 $0xFFFFFFF8, v47;
	s13 =	sadd.s32 $0xFFFFDC00, s30  }
0x158: {  	v34 =	vadd.s32 s13, v48;
	v32 =	vadd.s32 v2, v46;
	v33 =	vand.u32 $0x7, v47  }
0x159: {  	v49 =	vand.u32 $0xFFFFFFF8, v32;
	v32 =	vand.u32 $0x7, v32;
	v33 =	vor.u32 v33, v34  }
0x15a: {  	v34 =	vadd.s32 s13, v49;
	v30 =	vmul.f32 v30, v28;
	v31 =	vmul.f32 v31, v27  }
0x15b: {  	v32 =	vor.u32 v32, v34  }
0x15c: {  	v30 =	vadd.f32 v31, v30;
	_ =	sdelay $0x1  }
0x15d: {  	[tilespmem:$0x18240] =	vst v30  }
0x15e: {  	v50 =	vbroadcast v29, $0x8;
	v30 =	vld.idx.msk [tilespmem:v33+s17+$0x0], $0xffff  }
0x15f: {  	v32 =	vld.idx.msk [tilespmem:v32+s17+$0x0], $0xffff  }
0x160: {  	v51 =	vadd.s32 v0, v50  }
0x161: {  	v52 =	vand.u32 $0xFFFFFFF8, v51;
	s13 =	sadd.s32 $0xFFFFDC80, s30  }
0x162: {  	v34 =	vadd.s32 s13, v52;
	v31 =	vadd.s32 v2, v50;
	v33 =	vand.u32 $0x7, v51  }
0x163: {  	v53 =	vand.u32 $0xFFFFFFF8, v31;
	v31 =	vand.u32 $0x7, v31;
	v33 =	vor.u32 v33, v34  }
0x164: {  	v34 =	vadd.s32 s13, v53;
	v30 =	vmul.f32 v30, v28;
	v32 =	vmul.f32 v32, v27  }
0x165: {  	v31 =	vor.u32 v31, v34  }
0x166: {  	v30 =	vadd.f32 v32, v30;
	_ =	sdelay $0x1  }
0x167: {  	[tilespmem:$0x18250] =	vst v30  }
0x168: {  	v54 =	vbroadcast v29, $0x9;
	v30 =	vld.idx.msk [tilespmem:v33+s17+$0x0], $0xffff  }
0x169: {  	v31 =	vld.idx.msk [tilespmem:v31+s17+$0x0], $0xffff  }
0x16a: {  	v55 =	vadd.s32 v0, v54  }
0x16b: {  	v56 =	vand.u32 $0xFFFFFFF8, v55;
	s13 =	sadd.s32 $0xFFFFDD00, s30  }
0x16c: {  	v34 =	vadd.s32 s13, v56;
	v32 =	vadd.s32 v2, v54;
	v33 =	vand.u32 $0x7, v55  }
0x16d: {  	v57 =	vand.u32 $0xFFFFFFF8, v32;
	v32 =	vand.u32 $0x7, v32;
	v33 =	vor.u32 v33, v34  }
0x16e: {  	v34 =	vadd.s32 s13, v57;
	v30 =	vmul.f32 v30, v28;
	v31 =	vmul.f32 v31, v27  }
0x16f: {  	v32 =	vor.u32 v32, v34  }
0x170: {  	v30 =	vadd.f32 v31, v30;
	_ =	sdelay $0x1  }
0x171: {  	[tilespmem:$0x18260] =	vst v30  }
0x172: {  	v58 =	vbroadcast v29, $0xA;
	v30 =	vld.idx.msk [tilespmem:v33+s17+$0x0], $0xffff  }
0x173: {  	v32 =	vld.idx.msk [tilespmem:v32+s17+$0x0], $0xffff  }
0x174: {  	v59 =	vadd.s32 v0, v58  }
0x175: {  	v60 =	vand.u32 $0xFFFFFFF8, v59;
	s13 =	sadd.s32 $0xFFFFDD80, s30  }
0x176: {  	v34 =	vadd.s32 s13, v60;
	v31 =	vadd.s32 v2, v58;
	v33 =	vand.u32 $0x7, v59  }
0x177: {  	v61 =	vand.u32 $0xFFFFFFF8, v31;
	v31 =	vand.u32 $0x7, v31;
	v33 =	vor.u32 v33, v34  }
0x178: {  	v34 =	vadd.s32 s13, v61;
	v30 =	vmul.f32 v30, v28;
	v32 =	vmul.f32 v32, v27  }
0x179: {  	v31 =	vor.u32 v31, v34  }
0x17a: {  	v30 =	vadd.f32 v32, v30;
	_ =	sdelay $0x1  }
0x17b: {  	[tilespmem:$0x18270] =	vst v30  }
0x17c: {  	v62 =	vbroadcast v29, $0xB;
	v30 =	vld.idx.msk [tilespmem:v33+s17+$0x0], $0xffff  }
0x17d: {  	v31 =	vld.idx.msk [tilespmem:v31+s17+$0x0], $0xffff  }
0x17e: {  	v63 =	vadd.s32 v0, v62  }
0x17f: {  	v36 =	vand.u32 $0xFFFFFFF8, v63;
	s13 =	sadd.s32 $0xFFFFDE00, s30  }
0x180: {  	v34 =	vadd.s32 s13, v36;
	v32 =	vadd.s32 v2, v62;
	v33 =	vand.u32 $0x7, v63  }
0x181: {  	v37 =	vand.u32 $0xFFFFFFF8, v32;
	v32 =	vand.u32 $0x7, v32;
	v33 =	vor.u32 v33, v34  }
0x182: {  	v34 =	vadd.s32 s13, v37;
	v30 =	vmul.f32 v30, v28;
	v31 =	vmul.f32 v31, v27  }
0x183: {  	v32 =	vor.u32 v32, v34  }
0x184: {  	v30 =	vadd.f32 v31, v30;
	_ =	sdelay $0x1  }
0x185: {  	[tilespmem:$0x18280] =	vst v30  }
0x186: {  	v38 =	vbroadcast v29, $0xC;
	v30 =	vld.idx.msk [tilespmem:v33+s17+$0x0], $0xffff  }
0x187: {  	v32 =	vld.idx.msk [tilespmem:v32+s17+$0x0], $0xffff  }
0x188: {  	v39 =	vadd.s32 v0, v38  }
0x189: {  	v40 =	vand.u32 $0xFFFFFFF8, v39;
	s13 =	sadd.s32 $0xFFFFDE80, s30  }
0x18a: {  	v34 =	vadd.s32 s13, v40;
	v31 =	vadd.s32 v2, v38;
	v33 =	vand.u32 $0x7, v39  }
0x18b: {  	v41 =	vand.u32 $0xFFFFFFF8, v31;
	v31 =	vand.u32 $0x7, v31;
	v33 =	vor.u32 v33, v34  }
0x18c: {  	v34 =	vadd.s32 s13, v41;
	v30 =	vmul.f32 v30, v28;
	v32 =	vmul.f32 v32, v27  }
0x18d: {  	v31 =	vor.u32 v31, v34  }
0x18e: {  	v30 =	vadd.f32 v32, v30;
	_ =	sdelay $0x1  }
0x18f: {  	[tilespmem:$0x18290] =	vst v30  }
0x190: {  	v42 =	vbroadcast v29, $0xD;
	v30 =	vld.idx.msk [tilespmem:v33+s17+$0x0], $0xffff  }
0x191: {  	v31 =	vld.idx.msk [tilespmem:v31+s17+$0x0], $0xffff  }
0x192: {  	v43 =	vadd.s32 v0, v42  }
0x193: {  	v44 =	vand.u32 $0xFFFFFFF8, v43;
	s13 =	sadd.s32 $0xFFFFDF00, s30  }
0x194: {  	v34 =	vadd.s32 s13, v44;
	v32 =	vadd.s32 v2, v42;
	v33 =	vand.u32 $0x7, v43  }
0x195: {  	v45 =	vand.u32 $0xFFFFFFF8, v32;
	v32 =	vand.u32 $0x7, v32;
	v33 =	vor.u32 v33, v34  }
0x196: {  	v34 =	vadd.s32 s13, v45;
	v30 =	vmul.f32 v30, v28;
	v31 =	vmul.f32 v31, v27  }
0x197: {  	v32 =	vor.u32 v32, v34  }
0x198: {  	v30 =	vadd.f32 v31, v30;
	_ =	sdelay $0x1  }
0x199: {  	[tilespmem:$0x182A0] =	vst v30  }
0x19a: {  	v46 =	vbroadcast v29, $0xE;
	v30 =	vld.idx.msk [tilespmem:v33+s17+$0x0], $0xffff  }
0x19b: {  	v32 =	vld.idx.msk [tilespmem:v32+s17+$0x0], $0xffff  }
0x19c: {  	v47 =	vadd.s32 v0, v46  }
0x19d: {  	v48 =	vand.u32 $0xFFFFFFF8, v47;
	s13 =	sadd.s32 $0xFFFFDF80, s30  }
0x19e: {  	v34 =	vadd.s32 s13, v48;
	v31 =	vadd.s32 v2, v46;
	v33 =	vand.u32 $0x7, v47  }
0x19f: {  	v49 =	vand.u32 $0xFFFFFFF8, v31;
	v31 =	vand.u32 $0x7, v31;
	v33 =	vor.u32 v33, v34  }
0x1a0: {  	v34 =	vadd.s32 s13, v49;
	v30 =	vmul.f32 v30, v28;
	v32 =	vmul.f32 v32, v27  }
0x1a1: {  	v31 =	vor.u32 v31, v34  }
0x1a2: {  	v30 =	vadd.f32 v32, v30;
	_ =	sdelay $0x1  }
0x1a3: {  	[tilespmem:$0x182B0] =	vst v30  }
0x1a4: {  	v29 =	vbroadcast v29, $0xF;
	v30 =	vld.idx.msk [tilespmem:v33+s17+$0x0], $0xffff  }
0x1a5: {  	v31 =	vld.idx.msk [tilespmem:v31+s17+$0x0], $0xffff  }
0x1a6: {  	v50 =	vadd.s32 v0, v29  }
0x1a7: {  	v51 =	vand.u32 $0xFFFFFFF8, v50;
	s13 =	sadd.s32 $0xFFFFE000, s30  }
0x1a8: {  	v29 =	vadd.s32 v2, v29;
	v32 =	vand.u32 $0x7, v50;
	v33 =	vadd.s32 s13, v51  }
0x1a9: {  	v52 =	vand.u32 $0xFFFFFFF8, v29;
	v29 =	vand.u32 $0x7, v29;
	v32 =	vor.u32 v32, v33  }
0x1aa: {  	v33 =	vadd.s32 s13, v52;
	v30 =	vmul.f32 v30, v28;
	v31 =	vmul.f32 v31, v27  }
0x1ab: {  	v29 =	vor.u32 v29, v33  }
0x1ac: {  	v30 =	vadd.f32 v31, v30;
	_ =	sdelay $0x1  }
0x1ad: {  	[tilespmem:$0x182C0] =	vst v30  }
0x1ae: {  	v53 =	vbroadcast v26, $0x0;
	v30 =	vld.idx.msk [tilespmem:v32+s17+$0x0], $0xffff  }
0x1af: {  	v29 =	vld.idx.msk [tilespmem:v29+s17+$0x0], $0xffff  }
0x1b0: {  	v54 =	vadd.s32 v0, v53  }
0x1b1: {  	v55 =	vand.u32 $0xFFFFFFF8, v54;
	s13 =	sadd.s32 $0xFFFFE080, s30  }
0x1b2: {  	v33 =	vadd.s32 s13, v55;
	v31 =	vadd.s32 v2, v53;
	v32 =	vand.u32 $0x7, v54  }
0x1b3: {  	v56 =	vand.u32 $0xFFFFFFF8, v31;
	v31 =	vand.u32 $0x7, v31;
	v32 =	vor.u32 v32, v33  }
0x1b4: {  	v33 =	vadd.s32 s13, v56;
	v30 =	vmul.f32 v30, v28;
	v29 =	vmul.f32 v29, v27  }
0x1b5: {  	v31 =	vor.u32 v31, v33  }
0x1b6: {  	v29 =	vadd.f32 v29, v30;
	_ =	sdelay $0x1  }
0x1b7: {  	[tilespmem:$0x182D0] =	vst v29  }
0x1b8: {  	v57 =	vbroadcast v26, $0x1;
	v29 =	vld.idx.msk [tilespmem:v32+s17+$0x0], $0xffff  }
0x1b9: {  	v31 =	vld.idx.msk [tilespmem:v31+s17+$0x0], $0xffff  }
0x1ba: {  	v58 =	vadd.s32 v0, v57  }
0x1bb: {  	v59 =	vand.u32 $0xFFFFFFF8, v58;
	s13 =	sadd.s32 $0xFFFFE100, s30  }
0x1bc: {  	v33 =	vadd.s32 s13, v59;
	v30 =	vadd.s32 v2, v57;
	v32 =	vand.u32 $0x7, v58  }
0x1bd: {  	v60 =	vand.u32 $0xFFFFFFF8, v30;
	v30 =	vand.u32 $0x7, v30;
	v32 =	vor.u32 v32, v33  }
0x1be: {  	v33 =	vadd.s32 s13, v60;
	v29 =	vmul.f32 v29, v28;
	v31 =	vmul.f32 v31, v27  }
0x1bf: {  	v30 =	vor.u32 v30, v33  }
0x1c0: {  	v29 =	vadd.f32 v31, v29;
	_ =	sdelay $0x1  }
0x1c1: {  	[tilespmem:$0x182E0] =	vst v29  }
0x1c2: {  	v61 =	vbroadcast v26, $0x2;
	v29 =	vld.idx.msk [tilespmem:v32+s17+$0x0], $0xffff  }
0x1c3: {  	v30 =	vld.idx.msk [tilespmem:v30+s17+$0x0], $0xffff  }
0x1c4: {  	v62 =	vadd.s32 v0, v61  }
0x1c5: {  	v63 =	vand.u32 $0xFFFFFFF8, v62;
	s13 =	sadd.s32 $0xFFFFE180, s30  }
0x1c6: {  	v33 =	vadd.s32 s13, v63;
	v31 =	vadd.s32 v2, v61;
	v32 =	vand.u32 $0x7, v62  }
0x1c7: {  	v36 =	vand.u32 $0xFFFFFFF8, v31;
	v31 =	vand.u32 $0x7, v31;
	v32 =	vor.u32 v32, v33  }
0x1c8: {  	v33 =	vadd.s32 s13, v36;
	v29 =	vmul.f32 v29, v28;
	v30 =	vmul.f32 v30, v27  }
0x1c9: {  	v31 =	vor.u32 v31, v33  }
0x1ca: {  	v29 =	vadd.f32 v30, v29;
	_ =	sdelay $0x1  }
0x1cb: {  	[tilespmem:$0x182F0] =	vst v29  }
0x1cc: {  	v37 =	vbroadcast v26, $0x3;
	v29 =	vld.idx.msk [tilespmem:v32+s17+$0x0], $0xffff  }
0x1cd: {  	v31 =	vld.idx.msk [tilespmem:v31+s17+$0x0], $0xffff  }
0x1ce: {  	v38 =	vadd.s32 v0, v37  }
0x1cf: {  	v39 =	vand.u32 $0xFFFFFFF8, v38;
	s13 =	sadd.s32 $0xFFFFE200, s30  }
0x1d0: {  	v33 =	vadd.s32 s13, v39;
	v30 =	vadd.s32 v2, v37;
	v32 =	vand.u32 $0x7, v38  }
0x1d1: {  	v40 =	vand.u32 $0xFFFFFFF8, v30;
	v30 =	vand.u32 $0x7, v30;
	v32 =	vor.u32 v32, v33  }
0x1d2: {  	v33 =	vadd.s32 s13, v40;
	v29 =	vmul.f32 v29, v28;
	v31 =	vmul.f32 v31, v27  }
0x1d3: {  	v30 =	vor.u32 v30, v33  }
0x1d4: {  	v29 =	vadd.f32 v31, v29;
	_ =	sdelay $0x1  }
0x1d5: {  	[tilespmem:$0x18300] =	vst v29  }
0x1d6: {  	v41 =	vbroadcast v24, $0x1;
	v29 =	vld.idx.msk [tilespmem:v32+s17+$0x0], $0xffff  }
0x1d7: {  	v44 =	vbroadcast v26, $0x4;
	v30 =	vld.idx.msk [tilespmem:v30+s17+$0x0], $0xffff  }
0x1d8: {  	v42 =	vadd.s32 v0, v41  }
0x1d9: {  	v43 =	vand.u32 $0xFFFFFFF8, v42;
	v48 =	vadd.s32 v0, v44;
	v31 =	vadd.s32 v2, v41  }
0x1da: {  	v49 =	vand.u32 $0xFFFFFFF8, v48;
	v46 =	vand.u32 $0xFFFFFFF8, v31;
	v47 =	vand.u32 $0x7, v31  }
0x1db: {  	s13 =	sadd.s32 $0x80, s12;
	v31 =	vand.u32 $0x7, v48;
	v32 =	vadd.s32 v2, v44;
	v28 =	vmul.f32 v29, v28  }
0x1dc: {  	v27 =	vmul.f32 v30, v27;
	v29 =	vand.u32 $0x7, v42;
	v30 =	vadd.s32 s13, v43  }
0x1dd: {  	v50 =	vand.u32 $0xFFFFFFF8, v32;
	v45 =	vor.u32 v29, v30;
	v29 =	vadd.s32 s13, v46;
	s13 =	sadd.s32 $0xFFFFE280, s30  }
0x1de: {  	v51 =	vand.u32 $0x7, v32;
	v29 =	vor.u32 v47, v29;
	v30 =	vadd.s32 s13, v49  }
0x1df: {  	v27 =	vadd.f32 v27, v28;
	v52 =	vadd.s32 s13, v50;
	v30 =	vor.u32 v31, v30  }
0x1e0: {  	v31 =	vor.u32 v51, v52  }
0x1e1: {  	[tilespmem:$0x18310] =	vst v27  }
0x1e2: {  	v28 =	vld.idx.msk [tilespmem:v45+s14+$0x0], $0xffff  }
0x1e3: {  	v27 =	vld.idx.msk [tilespmem:v29+s14+$0x0], $0xffff  }
0x1e4: {  	v54 =	vbroadcast v26, $0x5;
	v53 =	vld.idx.msk [tilespmem:v30+s17+$0x0], $0xffff  }
0x1e5: {  	v31 =	vld.idx.msk [tilespmem:v31+s17+$0x0], $0xffff  }
0x1e6: {  	v55 =	vadd.s32 v0, v54  }
0x1e7: {  	v56 =	vand.u32 $0xFFFFFFF8, v55;
	s13 =	sadd.s32 $0xFFFFE300, s30  }
0x1e8: {  	v32 =	vand.u32 $0x7, v55;
	v33 =	vadd.s32 s13, v56;
	v30 =	vadd.s32 v2, v54  }
0x1e9: {  	v32 =	vor.u32 v32, v33;
	v57 =	vand.u32 $0xFFFFFFF8, v30;
	v30 =	vand.u32 $0x7, v30  }
0x1ea: {  	v33 =	vadd.s32 s13, v57;
	v29 =	vmul.f32 v53, v28;
	v31 =	vmul.f32 v31, v27  }
0x1eb: {  	v30 =	vor.u32 v30, v33  }
0x1ec: {  	v29 =	vadd.f32 v31, v29;
	_ =	sdelay $0x1  }
0x1ed: {  	[tilespmem:$0x18320] =	vst v29  }
0x1ee: {  	v58 =	vbroadcast v26, $0x6;
	v29 =	vld.idx.msk [tilespmem:v32+s17+$0x0], $0xffff  }
0x1ef: {  	v30 =	vld.idx.msk [tilespmem:v30+s17+$0x0], $0xffff  }
0x1f0: {  	v59 =	vadd.s32 v0, v58  }
0x1f1: {  	v60 =	vand.u32 $0xFFFFFFF8, v59;
	s13 =	sadd.s32 $0xFFFFE380, s30  }
0x1f2: {  	v33 =	vadd.s32 s13, v60;
	v31 =	vadd.s32 v2, v58;
	v32 =	vand.u32 $0x7, v59  }
0x1f3: {  	v61 =	vand.u32 $0xFFFFFFF8, v31;
	v31 =	vand.u32 $0x7, v31;
	v32 =	vor.u32 v32, v33  }
0x1f4: {  	v33 =	vadd.s32 s13, v61;
	v29 =	vmul.f32 v29, v28;
	v30 =	vmul.f32 v30, v27  }
0x1f5: {  	v31 =	vor.u32 v31, v33  }
0x1f6: {  	v29 =	vadd.f32 v30, v29;
	_ =	sdelay $0x1  }
0x1f7: {  	[tilespmem:$0x18330] =	vst v29  }
0x1f8: {  	v62 =	vbroadcast v26, $0x7;
	v29 =	vld.idx.msk [tilespmem:v32+s17+$0x0], $0xffff  }
0x1f9: {  	v31 =	vld.idx.msk [tilespmem:v31+s17+$0x0], $0xffff  }
0x1fa: {  	v63 =	vadd.s32 v0, v62  }
0x1fb: {  	v36 =	vand.u32 $0xFFFFFFF8, v63;
	s13 =	sadd.s32 $0xFFFFE400, s30  }
0x1fc: {  	v33 =	vadd.s32 s13, v36;
	v30 =	vadd.s32 v2, v62;
	v32 =	vand.u32 $0x7, v63  }
0x1fd: {  	v37 =	vand.u32 $0xFFFFFFF8, v30;
	v30 =	vand.u32 $0x7, v30;
	v32 =	vor.u32 v32, v33  }
0x1fe: {  	v33 =	vadd.s32 s13, v37;
	v29 =	vmul.f32 v29, v28;
	v31 =	vmul.f32 v31, v27  }
0x1ff: {  	v30 =	vor.u32 v30, v33  }
0x200: {  	v29 =	vadd.f32 v31, v29;
	_ =	sdelay $0x1  }
0x201: {  	[tilespmem:$0x18340] =	vst v29  }
0x202: {  	v38 =	vbroadcast v26, $0x8;
	v29 =	vld.idx.msk [tilespmem:v32+s17+$0x0], $0xffff  }
0x203: {  	v30 =	vld.idx.msk [tilespmem:v30+s17+$0x0], $0xffff  }
0x204: {  	v39 =	vadd.s32 v0, v38  }
0x205: {  	v40 =	vand.u32 $0xFFFFFFF8, v39;
	s13 =	sadd.s32 $0xFFFFE480, s30  }
0x206: {  	v33 =	vadd.s32 s13, v40;
	v31 =	vadd.s32 v2, v38;
	v32 =	vand.u32 $0x7, v39  }
0x207: {  	v41 =	vand.u32 $0xFFFFFFF8, v31;
	v31 =	vand.u32 $0x7, v31;
	v32 =	vor.u32 v32, v33  }
0x208: {  	v33 =	vadd.s32 s13, v41;
	v29 =	vmul.f32 v29, v28;
	v30 =	vmul.f32 v30, v27  }
0x209: {  	v31 =	vor.u32 v31, v33  }
0x20a: {  	v29 =	vadd.f32 v30, v29;
	_ =	sdelay $0x1  }
0x20b: {  	[tilespmem:$0x18350] =	vst v29  }
0x20c: {  	v42 =	vbroadcast v26, $0x9;
	v29 =	vld.idx.msk [tilespmem:v32+s17+$0x0], $0xffff  }
0x20d: {  	v31 =	vld.idx.msk [tilespmem:v31+s17+$0x0], $0xffff  }
0x20e: {  	v43 =	vadd.s32 v0, v42  }
0x20f: {  	v44 =	vand.u32 $0xFFFFFFF8, v43;
	s13 =	sadd.s32 $0xFFFFE500, s30  }
0x210: {  	v33 =	vadd.s32 s13, v44;
	v30 =	vadd.s32 v2, v42;
	v32 =	vand.u32 $0x7, v43  }
0x211: {  	v45 =	vand.u32 $0xFFFFFFF8, v30;
	v30 =	vand.u32 $0x7, v30;
	v32 =	vor.u32 v32, v33  }
0x212: {  	v33 =	vadd.s32 s13, v45;
	v29 =	vmul.f32 v29, v28;
	v31 =	vmul.f32 v31, v27  }
0x213: {  	v30 =	vor.u32 v30, v33  }
0x214: {  	v29 =	vadd.f32 v31, v29;
	_ =	sdelay $0x1  }
0x215: {  	[tilespmem:$0x18360] =	vst v29  }
0x216: {  	v46 =	vbroadcast v26, $0xA;
	v29 =	vld.idx.msk [tilespmem:v32+s17+$0x0], $0xffff  }
0x217: {  	v30 =	vld.idx.msk [tilespmem:v30+s17+$0x0], $0xffff  }
0x218: {  	v47 =	vadd.s32 v0, v46  }
0x219: {  	v48 =	vand.u32 $0xFFFFFFF8, v47;
	s13 =	sadd.s32 $0xFFFFE580, s30  }
0x21a: {  	v33 =	vadd.s32 s13, v48;
	v31 =	vadd.s32 v2, v46;
	v32 =	vand.u32 $0x7, v47  }
0x21b: {  	v49 =	vand.u32 $0xFFFFFFF8, v31;
	v31 =	vand.u32 $0x7, v31;
	v32 =	vor.u32 v32, v33  }
0x21c: {  	v33 =	vadd.s32 s13, v49;
	v29 =	vmul.f32 v29, v28;
	v30 =	vmul.f32 v30, v27  }
0x21d: {  	v31 =	vor.u32 v31, v33  }
0x21e: {  	v29 =	vadd.f32 v30, v29;
	_ =	sdelay $0x1  }
0x21f: {  	[tilespmem:$0x18370] =	vst v29  }
0x220: {  	v50 =	vbroadcast v26, $0xB;
	v29 =	vld.idx.msk [tilespmem:v32+s17+$0x0], $0xffff  }
0x221: {  	v31 =	vld.idx.msk [tilespmem:v31+s17+$0x0], $0xffff  }
0x222: {  	v51 =	vadd.s32 v0, v50  }
0x223: {  	v52 =	vand.u32 $0xFFFFFFF8, v51;
	s13 =	sadd.s32 $0xFFFFE600, s30  }
0x224: {  	v33 =	vadd.s32 s13, v52;
	v30 =	vadd.s32 v2, v50;
	v32 =	vand.u32 $0x7, v51  }
0x225: {  	v53 =	vand.u32 $0xFFFFFFF8, v30;
	v30 =	vand.u32 $0x7, v30;
	v32 =	vor.u32 v32, v33  }
0x226: {  	v33 =	vadd.s32 s13, v53;
	v29 =	vmul.f32 v29, v28;
	v31 =	vmul.f32 v31, v27  }
0x227: {  	v30 =	vor.u32 v30, v33  }
0x228: {  	v29 =	vadd.f32 v31, v29;
	_ =	sdelay $0x1  }
0x229: {  	[tilespmem:$0x18380] =	vst v29  }
0x22a: {  	v54 =	vbroadcast v26, $0xC;
	v29 =	vld.idx.msk [tilespmem:v32+s17+$0x0], $0xffff  }
0x22b: {  	v30 =	vld.idx.msk [tilespmem:v30+s17+$0x0], $0xffff  }
0x22c: {  	v55 =	vadd.s32 v0, v54  }
0x22d: {  	v56 =	vand.u32 $0xFFFFFFF8, v55;
	s13 =	sadd.s32 $0xFFFFE680, s30  }
0x22e: {  	v33 =	vadd.s32 s13, v56;
	v31 =	vadd.s32 v2, v54;
	v32 =	vand.u32 $0x7, v55  }
0x22f: {  	v57 =	vand.u32 $0xFFFFFFF8, v31;
	v31 =	vand.u32 $0x7, v31;
	v32 =	vor.u32 v32, v33  }
0x230: {  	v33 =	vadd.s32 s13, v57;
	v29 =	vmul.f32 v29, v28;
	v30 =	vmul.f32 v30, v27  }
0x231: {  	v31 =	vor.u32 v31, v33  }
0x232: {  	v29 =	vadd.f32 v30, v29;
	_ =	sdelay $0x1  }
0x233: {  	[tilespmem:$0x18390] =	vst v29  }
0x234: {  	v58 =	vbroadcast v26, $0xD;
	v29 =	vld.idx.msk [tilespmem:v32+s17+$0x0], $0xffff  }
0x235: {  	v31 =	vld.idx.msk [tilespmem:v31+s17+$0x0], $0xffff  }
0x236: {  	v59 =	vadd.s32 v0, v58  }
0x237: {  	v60 =	vand.u32 $0xFFFFFFF8, v59;
	s13 =	sadd.s32 $0xFFFFE700, s30  }
0x238: {  	v33 =	vadd.s32 s13, v60;
	v30 =	vadd.s32 v2, v58;
	v32 =	vand.u32 $0x7, v59  }
0x239: {  	v61 =	vand.u32 $0xFFFFFFF8, v30;
	v30 =	vand.u32 $0x7, v30;
	v32 =	vor.u32 v32, v33  }
0x23a: {  	v33 =	vadd.s32 s13, v61;
	v29 =	vmul.f32 v29, v28;
	v31 =	vmul.f32 v31, v27  }
0x23b: {  	v30 =	vor.u32 v30, v33  }
0x23c: {  	v29 =	vadd.f32 v31, v29;
	_ =	sdelay $0x1  }
0x23d: {  	[tilespmem:$0x183A0] =	vst v29  }
0x23e: {  	v62 =	vbroadcast v26, $0xE;
	v29 =	vld.idx.msk [tilespmem:v32+s17+$0x0], $0xffff  }
0x23f: {  	v30 =	vld.idx.msk [tilespmem:v30+s17+$0x0], $0xffff  }
0x240: {  	v63 =	vadd.s32 v0, v62  }
0x241: {  	v36 =	vand.u32 $0xFFFFFFF8, v63;
	s13 =	sadd.s32 $0xFFFFE780, s30  }
0x242: {  	v33 =	vadd.s32 s13, v36;
	v31 =	vadd.s32 v2, v62;
	v32 =	vand.u32 $0x7, v63  }
0x243: {  	v37 =	vand.u32 $0xFFFFFFF8, v31;
	v31 =	vand.u32 $0x7, v31;
	v32 =	vor.u32 v32, v33  }
0x244: {  	v33 =	vadd.s32 s13, v37;
	v29 =	vmul.f32 v29, v28;
	v30 =	vmul.f32 v30, v27  }
0x245: {  	v31 =	vor.u32 v31, v33  }
0x246: {  	v29 =	vadd.f32 v30, v29;
	_ =	sdelay $0x1  }
0x247: {  	[tilespmem:$0x183B0] =	vst v29  }
0x248: {  	v26 =	vbroadcast v26, $0xF;
	v29 =	vld.idx.msk [tilespmem:v32+s17+$0x0], $0xffff  }
0x249: {  	v38 =	vld.idx.msk [tilespmem:v31+s17+$0x0], $0xffff  }
0x24a: {  	v39 =	vadd.s32 v0, v26  }
0x24b: {  	v40 =	vand.u32 $0xFFFFFFF8, v39;
	s13 =	sadd.s32 $0xFFFFE800, s30  }
0x24c: {  	v26 =	vadd.s32 v2, v26;
	v31 =	vand.u32 $0x7, v39;
	v32 =	vadd.s32 s13, v40  }
0x24d: {  	v41 =	vand.u32 $0xFFFFFFF8, v26;
	v26 =	vand.u32 $0x7, v26;
	v31 =	vor.u32 v31, v32  }
0x24e: {  	v32 =	vadd.s32 s13, v41;
	v29 =	vmul.f32 v29, v28;
	v30 =	vmul.f32 v38, v27  }
0x24f: {  	v26 =	vor.u32 v26, v32  }
0x250: {  	v29 =	vadd.f32 v30, v29;
	_ =	sdelay $0x1  }
0x251: {  	[tilespmem:$0x183C0] =	vst v29  }
0x252: {  	v42 =	vbroadcast v25, $0x0;
	v29 =	vld.idx.msk [tilespmem:v31+s17+$0x0], $0xffff  }
0x253: {  	v26 =	vld.idx.msk [tilespmem:v26+s17+$0x0], $0xffff  }
0x254: {  	v43 =	vadd.s32 v0, v42  }
0x255: {  	v44 =	vand.u32 $0xFFFFFFF8, v43;
	s13 =	sadd.s32 $0xFFFFE880, s30  }
0x256: {  	v32 =	vadd.s32 s13, v44;
	v30 =	vadd.s32 v2, v42;
	v31 =	vand.u32 $0x7, v43  }
0x257: {  	v45 =	vand.u32 $0xFFFFFFF8, v30;
	v30 =	vand.u32 $0x7, v30;
	v31 =	vor.u32 v31, v32  }
0x258: {  	v32 =	vadd.s32 s13, v45;
	v29 =	vmul.f32 v29, v28;
	v26 =	vmul.f32 v26, v27  }
0x259: {  	v30 =	vor.u32 v30, v32  }
0x25a: {  	v26 =	vadd.f32 v26, v29;
	_ =	sdelay $0x1  }
0x25b: {  	[tilespmem:$0x183D0] =	vst v26  }
0x25c: {  	v46 =	vbroadcast v25, $0x1;
	v26 =	vld.idx.msk [tilespmem:v31+s17+$0x0], $0xffff  }
0x25d: {  	v30 =	vld.idx.msk [tilespmem:v30+s17+$0x0], $0xffff  }
0x25e: {  	v47 =	vadd.s32 v0, v46  }
0x25f: {  	v48 =	vand.u32 $0xFFFFFFF8, v47;
	s13 =	sadd.s32 $0xFFFFE900, s30  }
0x260: {  	v32 =	vadd.s32 s13, v48;
	v29 =	vadd.s32 v2, v46;
	v31 =	vand.u32 $0x7, v47  }
0x261: {  	v49 =	vand.u32 $0xFFFFFFF8, v29;
	v29 =	vand.u32 $0x7, v29;
	v31 =	vor.u32 v31, v32  }
0x262: {  	v32 =	vadd.s32 s13, v49;
	v26 =	vmul.f32 v26, v28;
	v30 =	vmul.f32 v30, v27  }
0x263: {  	v29 =	vor.u32 v29, v32  }
0x264: {  	v26 =	vadd.f32 v30, v26;
	_ =	sdelay $0x1  }
0x265: {  	[tilespmem:$0x183E0] =	vst v26  }
0x266: {  	v50 =	vbroadcast v25, $0x2;
	v26 =	vld.idx.msk [tilespmem:v31+s17+$0x0], $0xffff  }
0x267: {  	v29 =	vld.idx.msk [tilespmem:v29+s17+$0x0], $0xffff  }
0x268: {  	v51 =	vadd.s32 v0, v50  }
0x269: {  	v52 =	vand.u32 $0xFFFFFFF8, v51;
	s13 =	sadd.s32 $0xFFFFE980, s30  }
0x26a: {  	v32 =	vadd.s32 s13, v52;
	v30 =	vadd.s32 v2, v50;
	v31 =	vand.u32 $0x7, v51  }
0x26b: {  	v53 =	vand.u32 $0xFFFFFFF8, v30;
	v30 =	vand.u32 $0x7, v30;
	v31 =	vor.u32 v31, v32  }
0x26c: {  	v32 =	vadd.s32 s13, v53;
	v26 =	vmul.f32 v26, v28;
	v29 =	vmul.f32 v29, v27  }
0x26d: {  	v30 =	vor.u32 v30, v32  }
0x26e: {  	v26 =	vadd.f32 v29, v26;
	_ =	sdelay $0x1  }
0x26f: {  	[tilespmem:$0x183F0] =	vst v26  }
0x270: {  	v54 =	vbroadcast v25, $0x3;
	v26 =	vld.idx.msk [tilespmem:v31+s17+$0x0], $0xffff  }
0x271: {  	v30 =	vld.idx.msk [tilespmem:v30+s17+$0x0], $0xffff  }
0x272: {  	v55 =	vadd.s32 v0, v54  }
0x273: {  	v56 =	vand.u32 $0xFFFFFFF8, v55;
	s13 =	sadd.s32 $0xFFFFEA00, s30  }
0x274: {  	v32 =	vadd.s32 s13, v56;
	v29 =	vadd.s32 v2, v54;
	v31 =	vand.u32 $0x7, v55  }
0x275: {  	v57 =	vand.u32 $0xFFFFFFF8, v29;
	v29 =	vand.u32 $0x7, v29;
	v31 =	vor.u32 v31, v32  }
0x276: {  	v32 =	vadd.s32 s13, v57;
	v26 =	vmul.f32 v26, v28;
	v30 =	vmul.f32 v30, v27  }
0x277: {  	v29 =	vor.u32 v29, v32  }
0x278: {  	v26 =	vadd.f32 v30, v26;
	_ =	sdelay $0x1  }
0x279: {  	[tilespmem:$0x18400] =	vst v26  }
0x27a: {  	v58 =	vbroadcast v25, $0x4;
	v26 =	vld.idx.msk [tilespmem:v31+s17+$0x0], $0xffff  }
0x27b: {  	v29 =	vld.idx.msk [tilespmem:v29+s17+$0x0], $0xffff  }
0x27c: {  	v59 =	vadd.s32 v0, v58  }
0x27d: {  	v60 =	vand.u32 $0xFFFFFFF8, v59;
	s13 =	sadd.s32 $0xFFFFEA80, s30  }
0x27e: {  	v32 =	vadd.s32 s13, v60;
	v30 =	vadd.s32 v2, v58;
	v31 =	vand.u32 $0x7, v59  }
0x27f: {  	v61 =	vand.u32 $0xFFFFFFF8, v30;
	v30 =	vand.u32 $0x7, v30;
	v31 =	vor.u32 v31, v32  }
0x280: {  	v32 =	vadd.s32 s13, v61;
	v26 =	vmul.f32 v26, v28;
	v29 =	vmul.f32 v29, v27  }
0x281: {  	v30 =	vor.u32 v30, v32  }
0x282: {  	v26 =	vadd.f32 v29, v26;
	_ =	sdelay $0x1  }
0x283: {  	[tilespmem:$0x18410] =	vst v26  }
0x284: {  	v62 =	vbroadcast v25, $0x5;
	v26 =	vld.idx.msk [tilespmem:v31+s17+$0x0], $0xffff  }
0x285: {  	v30 =	vld.idx.msk [tilespmem:v30+s17+$0x0], $0xffff  }
0x286: {  	v63 =	vadd.s32 v0, v62  }
0x287: {  	v36 =	vand.u32 $0xFFFFFFF8, v63;
	s13 =	sadd.s32 $0xFFFFEB00, s30  }
0x288: {  	v32 =	vadd.s32 s13, v36;
	v29 =	vadd.s32 v2, v62;
	v31 =	vand.u32 $0x7, v63  }
0x289: {  	v37 =	vand.u32 $0xFFFFFFF8, v29;
	v29 =	vand.u32 $0x7, v29;
	v31 =	vor.u32 v31, v32  }
0x28a: {  	v32 =	vadd.s32 s13, v37;
	v26 =	vmul.f32 v26, v28;
	v30 =	vmul.f32 v30, v27  }
0x28b: {  	v29 =	vor.u32 v29, v32  }
0x28c: {  	v26 =	vadd.f32 v30, v26;
	_ =	sdelay $0x1  }
0x28d: {  	[tilespmem:$0x18420] =	vst v26  }
0x28e: {  	v38 =	vbroadcast v25, $0x6;
	v26 =	vld.idx.msk [tilespmem:v31+s17+$0x0], $0xffff  }
0x28f: {  	v29 =	vld.idx.msk [tilespmem:v29+s17+$0x0], $0xffff  }
0x290: {  	v39 =	vadd.s32 v0, v38  }
0x291: {  	v40 =	vand.u32 $0xFFFFFFF8, v39;
	s13 =	sadd.s32 $0xFFFFEB80, s30  }
0x292: {  	v32 =	vadd.s32 s13, v40;
	v30 =	vadd.s32 v2, v38;
	v31 =	vand.u32 $0x7, v39  }
0x293: {  	v41 =	vand.u32 $0xFFFFFFF8, v30;
	v30 =	vand.u32 $0x7, v30;
	v31 =	vor.u32 v31, v32  }
0x294: {  	v32 =	vadd.s32 s13, v41;
	v26 =	vmul.f32 v26, v28;
	v29 =	vmul.f32 v29, v27  }
0x295: {  	v30 =	vor.u32 v30, v32  }
0x296: {  	v26 =	vadd.f32 v29, v26;
	_ =	sdelay $0x1  }
0x297: {  	[tilespmem:$0x18430] =	vst v26  }
0x298: {  	v42 =	vbroadcast v25, $0x7;
	v26 =	vld.idx.msk [tilespmem:v31+s17+$0x0], $0xffff  }
0x299: {  	v30 =	vld.idx.msk [tilespmem:v30+s17+$0x0], $0xffff  }
0x29a: {  	v43 =	vadd.s32 v0, v42  }
0x29b: {  	v44 =	vand.u32 $0xFFFFFFF8, v43;
	s13 =	sadd.s32 $0xFFFFEC00, s30  }
0x29c: {  	v32 =	vadd.s32 s13, v44;
	v29 =	vadd.s32 v2, v42;
	v31 =	vand.u32 $0x7, v43  }
0x29d: {  	v45 =	vand.u32 $0xFFFFFFF8, v29;
	v29 =	vand.u32 $0x7, v29;
	v31 =	vor.u32 v31, v32  }
0x29e: {  	v32 =	vadd.s32 s13, v45;
	v26 =	vmul.f32 v26, v28;
	v30 =	vmul.f32 v30, v27  }
0x29f: {  	v29 =	vor.u32 v29, v32  }
0x2a0: {  	v26 =	vadd.f32 v30, v26;
	_ =	sdelay $0x1  }
0x2a1: {  	[tilespmem:$0x18440] =	vst v26  }
0x2a2: {  	v46 =	vbroadcast v24, $0x2;
	v26 =	vld.idx.msk [tilespmem:v31+s17+$0x0], $0xffff  }
0x2a3: {  	v49 =	vbroadcast v25, $0x8;
	v29 =	vld.idx.msk [tilespmem:v29+s17+$0x0], $0xffff  }
0x2a4: {  	v47 =	vadd.s32 v0, v46  }
0x2a5: {  	v48 =	vand.u32 $0xFFFFFFF8, v47;
	v53 =	vadd.s32 v0, v49;
	v30 =	vadd.s32 v2, v46  }
0x2a6: {  	v54 =	vand.u32 $0xFFFFFFF8, v53;
	v51 =	vand.u32 $0xFFFFFFF8, v30;
	v52 =	vand.u32 $0x7, v30  }
0x2a7: {  	s13 =	sadd.s32 $0x100, s12;
	v30 =	vand.u32 $0x7, v53;
	v31 =	vadd.s32 v2, v49;
	v26 =	vmul.f32 v26, v28  }
0x2a8: {  	v27 =	vmul.f32 v29, v27;
	v28 =	vand.u32 $0x7, v47;
	v29 =	vadd.s32 s13, v48  }
0x2a9: {  	v55 =	vand.u32 $0xFFFFFFF8, v31;
	v50 =	vor.u32 v28, v29;
	v28 =	vadd.s32 s13, v51;
	s13 =	sadd.s32 $0xFFFFEC80, s30  }
0x2aa: {  	v56 =	vand.u32 $0x7, v31;
	v28 =	vor.u32 v52, v28;
	v29 =	vadd.s32 s13, v54  }
0x2ab: {  	v26 =	vadd.f32 v27, v26;
	v57 =	vadd.s32 s13, v55;
	v29 =	vor.u32 v30, v29  }
0x2ac: {  	v30 =	vor.u32 v56, v57  }
0x2ad: {  	[tilespmem:$0x18450] =	vst v26  }
0x2ae: {  	v27 =	vld.idx.msk [tilespmem:v50+s14+$0x0], $0xffff  }
0x2af: {  	v26 =	vld.idx.msk [tilespmem:v28+s14+$0x0], $0xffff  }
0x2b0: {  	v59 =	vbroadcast v25, $0x9;
	v58 =	vld.idx.msk [tilespmem:v29+s17+$0x0], $0xffff  }
0x2b1: {  	v30 =	vld.idx.msk [tilespmem:v30+s17+$0x0], $0xffff  }
0x2b2: {  	v60 =	vadd.s32 v0, v59  }
0x2b3: {  	v61 =	vand.u32 $0xFFFFFFF8, v60;
	s13 =	sadd.s32 $0xFFFFED00, s30  }
0x2b4: {  	v31 =	vand.u32 $0x7, v60;
	v32 =	vadd.s32 s13, v61;
	v29 =	vadd.s32 v2, v59  }
0x2b5: {  	v31 =	vor.u32 v31, v32;
	v62 =	vand.u32 $0xFFFFFFF8, v29;
	v29 =	vand.u32 $0x7, v29  }
0x2b6: {  	v32 =	vadd.s32 s13, v62;
	v28 =	vmul.f32 v58, v27;
	v30 =	vmul.f32 v30, v26  }
0x2b7: {  	v29 =	vor.u32 v29, v32  }
0x2b8: {  	v28 =	vadd.f32 v30, v28;
	_ =	sdelay $0x1  }
0x2b9: {  	[tilespmem:$0x18460] =	vst v28  }
0x2ba: {  	v63 =	vbroadcast v25, $0xA;
	v28 =	vld.idx.msk [tilespmem:v31+s17+$0x0], $0xffff  }
0x2bb: {  	v29 =	vld.idx.msk [tilespmem:v29+s17+$0x0], $0xffff  }
0x2bc: {  	v36 =	vadd.s32 v0, v63  }
0x2bd: {  	v37 =	vand.u32 $0xFFFFFFF8, v36;
	s13 =	sadd.s32 $0xFFFFED80, s30  }
0x2be: {  	v32 =	vadd.s32 s13, v37;
	v30 =	vadd.s32 v2, v63;
	v31 =	vand.u32 $0x7, v36  }
0x2bf: {  	v38 =	vand.u32 $0xFFFFFFF8, v30;
	v30 =	vand.u32 $0x7, v30;
	v31 =	vor.u32 v31, v32  }
0x2c0: {  	v32 =	vadd.s32 s13, v38;
	v28 =	vmul.f32 v28, v27;
	v29 =	vmul.f32 v29, v26  }
0x2c1: {  	v30 =	vor.u32 v30, v32  }
0x2c2: {  	v28 =	vadd.f32 v29, v28;
	_ =	sdelay $0x1  }
0x2c3: {  	[tilespmem:$0x18470] =	vst v28  }
0x2c4: {  	v39 =	vbroadcast v25, $0xB;
	v28 =	vld.idx.msk [tilespmem:v31+s17+$0x0], $0xffff  }
0x2c5: {  	v30 =	vld.idx.msk [tilespmem:v30+s17+$0x0], $0xffff  }
0x2c6: {  	v40 =	vadd.s32 v0, v39  }
0x2c7: {  	v41 =	vand.u32 $0xFFFFFFF8, v40;
	s13 =	sadd.s32 $0xFFFFEE00, s30  }
0x2c8: {  	v32 =	vadd.s32 s13, v41;
	v29 =	vadd.s32 v2, v39;
	v31 =	vand.u32 $0x7, v40  }
0x2c9: {  	v42 =	vand.u32 $0xFFFFFFF8, v29;
	v29 =	vand.u32 $0x7, v29;
	v31 =	vor.u32 v31, v32  }
0x2ca: {  	v32 =	vadd.s32 s13, v42;
	v28 =	vmul.f32 v28, v27;
	v30 =	vmul.f32 v30, v26  }
0x2cb: {  	v29 =	vor.u32 v29, v32  }
0x2cc: {  	v28 =	vadd.f32 v30, v28;
	_ =	sdelay $0x1  }
0x2cd: {  	[tilespmem:$0x18480] =	vst v28  }
0x2ce: {  	v43 =	vbroadcast v25, $0xC;
	v28 =	vld.idx.msk [tilespmem:v31+s17+$0x0], $0xffff  }
0x2cf: {  	v29 =	vld.idx.msk [tilespmem:v29+s17+$0x0], $0xffff  }
0x2d0: {  	v44 =	vadd.s32 v0, v43  }
0x2d1: {  	v45 =	vand.u32 $0xFFFFFFF8, v44;
	s13 =	sadd.s32 $0xFFFFEE80, s30  }
0x2d2: {  	v32 =	vadd.s32 s13, v45;
	v30 =	vadd.s32 v2, v43;
	v31 =	vand.u32 $0x7, v44  }
0x2d3: {  	v46 =	vand.u32 $0xFFFFFFF8, v30;
	v30 =	vand.u32 $0x7, v30;
	v31 =	vor.u32 v31, v32  }
0x2d4: {  	v32 =	vadd.s32 s13, v46;
	v28 =	vmul.f32 v28, v27;
	v29 =	vmul.f32 v29, v26  }
0x2d5: {  	v30 =	vor.u32 v30, v32  }
0x2d6: {  	v28 =	vadd.f32 v29, v28;
	_ =	sdelay $0x1  }
0x2d7: {  	[tilespmem:$0x18490] =	vst v28  }
0x2d8: {  	v47 =	vbroadcast v25, $0xD;
	v28 =	vld.idx.msk [tilespmem:v31+s17+$0x0], $0xffff  }
0x2d9: {  	v30 =	vld.idx.msk [tilespmem:v30+s17+$0x0], $0xffff  }
0x2da: {  	v48 =	vadd.s32 v0, v47  }
0x2db: {  	v49 =	vand.u32 $0xFFFFFFF8, v48;
	s13 =	sadd.s32 $0xFFFFEF00, s30  }
0x2dc: {  	v32 =	vadd.s32 s13, v49;
	v29 =	vadd.s32 v2, v47;
	v31 =	vand.u32 $0x7, v48  }
0x2dd: {  	v50 =	vand.u32 $0xFFFFFFF8, v29;
	v29 =	vand.u32 $0x7, v29;
	v31 =	vor.u32 v31, v32  }
0x2de: {  	v32 =	vadd.s32 s13, v50;
	v28 =	vmul.f32 v28, v27;
	v30 =	vmul.f32 v30, v26  }
0x2df: {  	v29 =	vor.u32 v29, v32  }
0x2e0: {  	v28 =	vadd.f32 v30, v28;
	_ =	sdelay $0x1  }
0x2e1: {  	[tilespmem:$0x184A0] =	vst v28  }
0x2e2: {  	v51 =	vbroadcast v25, $0xE;
	v28 =	vld.idx.msk [tilespmem:v31+s17+$0x0], $0xffff  }
0x2e3: {  	v29 =	vld.idx.msk [tilespmem:v29+s17+$0x0], $0xffff  }
0x2e4: {  	v52 =	vadd.s32 v0, v51  }
0x2e5: {  	v53 =	vand.u32 $0xFFFFFFF8, v52;
	s13 =	sadd.s32 $0xFFFFEF80, s30  }
0x2e6: {  	v32 =	vadd.s32 s13, v53;
	v30 =	vadd.s32 v2, v51;
	v31 =	vand.u32 $0x7, v52  }
0x2e7: {  	v54 =	vand.u32 $0xFFFFFFF8, v30;
	v30 =	vand.u32 $0x7, v30;
	v31 =	vor.u32 v31, v32  }
0x2e8: {  	v32 =	vadd.s32 s13, v54;
	v28 =	vmul.f32 v28, v27;
	v29 =	vmul.f32 v29, v26  }
0x2e9: {  	v30 =	vor.u32 v30, v32  }
0x2ea: {  	v28 =	vadd.f32 v29, v28;
	_ =	sdelay $0x1  }
0x2eb: {  	[tilespmem:$0x184B0] =	vst v28  }
0x2ec: {  	v28 =	vld.idx.msk [tilespmem:v31+s17+$0x0], $0xffff  }
0x2ed: {  	v25 =	vbroadcast v25, $0xF;
	v55 =	vld.idx.msk [tilespmem:v30+s17+$0x0], $0xffff;
	_ =	sdelay $0x1  }
0x2ee: {  	v56 =	vadd.s32 v0, v25;
	v25 =	vadd.s32 v2, v25  }
0x2ef: {  	v57 =	vand.u32 $0xFFFFFFF8, v56;
	v58 =	vand.u32 $0xFFFFFFF8, v25;
	v25 =	vand.u32 $0x7, v25;
	s13 =	sadd.s32 $0xFFFFF000, s30  }
0x2f0: {  	v59 =	vadd.s32 s13, v58;
	v30 =	vand.u32 $0x7, v56;
	v31 =	vadd.s32 s13, v57  }
0x2f1: {  	v30 =	vor.u32 v30, v31;
	v28 =	vmul.f32 v28, v27;
	v29 =	vmul.f32 v55, v26  }
0x2f2: {  	v25 =	vor.u32 v25, v59  }
0x2f3: {  	v28 =	vadd.f32 v29, v28;
	_ =	sdelay $0x1  }
0x2f4: {  	[tilespmem:$0x184C0] =	vst v28  }
0x2f5: {  	v60 =	vbroadcast v23, $0x0;
	v28 =	vld.idx.msk [tilespmem:v30+s17+$0x0], $0xffff  }
0x2f6: {  	v25 =	vld.idx.msk [tilespmem:v25+s17+$0x0], $0xffff  }
0x2f7: {  	v61 =	vadd.s32 v0, v60  }
0x2f8: {  	v62 =	vand.u32 $0xFFFFFFF8, v61;
	s13 =	sadd.s32 $0xFFFFF080, s30;
	v29 =	vadd.s32 v2, v60  }
0x2f9: {  	v31 =	vadd.s32 s13, v62;
	v63 =	vand.u32 $0xFFFFFFF8, v29  }
0x2fa: {  	v29 =	vand.u32 $0x7, v29;
	v33 =	vadd.s32 s13, v63;
	v30 =	vand.u32 $0x7, v61  }
0x2fb: {  	v30 =	vor.u32 v30, v31;
	v28 =	vmul.f32 v28, v27;
	v25 =	vmul.f32 v25, v26  }
0x2fc: {  	v29 =	vor.u32 v29, v33  }
0x2fd: {  	v25 =	vadd.f32 v25, v28;
	_ =	sdelay $0x1  }
0x2fe: {  	[tilespmem:$0x184D0] =	vst v25  }
0x2ff: {  	v35 =	vbroadcast v23, $0x1;
	v25 =	vld.idx.msk [tilespmem:v30+s17+$0x0], $0xffff  }
0x300: {  	v34 =	vld.idx.msk [tilespmem:v29+s17+$0x0], $0xffff  }
0x301: {  	v36 =	vadd.s32 v0, v35  }
0x302: {  	v37 =	vand.u32 $0xFFFFFFF8, v36;
	s13 =	sadd.s32 $0xFFFFF100, s30  }
0x303: {  	v31 =	vadd.s32 s13, v37;
	v29 =	vadd.s32 v2, v35;
	v30 =	vand.u32 $0x7, v36  }
0x304: {  	v38 =	vand.u32 $0xFFFFFFF8, v29;
	v30 =	vor.u32 v30, v31;
	v29 =	vand.u32 $0x7, v29  }
0x305: {  	v39 =	vadd.s32 s13, v38;
	v25 =	vmul.f32 v25, v27;
	v28 =	vmul.f32 v34, v26  }
0x306: {  	v29 =	vor.u32 v29, v39  }
0x307: {  	v25 =	vadd.f32 v28, v25;
	_ =	sdelay $0x1  }
0x308: {  	[tilespmem:$0x184E0] =	vst v25  }
0x309: {  	v41 =	vbroadcast v23, $0x2;
	v25 =	vld.idx.msk [tilespmem:v30+s17+$0x0], $0xffff  }
0x30a: {  	v40 =	vld.idx.msk [tilespmem:v29+s17+$0x0], $0xffff  }
0x30b: {  	v42 =	vadd.s32 v0, v41  }
0x30c: {  	v43 =	vand.u32 $0xFFFFFFF8, v42;
	s13 =	sadd.s32 $0xFFFFF180, s30  }
0x30d: {  	v31 =	vadd.s32 s13, v43;
	v29 =	vadd.s32 v2, v41;
	v30 =	vand.u32 $0x7, v42  }
0x30e: {  	v44 =	vand.u32 $0xFFFFFFF8, v29;
	v30 =	vor.u32 v30, v31;
	v29 =	vand.u32 $0x7, v29  }
0x30f: {  	v45 =	vadd.s32 s13, v44;
	v25 =	vmul.f32 v25, v27;
	v28 =	vmul.f32 v40, v26  }
0x310: {  	v29 =	vor.u32 v29, v45  }
0x311: {  	v25 =	vadd.f32 v28, v25;
	_ =	sdelay $0x1  }
0x312: {  	[tilespmem:$0x184F0] =	vst v25  }
0x313: {  	v47 =	vbroadcast v23, $0x3;
	v25 =	vld.idx.msk [tilespmem:v30+s17+$0x0], $0xffff  }
0x314: {  	v46 =	vld.idx.msk [tilespmem:v29+s17+$0x0], $0xffff  }
0x315: {  	v48 =	vadd.s32 v0, v47  }
0x316: {  	v49 =	vand.u32 $0xFFFFFFF8, v48;
	s13 =	sadd.s32 $0xFFFFF200, s30  }
0x317: {  	v31 =	vadd.s32 s13, v49;
	v29 =	vadd.s32 v2, v47;
	v30 =	vand.u32 $0x7, v48  }
0x318: {  	v50 =	vand.u32 $0xFFFFFFF8, v29;
	v30 =	vor.u32 v30, v31;
	v29 =	vand.u32 $0x7, v29  }
0x319: {  	v51 =	vadd.s32 s13, v50;
	v25 =	vmul.f32 v25, v27;
	v28 =	vmul.f32 v46, v26  }
0x31a: {  	v29 =	vor.u32 v29, v51  }
0x31b: {  	v25 =	vadd.f32 v28, v25;
	_ =	sdelay $0x1  }
0x31c: {  	[tilespmem:$0x18500] =	vst v25  }
0x31d: {  	v53 =	vbroadcast v23, $0x4;
	v25 =	vld.idx.msk [tilespmem:v30+s17+$0x0], $0xffff  }
0x31e: {  	v52 =	vld.idx.msk [tilespmem:v29+s17+$0x0], $0xffff  }
0x31f: {  	v54 =	vadd.s32 v0, v53  }
0x320: {  	v55 =	vand.u32 $0xFFFFFFF8, v54;
	s13 =	sadd.s32 $0xFFFFF280, s30  }
0x321: {  	v31 =	vadd.s32 s13, v55;
	v29 =	vadd.s32 v2, v53;
	v30 =	vand.u32 $0x7, v54  }
0x322: {  	v56 =	vand.u32 $0xFFFFFFF8, v29;
	v30 =	vor.u32 v30, v31;
	v29 =	vand.u32 $0x7, v29  }
0x323: {  	v57 =	vadd.s32 s13, v56;
	v25 =	vmul.f32 v25, v27;
	v28 =	vmul.f32 v52, v26  }
0x324: {  	v29 =	vor.u32 v29, v57  }
0x325: {  	v25 =	vadd.f32 v28, v25;
	_ =	sdelay $0x1  }
0x326: {  	[tilespmem:$0x18510] =	vst v25  }
0x327: {  	v59 =	vbroadcast v23, $0x5;
	v25 =	vld.idx.msk [tilespmem:v30+s17+$0x0], $0xffff  }
0x328: {  	v58 =	vld.idx.msk [tilespmem:v29+s17+$0x0], $0xffff  }
0x329: {  	v60 =	vadd.s32 v0, v59  }
0x32a: {  	v61 =	vand.u32 $0xFFFFFFF8, v60;
	s13 =	sadd.s32 $0xFFFFF300, s30  }
0x32b: {  	v31 =	vadd.s32 s13, v61;
	v29 =	vadd.s32 v2, v59;
	v30 =	vand.u32 $0x7, v60  }
0x32c: {  	v62 =	vand.u32 $0xFFFFFFF8, v29;
	v30 =	vor.u32 v30, v31;
	v29 =	vand.u32 $0x7, v29  }
0x32d: {  	v63 =	vadd.s32 s13, v62;
	v25 =	vmul.f32 v25, v27;
	v28 =	vmul.f32 v58, v26  }
0x32e: {  	v29 =	vor.u32 v29, v63  }
0x32f: {  	v25 =	vadd.f32 v28, v25;
	_ =	sdelay $0x1  }
0x330: {  	[tilespmem:$0x18520] =	vst v25  }
0x331: {  	v34 =	vbroadcast v23, $0x6;
	v25 =	vld.idx.msk [tilespmem:v30+s17+$0x0], $0xffff  }
0x332: {  	v33 =	vld.idx.msk [tilespmem:v29+s17+$0x0], $0xffff  }
0x333: {  	v35 =	vadd.s32 v0, v34  }
0x334: {  	v36 =	vand.u32 $0xFFFFFFF8, v35;
	s13 =	sadd.s32 $0xFFFFF380, s30  }
0x335: {  	v31 =	vadd.s32 s13, v36;
	v29 =	vadd.s32 v2, v34;
	v30 =	vand.u32 $0x7, v35  }
0x336: {  	v37 =	vand.u32 $0xFFFFFFF8, v29;
	v30 =	vor.u32 v30, v31;
	v29 =	vand.u32 $0x7, v29  }
0x337: {  	v38 =	vadd.s32 s13, v37;
	v25 =	vmul.f32 v25, v27;
	v28 =	vmul.f32 v33, v26  }
0x338: {  	v29 =	vor.u32 v29, v38  }
0x339: {  	v25 =	vadd.f32 v28, v25;
	_ =	sdelay $0x1  }
0x33a: {  	[tilespmem:$0x18530] =	vst v25  }
0x33b: {  	v40 =	vbroadcast v23, $0x7;
	v25 =	vld.idx.msk [tilespmem:v30+s17+$0x0], $0xffff  }
0x33c: {  	v39 =	vld.idx.msk [tilespmem:v29+s17+$0x0], $0xffff  }
0x33d: {  	v41 =	vadd.s32 v0, v40  }
0x33e: {  	v42 =	vand.u32 $0xFFFFFFF8, v41;
	s13 =	sadd.s32 $0xFFFFF400, s30  }
0x33f: {  	v31 =	vadd.s32 s13, v42;
	v29 =	vadd.s32 v2, v40;
	v30 =	vand.u32 $0x7, v41  }
0x340: {  	v43 =	vand.u32 $0xFFFFFFF8, v29;
	v30 =	vor.u32 v30, v31;
	v29 =	vand.u32 $0x7, v29  }
0x341: {  	v44 =	vadd.s32 s13, v43;
	v25 =	vmul.f32 v25, v27;
	v28 =	vmul.f32 v39, v26  }
0x342: {  	v29 =	vor.u32 v29, v44  }
0x343: {  	v25 =	vadd.f32 v28, v25;
	_ =	sdelay $0x1  }
0x344: {  	[tilespmem:$0x18540] =	vst v25  }
0x345: {  	v46 =	vbroadcast v23, $0x8;
	v25 =	vld.idx.msk [tilespmem:v30+s17+$0x0], $0xffff  }
0x346: {  	v45 =	vld.idx.msk [tilespmem:v29+s17+$0x0], $0xffff  }
0x347: {  	v47 =	vadd.s32 v0, v46  }
0x348: {  	v48 =	vand.u32 $0xFFFFFFF8, v47;
	s13 =	sadd.s32 $0xFFFFF480, s30  }
0x349: {  	v31 =	vadd.s32 s13, v48;
	v29 =	vadd.s32 v2, v46;
	v30 =	vand.u32 $0x7, v47  }
0x34a: {  	v49 =	vand.u32 $0xFFFFFFF8, v29;
	v30 =	vor.u32 v30, v31;
	v29 =	vand.u32 $0x7, v29  }
0x34b: {  	v50 =	vadd.s32 s13, v49;
	v25 =	vmul.f32 v25, v27;
	v28 =	vmul.f32 v45, v26  }
0x34c: {  	v29 =	vor.u32 v29, v50  }
0x34d: {  	v25 =	vadd.f32 v28, v25;
	_ =	sdelay $0x1  }
0x34e: {  	[tilespmem:$0x18550] =	vst v25  }
0x34f: {  	v52 =	vbroadcast v23, $0x9;
	v25 =	vld.idx.msk [tilespmem:v30+s17+$0x0], $0xffff  }
0x350: {  	v51 =	vld.idx.msk [tilespmem:v29+s17+$0x0], $0xffff  }
0x351: {  	v53 =	vadd.s32 v0, v52  }
0x352: {  	v54 =	vand.u32 $0xFFFFFFF8, v53;
	s13 =	sadd.s32 $0xFFFFF500, s30  }
0x353: {  	v31 =	vadd.s32 s13, v54;
	v29 =	vadd.s32 v2, v52;
	v30 =	vand.u32 $0x7, v53  }
0x354: {  	v55 =	vand.u32 $0xFFFFFFF8, v29;
	v30 =	vor.u32 v30, v31;
	v29 =	vand.u32 $0x7, v29  }
0x355: {  	v56 =	vadd.s32 s13, v55;
	v25 =	vmul.f32 v25, v27;
	v28 =	vmul.f32 v51, v26  }
0x356: {  	v29 =	vor.u32 v29, v56  }
0x357: {  	v25 =	vadd.f32 v28, v25;
	_ =	sdelay $0x1  }
0x358: {  	[tilespmem:$0x18560] =	vst v25  }
0x359: {  	v58 =	vbroadcast v23, $0xA;
	v25 =	vld.idx.msk [tilespmem:v30+s17+$0x0], $0xffff  }
0x35a: {  	v57 =	vld.idx.msk [tilespmem:v29+s17+$0x0], $0xffff  }
0x35b: {  	v59 =	vadd.s32 v0, v58  }
0x35c: {  	v60 =	vand.u32 $0xFFFFFFF8, v59;
	s13 =	sadd.s32 $0xFFFFF580, s30  }
0x35d: {  	v31 =	vadd.s32 s13, v60;
	v29 =	vadd.s32 v2, v58;
	v30 =	vand.u32 $0x7, v59  }
0x35e: {  	v61 =	vand.u32 $0xFFFFFFF8, v29;
	v30 =	vor.u32 v30, v31;
	v29 =	vand.u32 $0x7, v29  }
0x35f: {  	v62 =	vadd.s32 s13, v61;
	v25 =	vmul.f32 v25, v27;
	v28 =	vmul.f32 v57, v26  }
0x360: {  	v29 =	vor.u32 v29, v62  }
0x361: {  	v25 =	vadd.f32 v28, v25;
	_ =	sdelay $0x1  }
0x362: {  	[tilespmem:$0x18570] =	vst v25  }
0x363: {  	v33 =	vbroadcast v23, $0xB;
	v25 =	vld.idx.msk [tilespmem:v30+s17+$0x0], $0xffff  }
0x364: {  	v63 =	vld.idx.msk [tilespmem:v29+s17+$0x0], $0xffff  }
0x365: {  	v34 =	vadd.s32 v0, v33  }
0x366: {  	v35 =	vand.u32 $0xFFFFFFF8, v34;
	s13 =	sadd.s32 $0xFFFFF600, s30  }
0x367: {  	v31 =	vadd.s32 s13, v35;
	v29 =	vadd.s32 v2, v33;
	v30 =	vand.u32 $0x7, v34  }
0x368: {  	v36 =	vand.u32 $0xFFFFFFF8, v29;
	v30 =	vor.u32 v30, v31;
	v29 =	vand.u32 $0x7, v29  }
0x369: {  	v37 =	vadd.s32 s13, v36;
	v25 =	vmul.f32 v25, v27;
	v28 =	vmul.f32 v63, v26  }
0x36a: {  	v29 =	vor.u32 v29, v37  }
0x36b: {  	v25 =	vadd.f32 v28, v25;
	_ =	sdelay $0x1  }
0x36c: {  	v41 =	vbroadcast v23, $0xC;
	[tilespmem:$0x18580] =	vst v25  }
0x36d: {  	v24 =	vbroadcast v24, $0x3;
	v25 =	vld.idx.msk [tilespmem:v30+s17+$0x0], $0xffff  }
0x36e: {  	v44 =	vadd.s32 v0, v41;
	v38 =	vld.idx.msk [tilespmem:v29+s17+$0x0], $0xffff  }
0x36f: {  	v39 =	vadd.s32 v0, v24;
	v24 =	vadd.s32 v2, v24;
	v29 =	vadd.s32 v2, v41  }
0x370: {  	v40 =	vand.u32 $0xFFFFFFF8, v39;
	v43 =	vand.u32 $0xFFFFFFF8, v24;
	s13 =	sadd.s32 $0xFFFFF680, s30;
	v46 =	vand.u32 $0xFFFFFFF8, v29  }
0x371: {  	s12 =	sadd.s32 $0x180, s12;
	v24 =	vand.u32 $0x7, v24;
	v47 =	vand.u32 $0x7, v29;
	v48 =	vadd.s32 s13, v46  }
0x372: {  	v45 =	vand.u32 $0xFFFFFFF8, v44;
	v28 =	vadd.s32 s12, v40;
	v29 =	vor.u32 v47, v48  }
0x373: {  	v25 =	vmul.f32 v25, v27;
	v26 =	vmul.f32 v38, v26;
	v27 =	vand.u32 $0x7, v39  }
0x374: {  	v42 =	vor.u32 v27, v28;
	v27 =	vadd.s32 s12, v43;
	v28 =	vand.u32 $0x7, v44  }
0x375: {  	v25 =	vadd.f32 v26, v25;
	v27 =	vor.u32 v24, v27;
	v24 =	vadd.s32 s13, v45  }
0x376: {  	v28 =	vor.u32 v28, v24  }
0x377: {  	[tilespmem:$0x18590] =	vst v25  }
0x378: {  	v50 =	vld.idx.msk [tilespmem:v29+s17+$0x0], $0xffff  }
0x379: {  	v24 =	vld.idx.msk [tilespmem:v42+s14+$0x0], $0xffff  }
0x37a: {  	v51 =	vbroadcast v23, $0xD;
	v25 =	vld.idx.msk [tilespmem:v27+s14+$0x0], $0xffff  }
0x37b: {  	v49 =	vld.idx.msk [tilespmem:v28+s17+$0x0], $0xffff  }
0x37c: {  	v52 =	vadd.s32 v0, v51  }
0x37d: {  	v53 =	vand.u32 $0xFFFFFFF8, v52;
	s13 =	sadd.s32 $0xFFFFF700, s30  }
0x37e: {  	v30 =	vadd.s32 s13, v53;
	v29 =	vand.u32 $0x7, v52;
	v28 =	vadd.s32 v2, v51  }
0x37f: {  	v29 =	vor.u32 v29, v30;
	v54 =	vand.u32 $0xFFFFFFF8, v28;
	v28 =	vand.u32 $0x7, v28  }
0x380: {  	v55 =	vadd.s32 s13, v54;
	v27 =	vmul.f32 v50, v25;
	v26 =	vmul.f32 v49, v24  }
0x381: {  	v28 =	vor.u32 v28, v55  }
0x382: {  	v26 =	vadd.f32 v27, v26;
	_ =	sdelay $0x1  }
0x383: {  	[tilespmem:$0x185A0] =	vst v26  }
0x384: {  	v57 =	vbroadcast v23, $0xE;
	v26 =	vld.idx.msk [tilespmem:v29+s17+$0x0], $0xffff  }
0x385: {  	v56 =	vld.idx.msk [tilespmem:v28+s17+$0x0], $0xffff  }
0x386: {  	v58 =	vadd.s32 v0, v57  }
0x387: {  	v59 =	vand.u32 $0xFFFFFFF8, v58;
	s13 =	sadd.s32 $0xFFFFF780, s30  }
0x388: {  	v30 =	vadd.s32 s13, v59;
	v28 =	vadd.s32 v2, v57;
	v29 =	vand.u32 $0x7, v58  }
0x389: {  	v60 =	vand.u32 $0xFFFFFFF8, v28;
	v29 =	vor.u32 v29, v30;
	v28 =	vand.u32 $0x7, v28  }
0x38a: {  	v61 =	vadd.s32 s13, v60;
	v26 =	vmul.f32 v26, v24;
	v27 =	vmul.f32 v56, v25  }
0x38b: {  	v28 =	vor.u32 v28, v61  }
0x38c: {  	v26 =	vadd.f32 v27, v26;
	_ =	sdelay $0x1  }
0x38d: {  	[tilespmem:$0x185B0] =	vst v26  }
0x38e: {  	v26 =	vld.idx.msk [tilespmem:v29+s17+$0x0], $0xffff  }
0x38f: {  	v23 =	vbroadcast v23, $0xF;
	v62 =	vld.idx.msk [tilespmem:v28+s17+$0x0], $0xffff;
	_ =	sdelay $0x1  }
0x390: {  	v63 =	vadd.s32 v0, v23;
	v23 =	vadd.s32 v2, v23  }
0x391: {  	v32 =	vand.u32 $0xFFFFFFF8, v63;
	v33 =	vand.u32 $0xFFFFFFF8, v23;
	v23 =	vand.u32 $0x7, v23;
	s13 =	sadd.s32 $0xFFFFF800, s30  }
0x392: {  	v34 =	vadd.s32 s13, v33;
	v28 =	vand.u32 $0x7, v63;
	v29 =	vadd.s32 s13, v32  }
0x393: {  	v28 =	vor.u32 v28, v29;
	v26 =	vmul.f32 v26, v24;
	v27 =	vmul.f32 v62, v25  }
0x394: {  	v23 =	vor.u32 v23, v34  }
0x395: {  	v26 =	vadd.f32 v27, v26;
	_ =	sdelay $0x1  }
0x396: {  	[tilespmem:$0x185C0] =	vst v26  }
0x397: {  	v35 =	vbroadcast v22, $0x0;
	v26 =	vld.idx.msk [tilespmem:v28+s17+$0x0], $0xffff  }
0x398: {  	v23 =	vld.idx.msk [tilespmem:v23+s17+$0x0], $0xffff  }
0x399: {  	v36 =	vadd.s32 v0, v35  }
0x39a: {  	v37 =	vand.u32 $0xFFFFFFF8, v36;
	s13 =	sadd.s32 $0xFFFFF880, s30;
	v27 =	vadd.s32 v2, v35  }
0x39b: {  	v29 =	vadd.s32 s13, v37;
	v38 =	vand.u32 $0xFFFFFFF8, v27  }
0x39c: {  	v27 =	vand.u32 $0x7, v27;
	v39 =	vadd.s32 s13, v38;
	v28 =	vand.u32 $0x7, v36  }
0x39d: {  	v28 =	vor.u32 v28, v29;
	v26 =	vmul.f32 v26, v24;
	v23 =	vmul.f32 v23, v25  }
0x39e: {  	v27 =	vor.u32 v27, v39  }
0x39f: {  	v23 =	vadd.f32 v23, v26;
	_ =	sdelay $0x1  }
0x3a0: {  	[tilespmem:$0x185D0] =	vst v23  }
0x3a1: {  	v41 =	vbroadcast v22, $0x1;
	v23 =	vld.idx.msk [tilespmem:v28+s17+$0x0], $0xffff  }
0x3a2: {  	v40 =	vld.idx.msk [tilespmem:v27+s17+$0x0], $0xffff  }
0x3a3: {  	v42 =	vadd.s32 v0, v41  }
0x3a4: {  	v43 =	vand.u32 $0xFFFFFFF8, v42;
	s13 =	sadd.s32 $0xFFFFF900, s30  }
0x3a5: {  	v29 =	vadd.s32 s13, v43;
	v27 =	vadd.s32 v2, v41;
	v28 =	vand.u32 $0x7, v42  }
0x3a6: {  	v44 =	vand.u32 $0xFFFFFFF8, v27;
	v28 =	vor.u32 v28, v29;
	v27 =	vand.u32 $0x7, v27  }
0x3a7: {  	v45 =	vadd.s32 s13, v44;
	v23 =	vmul.f32 v23, v24;
	v26 =	vmul.f32 v40, v25  }
0x3a8: {  	v27 =	vor.u32 v27, v45  }
0x3a9: {  	v23 =	vadd.f32 v26, v23;
	_ =	sdelay $0x1  }
0x3aa: {  	[tilespmem:$0x185E0] =	vst v23  }
0x3ab: {  	v47 =	vbroadcast v22, $0x2;
	v23 =	vld.idx.msk [tilespmem:v28+s17+$0x0], $0xffff  }
0x3ac: {  	v46 =	vld.idx.msk [tilespmem:v27+s17+$0x0], $0xffff  }
0x3ad: {  	v48 =	vadd.s32 v0, v47  }
0x3ae: {  	v49 =	vand.u32 $0xFFFFFFF8, v48;
	s13 =	sadd.s32 $0xFFFFF980, s30  }
0x3af: {  	v29 =	vadd.s32 s13, v49;
	v27 =	vadd.s32 v2, v47;
	v28 =	vand.u32 $0x7, v48  }
0x3b0: {  	v50 =	vand.u32 $0xFFFFFFF8, v27;
	v28 =	vor.u32 v28, v29;
	v27 =	vand.u32 $0x7, v27  }
0x3b1: {  	v51 =	vadd.s32 s13, v50;
	v23 =	vmul.f32 v23, v24;
	v26 =	vmul.f32 v46, v25  }
0x3b2: {  	v27 =	vor.u32 v27, v51  }
0x3b3: {  	v23 =	vadd.f32 v26, v23;
	_ =	sdelay $0x1  }
0x3b4: {  	[tilespmem:$0x185F0] =	vst v23  }
0x3b5: {  	v53 =	vbroadcast v22, $0x3;
	v23 =	vld.idx.msk [tilespmem:v28+s17+$0x0], $0xffff  }
0x3b6: {  	v52 =	vld.idx.msk [tilespmem:v27+s17+$0x0], $0xffff  }
0x3b7: {  	v54 =	vadd.s32 v0, v53  }
0x3b8: {  	v55 =	vand.u32 $0xFFFFFFF8, v54;
	s13 =	sadd.s32 $0xFFFFFA00, s30  }
0x3b9: {  	v29 =	vadd.s32 s13, v55;
	v27 =	vadd.s32 v2, v53;
	v28 =	vand.u32 $0x7, v54  }
0x3ba: {  	v56 =	vand.u32 $0xFFFFFFF8, v27;
	v28 =	vor.u32 v28, v29;
	v27 =	vand.u32 $0x7, v27  }
0x3bb: {  	v57 =	vadd.s32 s13, v56;
	v23 =	vmul.f32 v23, v24;
	v26 =	vmul.f32 v52, v25  }
0x3bc: {  	v27 =	vor.u32 v27, v57  }
0x3bd: {  	v23 =	vadd.f32 v26, v23;
	_ =	sdelay $0x1  }
0x3be: {  	[tilespmem:$0x18600] =	vst v23  }
0x3bf: {  	v59 =	vbroadcast v22, $0x4;
	v23 =	vld.idx.msk [tilespmem:v28+s17+$0x0], $0xffff  }
0x3c0: {  	v58 =	vld.idx.msk [tilespmem:v27+s17+$0x0], $0xffff  }
0x3c1: {  	v60 =	vadd.s32 v0, v59  }
0x3c2: {  	v61 =	vand.u32 $0xFFFFFFF8, v60;
	s13 =	sadd.s32 $0xFFFFFA80, s30  }
0x3c3: {  	v29 =	vadd.s32 s13, v61;
	v27 =	vadd.s32 v2, v59;
	v28 =	vand.u32 $0x7, v60  }
0x3c4: {  	v62 =	vand.u32 $0xFFFFFFF8, v27;
	v28 =	vor.u32 v28, v29;
	v27 =	vand.u32 $0x7, v27  }
0x3c5: {  	v63 =	vadd.s32 s13, v62;
	v23 =	vmul.f32 v23, v24;
	v26 =	vmul.f32 v58, v25  }
0x3c6: {  	v27 =	vor.u32 v27, v63  }
0x3c7: {  	v23 =	vadd.f32 v26, v23;
	_ =	sdelay $0x1  }
0x3c8: {  	[tilespmem:$0x18610] =	vst v23  }
0x3c9: {  	v33 =	vbroadcast v22, $0x5;
	v23 =	vld.idx.msk [tilespmem:v28+s17+$0x0], $0xffff  }
0x3ca: {  	v32 =	vld.idx.msk [tilespmem:v27+s17+$0x0], $0xffff  }
0x3cb: {  	v34 =	vadd.s32 v0, v33  }
0x3cc: {  	v35 =	vand.u32 $0xFFFFFFF8, v34;
	s13 =	sadd.s32 $0xFFFFFB00, s30  }
0x3cd: {  	v29 =	vadd.s32 s13, v35;
	v27 =	vadd.s32 v2, v33;
	v28 =	vand.u32 $0x7, v34  }
0x3ce: {  	v36 =	vand.u32 $0xFFFFFFF8, v27;
	v28 =	vor.u32 v28, v29;
	v27 =	vand.u32 $0x7, v27  }
0x3cf: {  	v37 =	vadd.s32 s13, v36;
	v23 =	vmul.f32 v23, v24;
	v26 =	vmul.f32 v32, v25  }
0x3d0: {  	v27 =	vor.u32 v27, v37  }
0x3d1: {  	v23 =	vadd.f32 v26, v23;
	_ =	sdelay $0x1  }
0x3d2: {  	[tilespmem:$0x18620] =	vst v23  }
0x3d3: {  	v39 =	vbroadcast v22, $0x6;
	v23 =	vld.idx.msk [tilespmem:v28+s17+$0x0], $0xffff  }
0x3d4: {  	v38 =	vld.idx.msk [tilespmem:v27+s17+$0x0], $0xffff  }
0x3d5: {  	v40 =	vadd.s32 v0, v39  }
0x3d6: {  	v41 =	vand.u32 $0xFFFFFFF8, v40;
	s13 =	sadd.s32 $0xFFFFFB80, s30  }
0x3d7: {  	v29 =	vadd.s32 s13, v41;
	v27 =	vadd.s32 v2, v39;
	v28 =	vand.u32 $0x7, v40  }
0x3d8: {  	v42 =	vand.u32 $0xFFFFFFF8, v27;
	v28 =	vor.u32 v28, v29;
	v27 =	vand.u32 $0x7, v27  }
0x3d9: {  	v43 =	vadd.s32 s13, v42;
	v23 =	vmul.f32 v23, v24;
	v26 =	vmul.f32 v38, v25  }
0x3da: {  	v27 =	vor.u32 v27, v43  }
0x3db: {  	v23 =	vadd.f32 v26, v23;
	_ =	sdelay $0x1  }
0x3dc: {  	[tilespmem:$0x18630] =	vst v23  }
0x3dd: {  	v45 =	vbroadcast v22, $0x7;
	v23 =	vld.idx.msk [tilespmem:v28+s17+$0x0], $0xffff  }
0x3de: {  	v44 =	vld.idx.msk [tilespmem:v27+s17+$0x0], $0xffff  }
0x3df: {  	v46 =	vadd.s32 v0, v45  }
0x3e0: {  	v47 =	vand.u32 $0xFFFFFFF8, v46;
	s13 =	sadd.s32 $0xFFFFFC00, s30  }
0x3e1: {  	v29 =	vadd.s32 s13, v47;
	v27 =	vadd.s32 v2, v45;
	v28 =	vand.u32 $0x7, v46  }
0x3e2: {  	v48 =	vand.u32 $0xFFFFFFF8, v27;
	v28 =	vor.u32 v28, v29;
	v27 =	vand.u32 $0x7, v27  }
0x3e3: {  	v49 =	vadd.s32 s13, v48;
	v23 =	vmul.f32 v23, v24;
	v26 =	vmul.f32 v44, v25  }
0x3e4: {  	v27 =	vor.u32 v27, v49  }
0x3e5: {  	v23 =	vadd.f32 v26, v23;
	_ =	sdelay $0x1  }
0x3e6: {  	[tilespmem:$0x18640] =	vst v23  }
0x3e7: {  	v51 =	vbroadcast v22, $0x8;
	v23 =	vld.idx.msk [tilespmem:v28+s17+$0x0], $0xffff  }
0x3e8: {  	v50 =	vld.idx.msk [tilespmem:v27+s17+$0x0], $0xffff  }
0x3e9: {  	v52 =	vadd.s32 v0, v51  }
0x3ea: {  	v53 =	vand.u32 $0xFFFFFFF8, v52;
	s13 =	sadd.s32 $0xFFFFFC80, s30  }
0x3eb: {  	v29 =	vadd.s32 s13, v53;
	v27 =	vadd.s32 v2, v51;
	v28 =	vand.u32 $0x7, v52  }
0x3ec: {  	v54 =	vand.u32 $0xFFFFFFF8, v27;
	v28 =	vor.u32 v28, v29;
	v27 =	vand.u32 $0x7, v27  }
0x3ed: {  	v55 =	vadd.s32 s13, v54;
	v23 =	vmul.f32 v23, v24;
	v26 =	vmul.f32 v50, v25  }
0x3ee: {  	v27 =	vor.u32 v27, v55  }
0x3ef: {  	v23 =	vadd.f32 v26, v23;
	_ =	sdelay $0x1  }
0x3f0: {  	[tilespmem:$0x18650] =	vst v23  }
0x3f1: {  	v57 =	vbroadcast v22, $0x9;
	v23 =	vld.idx.msk [tilespmem:v28+s17+$0x0], $0xffff  }
0x3f2: {  	v56 =	vld.idx.msk [tilespmem:v27+s17+$0x0], $0xffff  }
0x3f3: {  	v58 =	vadd.s32 v0, v57  }
0x3f4: {  	v59 =	vand.u32 $0xFFFFFFF8, v58;
	s13 =	sadd.s32 $0xFFFFFD00, s30  }
0x3f5: {  	v29 =	vadd.s32 s13, v59;
	v27 =	vadd.s32 v2, v57;
	v28 =	vand.u32 $0x7, v58  }
0x3f6: {  	v60 =	vand.u32 $0xFFFFFFF8, v27;
	v28 =	vor.u32 v28, v29;
	v27 =	vand.u32 $0x7, v27  }
0x3f7: {  	v61 =	vadd.s32 s13, v60;
	v23 =	vmul.f32 v23, v24;
	v26 =	vmul.f32 v56, v25  }
0x3f8: {  	v27 =	vor.u32 v27, v61  }
0x3f9: {  	v23 =	vadd.f32 v26, v23;
	_ =	sdelay $0x1  }
0x3fa: {  	[tilespmem:$0x18660] =	vst v23  }
0x3fb: {  	v63 =	vbroadcast v22, $0xA;
	v23 =	vld.idx.msk [tilespmem:v28+s17+$0x0], $0xffff  }
0x3fc: {  	v62 =	vld.idx.msk [tilespmem:v27+s17+$0x0], $0xffff  }
0x3fd: {  	v32 =	vadd.s32 v0, v63  }
0x3fe: {  	v33 =	vand.u32 $0xFFFFFFF8, v32;
	s13 =	sadd.s32 $0xFFFFFD80, s30  }
0x3ff: {  	v29 =	vadd.s32 s13, v33;
	v27 =	vadd.s32 v2, v63;
	v28 =	vand.u32 $0x7, v32  }
0x400: {  	v34 =	vand.u32 $0xFFFFFFF8, v27;
	v28 =	vor.u32 v28, v29;
	v27 =	vand.u32 $0x7, v27  }
0x401: {  	v35 =	vadd.s32 s13, v34;
	v23 =	vmul.f32 v23, v24;
	v26 =	vmul.f32 v62, v25  }
0x402: {  	v27 =	vor.u32 v27, v35  }
0x403: {  	v23 =	vadd.f32 v26, v23;
	_ =	sdelay $0x1  }
0x404: {  	[tilespmem:$0x18670] =	vst v23  }
0x405: {  	v37 =	vbroadcast v22, $0xB;
	v23 =	vld.idx.msk [tilespmem:v28+s17+$0x0], $0xffff  }
0x406: {  	v36 =	vld.idx.msk [tilespmem:v27+s17+$0x0], $0xffff  }
0x407: {  	v38 =	vadd.s32 v0, v37  }
0x408: {  	v39 =	vand.u32 $0xFFFFFFF8, v38;
	s13 =	sadd.s32 $0xFFFFFE00, s30  }
0x409: {  	v29 =	vadd.s32 s13, v39;
	v27 =	vadd.s32 v2, v37;
	v28 =	vand.u32 $0x7, v38  }
0x40a: {  	v40 =	vand.u32 $0xFFFFFFF8, v27;
	v28 =	vor.u32 v28, v29;
	v27 =	vand.u32 $0x7, v27  }
0x40b: {  	v41 =	vadd.s32 s13, v40;
	v23 =	vmul.f32 v23, v24;
	v26 =	vmul.f32 v36, v25  }
0x40c: {  	v27 =	vor.u32 v27, v41  }
0x40d: {  	v23 =	vadd.f32 v26, v23;
	_ =	sdelay $0x1  }
0x40e: {  	[tilespmem:$0x18680] =	vst v23  }
0x40f: {  	v43 =	vbroadcast v22, $0xC;
	v23 =	vld.idx.msk [tilespmem:v28+s17+$0x0], $0xffff  }
0x410: {  	v42 =	vld.idx.msk [tilespmem:v27+s17+$0x0], $0xffff  }
0x411: {  	v44 =	vadd.s32 v0, v43  }
0x412: {  	v45 =	vand.u32 $0xFFFFFFF8, v44;
	s13 =	sadd.s32 $0xFFFFFE80, s30  }
0x413: {  	v29 =	vadd.s32 s13, v45;
	v27 =	vadd.s32 v2, v43;
	v28 =	vand.u32 $0x7, v44  }
0x414: {  	v46 =	vand.u32 $0xFFFFFFF8, v27;
	v28 =	vor.u32 v28, v29;
	v27 =	vand.u32 $0x7, v27  }
0x415: {  	v47 =	vadd.s32 s13, v46;
	v23 =	vmul.f32 v23, v24;
	v26 =	vmul.f32 v42, v25  }
0x416: {  	v27 =	vor.u32 v27, v47  }
0x417: {  	v23 =	vadd.f32 v26, v23;
	_ =	sdelay $0x1  }
0x418: {  	[tilespmem:$0x18690] =	vst v23  }
0x419: {  	v49 =	vbroadcast v22, $0xD;
	v23 =	vld.idx.msk [tilespmem:v28+s17+$0x0], $0xffff  }
0x41a: {  	v48 =	vld.idx.msk [tilespmem:v27+s17+$0x0], $0xffff  }
0x41b: {  	v50 =	vadd.s32 v0, v49  }
0x41c: {  	v51 =	vand.u32 $0xFFFFFFF8, v50;
	s13 =	sadd.s32 $0xFFFFFF00, s30  }
0x41d: {  	v29 =	vadd.s32 s13, v51;
	v27 =	vadd.s32 v2, v49;
	v28 =	vand.u32 $0x7, v50  }
0x41e: {  	v52 =	vand.u32 $0xFFFFFFF8, v27;
	v28 =	vor.u32 v28, v29;
	v27 =	vand.u32 $0x7, v27  }
0x41f: {  	v53 =	vadd.s32 s13, v52;
	v23 =	vmul.f32 v23, v24;
	v26 =	vmul.f32 v48, v25  }
0x420: {  	v27 =	vor.u32 v27, v53  }
0x421: {  	v23 =	vadd.f32 v26, v23;
	_ =	sdelay $0x1  }
0x422: {  	[tilespmem:$0x186A0] =	vst v23  }
0x423: {  	v55 =	vbroadcast v22, $0xE;
	v23 =	vld.idx.msk [tilespmem:v28+s17+$0x0], $0xffff  }
0x424: {  	v54 =	vld.idx.msk [tilespmem:v27+s17+$0x0], $0xffff  }
0x425: {  	v56 =	vadd.s32 v0, v55  }
0x426: {  	v57 =	vand.u32 $0xFFFFFFF8, v56;
	s13 =	sadd.s32 $0xFFFFFF80, s30  }
0x427: {  	v29 =	vadd.s32 s13, v57;
	v27 =	vadd.s32 v2, v55;
	v28 =	vand.u32 $0x7, v56  }
0x428: {  	v58 =	vand.u32 $0xFFFFFFF8, v27;
	v28 =	vor.u32 v28, v29;
	v27 =	vand.u32 $0x7, v27  }
0x429: {  	v59 =	vadd.s32 s13, v58;
	v23 =	vmul.f32 v23, v24;
	v26 =	vmul.f32 v54, v25  }
0x42a: {  	v27 =	vor.u32 v27, v59  }
0x42b: {  	v23 =	vadd.f32 v26, v23;
	_ =	sdelay $0x1  }
0x42c: {  	[tilespmem:$0x186B0] =	vst v23  }
0x42d: {  	v23 =	vld.idx.msk [tilespmem:v28+s17+$0x0], $0xffff  }
0x42e: {  	v22 =	vbroadcast v22, $0xF;
	v60 =	vld.idx.msk [tilespmem:v27+s17+$0x0], $0xffff;
	_ =	sdelay $0x1  }
0x42f: {  	v61 =	vadd.s32 v0, v22;
	v22 =	vadd.s32 v2, v22  }
0x430: {  	v63 =	vand.u32 $0xFFFFFFF8, v22;
	v22 =	vand.u32 $0x7, v22;
	v62 =	vand.u32 $0xFFFFFFF8, v61  }
0x431: {  	v32 =	vadd.s32 s30, v63;
	v27 =	vand.u32 $0x7, v61;
	v28 =	vadd.s32 s30, v62  }
0x432: {  	v27 =	vor.u32 v27, v28;
	v23 =	vmul.f32 v23, v24;
	v26 =	vmul.f32 v60, v25  }
0x433: {  	v22 =	vor.u32 v22, v32  }
0x434: {  	v23 =	vadd.f32 v26, v23;
	_ =	sdelay $0x1  }
0x435: {  	[tilespmem:$0x186C0] =	vst v23  }
0x436: {  	v23 =	vld.idx.msk [tilespmem:v27+s17+$0x0], $0xffff  }
0x437: {  	v22 =	vld.idx.msk [tilespmem:v22+s17+$0x0], $0xffff;
	_ =	sdelay $0x4  }
0x438: {  	v23 =	vmul.f32 v23, v24;
	v22 =	vmul.f32 v22, v25;
	_ =	sdelay $0x1  }
0x439: {  	v22 =	vadd.f32 v22, v23;
	_ =	sdelay $0x1  }
0x43a: {  	[tilespmem:$0x186D0] =	vst v22  }
0x43b: {  	v22 =	vld.idx.msk [tilespmem:v1+s28+$0x0], $0xffff  }
0x43c: {  	v23 =	vld.idx.msk [tilespmem:v3+s28+$0x0], $0xffff;
	_ =	sdelay $0x1  }
0x43d: {  	v33 =	vld.idx.msk [tilespmem:v4+s28+$0x0], $0xffff;
	_ =	sdelay $0x1  }
0x43e: {  	v34 =	vld.idx.msk [tilespmem:v5+s28+$0x0], $0xffff  }
0x43f: {  	v22 =	vadd.f32 v23, v22  }
0x440: {  	v23 =	vld.idx.msk [tilespmem:v6+s28+$0x0], $0xffff  }
0x441: {  	v22 =	vadd.f32 v33, v22  }
0x442: {  	v35 =	vld.idx.msk [tilespmem:v7+s28+$0x0], $0xffff  }
0x443: {  	v22 =	vadd.f32 v34, v22  }
0x444: {  	v36 =	vld.idx.msk [tilespmem:v8+s28+$0x0], $0xffff  }
0x445: {  	v22 =	vadd.f32 v23, v22  }
0x446: {  	v23 =	vld.idx.msk [tilespmem:v9+s28+$0x0], $0xffff  }
0x447: {  	v22 =	vadd.f32 v35, v22  }
0x448: {  	v37 =	vld.idx.msk [tilespmem:v10+s28+$0x0], $0xffff  }
0x449: {  	v22 =	vadd.f32 v36, v22  }
0x44a: {  	v38 =	vld.idx.msk [tilespmem:v11+s28+$0x0], $0xffff  }
0x44b: {  	v22 =	vadd.f32 v23, v22  }
0x44c: {  	v23 =	vld.idx.msk [tilespmem:v12+s28+$0x0], $0xffff  }
0x44d: {  	v22 =	vadd.f32 v37, v22  }
0x44e: {  	v39 =	vld.idx.msk [tilespmem:v13+s28+$0x0], $0xffff  }
0x44f: {  	v22 =	vadd.f32 v38, v22  }
0x450: {  	v40 =	vld.idx.msk [tilespmem:v14+s28+$0x0], $0xffff  }
0x451: {  	v22 =	vadd.f32 v23, v22  }
0x452: {  	v23 =	vld.idx.msk [tilespmem:v15+s28+$0x0], $0xffff  }
0x453: {  	v22 =	vadd.f32 v39, v22  }
0x454: {  	v41 =	vld.idx.msk [tilespmem:v16+s28+$0x0], $0xffff  }
0x455: {  	v22 =	vadd.f32 v40, v22  }
0x456: {  	v42 =	vld.idx.msk [tilespmem:v17+s28+$0x0], $0xffff  }
0x457: {  	v22 =	vadd.f32 v23, v22;
	_ =	sdelay $0x1  }
0x458: {  	v22 =	vadd.f32 v41, v22;
	_ =	sdelay $0x1  }
0x459: {  	v22 =	vadd.f32 v42, v22;
	_ =	sdelay $0x1  }
0x45a: {  	[tilespmem:s9+$0xFFFFFFE0] =	vst v22  }
0x45b: {  	v22 =	vld.idx.msk [tilespmem:v18+s28+$0x0], $0xffff  }
0x45c: {  	v23 =	vld.idx.msk [tilespmem:v19+s28+$0x0], $0xffff  }
0x45d: {  	v43 =	vor.u32 $0x104, v1  }
0x45e: {  	v44 =	vld.idx.msk [tilespmem:v20+s28+$0x0], $0xffff  }
0x45f: {  	v45 =	vor.u32 $0x105, v1  }
0x460: {  	v46 =	vld.idx.msk [tilespmem:v21+s28+$0x0], $0xffff  }
0x461: {  	v22 =	vadd.f32 v23, v22;
	v23 =	vor.u32 $0x106, v1  }
0x462: {  	v24 =	vld.idx.msk [tilespmem:v43+s28+$0x0], $0xffff  }
0x463: {  	v47 =	vor.u32 $0x107, v1;
	v22 =	vadd.f32 v44, v22  }
0x464: {  	v26 =	vld.idx.msk [tilespmem:v45+s28+$0x0], $0xffff  }
0x465: {  	v48 =	vor.u32 $0x108, v1;
	v22 =	vadd.f32 v46, v22  }
0x466: {  	v23 =	vld.idx.msk [tilespmem:v23+s28+$0x0], $0xffff  }
0x467: {  	v49 =	vor.u32 $0x109, v1;
	v22 =	vadd.f32 v24, v22  }
0x468: {  	v25 =	vld.idx.msk [tilespmem:v47+s28+$0x0], $0xffff  }
0x469: {  	v50 =	vor.u32 $0x10A, v1;
	v22 =	vadd.f32 v26, v22  }
0x46a: {  	v27 =	vld.idx.msk [tilespmem:v48+s28+$0x0], $0xffff  }
0x46b: {  	v22 =	vadd.f32 v23, v22;
	v23 =	vor.u32 $0x10B, v1  }
0x46c: {  	v24 =	vld.idx.msk [tilespmem:v49+s28+$0x0], $0xffff  }
0x46d: {  	v51 =	vor.u32 $0x10C, v1;
	v22 =	vadd.f32 v25, v22  }
0x46e: {  	v26 =	vld.idx.msk [tilespmem:v50+s28+$0x0], $0xffff  }
0x46f: {  	v52 =	vor.u32 $0x10D, v1;
	v22 =	vadd.f32 v27, v22  }
0x470: {  	v23 =	vld.idx.msk [tilespmem:v23+s28+$0x0], $0xffff  }
0x471: {  	v53 =	vor.u32 $0x10E, v1;
	v22 =	vadd.f32 v24, v22  }
0x472: {  	v25 =	vld.idx.msk [tilespmem:v51+s28+$0x0], $0xffff  }
0x473: {  	v54 =	vor.u32 $0x10F, v1;
	v22 =	vadd.f32 v26, v22  }
0x474: {  	v27 =	vld.idx.msk [tilespmem:v52+s28+$0x0], $0xffff  }
0x475: {  	v22 =	vadd.f32 v23, v22  }
0x476: {  	v23 =	vld.idx.msk [tilespmem:v53+s28+$0x0], $0xffff  }
0x477: {  	v22 =	vadd.f32 v25, v22  }
0x478: {  	v55 =	vld.idx.msk [tilespmem:v54+s28+$0x0], $0xffff  }
0x479: {  	v22 =	vadd.f32 v27, v22;
	_ =	sdelay $0x1  }
0x47a: {  	v22 =	vadd.f32 v23, v22;
	v23 =	vor.u32 $0x200, v1  }
0x47b: {  	v56 =	vor.u32 $0x201, v1  }
0x47c: {  	v22 =	vadd.f32 v55, v22  }
0x47d: {  	v57 =	vor.u32 $0x202, v1  }
0x47e: {  	[tilespmem:s9+$0xFFFFFFF0] =	vst v22  }
0x47f: {  	v22 =	vld.idx.msk [tilespmem:v23+s28+$0x0], $0xffff;
	v23 =	vor.u32 $0x203, v1  }
0x480: {  	v25 =	vld.idx.msk [tilespmem:v56+s28+$0x0], $0xffff  }
0x481: {  	v58 =	vor.u32 $0x204, v1  }
0x482: {  	v24 =	vld.idx.msk [tilespmem:v57+s28+$0x0], $0xffff  }
0x483: {  	v59 =	vor.u32 $0x205, v1  }
0x484: {  	v23 =	vld.idx.msk [tilespmem:v23+s28+$0x0], $0xffff  }
0x485: {  	v60 =	vor.u32 $0x206, v1;
	v22 =	vadd.f32 v25, v22  }
0x486: {  	v26 =	vld.idx.msk [tilespmem:v58+s28+$0x0], $0xffff  }
0x487: {  	v61 =	vor.u32 $0x207, v1;
	v22 =	vadd.f32 v24, v22  }
0x488: {  	v27 =	vld.idx.msk [tilespmem:v59+s28+$0x0], $0xffff  }
0x489: {  	v22 =	vadd.f32 v23, v22;
	v23 =	vor.u32 $0x208, v1  }
0x48a: {  	v25 =	vld.idx.msk [tilespmem:v60+s28+$0x0], $0xffff  }
0x48b: {  	v62 =	vor.u32 $0x209, v1;
	v22 =	vadd.f32 v26, v22  }
0x48c: {  	v24 =	vld.idx.msk [tilespmem:v61+s28+$0x0], $0xffff  }
0x48d: {  	v63 =	vor.u32 $0x20A, v1;
	v22 =	vadd.f32 v27, v22  }
0x48e: {  	v23 =	vld.idx.msk [tilespmem:v23+s28+$0x0], $0xffff  }
0x48f: {  	v30 =	vor.u32 $0x20B, v1;
	v22 =	vadd.f32 v25, v22  }
0x490: {  	v26 =	vld.idx.msk [tilespmem:v62+s28+$0x0], $0xffff  }
0x491: {  	v31 =	vor.u32 $0x20C, v1;
	v22 =	vadd.f32 v24, v22  }
0x492: {  	v27 =	vld.idx.msk [tilespmem:v63+s28+$0x0], $0xffff  }
0x493: {  	v22 =	vadd.f32 v23, v22;
	v23 =	vor.u32 $0x20D, v1  }
0x494: {  	v25 =	vld.idx.msk [tilespmem:v30+s28+$0x0], $0xffff  }
0x495: {  	v32 =	vor.u32 $0x20E, v1;
	v22 =	vadd.f32 v26, v22  }
0x496: {  	v24 =	vld.idx.msk [tilespmem:v31+s28+$0x0], $0xffff  }
0x497: {  	v33 =	vor.u32 $0x20F, v1;
	v22 =	vadd.f32 v27, v22  }
0x498: {  	v23 =	vld.idx.msk [tilespmem:v23+s28+$0x0], $0xffff  }
0x499: {  	v22 =	vadd.f32 v25, v22  }
0x49a: {  	v34 =	vld.idx.msk [tilespmem:v32+s28+$0x0], $0xffff  }
0x49b: {  	v22 =	vadd.f32 v24, v22  }
0x49c: {  	v35 =	vld.idx.msk [tilespmem:v33+s28+$0x0], $0xffff  }
0x49d: {  	v22 =	vadd.f32 v23, v22;
	_ =	sdelay $0x1  }
0x49e: {  	v23 =	vor.u32 $0x300, v1;
	v22 =	vadd.f32 v34, v22  }
0x49f: {  	v36 =	vor.u32 $0x301, v1  }
0x4a0: {  	v22 =	vadd.f32 v35, v22  }
0x4a1: {  	v37 =	vor.u32 $0x302, v1  }
0x4a2: {  	[tilespmem:s9+$0x0] =	vst v22  }
0x4a3: {  	v22 =	vld.idx.msk [tilespmem:v23+s28+$0x0], $0xffff;
	v23 =	vor.u32 $0x303, v1  }
0x4a4: {  	v25 =	vld.idx.msk [tilespmem:v36+s28+$0x0], $0xffff  }
0x4a5: {  	v38 =	vor.u32 $0x304, v1  }
0x4a6: {  	v24 =	vld.idx.msk [tilespmem:v37+s28+$0x0], $0xffff  }
0x4a7: {  	v39 =	vor.u32 $0x305, v1  }
0x4a8: {  	v23 =	vld.idx.msk [tilespmem:v23+s28+$0x0], $0xffff  }
0x4a9: {  	v40 =	vor.u32 $0x306, v1;
	v22 =	vadd.f32 v25, v22  }
0x4aa: {  	v26 =	vld.idx.msk [tilespmem:v38+s28+$0x0], $0xffff  }
0x4ab: {  	v41 =	vor.u32 $0x307, v1;
	v22 =	vadd.f32 v24, v22  }
0x4ac: {  	v27 =	vld.idx.msk [tilespmem:v39+s28+$0x0], $0xffff  }
0x4ad: {  	v22 =	vadd.f32 v23, v22;
	v23 =	vor.u32 $0x308, v1  }
0x4ae: {  	v25 =	vld.idx.msk [tilespmem:v40+s28+$0x0], $0xffff  }
0x4af: {  	v42 =	vor.u32 $0x309, v1;
	v22 =	vadd.f32 v26, v22  }
0x4b0: {  	v24 =	vld.idx.msk [tilespmem:v41+s28+$0x0], $0xffff  }
0x4b1: {  	v43 =	vor.u32 $0x30A, v1;
	v22 =	vadd.f32 v27, v22  }
0x4b2: {  	v23 =	vld.idx.msk [tilespmem:v23+s28+$0x0], $0xffff  }
0x4b3: {  	v44 =	vor.u32 $0x30B, v1;
	v22 =	vadd.f32 v25, v22  }
0x4b4: {  	v26 =	vld.idx.msk [tilespmem:v42+s28+$0x0], $0xffff  }
0x4b5: {  	v45 =	vor.u32 $0x30C, v1;
	v22 =	vadd.f32 v24, v22  }
0x4b6: {  	v27 =	vld.idx.msk [tilespmem:v43+s28+$0x0], $0xffff  }
0x4b7: {  	v22 =	vadd.f32 v23, v22;
	v23 =	vor.u32 $0x30D, v1  }
0x4b8: {  	v25 =	vld.idx.msk [tilespmem:v44+s28+$0x0], $0xffff  }
0x4b9: {  	v46 =	vor.u32 $0x30E, v1;
	v22 =	vadd.f32 v26, v22  }
0x4ba: {  	v24 =	vld.idx.msk [tilespmem:v45+s28+$0x0], $0xffff  }
0x4bb: {  	v47 =	vor.u32 $0x30F, v1;
	v22 =	vadd.f32 v27, v22  }
0x4bc: {  	v23 =	vld.idx.msk [tilespmem:v23+s28+$0x0], $0xffff  }
0x4bd: {  	v22 =	vadd.f32 v25, v22  }
0x4be: {  	v48 =	vld.idx.msk [tilespmem:v46+s28+$0x0], $0xffff  }
0x4bf: {  	v22 =	vadd.f32 v24, v22  }
0x4c0: {  	v49 =	vld.idx.msk [tilespmem:v47+s28+$0x0], $0xffff  }
0x4c1: {  	v22 =	vadd.f32 v23, v22;
	_ =	sdelay $0x1  }
0x4c2: {  	v23 =	vor.u32 $0x400, v1;
	v22 =	vadd.f32 v48, v22  }
0x4c3: {  	v50 =	vor.u32 $0x401, v1  }
0x4c4: {  	v22 =	vadd.f32 v49, v22  }
0x4c5: {  	v51 =	vor.u32 $0x402, v1  }
0x4c6: {  	[tilespmem:s9+$0x10] =	vst v22  }
0x4c7: {  	v22 =	vld.idx.msk [tilespmem:v23+s28+$0x0], $0xffff;
	v23 =	vor.u32 $0x403, v1  }
0x4c8: {  	v25 =	vld.idx.msk [tilespmem:v50+s28+$0x0], $0xffff  }
0x4c9: {  	v52 =	vor.u32 $0x404, v1  }
0x4ca: {  	v24 =	vld.idx.msk [tilespmem:v51+s28+$0x0], $0xffff  }
0x4cb: {  	v53 =	vor.u32 $0x405, v1  }
0x4cc: {  	v23 =	vld.idx.msk [tilespmem:v23+s28+$0x0], $0xffff  }
0x4cd: {  	v54 =	vor.u32 $0x406, v1;
	v22 =	vadd.f32 v25, v22  }
0x4ce: {  	v26 =	vld.idx.msk [tilespmem:v52+s28+$0x0], $0xffff  }
0x4cf: {  	v55 =	vor.u32 $0x407, v1;
	v22 =	vadd.f32 v24, v22  }
0x4d0: {  	v27 =	vld.idx.msk [tilespmem:v53+s28+$0x0], $0xffff  }
0x4d1: {  	v22 =	vadd.f32 v23, v22;
	v23 =	vor.u32 $0x408, v1  }
0x4d2: {  	v25 =	vld.idx.msk [tilespmem:v54+s28+$0x0], $0xffff  }
0x4d3: {  	v56 =	vor.u32 $0x409, v1;
	v22 =	vadd.f32 v26, v22  }
0x4d4: {  	v24 =	vld.idx.msk [tilespmem:v55+s28+$0x0], $0xffff  }
0x4d5: {  	v57 =	vor.u32 $0x40A, v1;
	v22 =	vadd.f32 v27, v22  }
0x4d6: {  	v23 =	vld.idx.msk [tilespmem:v23+s28+$0x0], $0xffff  }
0x4d7: {  	v58 =	vor.u32 $0x40B, v1;
	v22 =	vadd.f32 v25, v22  }
0x4d8: {  	v26 =	vld.idx.msk [tilespmem:v56+s28+$0x0], $0xffff  }
0x4d9: {  	v59 =	vor.u32 $0x40C, v1;
	v22 =	vadd.f32 v24, v22  }
0x4da: {  	v27 =	vld.idx.msk [tilespmem:v57+s28+$0x0], $0xffff  }
0x4db: {  	v22 =	vadd.f32 v23, v22;
	v23 =	vor.u32 $0x40D, v1  }
0x4dc: {  	v25 =	vld.idx.msk [tilespmem:v58+s28+$0x0], $0xffff  }
0x4dd: {  	v60 =	vor.u32 $0x40E, v1;
	v22 =	vadd.f32 v26, v22  }
0x4de: {  	v24 =	vld.idx.msk [tilespmem:v59+s28+$0x0], $0xffff  }
0x4df: {  	v61 =	vor.u32 $0x40F, v1;
	v22 =	vadd.f32 v27, v22  }
0x4e0: {  	v23 =	vld.idx.msk [tilespmem:v23+s28+$0x0], $0xffff  }
0x4e1: {  	v22 =	vadd.f32 v25, v22  }
0x4e2: {  	v62 =	vld.idx.msk [tilespmem:v60+s28+$0x0], $0xffff  }
0x4e3: {  	v22 =	vadd.f32 v24, v22  }
0x4e4: {  	v63 =	vld.idx.msk [tilespmem:v61+s28+$0x0], $0xffff  }
0x4e5: {  	v22 =	vadd.f32 v23, v22  }
0x4e6: {  	p0 =	sne.s32 s0, $0x27F  }
.Ltmp0:
0x4e7: {  	v22 =	vadd.f32 v62, v22;
	(pc) =	sbr.rel @p0 .LBB2_3-.Ltmp0, $4  }
0x4e8: {  	_ = 	snop  }
0x4e9: {  	v22 =	vadd.f32 v63, v22  }
0x4ea: {  	s11 =	sadd.s32 $0x4, s11;
	s7 =	sadd.s32 $0x4, s7  }
0x4eb: {  	s0 =	sadd.s32 $0x50, s0;
	s8 =	sadd.s32 $0x50, s8;
	[tilespmem:s9+$0x20] =	vst v22;
	s9 =	sadd.s32 $0x50, s9  }
0x4ec: {  	s0 =	sadd.s32 s6, s1  }
0x4ed: {  	s0 =	smul.u32 $0x14, s0  }
0x4ee: {  	s31 =	sadd.s32 $0x1, s31  }
0x4ef: {  	p0 =	sne.s32 s31, $0x10;
	s0 =	sshrl.u32 s0, $0x3  }
.Ltmp1:
0x4f0: {  	s0 =	sadd.s32 s5, s0;
	(pc) =	sbr.rel @p0 .LBB2_2-.Ltmp1, $4  }
0x4f1: {  	[hbm4b:s0+s2] =	stream.linear.scatter [tilespmem:s29], [sflag:$0x2], $0x280, $0x38;
	[tilespmem:$0x186E0] =	vst v63  }
0x4f2: {  	_ =	swait.ge [sflag:s10], $0x280  }
0x4f3: {  	[sflag:s10] =	ssyncset.done $0x0  }
0x4f4: {  	[sflag:s10] =	ssyncadd.s32 $0xFFFFFD80  }
0x4f5: {  	s1 =	rddreg [dreg:$0x6]  }
0x4f6: {  	s0 =	rddreg [dreg:$0x5];
	s1 =	sadd.s32 $0x1, s1  }
0x4f7: {  	p0 =	sne.s32 s1, s0  }
.Ltmp2:
0x4f8: {  	_ = 	snop;
	(pc) =	sbr.rel @p0 .LBB2_1-.Ltmp2, $1  }
0x4f9: {  	_ =	sdelay $0x3  }
0x4fa: {  	_ =	sfence.sel $0x180000  }
0x4fb: {  	[bflag:$0x0] =	sbarrier.arrive $0xFFFF  }
0x4fc: {  	_ =	strace $0x90000047  }
0x4fd: {  	s0 =	stileid.u32;
	[bflag:$0x2] =	sbarrier.arrive $0xFFFF  }
0x4fe: {  	p0 =	sne.s32 s0, $0x0;
	s0 =	rddreg [dreg:$0x2]  }
0x4ff: {  	s0 =	sadd.s32 @!p0 $0x100000, s0  }
0x500: {  	[sflag:s0] =	ssyncadd.tile.s32 @!p0 $0x1;
	_ =	shalt  }
.Lfunc_end2:
_tile_overlayer_lowered:
.L_overlay_start_2:
0x501: {  	(tag) =	ssettag $0x2  }
0x502: {  	s0 =	rddreg [dreg:$0x0];
	s2 =	stileid.u32  }
0x503: {  	s1 =	rddreg [dreg:$0x1];
	p0 =	sne.s32 s2, $0x0  }
0x504: {  	s3 =	rddreg [dreg:$0x2];
	[bflag:$0x3] =	sbarrier.arrive $0xFFFF;
	s2 =	simm.s32 @!p0 $0x1C02  }
0x505: {  	[timem:s3], [sflag:s2] =	dma.local @!p0 [hbm:s0], s1  }
0x506: {  	s0 =	simm.s32 @!p0 $0x2  }
0x507: {  	_ =	swait.ge @!p0 [sflag:s0], s1  }
0x508: {  	s1 =	ssub.s32 @!p0 $0x0, s1;
	[sflag:s0] =	ssyncset.done @!p0 $0x0  }
0x509: {  	[sflag:s0] =	ssyncadd.s32 @!p0 s1  }
0x50a: {  	[bflag:$0x3] =	sbarrier.arrive $0xFFFF  }
0x50b: {  	_ =	shalt  }

</sc_bundles>
